<compile_context>
chip_gen: v7x
topology: tpu7x:2x2x1
jax: 0.10.2.dev20260603
libtpu: 0.0.44.dev20260713+nightly
codegen_flags: <defaults>
</compile_context>

<pallas_src>
import jax
import jax.numpy as jnp
from jax import lax
from jax.experimental import pallas as pl
from jax.experimental.pallas import tpu as pltpu
from jax.experimental.pallas import tpu_sc as plsc

N_NODES = 10000
N_PAD = 10112
N_EDGES = 320000
E_PAD = 327680
D = 128

NC, NS = 2, 16
NW = NC * NS
EB = 128
EROWS = E_PAD // NW // EB
DEG_ROWS = E_PAD // NS // EB
RPT = N_PAD // NS
DEG_Q = 16

_MESH = plsc.VectorSubcoreMesh(core_axis_name="c", subcore_axis_name="s")


def _deg_body(ei, degs, idx_v, ones_v, zeros_v, sd, acc):
    c = lax.axis_index("c")
    s = lax.axis_index("s")
    zv = jnp.zeros((16,), jnp.float32)
    ov = jnp.ones((16,), jnp.float32)
    for j in range(64 // 16):
        zeros_v[pl.ds(j * 16, 16)] = zv
    for j in range(EB // 16):
        ones_v[pl.ds(j * 16, 16)] = ov
    for m in range(9):
        pltpu.sync_copy(zeros_v, acc.at[pl.ds(s * RPT + m * 64, 64)])
    pltpu.sync_copy(zeros_v.at[pl.ds(0, 56)], acc.at[pl.ds(s * RPT + 576, 56)])
    plsc.subcore_barrier()
    pltpu.sync_copy(ei.at[pl.ds(s * DEG_ROWS, DEG_ROWS)], idx_v)

    def body(j, carry):
        for b in range(DEG_Q):
            k = j * DEG_Q + b
            pltpu.async_copy(ones_v, acc.at[idx_v.at[k, c]], sd, add=True)
        for b in range(DEG_Q):
            k = j * DEG_Q + b
            pltpu.make_async_copy(ones_v, acc.at[idx_v.at[k, c]], sd).wait()
        return carry

    lax.fori_loop(0, DEG_ROWS // DEG_Q, body, 0)
    plsc.subcore_barrier()
    pltpu.sync_copy(acc.at[pl.ds(s * RPT, RPT)], degs.at[c, pl.ds(s * RPT, RPT)])


_deg_kernel = pl.kernel(
    _deg_body,
    out_type=jax.ShapeDtypeStruct((NC, N_PAD), jnp.float32),
    mesh=_MESH,
    compiler_params=pltpu.CompilerParams(use_tc_tiling_on_sc=False),
    scratch_types=[
        pltpu.VMEM((DEG_ROWS, 2, EB), jnp.int32),
        pltpu.VMEM((EB,), jnp.float32),
        pltpu.VMEM((64,), jnp.float32),
        pltpu.SemaphoreType.DMA,
        pltpu.VMEM_SHARED((N_PAD,), jnp.float32),
    ],
)


def _agg_body(h, ei, out, idxr, rows,
              si0, si1, si2, sg0, sg1, sg2, ss0, ss1, ss2, acc):
    c = lax.axis_index("c")
    s = lax.axis_index("s")
    w = c * NS + s
    base = w * EROWS
    si = [si0, si1, si2]
    sg = [sg0, sg1, sg2]
    ss = [ss0, ss1, ss2]
    zv = jnp.zeros((16,), jnp.float32)

    def idx_load(k, b):
        pltpu.async_copy(ei.at[base + k], idxr.at[b], si[b])

    def idx_wait(k, b):
        pltpu.make_async_copy(ei.at[base + k], idxr.at[b], si[b]).wait()

    def g_issue(b):
        pltpu.async_copy(h.at[idxr.at[b, 0]], rows.at[b], sg[b])

    def g_wait(b):
        pltpu.make_async_copy(h.at[idxr.at[b, 0]], rows.at[b], sg[b]).wait()

    def s_issue(b):
        pltpu.async_copy(rows.at[b], acc.at[idxr.at[b, 1]], ss[b], add=True)

    def s_wait(b):
        pltpu.make_async_copy(rows.at[b], acc.at[idxr.at[b, 1]], ss[b]).wait()

    for b in range(3):
        idx_load(b, b)

    def zero_rows(i, carry):
        for j in range(D // 16):
            rows[2, i, pl.ds(j * 16, 16)] = zv
        return carry

    lax.fori_loop(0, EB, zero_rows, 0)
    for b in range(2):
        idx_wait(b, b)
        g_issue(b)
    for m in range(4):
        pltpu.sync_copy(rows.at[2], acc.at[pl.ds(s * RPT + m * EB, EB)])
    pltpu.sync_copy(rows.at[2, pl.ds(0, 120)],
                    acc.at[pl.ds(s * RPT + 512, 120)])
    plsc.subcore_barrier()

    for b in range(2):
        g_wait(b)
        s_issue(b)
        idx_load(b + 3, b)
    idx_wait(2, 2)
    g_issue(2)
    g_wait(2)
    s_issue(2)
    idx_load(5, 2)

    def body(j, carry):
        for b in range(3):
            k = 3 * j + b
            s_wait(b)
            idx_wait(k, b)
            g_issue(b)
            g_wait(b)
            s_issue(b)
            idx_load(k + 3, b)
        return carry

    lax.fori_loop(1, EROWS // 3 - 1, body, 0)
    for k in range(EROWS - 5, EROWS):
        b = k % 3
        s_wait(b)
        idx_wait(k, b)
        g_issue(b)
        g_wait(b)
        s_issue(b)
        if k + 3 < EROWS:
            idx_load(k + 3, b)
    for b in (2, 0, 1):
        s_wait(b)
    plsc.subcore_barrier()
    pltpu.sync_copy(acc.at[pl.ds(s * RPT, RPT)], out.at[c, pl.ds(s * RPT, RPT)])


_agg_kernel = pl.kernel(
    _agg_body,
    out_type=jax.ShapeDtypeStruct((NC, N_PAD, D), jnp.float32),
    mesh=_MESH,
    compiler_params=pltpu.CompilerParams(use_tc_tiling_on_sc=False),
    scratch_types=[
        pltpu.VMEM((3, 2, EB), jnp.int32),
        pltpu.VMEM((3, EB, D), jnp.float32),
        pltpu.SemaphoreType.DMA,
        pltpu.SemaphoreType.DMA,
        pltpu.SemaphoreType.DMA,
        pltpu.SemaphoreType.DMA,
        pltpu.SemaphoreType.DMA,
        pltpu.SemaphoreType.DMA,
        pltpu.SemaphoreType.DMA,
        pltpu.SemaphoreType.DMA,
        pltpu.SemaphoreType.DMA,
        pltpu.VMEM_SHARED((N_PAD, D), jnp.float32),
    ],
)


def _norm(deg):
    return jnp.where(deg > 0, lax.rsqrt(jnp.maximum(deg, 1.0)), 0.0)


def _mm1_body(x_ref, dgo_ref, w_ref, o_ref):
    nsrc = _norm(dgo_ref[...])
    o_ref[...] = jnp.dot(x_ref[...] * nsrc, w_ref[...],
                         preferred_element_type=jnp.float32)


def _mid_body(a0_ref, a1_ref, dgo_ref, dgi_ref, b1_ref, w_ref, o_ref):
    ndst = _norm(dgi_ref[...])
    nsrc = _norm(dgo_ref[...])
    t = jnp.maximum((a0_ref[...] + a1_ref[...]) * ndst + b1_ref[...], 0.0)
    o_ref[...] = jnp.dot(t * nsrc, w_ref[...],
                         preferred_element_type=jnp.float32)


def _fin_body(a0_ref, a1_ref, dgi_ref, b2_ref, o_ref):
    ndst = _norm(dgi_ref[...])
    o_ref[...] = (a0_ref[...] + a1_ref[...]) * ndst + b2_ref[...]


_R = 1264
_GRID = (N_PAD // _R,)
_row_spec = pl.BlockSpec((_R, D), lambda i: (i, 0))
_deg_spec = pl.BlockSpec((_R, 1), lambda i: (i, 0))
_w_spec = pl.BlockSpec((D, D), lambda i: (0, 0))
_b_spec = pl.BlockSpec((1, D), lambda i: (0, 0))
_out_struct = jax.ShapeDtypeStruct((N_PAD, D), jnp.float32)

_mm1 = pl.pallas_call(
    _mm1_body, grid=_GRID,
    in_specs=[_row_spec, _deg_spec, _w_spec],
    out_specs=_row_spec, out_shape=_out_struct)

_mid = pl.pallas_call(
    _mid_body, grid=_GRID,
    in_specs=[_row_spec, _row_spec, _deg_spec, _deg_spec, _b_spec, _w_spec],
    out_specs=_row_spec, out_shape=_out_struct)

_FR = 2000
_fin = pl.pallas_call(
    _fin_body, grid=(N_NODES // _FR,),
    in_specs=[pl.BlockSpec((_FR, D), lambda i: (i, 0)),
              pl.BlockSpec((_FR, D), lambda i: (i, 0)),
              pl.BlockSpec((_FR, 1), lambda i: (i, 0)),
              pl.BlockSpec((1, D), lambda i: (0, 0))],
    out_specs=pl.BlockSpec((_FR, D), lambda i: (i, 0)),
    out_shape=jax.ShapeDtypeStruct((N_NODES, D), jnp.float32))


def kernel(features, edge_index, W1, b1, W2, b2):
    ei32 = edge_index.astype(jnp.int32)
    pad = N_NODES + jnp.arange(E_PAD - N_EDGES, dtype=jnp.int32) % (N_PAD - N_NODES)
    ei = jnp.concatenate([ei32, jnp.stack([pad, pad])], axis=1)
    ei = ei.reshape(2, E_PAD // EB, EB).transpose(1, 0, 2)
    x = jnp.pad(features.astype(jnp.float32), ((0, N_PAD - N_NODES), (0, 0)))
    degs = _deg_kernel(ei)
    dgo = degs[0].reshape(N_PAD, 1)
    dgi = degs[1].reshape(N_PAD, 1)
    h1s = _mm1(x, dgo, W1)
    agg1 = _agg_kernel(h1s, ei)
    h2s = _mid(agg1[0], agg1[1], dgo, dgi, b1.reshape(1, D), W2)
    agg2 = _agg_kernel(h2s, ei)
    return _fin(agg2[0], agg2[1], dgi, b2.reshape(1, D))

# --- scband reference (transcript-rebuilt; emitter-appended) ---
"""Pipeline reference for scband-gcn-4432406250066 (READ-ONLY COPY).

The authoritative reference and input builder live on the scoring server;
editing this copy changes nothing except your own understanding.
"""

import jax, jax.numpy as jnp
import numpy as np

N_NODES = 10000
N_EDGES = 320000
D_IN = 128
D_HID = 128
D_OUT = 128


def setup_inputs(seed: int = 0) -> dict:
    key = jax.random.key(seed)
    k1, k2, k3, k4, k5, k6 = jax.random.split(key, 6)
    features = jax.random.normal(k1, (N_NODES, D_IN), dtype=jnp.float32)
    edge_index = jax.random.randint(k2, (2, N_EDGES), 0, N_NODES, dtype=jnp.int64)
    W1 = jax.random.normal(k3, (D_IN, D_HID), dtype=jnp.float32) * (1.0 / np.sqrt(D_IN))
    b1 = jnp.zeros((D_HID,), dtype=jnp.float32)
    W2 = jax.random.normal(k4, (D_HID, D_OUT), dtype=jnp.float32) * (1.0 / np.sqrt(D_HID))
    b2 = jnp.zeros((D_OUT,), dtype=jnp.float32)
    return {"features": features, "edge_index": edge_index, "W1": W1, "b1": b1, "W2": W2, "b2": b2}


def _graph_conv(x, W, b, src, dst, n_nodes):
    # DGL GraphConv with norm='both': out = D_dst^{-1/2} A D_src^{-1/2} X W + b
    ones = jnp.ones((src.shape[0],), dtype=jnp.float32)
    deg_out = jnp.zeros((n_nodes,), dtype=jnp.float32).at[src].add(ones)
    deg_in = jnp.zeros((n_nodes,), dtype=jnp.float32).at[dst].add(ones)
    norm_src = jnp.where(deg_out > 0, jax.lax.rsqrt(jnp.maximum(deg_out, 1.0)), 0.0)
    norm_dst = jnp.where(deg_in > 0, jax.lax.rsqrt(jnp.maximum(deg_in, 1.0)), 0.0)
    h = x * norm_src[:, None]
    msgs = jnp.take(h, src, axis=0)
    agg = jax.ops.segment_sum(msgs, dst, num_segments=n_nodes)
    agg = agg * norm_dst[:, None]
    return agg @ W + b


def reference(features, edge_index, W1, b1, W2, b2):
    src = edge_index[0]
    dst = edge_index[1]
    h = features.astype(jnp.float32)
    h = _graph_conv(h, W1, b1, src, dst, N_NODES)
    h = jax.nn.relu(h)
    h = _graph_conv(h, W2, b2, src, dst, N_NODES)
    return h

if __name__ == "__main__":
    import jax
    _d = setup_inputs()
    print(jax.jit(kernel)(*tuple(_d.values())))

</pallas_src>

<mosaic_0001>
#map = affine_map<(d0, d1) -> (0, 0)>
#map1 = affine_map<(d0, d1) -> (0, 0, 0)>
module attributes {stable_mosaic.version = 14 : i64} {
  func.func @_agg_body(%arg0: i32, %arg1: i32, %arg2: memref<10112x128xf32, #tpu.memory_space<hbm>>, %arg3: memref<2560x2x128xi32, #tpu.memory_space<hbm>>, %arg4: memref<2x10112x128xf32, #tpu.memory_space<hbm>>, %arg5: memref<3x2x128xi32, #tpu.memory_space<vmem>>, %arg6: memref<3x128x128xf32, #tpu.memory_space<vmem>>, %arg7: memref<!tpu.dma_semaphore, #tpu.memory_space<semaphore_mem>>, %arg8: memref<!tpu.dma_semaphore, #tpu.memory_space<semaphore_mem>>, %arg9: memref<!tpu.dma_semaphore, #tpu.memory_space<semaphore_mem>>, %arg10: memref<!tpu.dma_semaphore, #tpu.memory_space<semaphore_mem>>, %arg11: memref<!tpu.dma_semaphore, #tpu.memory_space<semaphore_mem>>, %arg12: memref<!tpu.dma_semaphore, #tpu.memory_space<semaphore_mem>>, %arg13: memref<!tpu.dma_semaphore, #tpu.memory_space<semaphore_mem>>, %arg14: memref<!tpu.dma_semaphore, #tpu.memory_space<semaphore_mem>>, %arg15: memref<!tpu.dma_semaphore, #tpu.memory_space<semaphore_mem>>, %arg16: memref<10112x128xf32, #tpu.memory_space<vmem_shared>>) attributes {dimension_semantics = [#tpu.dimension_semantics<core_parallel>, #tpu.dimension_semantics<subcore_parallel>], iteration_bounds = array<i64: 2, 16>, scalar_prefetch = 0 : i64, scratch_operands = 12 : i64, tpu.core_type = #tpu.core_type<sc_vector_subcore>, window_params = [{transform_indices = #map}, {transform_indices = #map1}, {transform_indices = #map1}]} {
    %mul3A = arith.constant 16 : i32
    %mul3A_0 = arith.muli %arg0, %mul3A : i32
    %add3A = arith.addi %mul3A_0, %arg1 : i32
    %mul3A_1 = arith.constant 80 : i32
    %mul3A_2 = arith.muli %add3A, %mul3A_1 : i32
    %broadcast_in_dim3A = arith.constant 0.000000e+00 : f32
    %broadcast_in_dim3A_3 = vector.broadcast %broadcast_in_dim3A : f32 to vector<16xf32>
    %add3A_4 = arith.constant 0 : i32
    %add3A_5 = arith.addi %mul3A_2, %add3A_4 : i32
    %dma_start3A = arith.constant 0 : i32
    %dma_start3A_6 = arith.constant 0 : i32
    %dma_start3A_7 = arith.constant 0 : i32
    %dma_start3A_8 = tpu.memref_slice %arg5[%dma_start3A, %dma_start3A_6, %dma_start3A_7] : memref<3x2x128xi32, #tpu.memory_space<vmem>> -> memref<1x2x128xi32, #tpu.memory_space<vmem>>
    %dma_start3A_9 = tpu.memref_squeeze %dma_start3A_8 : memref<1x2x128xi32, #tpu.memory_space<vmem>> -> memref<2x128xi32, #tpu.memory_space<vmem>>
    %dma_start3A_10 = arith.constant 0 : i32
    %dma_start3A_11 = arith.constant 0 : i32
    %dma_start3A_12 = tpu.memref_slice %arg3[%add3A_5, %dma_start3A_10, %dma_start3A_11] : memref<2560x2x128xi32, #tpu.memory_space<hbm>> -> memref<1x2x128xi32, #tpu.memory_space<hbm>>
    %dma_start3A_13 = tpu.memref_squeeze %dma_start3A_12 : memref<1x2x128xi32, #tpu.memory_space<hbm>> -> memref<2x128xi32, #tpu.memory_space<hbm>>
    %dma_start3A_14 = arith.constant 0 : i32
    %dma_start3A_15 = arith.constant 0 : i32
    %dma_start3A_16 = tpu.memref_slice %arg5[%dma_start3A, %dma_start3A_14, %dma_start3A_15] : memref<3x2x128xi32, #tpu.memory_space<vmem>> -> memref<1x2x128xi32, #tpu.memory_space<vmem>>
    %dma_start3A_17 = tpu.memref_squeeze %dma_start3A_16 : memref<1x2x128xi32, #tpu.memory_space<vmem>> -> memref<2x128xi32, #tpu.memory_space<vmem>>
    %dma_start3A_18 = arith.constant 0 : i32
    %dma_start3A_19 = arith.constant 0 : i32
    %dma_start3A_20 = tpu.memref_slice %arg3[%add3A_5, %dma_start3A_18, %dma_start3A_19] : memref<2560x2x128xi32, #tpu.memory_space<hbm>> -> memref<1x2x128xi32, #tpu.memory_space<hbm>>
    %dma_start3A_21 = tpu.memref_squeeze %dma_start3A_20 : memref<1x2x128xi32, #tpu.memory_space<hbm>> -> memref<2x128xi32, #tpu.memory_space<hbm>>
    tpu.enqueue_dma source(%dma_start3A_21 : memref<2x128xi32, #tpu.memory_space<hbm>>) target(%dma_start3A_17 : memref<2x128xi32, #tpu.memory_space<vmem>>) target_semaphore(%arg7 : memref<!tpu.dma_semaphore, #tpu.memory_space<semaphore_mem>>)
    %add3A_22 = arith.constant 1 : i32
    %add3A_23 = arith.addi %mul3A_2, %add3A_22 : i32
    %dma_start3A_24 = arith.constant 1 : i32
    %dma_start3A_25 = arith.constant 0 : i32
    %dma_start3A_26 = arith.constant 0 : i32
    %dma_start3A_27 = tpu.memref_slice %arg5[%dma_start3A_24, %dma_start3A_25, %dma_start3A_26] : memref<3x2x128xi32, #tpu.memory_space<vmem>> -> memref<1x2x128xi32, #tpu.memory_space<vmem>>
    %dma_start3A_28 = tpu.memref_squeeze %dma_start3A_27 : memref<1x2x128xi32, #tpu.memory_space<vmem>> -> memref<2x128xi32, #tpu.memory_space<vmem>>
    %dma_start3A_29 = arith.constant 0 : i32
    %dma_start3A_30 = arith.constant 0 : i32
    %dma_start3A_31 = tpu.memref_slice %arg3[%add3A_23, %dma_start3A_29, %dma_start3A_30] : memref<2560x2x128xi32, #tpu.memory_space<hbm>> -> memref<1x2x128xi32, #tpu.memory_space<hbm>>
    %dma_start3A_32 = tpu.memref_squeeze %dma_start3A_31 : memref<1x2x128xi32, #tpu.memory_space<hbm>> -> memref<2x128xi32, #tpu.memory_space<hbm>>
    %dma_start3A_33 = arith.constant 0 : i32
    %dma_start3A_34 = arith.constant 0 : i32
    %dma_start3A_35 = tpu.memref_slice %arg5[%dma_start3A_24, %dma_start3A_33, %dma_start3A_34] : memref<3x2x128xi32, #tpu.memory_space<vmem>> -> memref<1x2x128xi32, #tpu.memory_space<vmem>>
    %dma_start3A_36 = tpu.memref_squeeze %dma_start3A_35 : memref<1x2x128xi32, #tpu.memory_space<vmem>> -> memref<2x128xi32, #tpu.memory_space<vmem>>
    %dma_start3A_37 = arith.constant 0 : i32
    %dma_start3A_38 = arith.constant 0 : i32
    %dma_start3A_39 = tpu.memref_slice %arg3[%add3A_23, %dma_start3A_37, %dma_start3A_38] : memref<2560x2x128xi32, #tpu.memory_space<hbm>> -> memref<1x2x128xi32, #tpu.memory_space<hbm>>
    %dma_start3A_40 = tpu.memref_squeeze %dma_start3A_39 : memref<1x2x128xi32, #tpu.memory_space<hbm>> -> memref<2x128xi32, #tpu.memory_space<hbm>>
    tpu.enqueue_dma source(%dma_start3A_40 : memref<2x128xi32, #tpu.memory_space<hbm>>) target(%dma_start3A_36 : memref<2x128xi32, #tpu.memory_space<vmem>>) target_semaphore(%arg8 : memref<!tpu.dma_semaphore, #tpu.memory_space<semaphore_mem>>)
    %add3A_41 = arith.constant 2 : i32
    %add3A_42 = arith.addi %mul3A_2, %add3A_41 : i32
    %dma_start3A_43 = arith.constant 2 : i32
    %dma_start3A_44 = arith.constant 0 : i32
    %dma_start3A_45 = arith.constant 0 : i32
    %dma_start3A_46 = tpu.memref_slice %arg5[%dma_start3A_43, %dma_start3A_44, %dma_start3A_45] : memref<3x2x128xi32, #tpu.memory_space<vmem>> -> memref<1x2x128xi32, #tpu.memory_space<vmem>>
    %dma_start3A_47 = tpu.memref_squeeze %dma_start3A_46 : memref<1x2x128xi32, #tpu.memory_space<vmem>> -> memref<2x128xi32, #tpu.memory_space<vmem>>
    %dma_start3A_48 = arith.constant 0 : i32
    %dma_start3A_49 = arith.constant 0 : i32
    %dma_start3A_50 = tpu.memref_slice %arg3[%add3A_42, %dma_start3A_48, %dma_start3A_49] : memref<2560x2x128xi32, #tpu.memory_space<hbm>> -> memref<1x2x128xi32, #tpu.memory_space<hbm>>
    %dma_start3A_51 = tpu.memref_squeeze %dma_start3A_50 : memref<1x2x128xi32, #tpu.memory_space<hbm>> -> memref<2x128xi32, #tpu.memory_space<hbm>>
    %dma_start3A_52 = arith.constant 0 : i32
    %dma_start3A_53 = arith.constant 0 : i32
    %dma_start3A_54 = tpu.memref_slice %arg5[%dma_start3A_43, %dma_start3A_52, %dma_start3A_53] : memref<3x2x128xi32, #tpu.memory_space<vmem>> -> memref<1x2x128xi32, #tpu.memory_space<vmem>>
    %dma_start3A_55 = tpu.memref_squeeze %dma_start3A_54 : memref<1x2x128xi32, #tpu.memory_space<vmem>> -> memref<2x128xi32, #tpu.memory_space<vmem>>
    %dma_start3A_56 = arith.constant 0 : i32
    %dma_start3A_57 = arith.constant 0 : i32
    %dma_start3A_58 = tpu.memref_slice %arg3[%add3A_42, %dma_start3A_56, %dma_start3A_57] : memref<2560x2x128xi32, #tpu.memory_space<hbm>> -> memref<1x2x128xi32, #tpu.memory_space<hbm>>
    %dma_start3A_59 = tpu.memref_squeeze %dma_start3A_58 : memref<1x2x128xi32, #tpu.memory_space<hbm>> -> memref<2x128xi32, #tpu.memory_space<hbm>>
    tpu.enqueue_dma source(%dma_start3A_59 : memref<2x128xi32, #tpu.memory_space<hbm>>) target(%dma_start3A_55 : memref<2x128xi32, #tpu.memory_space<vmem>>) target_semaphore(%arg9 : memref<!tpu.dma_semaphore, #tpu.memory_space<semaphore_mem>>)
    %scan3A = arith.constant 0 : i32
    %scan3A_60 = arith.constant 0 : i32
    %scan3A_61 = arith.constant 128 : i32
    %scan3A_62 = arith.addi %scan3A_60, %scan3A_61 : i32
    %scan3A_63 = arith.constant 1 : i32
    scf.for %scan3A_762 = %scan3A_60 to %scan3A_62 step %scan3A_63  : i32 {
      %swap3A = arith.constant 2 : i32
      %swap3A_763 = arith.index_cast %swap3A : i32 to index
      %swap3A_764 = arith.index_cast %scan3A_762 : i32 to index
      %swap3A_765 = arith.constant 0 : index
      %swap3A_766 = tpu.vector_load %arg6[%swap3A_763, %swap3A_764, %swap3A_765] {strides = array<i32>} : memref<3x128x128xf32, #tpu.memory_space<vmem>>, vector<1x1x16xf32>,
      %swap3A_767 = vector.shape_cast %swap3A_766 : vector<1x1x16xf32> to vector<16xf32>
      %swap3A_768 = vector.shape_cast %broadcast_in_dim3A_3 : vector<16xf32> to vector<1x1x16xf32>
      tpu.vector_store %arg6[%swap3A_763, %swap3A_764, %swap3A_765], %swap3A_768 {strides = array<i32>} : memref<3x128x128xf32, #tpu.memory_space<vmem>>, vector<1x1x16xf32>,
      %swap3A_769 = arith.constant 2 : i32
      %swap3A_770 = arith.index_cast %swap3A_769 : i32 to index
      %swap3A_771 = arith.index_cast %scan3A_762 : i32 to index
      %swap3A_772 = arith.constant 16 : index
      %swap3A_773 = tpu.vector_load %arg6[%swap3A_770, %swap3A_771, %swap3A_772] {strides = array<i32>} : memref<3x128x128xf32, #tpu.memory_space<vmem>>, vector<1x1x16xf32>,
      %swap3A_774 = vector.shape_cast %swap3A_773 : vector<1x1x16xf32> to vector<16xf32>
      %swap3A_775 = vector.shape_cast %broadcast_in_dim3A_3 : vector<16xf32> to vector<1x1x16xf32>
      tpu.vector_store %arg6[%swap3A_770, %swap3A_771, %swap3A_772], %swap3A_775 {strides = array<i32>} : memref<3x128x128xf32, #tpu.memory_space<vmem>>, vector<1x1x16xf32>,
      %swap3A_776 = arith.constant 2 : i32
      %swap3A_777 = arith.index_cast %swap3A_776 : i32 to index
      %swap3A_778 = arith.index_cast %scan3A_762 : i32 to index
      %swap3A_779 = arith.constant 32 : index
      %swap3A_780 = tpu.vector_load %arg6[%swap3A_777, %swap3A_778, %swap3A_779] {strides = array<i32>} : memref<3x128x128xf32, #tpu.memory_space<vmem>>, vector<1x1x16xf32>,
      %swap3A_781 = vector.shape_cast %swap3A_780 : vector<1x1x16xf32> to vector<16xf32>
      %swap3A_782 = vector.shape_cast %broadcast_in_dim3A_3 : vector<16xf32> to vector<1x1x16xf32>
      tpu.vector_store %arg6[%swap3A_777, %swap3A_778, %swap3A_779], %swap3A_782 {strides = array<i32>} : memref<3x128x128xf32, #tpu.memory_space<vmem>>, vector<1x1x16xf32>,
      %swap3A_783 = arith.constant 2 : i32
      %swap3A_784 = arith.index_cast %swap3A_783 : i32 to index
      %swap3A_785 = arith.index_cast %scan3A_762 : i32 to index
      %swap3A_786 = arith.constant 48 : index
      %swap3A_787 = tpu.vector_load %arg6[%swap3A_784, %swap3A_785, %swap3A_786] {strides = array<i32>} : memref<3x128x128xf32, #tpu.memory_space<vmem>>, vector<1x1x16xf32>,
      %swap3A_788 = vector.shape_cast %swap3A_787 : vector<1x1x16xf32> to vector<16xf32>
      %swap3A_789 = vector.shape_cast %broadcast_in_dim3A_3 : vector<16xf32> to vector<1x1x16xf32>
      tpu.vector_store %arg6[%swap3A_784, %swap3A_785, %swap3A_786], %swap3A_789 {strides = array<i32>} : memref<3x128x128xf32, #tpu.memory_space<vmem>>, vector<1x1x16xf32>,
      %swap3A_790 = arith.constant 2 : i32
      %swap3A_791 = arith.index_cast %swap3A_790 : i32 to index
      %swap3A_792 = arith.index_cast %scan3A_762 : i32 to index
      %swap3A_793 = arith.constant 64 : index
      %swap3A_794 = tpu.vector_load %arg6[%swap3A_791, %swap3A_792, %swap3A_793] {strides = array<i32>} : memref<3x128x128xf32, #tpu.memory_space<vmem>>, vector<1x1x16xf32>,
      %swap3A_795 = vector.shape_cast %swap3A_794 : vector<1x1x16xf32> to vector<16xf32>
      %swap3A_796 = vector.shape_cast %broadcast_in_dim3A_3 : vector<16xf32> to vector<1x1x16xf32>
      tpu.vector_store %arg6[%swap3A_791, %swap3A_792, %swap3A_793], %swap3A_796 {strides = array<i32>} : memref<3x128x128xf32, #tpu.memory_space<vmem>>, vector<1x1x16xf32>,
      %swap3A_797 = arith.constant 2 : i32
      %swap3A_798 = arith.index_cast %swap3A_797 : i32 to index
      %swap3A_799 = arith.index_cast %scan3A_762 : i32 to index
      %swap3A_800 = arith.constant 80 : index
      %swap3A_801 = tpu.vector_load %arg6[%swap3A_798, %swap3A_799, %swap3A_800] {strides = array<i32>} : memref<3x128x128xf32, #tpu.memory_space<vmem>>, vector<1x1x16xf32>,
      %swap3A_802 = vector.shape_cast %swap3A_801 : vector<1x1x16xf32> to vector<16xf32>
      %swap3A_803 = vector.shape_cast %broadcast_in_dim3A_3 : vector<16xf32> to vector<1x1x16xf32>
      tpu.vector_store %arg6[%swap3A_798, %swap3A_799, %swap3A_800], %swap3A_803 {strides = array<i32>} : memref<3x128x128xf32, #tpu.memory_space<vmem>>, vector<1x1x16xf32>,
      %swap3A_804 = arith.constant 2 : i32
      %swap3A_805 = arith.index_cast %swap3A_804 : i32 to index
      %swap3A_806 = arith.index_cast %scan3A_762 : i32 to index
      %swap3A_807 = arith.constant 96 : index
      %swap3A_808 = tpu.vector_load %arg6[%swap3A_805, %swap3A_806, %swap3A_807] {strides = array<i32>} : memref<3x128x128xf32, #tpu.memory_space<vmem>>, vector<1x1x16xf32>,
      %swap3A_809 = vector.shape_cast %swap3A_808 : vector<1x1x16xf32> to vector<16xf32>
      %swap3A_810 = vector.shape_cast %broadcast_in_dim3A_3 : vector<16xf32> to vector<1x1x16xf32>
      tpu.vector_store %arg6[%swap3A_805, %swap3A_806, %swap3A_807], %swap3A_810 {strides = array<i32>} : memref<3x128x128xf32, #tpu.memory_space<vmem>>, vector<1x1x16xf32>,
      %swap3A_811 = arith.constant 2 : i32
      %swap3A_812 = arith.index_cast %swap3A_811 : i32 to index
      %swap3A_813 = arith.index_cast %scan3A_762 : i32 to index
      %swap3A_814 = arith.constant 112 : index
      %swap3A_815 = tpu.vector_load %arg6[%swap3A_812, %swap3A_813, %swap3A_814] {strides = array<i32>} : memref<3x128x128xf32, #tpu.memory_space<vmem>>, vector<1x1x16xf32>,
      %swap3A_816 = vector.shape_cast %swap3A_815 : vector<1x1x16xf32> to vector<16xf32>
      %swap3A_817 = vector.shape_cast %broadcast_in_dim3A_3 : vector<16xf32> to vector<1x1x16xf32>
      tpu.vector_store %arg6[%swap3A_812, %swap3A_813, %swap3A_814], %swap3A_817 {strides = array<i32>} : memref<3x128x128xf32, #tpu.memory_space<vmem>>, vector<1x1x16xf32>,
    }
    %scan3A_64 = arith.constant 128 : i32
    %add3A_65 = arith.constant 0 : i32
    %add3A_66 = arith.addi %mul3A_2, %add3A_65 : i32
    %dma_wait3A = arith.constant 0 : i32
    %dma_wait3A_67 = arith.constant 0 : i32
    %dma_wait3A_68 = arith.constant 0 : i32
    %dma_wait3A_69 = tpu.memref_slice %arg5[%dma_wait3A, %dma_wait3A_67, %dma_wait3A_68] : memref<3x2x128xi32, #tpu.memory_space<vmem>> -> memref<1x2x128xi32, #tpu.memory_space<vmem>>
    %dma_wait3A_70 = tpu.memref_squeeze %dma_wait3A_69 : memref<1x2x128xi32, #tpu.memory_space<vmem>> -> memref<2x128xi32, #tpu.memory_space<vmem>>
    %dma_wait3A_71 = arith.constant 0 : i32
    %dma_wait3A_72 = arith.constant 0 : i32
    %dma_wait3A_73 = tpu.memref_slice %arg3[%add3A_66, %dma_wait3A_71, %dma_wait3A_72] : memref<2560x2x128xi32, #tpu.memory_space<hbm>> -> memref<1x2x128xi32, #tpu.memory_space<hbm>>
    %dma_wait3A_74 = tpu.memref_squeeze %dma_wait3A_73 : memref<1x2x128xi32, #tpu.memory_space<hbm>> -> memref<2x128xi32, #tpu.memory_space<hbm>>
    %dma_wait3A_75 = arith.constant 0 : i32
    %dma_wait3A_76 = arith.constant 0 : i32
    %dma_wait3A_77 = tpu.memref_slice %arg5[%dma_wait3A, %dma_wait3A_75, %dma_wait3A_76] : memref<3x2x128xi32, #tpu.memory_space<vmem>> -> memref<1x2x128xi32, #tpu.memory_space<vmem>>
    %dma_wait3A_78 = tpu.memref_squeeze %dma_wait3A_77 : memref<1x2x128xi32, #tpu.memory_space<vmem>> -> memref<2x128xi32, #tpu.memory_space<vmem>>
    %dma_wait3A_79 = arith.constant 0 : i32
    %dma_wait3A_80 = arith.constant 0 : i32
    %dma_wait3A_81 = tpu.memref_slice %arg3[%add3A_66, %dma_wait3A_79, %dma_wait3A_80] : memref<2560x2x128xi32, #tpu.memory_space<hbm>> -> memref<1x2x128xi32, #tpu.memory_space<hbm>>
    %dma_wait3A_82 = tpu.memref_squeeze %dma_wait3A_81 : memref<1x2x128xi32, #tpu.memory_space<hbm>> -> memref<2x128xi32, #tpu.memory_space<hbm>>
    tpu.wait_dma2 semaphore(%arg7 : memref<!tpu.dma_semaphore, #tpu.memory_space<semaphore_mem>>) src(%dma_wait3A_82 : memref<2x128xi32, #tpu.memory_space<hbm>>) dst(%dma_wait3A_78 : memref<2x128xi32, #tpu.memory_space<vmem>>)
    %dma_start3A_83 = arith.constant 0 : i32
    %dma_start3A_84 = arith.constant 0 : i32
    %dma_start3A_85 = arith.constant 0 : i32
    %dma_start3A_86 = arith.constant 0 : i32
    %dma_start3A_87 = arith.constant 0 : i32
    %dma_start3A_88 = tpu.memref_slice %arg6[%dma_start3A_85, %dma_start3A_86, %dma_start3A_87] : memref<3x128x128xf32, #tpu.memory_space<vmem>> -> memref<1x128x128xf32, #tpu.memory_space<vmem>>
    %dma_start3A_89 = tpu.memref_squeeze %dma_start3A_88 : memref<1x128x128xf32, #tpu.memory_space<vmem>> -> memref<128x128xf32, #tpu.memory_space<vmem>>
    %dma_start3A_90 = arith.constant 0 : i32
    %dma_start3A_91 = tpu.memref_slice %arg5[%dma_start3A_83, %dma_start3A_84, %dma_start3A_90] : memref<3x2x128xi32, #tpu.memory_space<vmem>> -> memref<1x1x128xi32, #tpu.memory_space<vmem>>
    %dma_start3A_92 = tpu.memref_squeeze %dma_start3A_91 : memref<1x1x128xi32, #tpu.memory_space<vmem>> -> memref<128xi32, #tpu.memory_space<vmem>>
    %dma_start3A_93 = arith.constant 0 : i32
    %dma_start3A_94 = arith.constant 0 : i32
    %dma_start3A_95 = tpu.memref_slice %arg2[%dma_start3A_93, %dma_start3A_94] : memref<10112x128xf32, #tpu.memory_space<hbm>> -> memref<10112x128xf32, #tpu.memory_space<hbm>>
    tpu.enqueue_indirect_dma source(%dma_start3A_95 : memref<10112x128xf32, #tpu.memory_space<hbm>>) target(%dma_start3A_89 : memref<128x128xf32, #tpu.memory_space<vmem>>) offsets(%dma_start3A_92 : memref<128xi32, #tpu.memory_space<vmem>>) semaphore(%arg10 : memref<!tpu.dma_semaphore, #tpu.memory_space<semaphore_mem>>)
    %add3A_96 = arith.constant 1 : i32
    %add3A_97 = arith.addi %mul3A_2, %add3A_96 : i32
    %dma_wait3A_98 = arith.constant 1 : i32
    %dma_wait3A_99 = arith.constant 0 : i32
    %dma_wait3A_100 = arith.constant 0 : i32
    %dma_wait3A_101 = tpu.memref_slice %arg5[%dma_wait3A_98, %dma_wait3A_99, %dma_wait3A_100] : memref<3x2x128xi32, #tpu.memory_space<vmem>> -> memref<1x2x128xi32, #tpu.memory_space<vmem>>
    %dma_wait3A_102 = tpu.memref_squeeze %dma_wait3A_101 : memref<1x2x128xi32, #tpu.memory_space<vmem>> -> memref<2x128xi32, #tpu.memory_space<vmem>>
    %dma_wait3A_103 = arith.constant 0 : i32
    %dma_wait3A_104 = arith.constant 0 : i32
    %dma_wait3A_105 = tpu.memref_slice %arg3[%add3A_97, %dma_wait3A_103, %dma_wait3A_104] : memref<2560x2x128xi32, #tpu.memory_space<hbm>> -> memref<1x2x128xi32, #tpu.memory_space<hbm>>
    %dma_wait3A_106 = tpu.memref_squeeze %dma_wait3A_105 : memref<1x2x128xi32, #tpu.memory_space<hbm>> -> memref<2x128xi32, #tpu.memory_space<hbm>>
    %dma_wait3A_107 = arith.constant 0 : i32
    %dma_wait3A_108 = arith.constant 0 : i32
    %dma_wait3A_109 = tpu.memref_slice %arg5[%dma_wait3A_98, %dma_wait3A_107, %dma_wait3A_108] : memref<3x2x128xi32, #tpu.memory_space<vmem>> -> memref<1x2x128xi32, #tpu.memory_space<vmem>>
    %dma_wait3A_110 = tpu.memref_squeeze %dma_wait3A_109 : memref<1x2x128xi32, #tpu.memory_space<vmem>> -> memref<2x128xi32, #tpu.memory_space<vmem>>
    %dma_wait3A_111 = arith.constant 0 : i32
    %dma_wait3A_112 = arith.constant 0 : i32
    %dma_wait3A_113 = tpu.memref_slice %arg3[%add3A_97, %dma_wait3A_111, %dma_wait3A_112] : memref<2560x2x128xi32, #tpu.memory_space<hbm>> -> memref<1x2x128xi32, #tpu.memory_space<hbm>>
    %dma_wait3A_114 = tpu.memref_squeeze %dma_wait3A_113 : memref<1x2x128xi32, #tpu.memory_space<hbm>> -> memref<2x128xi32, #tpu.memory_space<hbm>>
    tpu.wait_dma2 semaphore(%arg8 : memref<!tpu.dma_semaphore, #tpu.memory_space<semaphore_mem>>) src(%dma_wait3A_114 : memref<2x128xi32, #tpu.memory_space<hbm>>) dst(%dma_wait3A_110 : memref<2x128xi32, #tpu.memory_space<vmem>>)
    %dma_start3A_115 = arith.constant 1 : i32
    %dma_start3A_116 = arith.constant 0 : i32
    %dma_start3A_117 = arith.constant 1 : i32
    %dma_start3A_118 = arith.constant 0 : i32
    %dma_start3A_119 = arith.constant 0 : i32
    %dma_start3A_120 = tpu.memref_slice %arg6[%dma_start3A_117, %dma_start3A_118, %dma_start3A_119] : memref<3x128x128xf32, #tpu.memory_space<vmem>> -> memref<1x128x128xf32, #tpu.memory_space<vmem>>
    %dma_start3A_121 = tpu.memref_squeeze %dma_start3A_120 : memref<1x128x128xf32, #tpu.memory_space<vmem>> -> memref<128x128xf32, #tpu.memory_space<vmem>>
    %dma_start3A_122 = arith.constant 0 : i32
    %dma_start3A_123 = tpu.memref_slice %arg5[%dma_start3A_115, %dma_start3A_116, %dma_start3A_122] : memref<3x2x128xi32, #tpu.memory_space<vmem>> -> memref<1x1x128xi32, #tpu.memory_space<vmem>>
    %dma_start3A_124 = tpu.memref_squeeze %dma_start3A_123 : memref<1x1x128xi32, #tpu.memory_space<vmem>> -> memref<128xi32, #tpu.memory_space<vmem>>
    %dma_start3A_125 = arith.constant 0 : i32
    %dma_start3A_126 = arith.constant 0 : i32
    %dma_start3A_127 = tpu.memref_slice %arg2[%dma_start3A_125, %dma_start3A_126] : memref<10112x128xf32, #tpu.memory_space<hbm>> -> memref<10112x128xf32, #tpu.memory_space<hbm>>
    tpu.enqueue_indirect_dma source(%dma_start3A_127 : memref<10112x128xf32, #tpu.memory_space<hbm>>) target(%dma_start3A_121 : memref<128x128xf32, #tpu.memory_space<vmem>>) offsets(%dma_start3A_124 : memref<128xi32, #tpu.memory_space<vmem>>) semaphore(%arg11 : memref<!tpu.dma_semaphore, #tpu.memory_space<semaphore_mem>>)
    %mul3A_128 = arith.constant 632 : i32
    %mul3A_129 = arith.muli %arg1, %mul3A_128 : i32
    %add3A_130 = arith.constant 0 : i32
    %add3A_131 = arith.addi %mul3A_129, %add3A_130 : i32
    %run_scoped3A = arith.constant 2 : i32
    "tpu.region"() ({
      %run_scoped3A_762 = tpu.sem_alloc : memref<!tpu.dma_semaphore, #tpu.memory_space<semaphore_mem>>
      %dma_start3A_763 = arith.constant 0 : i32
      %dma_start3A_764 = arith.constant 0 : i32
      %dma_start3A_765 = tpu.memref_slice %arg6[%run_scoped3A, %dma_start3A_763, %dma_start3A_764] : memref<3x128x128xf32, #tpu.memory_space<vmem>> -> memref<1x128x128xf32, #tpu.memory_space<vmem>>
      %dma_start3A_766 = tpu.memref_squeeze %dma_start3A_765 : memref<1x128x128xf32, #tpu.memory_space<vmem>> -> memref<128x128xf32, #tpu.memory_space<vmem>>
      %dma_start3A_767 = arith.constant 0 : i32
      %dma_start3A_768 = tpu.memref_slice %arg16[%add3A_131, %dma_start3A_767] : memref<10112x128xf32, #tpu.memory_space<vmem_shared>> -> memref<128x128xf32, #tpu.memory_space<vmem_shared>>
      %dma_start3A_769 = arith.constant 0 : i32
      %dma_start3A_770 = tpu.memref_slice %arg16[%add3A_131, %dma_start3A_769] : memref<10112x128xf32, #tpu.memory_space<vmem_shared>> -> memref<128x128xf32, #tpu.memory_space<vmem_shared>>
      %dma_start3A_771 = arith.constant 0 : i32
      %dma_start3A_772 = arith.constant 0 : i32
      %dma_start3A_773 = tpu.memref_slice %arg6[%run_scoped3A, %dma_start3A_771, %dma_start3A_772] : memref<3x128x128xf32, #tpu.memory_space<vmem>> -> memref<1x128x128xf32, #tpu.memory_space<vmem>>
      %dma_start3A_774 = tpu.memref_squeeze %dma_start3A_773 : memref<1x128x128xf32, #tpu.memory_space<vmem>> -> memref<128x128xf32, #tpu.memory_space<vmem>>
      tpu.enqueue_dma source(%dma_start3A_774 : memref<128x128xf32, #tpu.memory_space<vmem>>) target(%dma_start3A_770 : memref<128x128xf32, #tpu.memory_space<vmem_shared>>) target_semaphore(%run_scoped3A_762 : memref<!tpu.dma_semaphore, #tpu.memory_space<semaphore_mem>>)
      %dma_wait3A_775 = arith.constant 0 : i32
      %dma_wait3A_776 = arith.constant 0 : i32
      %dma_wait3A_777 = tpu.memref_slice %arg6[%run_scoped3A, %dma_wait3A_775, %dma_wait3A_776] : memref<3x128x128xf32, #tpu.memory_space<vmem>> -> memref<1x128x128xf32, #tpu.memory_space<vmem>>
      %dma_wait3A_778 = tpu.memref_squeeze %dma_wait3A_777 : memref<1x128x128xf32, #tpu.memory_space<vmem>> -> memref<128x128xf32, #tpu.memory_space<vmem>>
      %dma_wait3A_779 = arith.constant 0 : i32
      %dma_wait3A_780 = tpu.memref_slice %arg16[%add3A_131, %dma_wait3A_779] : memref<10112x128xf32, #tpu.memory_space<vmem_shared>> -> memref<128x128xf32, #tpu.memory_space<vmem_shared>>
      %dma_wait3A_781 = arith.constant 0 : i32
      %dma_wait3A_782 = tpu.memref_slice %arg16[%add3A_131, %dma_wait3A_781] : memref<10112x128xf32, #tpu.memory_space<vmem_shared>> -> memref<128x128xf32, #tpu.memory_space<vmem_shared>>
      %dma_wait3A_783 = arith.constant 0 : i32
      %dma_wait3A_784 = arith.constant 0 : i32
      %dma_wait3A_785 = tpu.memref_slice %arg6[%run_scoped3A, %dma_wait3A_783, %dma_wait3A_784] : memref<3x128x128xf32, #tpu.memory_space<vmem>> -> memref<1x128x128xf32, #tpu.memory_space<vmem>>
      %dma_wait3A_786 = tpu.memref_squeeze %dma_wait3A_785 : memref<1x128x128xf32, #tpu.memory_space<vmem>> -> memref<128x128xf32, #tpu.memory_space<vmem>>
      tpu.wait_dma2 semaphore(%run_scoped3A_762 : memref<!tpu.dma_semaphore, #tpu.memory_space<semaphore_mem>>) src(%dma_wait3A_786 : memref<128x128xf32, #tpu.memory_space<vmem>>) dst(%dma_wait3A_782 : memref<128x128xf32, #tpu.memory_space<vmem_shared>>)
      tpu.yield
    }) : () -> ()
    %mul3A_132 = arith.constant 632 : i32
    %mul3A_133 = arith.muli %arg1, %mul3A_132 : i32
    %add3A_134 = arith.constant 128 : i32
    %add3A_135 = arith.addi %mul3A_133, %add3A_134 : i32
    %run_scoped3A_136 = arith.constant 2 : i32
    "tpu.region"() ({
      %run_scoped3A_762 = tpu.sem_alloc : memref<!tpu.dma_semaphore, #tpu.memory_space<semaphore_mem>>
      %dma_start3A_763 = arith.constant 0 : i32
      %dma_start3A_764 = arith.constant 0 : i32
      %dma_start3A_765 = tpu.memref_slice %arg6[%run_scoped3A_136, %dma_start3A_763, %dma_start3A_764] : memref<3x128x128xf32, #tpu.memory_space<vmem>> -> memref<1x128x128xf32, #tpu.memory_space<vmem>>
      %dma_start3A_766 = tpu.memref_squeeze %dma_start3A_765 : memref<1x128x128xf32, #tpu.memory_space<vmem>> -> memref<128x128xf32, #tpu.memory_space<vmem>>
      %dma_start3A_767 = arith.constant 0 : i32
      %dma_start3A_768 = tpu.memref_slice %arg16[%add3A_135, %dma_start3A_767] : memref<10112x128xf32, #tpu.memory_space<vmem_shared>> -> memref<128x128xf32, #tpu.memory_space<vmem_shared>>
      %dma_start3A_769 = arith.constant 0 : i32
      %dma_start3A_770 = tpu.memref_slice %arg16[%add3A_135, %dma_start3A_769] : memref<10112x128xf32, #tpu.memory_space<vmem_shared>> -> memref<128x128xf32, #tpu.memory_space<vmem_shared>>
      %dma_start3A_771 = arith.constant 0 : i32
      %dma_start3A_772 = arith.constant 0 : i32
      %dma_start3A_773 = tpu.memref_slice %arg6[%run_scoped3A_136, %dma_start3A_771, %dma_start3A_772] : memref<3x128x128xf32, #tpu.memory_space<vmem>> -> memref<1x128x128xf32, #tpu.memory_space<vmem>>
      %dma_start3A_774 = tpu.memref_squeeze %dma_start3A_773 : memref<1x128x128xf32, #tpu.memory_space<vmem>> -> memref<128x128xf32, #tpu.memory_space<vmem>>
      tpu.enqueue_dma source(%dma_start3A_774 : memref<128x128xf32, #tpu.memory_space<vmem>>) target(%dma_start3A_770 : memref<128x128xf32, #tpu.memory_space<vmem_shared>>) target_semaphore(%run_scoped3A_762 : memref<!tpu.dma_semaphore, #tpu.memory_space<semaphore_mem>>)
      %dma_wait3A_775 = arith.constant 0 : i32
      %dma_wait3A_776 = arith.constant 0 : i32
      %dma_wait3A_777 = tpu.memref_slice %arg6[%run_scoped3A_136, %dma_wait3A_775, %dma_wait3A_776] : memref<3x128x128xf32, #tpu.memory_space<vmem>> -> memref<1x128x128xf32, #tpu.memory_space<vmem>>
      %dma_wait3A_778 = tpu.memref_squeeze %dma_wait3A_777 : memref<1x128x128xf32, #tpu.memory_space<vmem>> -> memref<128x128xf32, #tpu.memory_space<vmem>>
      %dma_wait3A_779 = arith.constant 0 : i32
      %dma_wait3A_780 = tpu.memref_slice %arg16[%add3A_135, %dma_wait3A_779] : memref<10112x128xf32, #tpu.memory_space<vmem_shared>> -> memref<128x128xf32, #tpu.memory_space<vmem_shared>>
      %dma_wait3A_781 = arith.constant 0 : i32
      %dma_wait3A_782 = tpu.memref_slice %arg16[%add3A_135, %dma_wait3A_781] : memref<10112x128xf32, #tpu.memory_space<vmem_shared>> -> memref<128x128xf32, #tpu.memory_space<vmem_shared>>
      %dma_wait3A_783 = arith.constant 0 : i32
      %dma_wait3A_784 = arith.constant 0 : i32
      %dma_wait3A_785 = tpu.memref_slice %arg6[%run_scoped3A_136, %dma_wait3A_783, %dma_wait3A_784] : memref<3x128x128xf32, #tpu.memory_space<vmem>> -> memref<1x128x128xf32, #tpu.memory_space<vmem>>
      %dma_wait3A_786 = tpu.memref_squeeze %dma_wait3A_785 : memref<1x128x128xf32, #tpu.memory_space<vmem>> -> memref<128x128xf32, #tpu.memory_space<vmem>>
      tpu.wait_dma2 semaphore(%run_scoped3A_762 : memref<!tpu.dma_semaphore, #tpu.memory_space<semaphore_mem>>) src(%dma_wait3A_786 : memref<128x128xf32, #tpu.memory_space<vmem>>) dst(%dma_wait3A_782 : memref<128x128xf32, #tpu.memory_space<vmem_shared>>)
      tpu.yield
    }) : () -> ()
    %mul3A_137 = arith.constant 632 : i32
    %mul3A_138 = arith.muli %arg1, %mul3A_137 : i32
    %add3A_139 = arith.constant 256 : i32
    %add3A_140 = arith.addi %mul3A_138, %add3A_139 : i32
    %run_scoped3A_141 = arith.constant 2 : i32
    "tpu.region"() ({
      %run_scoped3A_762 = tpu.sem_alloc : memref<!tpu.dma_semaphore, #tpu.memory_space<semaphore_mem>>
      %dma_start3A_763 = arith.constant 0 : i32
      %dma_start3A_764 = arith.constant 0 : i32
      %dma_start3A_765 = tpu.memref_slice %arg6[%run_scoped3A_141, %dma_start3A_763, %dma_start3A_764] : memref<3x128x128xf32, #tpu.memory_space<vmem>> -> memref<1x128x128xf32, #tpu.memory_space<vmem>>
      %dma_start3A_766 = tpu.memref_squeeze %dma_start3A_765 : memref<1x128x128xf32, #tpu.memory_space<vmem>> -> memref<128x128xf32, #tpu.memory_space<vmem>>
      %dma_start3A_767 = arith.constant 0 : i32
      %dma_start3A_768 = tpu.memref_slice %arg16[%add3A_140, %dma_start3A_767] : memref<10112x128xf32, #tpu.memory_space<vmem_shared>> -> memref<128x128xf32, #tpu.memory_space<vmem_shared>>
      %dma_start3A_769 = arith.constant 0 : i32
      %dma_start3A_770 = tpu.memref_slice %arg16[%add3A_140, %dma_start3A_769] : memref<10112x128xf32, #tpu.memory_space<vmem_shared>> -> memref<128x128xf32, #tpu.memory_space<vmem_shared>>
      %dma_start3A_771 = arith.constant 0 : i32
      %dma_start3A_772 = arith.constant 0 : i32
      %dma_start3A_773 = tpu.memref_slice %arg6[%run_scoped3A_141, %dma_start3A_771, %dma_start3A_772] : memref<3x128x128xf32, #tpu.memory_space<vmem>> -> memref<1x128x128xf32, #tpu.memory_space<vmem>>
      %dma_start3A_774 = tpu.memref_squeeze %dma_start3A_773 : memref<1x128x128xf32, #tpu.memory_space<vmem>> -> memref<128x128xf32, #tpu.memory_space<vmem>>
      tpu.enqueue_dma source(%dma_start3A_774 : memref<128x128xf32, #tpu.memory_space<vmem>>) target(%dma_start3A_770 : memref<128x128xf32, #tpu.memory_space<vmem_shared>>) target_semaphore(%run_scoped3A_762 : memref<!tpu.dma_semaphore, #tpu.memory_space<semaphore_mem>>)
      %dma_wait3A_775 = arith.constant 0 : i32
      %dma_wait3A_776 = arith.constant 0 : i32
      %dma_wait3A_777 = tpu.memref_slice %arg6[%run_scoped3A_141, %dma_wait3A_775, %dma_wait3A_776] : memref<3x128x128xf32, #tpu.memory_space<vmem>> -> memref<1x128x128xf32, #tpu.memory_space<vmem>>
      %dma_wait3A_778 = tpu.memref_squeeze %dma_wait3A_777 : memref<1x128x128xf32, #tpu.memory_space<vmem>> -> memref<128x128xf32, #tpu.memory_space<vmem>>
      %dma_wait3A_779 = arith.constant 0 : i32
      %dma_wait3A_780 = tpu.memref_slice %arg16[%add3A_140, %dma_wait3A_779] : memref<10112x128xf32, #tpu.memory_space<vmem_shared>> -> memref<128x128xf32, #tpu.memory_space<vmem_shared>>
      %dma_wait3A_781 = arith.constant 0 : i32
      %dma_wait3A_782 = tpu.memref_slice %arg16[%add3A_140, %dma_wait3A_781] : memref<10112x128xf32, #tpu.memory_space<vmem_shared>> -> memref<128x128xf32, #tpu.memory_space<vmem_shared>>
      %dma_wait3A_783 = arith.constant 0 : i32
      %dma_wait3A_784 = arith.constant 0 : i32
      %dma_wait3A_785 = tpu.memref_slice %arg6[%run_scoped3A_141, %dma_wait3A_783, %dma_wait3A_784] : memref<3x128x128xf32, #tpu.memory_space<vmem>> -> memref<1x128x128xf32, #tpu.memory_space<vmem>>
      %dma_wait3A_786 = tpu.memref_squeeze %dma_wait3A_785 : memref<1x128x128xf32, #tpu.memory_space<vmem>> -> memref<128x128xf32, #tpu.memory_space<vmem>>
      tpu.wait_dma2 semaphore(%run_scoped3A_762 : memref<!tpu.dma_semaphore, #tpu.memory_space<semaphore_mem>>) src(%dma_wait3A_786 : memref<128x128xf32, #tpu.memory_space<vmem>>) dst(%dma_wait3A_782 : memref<128x128xf32, #tpu.memory_space<vmem_shared>>)
      tpu.yield
    }) : () -> ()
    %mul3A_142 = arith.constant 632 : i32
    %mul3A_143 = arith.muli %arg1, %mul3A_142 : i32
    %add3A_144 = arith.constant 384 : i32
    %add3A_145 = arith.addi %mul3A_143, %add3A_144 : i32
    %run_scoped3A_146 = arith.constant 2 : i32
    "tpu.region"() ({
      %run_scoped3A_762 = tpu.sem_alloc : memref<!tpu.dma_semaphore, #tpu.memory_space<semaphore_mem>>
      %dma_start3A_763 = arith.constant 0 : i32
      %dma_start3A_764 = arith.constant 0 : i32
      %dma_start3A_765 = tpu.memref_slice %arg6[%run_scoped3A_146, %dma_start3A_763, %dma_start3A_764] : memref<3x128x128xf32, #tpu.memory_space<vmem>> -> memref<1x128x128xf32, #tpu.memory_space<vmem>>
      %dma_start3A_766 = tpu.memref_squeeze %dma_start3A_765 : memref<1x128x128xf32, #tpu.memory_space<vmem>> -> memref<128x128xf32, #tpu.memory_space<vmem>>
      %dma_start3A_767 = arith.constant 0 : i32
      %dma_start3A_768 = tpu.memref_slice %arg16[%add3A_145, %dma_start3A_767] : memref<10112x128xf32, #tpu.memory_space<vmem_shared>> -> memref<128x128xf32, #tpu.memory_space<vmem_shared>>
      %dma_start3A_769 = arith.constant 0 : i32
      %dma_start3A_770 = tpu.memref_slice %arg16[%add3A_145, %dma_start3A_769] : memref<10112x128xf32, #tpu.memory_space<vmem_shared>> -> memref<128x128xf32, #tpu.memory_space<vmem_shared>>
      %dma_start3A_771 = arith.constant 0 : i32
      %dma_start3A_772 = arith.constant 0 : i32
      %dma_start3A_773 = tpu.memref_slice %arg6[%run_scoped3A_146, %dma_start3A_771, %dma_start3A_772] : memref<3x128x128xf32, #tpu.memory_space<vmem>> -> memref<1x128x128xf32, #tpu.memory_space<vmem>>
      %dma_start3A_774 = tpu.memref_squeeze %dma_start3A_773 : memref<1x128x128xf32, #tpu.memory_space<vmem>> -> memref<128x128xf32, #tpu.memory_space<vmem>>
      tpu.enqueue_dma source(%dma_start3A_774 : memref<128x128xf32, #tpu.memory_space<vmem>>) target(%dma_start3A_770 : memref<128x128xf32, #tpu.memory_space<vmem_shared>>) target_semaphore(%run_scoped3A_762 : memref<!tpu.dma_semaphore, #tpu.memory_space<semaphore_mem>>)
      %dma_wait3A_775 = arith.constant 0 : i32
      %dma_wait3A_776 = arith.constant 0 : i32
      %dma_wait3A_777 = tpu.memref_slice %arg6[%run_scoped3A_146, %dma_wait3A_775, %dma_wait3A_776] : memref<3x128x128xf32, #tpu.memory_space<vmem>> -> memref<1x128x128xf32, #tpu.memory_space<vmem>>
      %dma_wait3A_778 = tpu.memref_squeeze %dma_wait3A_777 : memref<1x128x128xf32, #tpu.memory_space<vmem>> -> memref<128x128xf32, #tpu.memory_space<vmem>>
      %dma_wait3A_779 = arith.constant 0 : i32
      %dma_wait3A_780 = tpu.memref_slice %arg16[%add3A_145, %dma_wait3A_779] : memref<10112x128xf32, #tpu.memory_space<vmem_shared>> -> memref<128x128xf32, #tpu.memory_space<vmem_shared>>
      %dma_wait3A_781 = arith.constant 0 : i32
      %dma_wait3A_782 = tpu.memref_slice %arg16[%add3A_145, %dma_wait3A_781] : memref<10112x128xf32, #tpu.memory_space<vmem_shared>> -> memref<128x128xf32, #tpu.memory_space<vmem_shared>>
      %dma_wait3A_783 = arith.constant 0 : i32
      %dma_wait3A_784 = arith.constant 0 : i32
      %dma_wait3A_785 = tpu.memref_slice %arg6[%run_scoped3A_146, %dma_wait3A_783, %dma_wait3A_784] : memref<3x128x128xf32, #tpu.memory_space<vmem>> -> memref<1x128x128xf32, #tpu.memory_space<vmem>>
      %dma_wait3A_786 = tpu.memref_squeeze %dma_wait3A_785 : memref<1x128x128xf32, #tpu.memory_space<vmem>> -> memref<128x128xf32, #tpu.memory_space<vmem>>
      tpu.wait_dma2 semaphore(%run_scoped3A_762 : memref<!tpu.dma_semaphore, #tpu.memory_space<semaphore_mem>>) src(%dma_wait3A_786 : memref<128x128xf32, #tpu.memory_space<vmem>>) dst(%dma_wait3A_782 : memref<128x128xf32, #tpu.memory_space<vmem_shared>>)
      tpu.yield
    }) : () -> ()
    %mul3A_147 = arith.constant 632 : i32
    %mul3A_148 = arith.muli %arg1, %mul3A_147 : i32
    %add3A_149 = arith.constant 512 : i32
    %add3A_150 = arith.addi %mul3A_148, %add3A_149 : i32
    %run_scoped3A_151 = arith.constant 2 : i32
    "tpu.region"() ({
      %run_scoped3A_762 = tpu.sem_alloc : memref<!tpu.dma_semaphore, #tpu.memory_space<semaphore_mem>>
      %dma_start3A_763 = arith.constant 0 : i32
      %dma_start3A_764 = arith.constant 0 : i32
      %dma_start3A_765 = tpu.memref_slice %arg6[%run_scoped3A_151, %dma_start3A_763, %dma_start3A_764] : memref<3x128x128xf32, #tpu.memory_space<vmem>> -> memref<1x120x128xf32, #tpu.memory_space<vmem>>
      %dma_start3A_766 = tpu.memref_squeeze %dma_start3A_765 : memref<1x120x128xf32, #tpu.memory_space<vmem>> -> memref<120x128xf32, #tpu.memory_space<vmem>>
      %dma_start3A_767 = arith.constant 0 : i32
      %dma_start3A_768 = tpu.memref_slice %arg16[%add3A_150, %dma_start3A_767] : memref<10112x128xf32, #tpu.memory_space<vmem_shared>> -> memref<120x128xf32, #tpu.memory_space<vmem_shared>>
      %dma_start3A_769 = arith.constant 0 : i32
      %dma_start3A_770 = tpu.memref_slice %arg16[%add3A_150, %dma_start3A_769] : memref<10112x128xf32, #tpu.memory_space<vmem_shared>> -> memref<120x128xf32, #tpu.memory_space<vmem_shared>>
      %dma_start3A_771 = arith.constant 0 : i32
      %dma_start3A_772 = arith.constant 0 : i32
      %dma_start3A_773 = tpu.memref_slice %arg6[%run_scoped3A_151, %dma_start3A_771, %dma_start3A_772] : memref<3x128x128xf32, #tpu.memory_space<vmem>> -> memref<1x120x128xf32, #tpu.memory_space<vmem>>
      %dma_start3A_774 = tpu.memref_squeeze %dma_start3A_773 : memref<1x120x128xf32, #tpu.memory_space<vmem>> -> memref<120x128xf32, #tpu.memory_space<vmem>>
      tpu.enqueue_dma source(%dma_start3A_774 : memref<120x128xf32, #tpu.memory_space<vmem>>) target(%dma_start3A_770 : memref<120x128xf32, #tpu.memory_space<vmem_shared>>) target_semaphore(%run_scoped3A_762 : memref<!tpu.dma_semaphore, #tpu.memory_space<semaphore_mem>>)
      %dma_wait3A_775 = arith.constant 0 : i32
      %dma_wait3A_776 = arith.constant 0 : i32
      %dma_wait3A_777 = tpu.memref_slice %arg6[%run_scoped3A_151, %dma_wait3A_775, %dma_wait3A_776] : memref<3x128x128xf32, #tpu.memory_space<vmem>> -> memref<1x120x128xf32, #tpu.memory_space<vmem>>
      %dma_wait3A_778 = tpu.memref_squeeze %dma_wait3A_777 : memref<1x120x128xf32, #tpu.memory_space<vmem>> -> memref<120x128xf32, #tpu.memory_space<vmem>>
      %dma_wait3A_779 = arith.constant 0 : i32
      %dma_wait3A_780 = tpu.memref_slice %arg16[%add3A_150, %dma_wait3A_779] : memref<10112x128xf32, #tpu.memory_space<vmem_shared>> -> memref<120x128xf32, #tpu.memory_space<vmem_shared>>
      %dma_wait3A_781 = arith.constant 0 : i32
      %dma_wait3A_782 = tpu.memref_slice %arg16[%add3A_150, %dma_wait3A_781] : memref<10112x128xf32, #tpu.memory_space<vmem_shared>> -> memref<120x128xf32, #tpu.memory_space<vmem_shared>>
      %dma_wait3A_783 = arith.constant 0 : i32
      %dma_wait3A_784 = arith.constant 0 : i32
      %dma_wait3A_785 = tpu.memref_slice %arg6[%run_scoped3A_151, %dma_wait3A_783, %dma_wait3A_784] : memref<3x128x128xf32, #tpu.memory_space<vmem>> -> memref<1x120x128xf32, #tpu.memory_space<vmem>>
      %dma_wait3A_786 = tpu.memref_squeeze %dma_wait3A_785 : memref<1x120x128xf32, #tpu.memory_space<vmem>> -> memref<120x128xf32, #tpu.memory_space<vmem>>
      tpu.wait_dma2 semaphore(%run_scoped3A_762 : memref<!tpu.dma_semaphore, #tpu.memory_space<semaphore_mem>>) src(%dma_wait3A_786 : memref<120x128xf32, #tpu.memory_space<vmem>>) dst(%dma_wait3A_782 : memref<120x128xf32, #tpu.memory_space<vmem_shared>>)
      tpu.yield
    }) : () -> ()
    %barrier3A = arith.constant 0 : index
    tpu.barrier barrier_id(%barrier3A)
    %dma_wait3A_152 = arith.constant 0 : i32
    %dma_wait3A_153 = arith.constant 0 : i32
    %dma_wait3A_154 = arith.constant 0 : i32
    %dma_wait3A_155 = arith.constant 0 : i32
    %dma_wait3A_156 = arith.constant 0 : i32
    %dma_wait3A_157 = tpu.memref_slice %arg6[%dma_wait3A_154, %dma_wait3A_155, %dma_wait3A_156] : memref<3x128x128xf32, #tpu.memory_space<vmem>> -> memref<1x128x128xf32, #tpu.memory_space<vmem>>
    %dma_wait3A_158 = tpu.memref_squeeze %dma_wait3A_157 : memref<1x128x128xf32, #tpu.memory_space<vmem>> -> memref<128x128xf32, #tpu.memory_space<vmem>>
    %dma_wait3A_159 = arith.constant 0 : i32
    %dma_wait3A_160 = tpu.memref_slice %arg5[%dma_wait3A_152, %dma_wait3A_153, %dma_wait3A_159] : memref<3x2x128xi32, #tpu.memory_space<vmem>> -> memref<1x1x128xi32, #tpu.memory_space<vmem>>
    %dma_wait3A_161 = tpu.memref_squeeze %dma_wait3A_160 : memref<1x1x128xi32, #tpu.memory_space<vmem>> -> memref<128xi32, #tpu.memory_space<vmem>>
    %dma_wait3A_162 = arith.constant 0 : i32
    %dma_wait3A_163 = arith.constant 0 : i32
    %dma_wait3A_164 = tpu.memref_slice %arg2[%dma_wait3A_162, %dma_wait3A_163] : memref<10112x128xf32, #tpu.memory_space<hbm>> -> memref<10112x128xf32, #tpu.memory_space<hbm>>
    tpu.wait_indirect_dma semaphore(%arg10 : memref<!tpu.dma_semaphore, #tpu.memory_space<semaphore_mem>>) src(%dma_wait3A_164 : memref<10112x128xf32, #tpu.memory_space<hbm>>) dst(%dma_wait3A_158 : memref<128x128xf32, #tpu.memory_space<vmem>>)
    %dma_start3A_165 = arith.constant 0 : i32
    %dma_start3A_166 = arith.constant 0 : i32
    %dma_start3A_167 = arith.constant 1 : i32
    %dma_start3A_168 = arith.constant 0 : i32
    %dma_start3A_169 = arith.constant 0 : i32
    %dma_start3A_170 = tpu.memref_slice %arg6[%dma_start3A_165, %dma_start3A_168, %dma_start3A_169] : memref<3x128x128xf32, #tpu.memory_space<vmem>> -> memref<1x128x128xf32, #tpu.memory_space<vmem>>
    %dma_start3A_171 = tpu.memref_squeeze %dma_start3A_170 : memref<1x128x128xf32, #tpu.memory_space<vmem>> -> memref<128x128xf32, #tpu.memory_space<vmem>>
    %dma_start3A_172 = arith.constant 0 : i32
    %dma_start3A_173 = tpu.memref_slice %arg5[%dma_start3A_166, %dma_start3A_167, %dma_start3A_172] : memref<3x2x128xi32, #tpu.memory_space<vmem>> -> memref<1x1x128xi32, #tpu.memory_space<vmem>>
    %dma_start3A_174 = tpu.memref_squeeze %dma_start3A_173 : memref<1x1x128xi32, #tpu.memory_space<vmem>> -> memref<128xi32, #tpu.memory_space<vmem>>
    %dma_start3A_175 = arith.constant 0 : i32
    %dma_start3A_176 = arith.constant 0 : i32
    %dma_start3A_177 = tpu.memref_slice %arg16[%dma_start3A_175, %dma_start3A_176] : memref<10112x128xf32, #tpu.memory_space<vmem_shared>> -> memref<10112x128xf32, #tpu.memory_space<vmem_shared>>
    tpu.enqueue_indirect_dma source(%dma_start3A_171 : memref<128x128xf32, #tpu.memory_space<vmem>>) target(%dma_start3A_177 : memref<10112x128xf32, #tpu.memory_space<vmem_shared>>) offsets(%dma_start3A_174 : memref<128xi32, #tpu.memory_space<vmem>>) semaphore(%arg13 : memref<!tpu.dma_semaphore, #tpu.memory_space<semaphore_mem>>) {add = true}
    %add3A_178 = arith.constant 3 : i32
    %add3A_179 = arith.addi %mul3A_2, %add3A_178 : i32
    %dma_start3A_180 = arith.constant 0 : i32
    %dma_start3A_181 = arith.constant 0 : i32
    %dma_start3A_182 = arith.constant 0 : i32
    %dma_start3A_183 = tpu.memref_slice %arg5[%dma_start3A_180, %dma_start3A_181, %dma_start3A_182] : memref<3x2x128xi32, #tpu.memory_space<vmem>> -> memref<1x2x128xi32, #tpu.memory_space<vmem>>
    %dma_start3A_184 = tpu.memref_squeeze %dma_start3A_183 : memref<1x2x128xi32, #tpu.memory_space<vmem>> -> memref<2x128xi32, #tpu.memory_space<vmem>>
    %dma_start3A_185 = arith.constant 0 : i32
    %dma_start3A_186 = arith.constant 0 : i32
    %dma_start3A_187 = tpu.memref_slice %arg3[%add3A_179, %dma_start3A_185, %dma_start3A_186] : memref<2560x2x128xi32, #tpu.memory_space<hbm>> -> memref<1x2x128xi32, #tpu.memory_space<hbm>>
    %dma_start3A_188 = tpu.memref_squeeze %dma_start3A_187 : memref<1x2x128xi32, #tpu.memory_space<hbm>> -> memref<2x128xi32, #tpu.memory_space<hbm>>
    %dma_start3A_189 = arith.constant 0 : i32
    %dma_start3A_190 = arith.constant 0 : i32
    %dma_start3A_191 = tpu.memref_slice %arg5[%dma_start3A_180, %dma_start3A_189, %dma_start3A_190] : memref<3x2x128xi32, #tpu.memory_space<vmem>> -> memref<1x2x128xi32, #tpu.memory_space<vmem>>
    %dma_start3A_192 = tpu.memref_squeeze %dma_start3A_191 : memref<1x2x128xi32, #tpu.memory_space<vmem>> -> memref<2x128xi32, #tpu.memory_space<vmem>>
    %dma_start3A_193 = arith.constant 0 : i32
    %dma_start3A_194 = arith.constant 0 : i32
    %dma_start3A_195 = tpu.memref_slice %arg3[%add3A_179, %dma_start3A_193, %dma_start3A_194] : memref<2560x2x128xi32, #tpu.memory_space<hbm>> -> memref<1x2x128xi32, #tpu.memory_space<hbm>>
    %dma_start3A_196 = tpu.memref_squeeze %dma_start3A_195 : memref<1x2x128xi32, #tpu.memory_space<hbm>> -> memref<2x128xi32, #tpu.memory_space<hbm>>
    tpu.enqueue_dma source(%dma_start3A_196 : memref<2x128xi32, #tpu.memory_space<hbm>>) target(%dma_start3A_192 : memref<2x128xi32, #tpu.memory_space<vmem>>) target_semaphore(%arg7 : memref<!tpu.dma_semaphore, #tpu.memory_space<semaphore_mem>>)
    %dma_wait3A_197 = arith.constant 1 : i32
    %dma_wait3A_198 = arith.constant 0 : i32
    %dma_wait3A_199 = arith.constant 1 : i32
    %dma_wait3A_200 = arith.constant 0 : i32
    %dma_wait3A_201 = arith.constant 0 : i32
    %dma_wait3A_202 = tpu.memref_slice %arg6[%dma_wait3A_199, %dma_wait3A_200, %dma_wait3A_201] : memref<3x128x128xf32, #tpu.memory_space<vmem>> -> memref<1x128x128xf32, #tpu.memory_space<vmem>>
    %dma_wait3A_203 = tpu.memref_squeeze %dma_wait3A_202 : memref<1x128x128xf32, #tpu.memory_space<vmem>> -> memref<128x128xf32, #tpu.memory_space<vmem>>
    %dma_wait3A_204 = arith.constant 0 : i32
    %dma_wait3A_205 = tpu.memref_slice %arg5[%dma_wait3A_197, %dma_wait3A_198, %dma_wait3A_204] : memref<3x2x128xi32, #tpu.memory_space<vmem>> -> memref<1x1x128xi32, #tpu.memory_space<vmem>>
    %dma_wait3A_206 = tpu.memref_squeeze %dma_wait3A_205 : memref<1x1x128xi32, #tpu.memory_space<vmem>> -> memref<128xi32, #tpu.memory_space<vmem>>
    %dma_wait3A_207 = arith.constant 0 : i32
    %dma_wait3A_208 = arith.constant 0 : i32
    %dma_wait3A_209 = tpu.memref_slice %arg2[%dma_wait3A_207, %dma_wait3A_208] : memref<10112x128xf32, #tpu.memory_space<hbm>> -> memref<10112x128xf32, #tpu.memory_space<hbm>>
    tpu.wait_indirect_dma semaphore(%arg11 : memref<!tpu.dma_semaphore, #tpu.memory_space<semaphore_mem>>) src(%dma_wait3A_209 : memref<10112x128xf32, #tpu.memory_space<hbm>>) dst(%dma_wait3A_203 : memref<128x128xf32, #tpu.memory_space<vmem>>)
    %dma_start3A_210 = arith.constant 1 : i32
    %dma_start3A_211 = arith.constant 1 : i32
    %dma_start3A_212 = arith.constant 1 : i32
    %dma_start3A_213 = arith.constant 0 : i32
    %dma_start3A_214 = arith.constant 0 : i32
    %dma_start3A_215 = tpu.memref_slice %arg6[%dma_start3A_210, %dma_start3A_213, %dma_start3A_214] : memref<3x128x128xf32, #tpu.memory_space<vmem>> -> memref<1x128x128xf32, #tpu.memory_space<vmem>>
    %dma_start3A_216 = tpu.memref_squeeze %dma_start3A_215 : memref<1x128x128xf32, #tpu.memory_space<vmem>> -> memref<128x128xf32, #tpu.memory_space<vmem>>
    %dma_start3A_217 = arith.constant 0 : i32
    %dma_start3A_218 = tpu.memref_slice %arg5[%dma_start3A_211, %dma_start3A_212, %dma_start3A_217] : memref<3x2x128xi32, #tpu.memory_space<vmem>> -> memref<1x1x128xi32, #tpu.memory_space<vmem>>
    %dma_start3A_219 = tpu.memref_squeeze %dma_start3A_218 : memref<1x1x128xi32, #tpu.memory_space<vmem>> -> memref<128xi32, #tpu.memory_space<vmem>>
    %dma_start3A_220 = arith.constant 0 : i32
    %dma_start3A_221 = arith.constant 0 : i32
    %dma_start3A_222 = tpu.memref_slice %arg16[%dma_start3A_220, %dma_start3A_221] : memref<10112x128xf32, #tpu.memory_space<vmem_shared>> -> memref<10112x128xf32, #tpu.memory_space<vmem_shared>>
    tpu.enqueue_indirect_dma source(%dma_start3A_216 : memref<128x128xf32, #tpu.memory_space<vmem>>) target(%dma_start3A_222 : memref<10112x128xf32, #tpu.memory_space<vmem_shared>>) offsets(%dma_start3A_219 : memref<128xi32, #tpu.memory_space<vmem>>) semaphore(%arg14 : memref<!tpu.dma_semaphore, #tpu.memory_space<semaphore_mem>>) {add = true}
    %add3A_223 = arith.constant 4 : i32
    %add3A_224 = arith.addi %mul3A_2, %add3A_223 : i32
    %dma_start3A_225 = arith.constant 1 : i32
    %dma_start3A_226 = arith.constant 0 : i32
    %dma_start3A_227 = arith.constant 0 : i32
    %dma_start3A_228 = tpu.memref_slice %arg5[%dma_start3A_225, %dma_start3A_226, %dma_start3A_227] : memref<3x2x128xi32, #tpu.memory_space<vmem>> -> memref<1x2x128xi32, #tpu.memory_space<vmem>>
    %dma_start3A_229 = tpu.memref_squeeze %dma_start3A_228 : memref<1x2x128xi32, #tpu.memory_space<vmem>> -> memref<2x128xi32, #tpu.memory_space<vmem>>
    %dma_start3A_230 = arith.constant 0 : i32
    %dma_start3A_231 = arith.constant 0 : i32
    %dma_start3A_232 = tpu.memref_slice %arg3[%add3A_224, %dma_start3A_230, %dma_start3A_231] : memref<2560x2x128xi32, #tpu.memory_space<hbm>> -> memref<1x2x128xi32, #tpu.memory_space<hbm>>
    %dma_start3A_233 = tpu.memref_squeeze %dma_start3A_232 : memref<1x2x128xi32, #tpu.memory_space<hbm>> -> memref<2x128xi32, #tpu.memory_space<hbm>>
    %dma_start3A_234 = arith.constant 0 : i32
    %dma_start3A_235 = arith.constant 0 : i32
    %dma_start3A_236 = tpu.memref_slice %arg5[%dma_start3A_225, %dma_start3A_234, %dma_start3A_235] : memref<3x2x128xi32, #tpu.memory_space<vmem>> -> memref<1x2x128xi32, #tpu.memory_space<vmem>>
    %dma_start3A_237 = tpu.memref_squeeze %dma_start3A_236 : memref<1x2x128xi32, #tpu.memory_space<vmem>> -> memref<2x128xi32, #tpu.memory_space<vmem>>
    %dma_start3A_238 = arith.constant 0 : i32
    %dma_start3A_239 = arith.constant 0 : i32
    %dma_start3A_240 = tpu.memref_slice %arg3[%add3A_224, %dma_start3A_238, %dma_start3A_239] : memref<2560x2x128xi32, #tpu.memory_space<hbm>> -> memref<1x2x128xi32, #tpu.memory_space<hbm>>
    %dma_start3A_241 = tpu.memref_squeeze %dma_start3A_240 : memref<1x2x128xi32, #tpu.memory_space<hbm>> -> memref<2x128xi32, #tpu.memory_space<hbm>>
    tpu.enqueue_dma source(%dma_start3A_241 : memref<2x128xi32, #tpu.memory_space<hbm>>) target(%dma_start3A_237 : memref<2x128xi32, #tpu.memory_space<vmem>>) target_semaphore(%arg8 : memref<!tpu.dma_semaphore, #tpu.memory_space<semaphore_mem>>)
    %add3A_242 = arith.constant 2 : i32
    %add3A_243 = arith.addi %mul3A_2, %add3A_242 : i32
    %dma_wait3A_244 = arith.constant 2 : i32
    %dma_wait3A_245 = arith.constant 0 : i32
    %dma_wait3A_246 = arith.constant 0 : i32
    %dma_wait3A_247 = tpu.memref_slice %arg5[%dma_wait3A_244, %dma_wait3A_245, %dma_wait3A_246] : memref<3x2x128xi32, #tpu.memory_space<vmem>> -> memref<1x2x128xi32, #tpu.memory_space<vmem>>
    %dma_wait3A_248 = tpu.memref_squeeze %dma_wait3A_247 : memref<1x2x128xi32, #tpu.memory_space<vmem>> -> memref<2x128xi32, #tpu.memory_space<vmem>>
    %dma_wait3A_249 = arith.constant 0 : i32
    %dma_wait3A_250 = arith.constant 0 : i32
    %dma_wait3A_251 = tpu.memref_slice %arg3[%add3A_243, %dma_wait3A_249, %dma_wait3A_250] : memref<2560x2x128xi32, #tpu.memory_space<hbm>> -> memref<1x2x128xi32, #tpu.memory_space<hbm>>
    %dma_wait3A_252 = tpu.memref_squeeze %dma_wait3A_251 : memref<1x2x128xi32, #tpu.memory_space<hbm>> -> memref<2x128xi32, #tpu.memory_space<hbm>>
    %dma_wait3A_253 = arith.constant 0 : i32
    %dma_wait3A_254 = arith.constant 0 : i32
    %dma_wait3A_255 = tpu.memref_slice %arg5[%dma_wait3A_244, %dma_wait3A_253, %dma_wait3A_254] : memref<3x2x128xi32, #tpu.memory_space<vmem>> -> memref<1x2x128xi32, #tpu.memory_space<vmem>>
    %dma_wait3A_256 = tpu.memref_squeeze %dma_wait3A_255 : memref<1x2x128xi32, #tpu.memory_space<vmem>> -> memref<2x128xi32, #tpu.memory_space<vmem>>
    %dma_wait3A_257 = arith.constant 0 : i32
    %dma_wait3A_258 = arith.constant 0 : i32
    %dma_wait3A_259 = tpu.memref_slice %arg3[%add3A_243, %dma_wait3A_257, %dma_wait3A_258] : memref<2560x2x128xi32, #tpu.memory_space<hbm>> -> memref<1x2x128xi32, #tpu.memory_space<hbm>>
    %dma_wait3A_260 = tpu.memref_squeeze %dma_wait3A_259 : memref<1x2x128xi32, #tpu.memory_space<hbm>> -> memref<2x128xi32, #tpu.memory_space<hbm>>
    tpu.wait_dma2 semaphore(%arg9 : memref<!tpu.dma_semaphore, #tpu.memory_space<semaphore_mem>>) src(%dma_wait3A_260 : memref<2x128xi32, #tpu.memory_space<hbm>>) dst(%dma_wait3A_256 : memref<2x128xi32, #tpu.memory_space<vmem>>)
    %dma_start3A_261 = arith.constant 2 : i32
    %dma_start3A_262 = arith.constant 0 : i32
    %dma_start3A_263 = arith.constant 2 : i32
    %dma_start3A_264 = arith.constant 0 : i32
    %dma_start3A_265 = arith.constant 0 : i32
    %dma_start3A_266 = tpu.memref_slice %arg6[%dma_start3A_263, %dma_start3A_264, %dma_start3A_265] : memref<3x128x128xf32, #tpu.memory_space<vmem>> -> memref<1x128x128xf32, #tpu.memory_space<vmem>>
    %dma_start3A_267 = tpu.memref_squeeze %dma_start3A_266 : memref<1x128x128xf32, #tpu.memory_space<vmem>> -> memref<128x128xf32, #tpu.memory_space<vmem>>
    %dma_start3A_268 = arith.constant 0 : i32
    %dma_start3A_269 = tpu.memref_slice %arg5[%dma_start3A_261, %dma_start3A_262, %dma_start3A_268] : memref<3x2x128xi32, #tpu.memory_space<vmem>> -> memref<1x1x128xi32, #tpu.memory_space<vmem>>
    %dma_start3A_270 = tpu.memref_squeeze %dma_start3A_269 : memref<1x1x128xi32, #tpu.memory_space<vmem>> -> memref<128xi32, #tpu.memory_space<vmem>>
    %dma_start3A_271 = arith.constant 0 : i32
    %dma_start3A_272 = arith.constant 0 : i32
    %dma_start3A_273 = tpu.memref_slice %arg2[%dma_start3A_271, %dma_start3A_272] : memref<10112x128xf32, #tpu.memory_space<hbm>> -> memref<10112x128xf32, #tpu.memory_space<hbm>>
    tpu.enqueue_indirect_dma source(%dma_start3A_273 : memref<10112x128xf32, #tpu.memory_space<hbm>>) target(%dma_start3A_267 : memref<128x128xf32, #tpu.memory_space<vmem>>) offsets(%dma_start3A_270 : memref<128xi32, #tpu.memory_space<vmem>>) semaphore(%arg12 : memref<!tpu.dma_semaphore, #tpu.memory_space<semaphore_mem>>)
    %dma_wait3A_274 = arith.constant 2 : i32
    %dma_wait3A_275 = arith.constant 0 : i32
    %dma_wait3A_276 = arith.constant 2 : i32
    %dma_wait3A_277 = arith.constant 0 : i32
    %dma_wait3A_278 = arith.constant 0 : i32
    %dma_wait3A_279 = tpu.memref_slice %arg6[%dma_wait3A_276, %dma_wait3A_277, %dma_wait3A_278] : memref<3x128x128xf32, #tpu.memory_space<vmem>> -> memref<1x128x128xf32, #tpu.memory_space<vmem>>
    %dma_wait3A_280 = tpu.memref_squeeze %dma_wait3A_279 : memref<1x128x128xf32, #tpu.memory_space<vmem>> -> memref<128x128xf32, #tpu.memory_space<vmem>>
    %dma_wait3A_281 = arith.constant 0 : i32
    %dma_wait3A_282 = tpu.memref_slice %arg5[%dma_wait3A_274, %dma_wait3A_275, %dma_wait3A_281] : memref<3x2x128xi32, #tpu.memory_space<vmem>> -> memref<1x1x128xi32, #tpu.memory_space<vmem>>
    %dma_wait3A_283 = tpu.memref_squeeze %dma_wait3A_282 : memref<1x1x128xi32, #tpu.memory_space<vmem>> -> memref<128xi32, #tpu.memory_space<vmem>>
    %dma_wait3A_284 = arith.constant 0 : i32
    %dma_wait3A_285 = arith.constant 0 : i32
    %dma_wait3A_286 = tpu.memref_slice %arg2[%dma_wait3A_284, %dma_wait3A_285] : memref<10112x128xf32, #tpu.memory_space<hbm>> -> memref<10112x128xf32, #tpu.memory_space<hbm>>
    tpu.wait_indirect_dma semaphore(%arg12 : memref<!tpu.dma_semaphore, #tpu.memory_space<semaphore_mem>>) src(%dma_wait3A_286 : memref<10112x128xf32, #tpu.memory_space<hbm>>) dst(%dma_wait3A_280 : memref<128x128xf32, #tpu.memory_space<vmem>>)
    %dma_start3A_287 = arith.constant 2 : i32
    %dma_start3A_288 = arith.constant 2 : i32
    %dma_start3A_289 = arith.constant 1 : i32
    %dma_start3A_290 = arith.constant 0 : i32
    %dma_start3A_291 = arith.constant 0 : i32
    %dma_start3A_292 = tpu.memref_slice %arg6[%dma_start3A_287, %dma_start3A_290, %dma_start3A_291] : memref<3x128x128xf32, #tpu.memory_space<vmem>> -> memref<1x128x128xf32, #tpu.memory_space<vmem>>
    %dma_start3A_293 = tpu.memref_squeeze %dma_start3A_292 : memref<1x128x128xf32, #tpu.memory_space<vmem>> -> memref<128x128xf32, #tpu.memory_space<vmem>>
    %dma_start3A_294 = arith.constant 0 : i32
    %dma_start3A_295 = tpu.memref_slice %arg5[%dma_start3A_288, %dma_start3A_289, %dma_start3A_294] : memref<3x2x128xi32, #tpu.memory_space<vmem>> -> memref<1x1x128xi32, #tpu.memory_space<vmem>>
    %dma_start3A_296 = tpu.memref_squeeze %dma_start3A_295 : memref<1x1x128xi32, #tpu.memory_space<vmem>> -> memref<128xi32, #tpu.memory_space<vmem>>
    %dma_start3A_297 = arith.constant 0 : i32
    %dma_start3A_298 = arith.constant 0 : i32
    %dma_start3A_299 = tpu.memref_slice %arg16[%dma_start3A_297, %dma_start3A_298] : memref<10112x128xf32, #tpu.memory_space<vmem_shared>> -> memref<10112x128xf32, #tpu.memory_space<vmem_shared>>
    tpu.enqueue_indirect_dma source(%dma_start3A_293 : memref<128x128xf32, #tpu.memory_space<vmem>>) target(%dma_start3A_299 : memref<10112x128xf32, #tpu.memory_space<vmem_shared>>) offsets(%dma_start3A_296 : memref<128xi32, #tpu.memory_space<vmem>>) semaphore(%arg15 : memref<!tpu.dma_semaphore, #tpu.memory_space<semaphore_mem>>) {add = true}
    %add3A_300 = arith.constant 5 : i32
    %add3A_301 = arith.addi %mul3A_2, %add3A_300 : i32
    %dma_start3A_302 = arith.constant 2 : i32
    %dma_start3A_303 = arith.constant 0 : i32
    %dma_start3A_304 = arith.constant 0 : i32
    %dma_start3A_305 = tpu.memref_slice %arg5[%dma_start3A_302, %dma_start3A_303, %dma_start3A_304] : memref<3x2x128xi32, #tpu.memory_space<vmem>> -> memref<1x2x128xi32, #tpu.memory_space<vmem>>
    %dma_start3A_306 = tpu.memref_squeeze %dma_start3A_305 : memref<1x2x128xi32, #tpu.memory_space<vmem>> -> memref<2x128xi32, #tpu.memory_space<vmem>>
    %dma_start3A_307 = arith.constant 0 : i32
    %dma_start3A_308 = arith.constant 0 : i32
    %dma_start3A_309 = tpu.memref_slice %arg3[%add3A_301, %dma_start3A_307, %dma_start3A_308] : memref<2560x2x128xi32, #tpu.memory_space<hbm>> -> memref<1x2x128xi32, #tpu.memory_space<hbm>>
    %dma_start3A_310 = tpu.memref_squeeze %dma_start3A_309 : memref<1x2x128xi32, #tpu.memory_space<hbm>> -> memref<2x128xi32, #tpu.memory_space<hbm>>
    %dma_start3A_311 = arith.constant 0 : i32
    %dma_start3A_312 = arith.constant 0 : i32
    %dma_start3A_313 = tpu.memref_slice %arg5[%dma_start3A_302, %dma_start3A_311, %dma_start3A_312] : memref<3x2x128xi32, #tpu.memory_space<vmem>> -> memref<1x2x128xi32, #tpu.memory_space<vmem>>
    %dma_start3A_314 = tpu.memref_squeeze %dma_start3A_313 : memref<1x2x128xi32, #tpu.memory_space<vmem>> -> memref<2x128xi32, #tpu.memory_space<vmem>>
    %dma_start3A_315 = arith.constant 0 : i32
    %dma_start3A_316 = arith.constant 0 : i32
    %dma_start3A_317 = tpu.memref_slice %arg3[%add3A_301, %dma_start3A_315, %dma_start3A_316] : memref<2560x2x128xi32, #tpu.memory_space<hbm>> -> memref<1x2x128xi32, #tpu.memory_space<hbm>>
    %dma_start3A_318 = tpu.memref_squeeze %dma_start3A_317 : memref<1x2x128xi32, #tpu.memory_space<hbm>> -> memref<2x128xi32, #tpu.memory_space<hbm>>
    tpu.enqueue_dma source(%dma_start3A_318 : memref<2x128xi32, #tpu.memory_space<hbm>>) target(%dma_start3A_314 : memref<2x128xi32, #tpu.memory_space<vmem>>) target_semaphore(%arg9 : memref<!tpu.dma_semaphore, #tpu.memory_space<semaphore_mem>>)
    %scan3A_319 = arith.constant 0 : i32
    %scan3A_320 = arith.constant 1 : i32
    %scan3A_321 = arith.constant 24 : i32
    %scan3A_322 = arith.addi %scan3A_320, %scan3A_321 : i32
    %scan3A_323 = arith.constant 1 : i32
    scf.for %scan3A_762 = %scan3A_320 to %scan3A_322 step %scan3A_323  : i32 {
      %mul3A_763 = arith.constant 3 : i32
      %mul3A_764 = arith.muli %mul3A_763, %scan3A_762 : i32
      %add3A_765 = arith.constant 0 : i32
      %add3A_766 = arith.addi %mul3A_764, %add3A_765 : i32
      %dma_wait3A_767 = arith.constant 0 : i32
      %dma_wait3A_768 = arith.constant 0 : i32
      %dma_wait3A_769 = arith.constant 1 : i32
      %dma_wait3A_770 = arith.constant 0 : i32
      %dma_wait3A_771 = arith.constant 0 : i32
      %dma_wait3A_772 = tpu.memref_slice %arg6[%dma_wait3A_767, %dma_wait3A_770, %dma_wait3A_771] : memref<3x128x128xf32, #tpu.memory_space<vmem>> -> memref<1x128x128xf32, #tpu.memory_space<vmem>>
      %dma_wait3A_773 = tpu.memref_squeeze %dma_wait3A_772 : memref<1x128x128xf32, #tpu.memory_space<vmem>> -> memref<128x128xf32, #tpu.memory_space<vmem>>
      %dma_wait3A_774 = arith.constant 0 : i32
      %dma_wait3A_775 = tpu.memref_slice %arg5[%dma_wait3A_768, %dma_wait3A_769, %dma_wait3A_774] : memref<3x2x128xi32, #tpu.memory_space<vmem>> -> memref<1x1x128xi32, #tpu.memory_space<vmem>>
      %dma_wait3A_776 = tpu.memref_squeeze %dma_wait3A_775 : memref<1x1x128xi32, #tpu.memory_space<vmem>> -> memref<128xi32, #tpu.memory_space<vmem>>
      %dma_wait3A_777 = arith.constant 0 : i32
      %dma_wait3A_778 = arith.constant 0 : i32
      %dma_wait3A_779 = tpu.memref_slice %arg16[%dma_wait3A_777, %dma_wait3A_778] : memref<10112x128xf32, #tpu.memory_space<vmem_shared>> -> memref<10112x128xf32, #tpu.memory_space<vmem_shared>>
      tpu.wait_indirect_dma semaphore(%arg13 : memref<!tpu.dma_semaphore, #tpu.memory_space<semaphore_mem>>) src(%dma_wait3A_773 : memref<128x128xf32, #tpu.memory_space<vmem>>) dst(%dma_wait3A_779 : memref<10112x128xf32, #tpu.memory_space<vmem_shared>>)
      %add3A_780 = arith.addi %mul3A_2, %add3A_766 : i32
      %dma_wait3A_781 = arith.constant 0 : i32
      %dma_wait3A_782 = arith.constant 0 : i32
      %dma_wait3A_783 = arith.constant 0 : i32
      %dma_wait3A_784 = tpu.memref_slice %arg5[%dma_wait3A_781, %dma_wait3A_782, %dma_wait3A_783] : memref<3x2x128xi32, #tpu.memory_space<vmem>> -> memref<1x2x128xi32, #tpu.memory_space<vmem>>
      %dma_wait3A_785 = tpu.memref_squeeze %dma_wait3A_784 : memref<1x2x128xi32, #tpu.memory_space<vmem>> -> memref<2x128xi32, #tpu.memory_space<vmem>>
      %dma_wait3A_786 = arith.constant 0 : i32
      %dma_wait3A_787 = arith.constant 0 : i32
      %dma_wait3A_788 = tpu.memref_slice %arg3[%add3A_780, %dma_wait3A_786, %dma_wait3A_787] : memref<2560x2x128xi32, #tpu.memory_space<hbm>> -> memref<1x2x128xi32, #tpu.memory_space<hbm>>
      %dma_wait3A_789 = tpu.memref_squeeze %dma_wait3A_788 : memref<1x2x128xi32, #tpu.memory_space<hbm>> -> memref<2x128xi32, #tpu.memory_space<hbm>>
      %dma_wait3A_790 = arith.constant 0 : i32
      %dma_wait3A_791 = arith.constant 0 : i32
      %dma_wait3A_792 = tpu.memref_slice %arg5[%dma_wait3A_781, %dma_wait3A_790, %dma_wait3A_791] : memref<3x2x128xi32, #tpu.memory_space<vmem>> -> memref<1x2x128xi32, #tpu.memory_space<vmem>>
      %dma_wait3A_793 = tpu.memref_squeeze %dma_wait3A_792 : memref<1x2x128xi32, #tpu.memory_space<vmem>> -> memref<2x128xi32, #tpu.memory_space<vmem>>
      %dma_wait3A_794 = arith.constant 0 : i32
      %dma_wait3A_795 = arith.constant 0 : i32
      %dma_wait3A_796 = tpu.memref_slice %arg3[%add3A_780, %dma_wait3A_794, %dma_wait3A_795] : memref<2560x2x128xi32, #tpu.memory_space<hbm>> -> memref<1x2x128xi32, #tpu.memory_space<hbm>>
      %dma_wait3A_797 = tpu.memref_squeeze %dma_wait3A_796 : memref<1x2x128xi32, #tpu.memory_space<hbm>> -> memref<2x128xi32, #tpu.memory_space<hbm>>
      tpu.wait_dma2 semaphore(%arg7 : memref<!tpu.dma_semaphore, #tpu.memory_space<semaphore_mem>>) src(%dma_wait3A_797 : memref<2x128xi32, #tpu.memory_space<hbm>>) dst(%dma_wait3A_793 : memref<2x128xi32, #tpu.memory_space<vmem>>)
      %dma_start3A_798 = arith.constant 0 : i32
      %dma_start3A_799 = arith.constant 0 : i32
      %dma_start3A_800 = arith.constant 0 : i32
      %dma_start3A_801 = arith.constant 0 : i32
      %dma_start3A_802 = arith.constant 0 : i32
      %dma_start3A_803 = tpu.memref_slice %arg6[%dma_start3A_800, %dma_start3A_801, %dma_start3A_802] : memref<3x128x128xf32, #tpu.memory_space<vmem>> -> memref<1x128x128xf32, #tpu.memory_space<vmem>>
      %dma_start3A_804 = tpu.memref_squeeze %dma_start3A_803 : memref<1x128x128xf32, #tpu.memory_space<vmem>> -> memref<128x128xf32, #tpu.memory_space<vmem>>
      %dma_start3A_805 = arith.constant 0 : i32
      %dma_start3A_806 = tpu.memref_slice %arg5[%dma_start3A_798, %dma_start3A_799, %dma_start3A_805] : memref<3x2x128xi32, #tpu.memory_space<vmem>> -> memref<1x1x128xi32, #tpu.memory_space<vmem>>
      %dma_start3A_807 = tpu.memref_squeeze %dma_start3A_806 : memref<1x1x128xi32, #tpu.memory_space<vmem>> -> memref<128xi32, #tpu.memory_space<vmem>>
      %dma_start3A_808 = arith.constant 0 : i32
      %dma_start3A_809 = arith.constant 0 : i32
      %dma_start3A_810 = tpu.memref_slice %arg2[%dma_start3A_808, %dma_start3A_809] : memref<10112x128xf32, #tpu.memory_space<hbm>> -> memref<10112x128xf32, #tpu.memory_space<hbm>>
      tpu.enqueue_indirect_dma source(%dma_start3A_810 : memref<10112x128xf32, #tpu.memory_space<hbm>>) target(%dma_start3A_804 : memref<128x128xf32, #tpu.memory_space<vmem>>) offsets(%dma_start3A_807 : memref<128xi32, #tpu.memory_space<vmem>>) semaphore(%arg10 : memref<!tpu.dma_semaphore, #tpu.memory_space<semaphore_mem>>)
      %dma_wait3A_811 = arith.constant 0 : i32
      %dma_wait3A_812 = arith.constant 0 : i32
      %dma_wait3A_813 = arith.constant 0 : i32
      %dma_wait3A_814 = arith.constant 0 : i32
      %dma_wait3A_815 = arith.constant 0 : i32
      %dma_wait3A_816 = tpu.memref_slice %arg6[%dma_wait3A_813, %dma_wait3A_814, %dma_wait3A_815] : memref<3x128x128xf32, #tpu.memory_space<vmem>> -> memref<1x128x128xf32, #tpu.memory_space<vmem>>
      %dma_wait3A_817 = tpu.memref_squeeze %dma_wait3A_816 : memref<1x128x128xf32, #tpu.memory_space<vmem>> -> memref<128x128xf32, #tpu.memory_space<vmem>>
      %dma_wait3A_818 = arith.constant 0 : i32
      %dma_wait3A_819 = tpu.memref_slice %arg5[%dma_wait3A_811, %dma_wait3A_812, %dma_wait3A_818] : memref<3x2x128xi32, #tpu.memory_space<vmem>> -> memref<1x1x128xi32, #tpu.memory_space<vmem>>
      %dma_wait3A_820 = tpu.memref_squeeze %dma_wait3A_819 : memref<1x1x128xi32, #tpu.memory_space<vmem>> -> memref<128xi32, #tpu.memory_space<vmem>>
      %dma_wait3A_821 = arith.constant 0 : i32
      %dma_wait3A_822 = arith.constant 0 : i32
      %dma_wait3A_823 = tpu.memref_slice %arg2[%dma_wait3A_821, %dma_wait3A_822] : memref<10112x128xf32, #tpu.memory_space<hbm>> -> memref<10112x128xf32, #tpu.memory_space<hbm>>
      tpu.wait_indirect_dma semaphore(%arg10 : memref<!tpu.dma_semaphore, #tpu.memory_space<semaphore_mem>>) src(%dma_wait3A_823 : memref<10112x128xf32, #tpu.memory_space<hbm>>) dst(%dma_wait3A_817 : memref<128x128xf32, #tpu.memory_space<vmem>>)
      %dma_start3A_824 = arith.constant 0 : i32
      %dma_start3A_825 = arith.constant 0 : i32
      %dma_start3A_826 = arith.constant 1 : i32
      %dma_start3A_827 = arith.constant 0 : i32
      %dma_start3A_828 = arith.constant 0 : i32
      %dma_start3A_829 = tpu.memref_slice %arg6[%dma_start3A_824, %dma_start3A_827, %dma_start3A_828] : memref<3x128x128xf32, #tpu.memory_space<vmem>> -> memref<1x128x128xf32, #tpu.memory_space<vmem>>
      %dma_start3A_830 = tpu.memref_squeeze %dma_start3A_829 : memref<1x128x128xf32, #tpu.memory_space<vmem>> -> memref<128x128xf32, #tpu.memory_space<vmem>>
      %dma_start3A_831 = arith.constant 0 : i32
      %dma_start3A_832 = tpu.memref_slice %arg5[%dma_start3A_825, %dma_start3A_826, %dma_start3A_831] : memref<3x2x128xi32, #tpu.memory_space<vmem>> -> memref<1x1x128xi32, #tpu.memory_space<vmem>>
      %dma_start3A_833 = tpu.memref_squeeze %dma_start3A_832 : memref<1x1x128xi32, #tpu.memory_space<vmem>> -> memref<128xi32, #tpu.memory_space<vmem>>
      %dma_start3A_834 = arith.constant 0 : i32
      %dma_start3A_835 = arith.constant 0 : i32
      %dma_start3A_836 = tpu.memref_slice %arg16[%dma_start3A_834, %dma_start3A_835] : memref<10112x128xf32, #tpu.memory_space<vmem_shared>> -> memref<10112x128xf32, #tpu.memory_space<vmem_shared>>
      tpu.enqueue_indirect_dma source(%dma_start3A_830 : memref<128x128xf32, #tpu.memory_space<vmem>>) target(%dma_start3A_836 : memref<10112x128xf32, #tpu.memory_space<vmem_shared>>) offsets(%dma_start3A_833 : memref<128xi32, #tpu.memory_space<vmem>>) semaphore(%arg13 : memref<!tpu.dma_semaphore, #tpu.memory_space<semaphore_mem>>) {add = true}
      %add3A_837 = arith.constant 3 : i32
      %add3A_838 = arith.addi %add3A_766, %add3A_837 : i32
      %add3A_839 = arith.addi %mul3A_2, %add3A_838 : i32
      %dma_start3A_840 = arith.constant 0 : i32
      %dma_start3A_841 = arith.constant 0 : i32
      %dma_start3A_842 = arith.constant 0 : i32
      %dma_start3A_843 = tpu.memref_slice %arg5[%dma_start3A_840, %dma_start3A_841, %dma_start3A_842] : memref<3x2x128xi32, #tpu.memory_space<vmem>> -> memref<1x2x128xi32, #tpu.memory_space<vmem>>
      %dma_start3A_844 = tpu.memref_squeeze %dma_start3A_843 : memref<1x2x128xi32, #tpu.memory_space<vmem>> -> memref<2x128xi32, #tpu.memory_space<vmem>>
      %dma_start3A_845 = arith.constant 0 : i32
      %dma_start3A_846 = arith.constant 0 : i32
      %dma_start3A_847 = tpu.memref_slice %arg3[%add3A_839, %dma_start3A_845, %dma_start3A_846] : memref<2560x2x128xi32, #tpu.memory_space<hbm>> -> memref<1x2x128xi32, #tpu.memory_space<hbm>>
      %dma_start3A_848 = tpu.memref_squeeze %dma_start3A_847 : memref<1x2x128xi32, #tpu.memory_space<hbm>> -> memref<2x128xi32, #tpu.memory_space<hbm>>
      %dma_start3A_849 = arith.constant 0 : i32
      %dma_start3A_850 = arith.constant 0 : i32
      %dma_start3A_851 = tpu.memref_slice %arg5[%dma_start3A_840, %dma_start3A_849, %dma_start3A_850] : memref<3x2x128xi32, #tpu.memory_space<vmem>> -> memref<1x2x128xi32, #tpu.memory_space<vmem>>
      %dma_start3A_852 = tpu.memref_squeeze %dma_start3A_851 : memref<1x2x128xi32, #tpu.memory_space<vmem>> -> memref<2x128xi32, #tpu.memory_space<vmem>>
      %dma_start3A_853 = arith.constant 0 : i32
      %dma_start3A_854 = arith.constant 0 : i32
      %dma_start3A_855 = tpu.memref_slice %arg3[%add3A_839, %dma_start3A_853, %dma_start3A_854] : memref<2560x2x128xi32, #tpu.memory_space<hbm>> -> memref<1x2x128xi32, #tpu.memory_space<hbm>>
      %dma_start3A_856 = tpu.memref_squeeze %dma_start3A_855 : memref<1x2x128xi32, #tpu.memory_space<hbm>> -> memref<2x128xi32, #tpu.memory_space<hbm>>
      tpu.enqueue_dma source(%dma_start3A_856 : memref<2x128xi32, #tpu.memory_space<hbm>>) target(%dma_start3A_852 : memref<2x128xi32, #tpu.memory_space<vmem>>) target_semaphore(%arg7 : memref<!tpu.dma_semaphore, #tpu.memory_space<semaphore_mem>>)
      %mul3A_857 = arith.constant 3 : i32
      %mul3A_858 = arith.muli %mul3A_857, %scan3A_762 : i32
      %add3A_859 = arith.constant 1 : i32
      %add3A_860 = arith.addi %mul3A_858, %add3A_859 : i32
      %dma_wait3A_861 = arith.constant 1 : i32
      %dma_wait3A_862 = arith.constant 1 : i32
      %dma_wait3A_863 = arith.constant 1 : i32
      %dma_wait3A_864 = arith.constant 0 : i32
      %dma_wait3A_865 = arith.constant 0 : i32
      %dma_wait3A_866 = tpu.memref_slice %arg6[%dma_wait3A_861, %dma_wait3A_864, %dma_wait3A_865] : memref<3x128x128xf32, #tpu.memory_space<vmem>> -> memref<1x128x128xf32, #tpu.memory_space<vmem>>
      %dma_wait3A_867 = tpu.memref_squeeze %dma_wait3A_866 : memref<1x128x128xf32, #tpu.memory_space<vmem>> -> memref<128x128xf32, #tpu.memory_space<vmem>>
      %dma_wait3A_868 = arith.constant 0 : i32
      %dma_wait3A_869 = tpu.memref_slice %arg5[%dma_wait3A_862, %dma_wait3A_863, %dma_wait3A_868] : memref<3x2x128xi32, #tpu.memory_space<vmem>> -> memref<1x1x128xi32, #tpu.memory_space<vmem>>
      %dma_wait3A_870 = tpu.memref_squeeze %dma_wait3A_869 : memref<1x1x128xi32, #tpu.memory_space<vmem>> -> memref<128xi32, #tpu.memory_space<vmem>>
      %dma_wait3A_871 = arith.constant 0 : i32
      %dma_wait3A_872 = arith.constant 0 : i32
      %dma_wait3A_873 = tpu.memref_slice %arg16[%dma_wait3A_871, %dma_wait3A_872] : memref<10112x128xf32, #tpu.memory_space<vmem_shared>> -> memref<10112x128xf32, #tpu.memory_space<vmem_shared>>
      tpu.wait_indirect_dma semaphore(%arg14 : memref<!tpu.dma_semaphore, #tpu.memory_space<semaphore_mem>>) src(%dma_wait3A_867 : memref<128x128xf32, #tpu.memory_space<vmem>>) dst(%dma_wait3A_873 : memref<10112x128xf32, #tpu.memory_space<vmem_shared>>)
      %add3A_874 = arith.addi %mul3A_2, %add3A_860 : i32
      %dma_wait3A_875 = arith.constant 1 : i32
      %dma_wait3A_876 = arith.constant 0 : i32
      %dma_wait3A_877 = arith.constant 0 : i32
      %dma_wait3A_878 = tpu.memref_slice %arg5[%dma_wait3A_875, %dma_wait3A_876, %dma_wait3A_877] : memref<3x2x128xi32, #tpu.memory_space<vmem>> -> memref<1x2x128xi32, #tpu.memory_space<vmem>>
      %dma_wait3A_879 = tpu.memref_squeeze %dma_wait3A_878 : memref<1x2x128xi32, #tpu.memory_space<vmem>> -> memref<2x128xi32, #tpu.memory_space<vmem>>
      %dma_wait3A_880 = arith.constant 0 : i32
      %dma_wait3A_881 = arith.constant 0 : i32
      %dma_wait3A_882 = tpu.memref_slice %arg3[%add3A_874, %dma_wait3A_880, %dma_wait3A_881] : memref<2560x2x128xi32, #tpu.memory_space<hbm>> -> memref<1x2x128xi32, #tpu.memory_space<hbm>>
      %dma_wait3A_883 = tpu.memref_squeeze %dma_wait3A_882 : memref<1x2x128xi32, #tpu.memory_space<hbm>> -> memref<2x128xi32, #tpu.memory_space<hbm>>
      %dma_wait3A_884 = arith.constant 0 : i32
      %dma_wait3A_885 = arith.constant 0 : i32
      %dma_wait3A_886 = tpu.memref_slice %arg5[%dma_wait3A_875, %dma_wait3A_884, %dma_wait3A_885] : memref<3x2x128xi32, #tpu.memory_space<vmem>> -> memref<1x2x128xi32, #tpu.memory_space<vmem>>
      %dma_wait3A_887 = tpu.memref_squeeze %dma_wait3A_886 : memref<1x2x128xi32, #tpu.memory_space<vmem>> -> memref<2x128xi32, #tpu.memory_space<vmem>>
      %dma_wait3A_888 = arith.constant 0 : i32
      %dma_wait3A_889 = arith.constant 0 : i32
      %dma_wait3A_890 = tpu.memref_slice %arg3[%add3A_874, %dma_wait3A_888, %dma_wait3A_889] : memref<2560x2x128xi32, #tpu.memory_space<hbm>> -> memref<1x2x128xi32, #tpu.memory_space<hbm>>
      %dma_wait3A_891 = tpu.memref_squeeze %dma_wait3A_890 : memref<1x2x128xi32, #tpu.memory_space<hbm>> -> memref<2x128xi32, #tpu.memory_space<hbm>>
      tpu.wait_dma2 semaphore(%arg8 : memref<!tpu.dma_semaphore, #tpu.memory_space<semaphore_mem>>) src(%dma_wait3A_891 : memref<2x128xi32, #tpu.memory_space<hbm>>) dst(%dma_wait3A_887 : memref<2x128xi32, #tpu.memory_space<vmem>>)
      %dma_start3A_892 = arith.constant 1 : i32
      %dma_start3A_893 = arith.constant 0 : i32
      %dma_start3A_894 = arith.constant 1 : i32
      %dma_start3A_895 = arith.constant 0 : i32
      %dma_start3A_896 = arith.constant 0 : i32
      %dma_start3A_897 = tpu.memref_slice %arg6[%dma_start3A_894, %dma_start3A_895, %dma_start3A_896] : memref<3x128x128xf32, #tpu.memory_space<vmem>> -> memref<1x128x128xf32, #tpu.memory_space<vmem>>
      %dma_start3A_898 = tpu.memref_squeeze %dma_start3A_897 : memref<1x128x128xf32, #tpu.memory_space<vmem>> -> memref<128x128xf32, #tpu.memory_space<vmem>>
      %dma_start3A_899 = arith.constant 0 : i32
      %dma_start3A_900 = tpu.memref_slice %arg5[%dma_start3A_892, %dma_start3A_893, %dma_start3A_899] : memref<3x2x128xi32, #tpu.memory_space<vmem>> -> memref<1x1x128xi32, #tpu.memory_space<vmem>>
      %dma_start3A_901 = tpu.memref_squeeze %dma_start3A_900 : memref<1x1x128xi32, #tpu.memory_space<vmem>> -> memref<128xi32, #tpu.memory_space<vmem>>
      %dma_start3A_902 = arith.constant 0 : i32
      %dma_start3A_903 = arith.constant 0 : i32
      %dma_start3A_904 = tpu.memref_slice %arg2[%dma_start3A_902, %dma_start3A_903] : memref<10112x128xf32, #tpu.memory_space<hbm>> -> memref<10112x128xf32, #tpu.memory_space<hbm>>
      tpu.enqueue_indirect_dma source(%dma_start3A_904 : memref<10112x128xf32, #tpu.memory_space<hbm>>) target(%dma_start3A_898 : memref<128x128xf32, #tpu.memory_space<vmem>>) offsets(%dma_start3A_901 : memref<128xi32, #tpu.memory_space<vmem>>) semaphore(%arg11 : memref<!tpu.dma_semaphore, #tpu.memory_space<semaphore_mem>>)
      %dma_wait3A_905 = arith.constant 1 : i32
      %dma_wait3A_906 = arith.constant 0 : i32
      %dma_wait3A_907 = arith.constant 1 : i32
      %dma_wait3A_908 = arith.constant 0 : i32
      %dma_wait3A_909 = arith.constant 0 : i32
      %dma_wait3A_910 = tpu.memref_slice %arg6[%dma_wait3A_907, %dma_wait3A_908, %dma_wait3A_909] : memref<3x128x128xf32, #tpu.memory_space<vmem>> -> memref<1x128x128xf32, #tpu.memory_space<vmem>>
      %dma_wait3A_911 = tpu.memref_squeeze %dma_wait3A_910 : memref<1x128x128xf32, #tpu.memory_space<vmem>> -> memref<128x128xf32, #tpu.memory_space<vmem>>
      %dma_wait3A_912 = arith.constant 0 : i32
      %dma_wait3A_913 = tpu.memref_slice %arg5[%dma_wait3A_905, %dma_wait3A_906, %dma_wait3A_912] : memref<3x2x128xi32, #tpu.memory_space<vmem>> -> memref<1x1x128xi32, #tpu.memory_space<vmem>>
      %dma_wait3A_914 = tpu.memref_squeeze %dma_wait3A_913 : memref<1x1x128xi32, #tpu.memory_space<vmem>> -> memref<128xi32, #tpu.memory_space<vmem>>
      %dma_wait3A_915 = arith.constant 0 : i32
      %dma_wait3A_916 = arith.constant 0 : i32
      %dma_wait3A_917 = tpu.memref_slice %arg2[%dma_wait3A_915, %dma_wait3A_916] : memref<10112x128xf32, #tpu.memory_space<hbm>> -> memref<10112x128xf32, #tpu.memory_space<hbm>>
      tpu.wait_indirect_dma semaphore(%arg11 : memref<!tpu.dma_semaphore, #tpu.memory_space<semaphore_mem>>) src(%dma_wait3A_917 : memref<10112x128xf32, #tpu.memory_space<hbm>>) dst(%dma_wait3A_911 : memref<128x128xf32, #tpu.memory_space<vmem>>)
      %dma_start3A_918 = arith.constant 1 : i32
      %dma_start3A_919 = arith.constant 1 : i32
      %dma_start3A_920 = arith.constant 1 : i32
      %dma_start3A_921 = arith.constant 0 : i32
      %dma_start3A_922 = arith.constant 0 : i32
      %dma_start3A_923 = tpu.memref_slice %arg6[%dma_start3A_918, %dma_start3A_921, %dma_start3A_922] : memref<3x128x128xf32, #tpu.memory_space<vmem>> -> memref<1x128x128xf32, #tpu.memory_space<vmem>>
      %dma_start3A_924 = tpu.memref_squeeze %dma_start3A_923 : memref<1x128x128xf32, #tpu.memory_space<vmem>> -> memref<128x128xf32, #tpu.memory_space<vmem>>
      %dma_start3A_925 = arith.constant 0 : i32
      %dma_start3A_926 = tpu.memref_slice %arg5[%dma_start3A_919, %dma_start3A_920, %dma_start3A_925] : memref<3x2x128xi32, #tpu.memory_space<vmem>> -> memref<1x1x128xi32, #tpu.memory_space<vmem>>
      %dma_start3A_927 = tpu.memref_squeeze %dma_start3A_926 : memref<1x1x128xi32, #tpu.memory_space<vmem>> -> memref<128xi32, #tpu.memory_space<vmem>>
      %dma_start3A_928 = arith.constant 0 : i32
      %dma_start3A_929 = arith.constant 0 : i32
      %dma_start3A_930 = tpu.memref_slice %arg16[%dma_start3A_928, %dma_start3A_929] : memref<10112x128xf32, #tpu.memory_space<vmem_shared>> -> memref<10112x128xf32, #tpu.memory_space<vmem_shared>>
      tpu.enqueue_indirect_dma source(%dma_start3A_924 : memref<128x128xf32, #tpu.memory_space<vmem>>) target(%dma_start3A_930 : memref<10112x128xf32, #tpu.memory_space<vmem_shared>>) offsets(%dma_start3A_927 : memref<128xi32, #tpu.memory_space<vmem>>) semaphore(%arg14 : memref<!tpu.dma_semaphore, #tpu.memory_space<semaphore_mem>>) {add = true}
      %add3A_931 = arith.constant 3 : i32
      %add3A_932 = arith.addi %add3A_860, %add3A_931 : i32
      %add3A_933 = arith.addi %mul3A_2, %add3A_932 : i32
      %dma_start3A_934 = arith.constant 1 : i32
      %dma_start3A_935 = arith.constant 0 : i32
      %dma_start3A_936 = arith.constant 0 : i32
      %dma_start3A_937 = tpu.memref_slice %arg5[%dma_start3A_934, %dma_start3A_935, %dma_start3A_936] : memref<3x2x128xi32, #tpu.memory_space<vmem>> -> memref<1x2x128xi32, #tpu.memory_space<vmem>>
      %dma_start3A_938 = tpu.memref_squeeze %dma_start3A_937 : memref<1x2x128xi32, #tpu.memory_space<vmem>> -> memref<2x128xi32, #tpu.memory_space<vmem>>
      %dma_start3A_939 = arith.constant 0 : i32
      %dma_start3A_940 = arith.constant 0 : i32
      %dma_start3A_941 = tpu.memref_slice %arg3[%add3A_933, %dma_start3A_939, %dma_start3A_940] : memref<2560x2x128xi32, #tpu.memory_space<hbm>> -> memref<1x2x128xi32, #tpu.memory_space<hbm>>
      %dma_start3A_942 = tpu.memref_squeeze %dma_start3A_941 : memref<1x2x128xi32, #tpu.memory_space<hbm>> -> memref<2x128xi32, #tpu.memory_space<hbm>>
      %dma_start3A_943 = arith.constant 0 : i32
      %dma_start3A_944 = arith.constant 0 : i32
      %dma_start3A_945 = tpu.memref_slice %arg5[%dma_start3A_934, %dma_start3A_943, %dma_start3A_944] : memref<3x2x128xi32, #tpu.memory_space<vmem>> -> memref<1x2x128xi32, #tpu.memory_space<vmem>>
      %dma_start3A_946 = tpu.memref_squeeze %dma_start3A_945 : memref<1x2x128xi32, #tpu.memory_space<vmem>> -> memref<2x128xi32, #tpu.memory_space<vmem>>
      %dma_start3A_947 = arith.constant 0 : i32
      %dma_start3A_948 = arith.constant 0 : i32
      %dma_start3A_949 = tpu.memref_slice %arg3[%add3A_933, %dma_start3A_947, %dma_start3A_948] : memref<2560x2x128xi32, #tpu.memory_space<hbm>> -> memref<1x2x128xi32, #tpu.memory_space<hbm>>
      %dma_start3A_950 = tpu.memref_squeeze %dma_start3A_949 : memref<1x2x128xi32, #tpu.memory_space<hbm>> -> memref<2x128xi32, #tpu.memory_space<hbm>>
      tpu.enqueue_dma source(%dma_start3A_950 : memref<2x128xi32, #tpu.memory_space<hbm>>) target(%dma_start3A_946 : memref<2x128xi32, #tpu.memory_space<vmem>>) target_semaphore(%arg8 : memref<!tpu.dma_semaphore, #tpu.memory_space<semaphore_mem>>)
      %mul3A_951 = arith.constant 3 : i32
      %mul3A_952 = arith.muli %mul3A_951, %scan3A_762 : i32
      %add3A_953 = arith.constant 2 : i32
      %add3A_954 = arith.addi %mul3A_952, %add3A_953 : i32
      %dma_wait3A_955 = arith.constant 2 : i32
      %dma_wait3A_956 = arith.constant 2 : i32
      %dma_wait3A_957 = arith.constant 1 : i32
      %dma_wait3A_958 = arith.constant 0 : i32
      %dma_wait3A_959 = arith.constant 0 : i32
      %dma_wait3A_960 = tpu.memref_slice %arg6[%dma_wait3A_955, %dma_wait3A_958, %dma_wait3A_959] : memref<3x128x128xf32, #tpu.memory_space<vmem>> -> memref<1x128x128xf32, #tpu.memory_space<vmem>>
      %dma_wait3A_961 = tpu.memref_squeeze %dma_wait3A_960 : memref<1x128x128xf32, #tpu.memory_space<vmem>> -> memref<128x128xf32, #tpu.memory_space<vmem>>
      %dma_wait3A_962 = arith.constant 0 : i32
      %dma_wait3A_963 = tpu.memref_slice %arg5[%dma_wait3A_956, %dma_wait3A_957, %dma_wait3A_962] : memref<3x2x128xi32, #tpu.memory_space<vmem>> -> memref<1x1x128xi32, #tpu.memory_space<vmem>>
      %dma_wait3A_964 = tpu.memref_squeeze %dma_wait3A_963 : memref<1x1x128xi32, #tpu.memory_space<vmem>> -> memref<128xi32, #tpu.memory_space<vmem>>
      %dma_wait3A_965 = arith.constant 0 : i32
      %dma_wait3A_966 = arith.constant 0 : i32
      %dma_wait3A_967 = tpu.memref_slice %arg16[%dma_wait3A_965, %dma_wait3A_966] : memref<10112x128xf32, #tpu.memory_space<vmem_shared>> -> memref<10112x128xf32, #tpu.memory_space<vmem_shared>>
      tpu.wait_indirect_dma semaphore(%arg15 : memref<!tpu.dma_semaphore, #tpu.memory_space<semaphore_mem>>) src(%dma_wait3A_961 : memref<128x128xf32, #tpu.memory_space<vmem>>) dst(%dma_wait3A_967 : memref<10112x128xf32, #tpu.memory_space<vmem_shared>>)
      %add3A_968 = arith.addi %mul3A_2, %add3A_954 : i32
      %dma_wait3A_969 = arith.constant 2 : i32
      %dma_wait3A_970 = arith.constant 0 : i32
      %dma_wait3A_971 = arith.constant 0 : i32
      %dma_wait3A_972 = tpu.memref_slice %arg5[%dma_wait3A_969, %dma_wait3A_970, %dma_wait3A_971] : memref<3x2x128xi32, #tpu.memory_space<vmem>> -> memref<1x2x128xi32, #tpu.memory_space<vmem>>
      %dma_wait3A_973 = tpu.memref_squeeze %dma_wait3A_972 : memref<1x2x128xi32, #tpu.memory_space<vmem>> -> memref<2x128xi32, #tpu.memory_space<vmem>>
      %dma_wait3A_974 = arith.constant 0 : i32
      %dma_wait3A_975 = arith.constant 0 : i32
      %dma_wait3A_976 = tpu.memref_slice %arg3[%add3A_968, %dma_wait3A_974, %dma_wait3A_975] : memref<2560x2x128xi32, #tpu.memory_space<hbm>> -> memref<1x2x128xi32, #tpu.memory_space<hbm>>
      %dma_wait3A_977 = tpu.memref_squeeze %dma_wait3A_976 : memref<1x2x128xi32, #tpu.memory_space<hbm>> -> memref<2x128xi32, #tpu.memory_space<hbm>>
      %dma_wait3A_978 = arith.constant 0 : i32
      %dma_wait3A_979 = arith.constant 0 : i32
      %dma_wait3A_980 = tpu.memref_slice %arg5[%dma_wait3A_969, %dma_wait3A_978, %dma_wait3A_979] : memref<3x2x128xi32, #tpu.memory_space<vmem>> -> memref<1x2x128xi32, #tpu.memory_space<vmem>>
      %dma_wait3A_981 = tpu.memref_squeeze %dma_wait3A_980 : memref<1x2x128xi32, #tpu.memory_space<vmem>> -> memref<2x128xi32, #tpu.memory_space<vmem>>
      %dma_wait3A_982 = arith.constant 0 : i32
      %dma_wait3A_983 = arith.constant 0 : i32
      %dma_wait3A_984 = tpu.memref_slice %arg3[%add3A_968, %dma_wait3A_982, %dma_wait3A_983] : memref<2560x2x128xi32, #tpu.memory_space<hbm>> -> memref<1x2x128xi32, #tpu.memory_space<hbm>>
      %dma_wait3A_985 = tpu.memref_squeeze %dma_wait3A_984 : memref<1x2x128xi32, #tpu.memory_space<hbm>> -> memref<2x128xi32, #tpu.memory_space<hbm>>
      tpu.wait_dma2 semaphore(%arg9 : memref<!tpu.dma_semaphore, #tpu.memory_space<semaphore_mem>>) src(%dma_wait3A_985 : memref<2x128xi32, #tpu.memory_space<hbm>>) dst(%dma_wait3A_981 : memref<2x128xi32, #tpu.memory_space<vmem>>)
      %dma_start3A_986 = arith.constant 2 : i32
      %dma_start3A_987 = arith.constant 0 : i32
      %dma_start3A_988 = arith.constant 2 : i32
      %dma_start3A_989 = arith.constant 0 : i32
      %dma_start3A_990 = arith.constant 0 : i32
      %dma_start3A_991 = tpu.memref_slice %arg6[%dma_start3A_988, %dma_start3A_989, %dma_start3A_990] : memref<3x128x128xf32, #tpu.memory_space<vmem>> -> memref<1x128x128xf32, #tpu.memory_space<vmem>>
      %dma_start3A_992 = tpu.memref_squeeze %dma_start3A_991 : memref<1x128x128xf32, #tpu.memory_space<vmem>> -> memref<128x128xf32, #tpu.memory_space<vmem>>
      %dma_start3A_993 = arith.constant 0 : i32
      %dma_start3A_994 = tpu.memref_slice %arg5[%dma_start3A_986, %dma_start3A_987, %dma_start3A_993] : memref<3x2x128xi32, #tpu.memory_space<vmem>> -> memref<1x1x128xi32, #tpu.memory_space<vmem>>
      %dma_start3A_995 = tpu.memref_squeeze %dma_start3A_994 : memref<1x1x128xi32, #tpu.memory_space<vmem>> -> memref<128xi32, #tpu.memory_space<vmem>>
      %dma_start3A_996 = arith.constant 0 : i32
      %dma_start3A_997 = arith.constant 0 : i32
      %dma_start3A_998 = tpu.memref_slice %arg2[%dma_start3A_996, %dma_start3A_997] : memref<10112x128xf32, #tpu.memory_space<hbm>> -> memref<10112x128xf32, #tpu.memory_space<hbm>>
      tpu.enqueue_indirect_dma source(%dma_start3A_998 : memref<10112x128xf32, #tpu.memory_space<hbm>>) target(%dma_start3A_992 : memref<128x128xf32, #tpu.memory_space<vmem>>) offsets(%dma_start3A_995 : memref<128xi32, #tpu.memory_space<vmem>>) semaphore(%arg12 : memref<!tpu.dma_semaphore, #tpu.memory_space<semaphore_mem>>)
      %dma_wait3A_999 = arith.constant 2 : i32
      %dma_wait3A_1000 = arith.constant 0 : i32
      %dma_wait3A_1001 = arith.constant 2 : i32
      %dma_wait3A_1002 = arith.constant 0 : i32
      %dma_wait3A_1003 = arith.constant 0 : i32
      %dma_wait3A_1004 = tpu.memref_slice %arg6[%dma_wait3A_1001, %dma_wait3A_1002, %dma_wait3A_1003] : memref<3x128x128xf32, #tpu.memory_space<vmem>> -> memref<1x128x128xf32, #tpu.memory_space<vmem>>
      %dma_wait3A_1005 = tpu.memref_squeeze %dma_wait3A_1004 : memref<1x128x128xf32, #tpu.memory_space<vmem>> -> memref<128x128xf32, #tpu.memory_space<vmem>>
      %dma_wait3A_1006 = arith.constant 0 : i32
      %dma_wait3A_1007 = tpu.memref_slice %arg5[%dma_wait3A_999, %dma_wait3A_1000, %dma_wait3A_1006] : memref<3x2x128xi32, #tpu.memory_space<vmem>> -> memref<1x1x128xi32, #tpu.memory_space<vmem>>
      %dma_wait3A_1008 = tpu.memref_squeeze %dma_wait3A_1007 : memref<1x1x128xi32, #tpu.memory_space<vmem>> -> memref<128xi32, #tpu.memory_space<vmem>>
      %dma_wait3A_1009 = arith.constant 0 : i32
      %dma_wait3A_1010 = arith.constant 0 : i32
      %dma_wait3A_1011 = tpu.memref_slice %arg2[%dma_wait3A_1009, %dma_wait3A_1010] : memref<10112x128xf32, #tpu.memory_space<hbm>> -> memref<10112x128xf32, #tpu.memory_space<hbm>>
      tpu.wait_indirect_dma semaphore(%arg12 : memref<!tpu.dma_semaphore, #tpu.memory_space<semaphore_mem>>) src(%dma_wait3A_1011 : memref<10112x128xf32, #tpu.memory_space<hbm>>) dst(%dma_wait3A_1005 : memref<128x128xf32, #tpu.memory_space<vmem>>)
      %dma_start3A_1012 = arith.constant 2 : i32
      %dma_start3A_1013 = arith.constant 2 : i32
      %dma_start3A_1014 = arith.constant 1 : i32
      %dma_start3A_1015 = arith.constant 0 : i32
      %dma_start3A_1016 = arith.constant 0 : i32
      %dma_start3A_1017 = tpu.memref_slice %arg6[%dma_start3A_1012, %dma_start3A_1015, %dma_start3A_1016] : memref<3x128x128xf32, #tpu.memory_space<vmem>> -> memref<1x128x128xf32, #tpu.memory_space<vmem>>
      %dma_start3A_1018 = tpu.memref_squeeze %dma_start3A_1017 : memref<1x128x128xf32, #tpu.memory_space<vmem>> -> memref<128x128xf32, #tpu.memory_space<vmem>>
      %dma_start3A_1019 = arith.constant 0 : i32
      %dma_start3A_1020 = tpu.memref_slice %arg5[%dma_start3A_1013, %dma_start3A_1014, %dma_start3A_1019] : memref<3x2x128xi32, #tpu.memory_space<vmem>> -> memref<1x1x128xi32, #tpu.memory_space<vmem>>
      %dma_start3A_1021 = tpu.memref_squeeze %dma_start3A_1020 : memref<1x1x128xi32, #tpu.memory_space<vmem>> -> memref<128xi32, #tpu.memory_space<vmem>>
      %dma_start3A_1022 = arith.constant 0 : i32
      %dma_start3A_1023 = arith.constant 0 : i32
      %dma_start3A_1024 = tpu.memref_slice %arg16[%dma_start3A_1022, %dma_start3A_1023] : memref<10112x128xf32, #tpu.memory_space<vmem_shared>> -> memref<10112x128xf32, #tpu.memory_space<vmem_shared>>
      tpu.enqueue_indirect_dma source(%dma_start3A_1018 : memref<128x128xf32, #tpu.memory_space<vmem>>) target(%dma_start3A_1024 : memref<10112x128xf32, #tpu.memory_space<vmem_shared>>) offsets(%dma_start3A_1021 : memref<128xi32, #tpu.memory_space<vmem>>) semaphore(%arg15 : memref<!tpu.dma_semaphore, #tpu.memory_space<semaphore_mem>>) {add = true}
      %add3A_1025 = arith.constant 3 : i32
      %add3A_1026 = arith.addi %add3A_954, %add3A_1025 : i32
      %add3A_1027 = arith.addi %mul3A_2, %add3A_1026 : i32
      %dma_start3A_1028 = arith.constant 2 : i32
      %dma_start3A_1029 = arith.constant 0 : i32
      %dma_start3A_1030 = arith.constant 0 : i32
      %dma_start3A_1031 = tpu.memref_slice %arg5[%dma_start3A_1028, %dma_start3A_1029, %dma_start3A_1030] : memref<3x2x128xi32, #tpu.memory_space<vmem>> -> memref<1x2x128xi32, #tpu.memory_space<vmem>>
      %dma_start3A_1032 = tpu.memref_squeeze %dma_start3A_1031 : memref<1x2x128xi32, #tpu.memory_space<vmem>> -> memref<2x128xi32, #tpu.memory_space<vmem>>
      %dma_start3A_1033 = arith.constant 0 : i32
      %dma_start3A_1034 = arith.constant 0 : i32
      %dma_start3A_1035 = tpu.memref_slice %arg3[%add3A_1027, %dma_start3A_1033, %dma_start3A_1034] : memref<2560x2x128xi32, #tpu.memory_space<hbm>> -> memref<1x2x128xi32, #tpu.memory_space<hbm>>
      %dma_start3A_1036 = tpu.memref_squeeze %dma_start3A_1035 : memref<1x2x128xi32, #tpu.memory_space<hbm>> -> memref<2x128xi32, #tpu.memory_space<hbm>>
      %dma_start3A_1037 = arith.constant 0 : i32
      %dma_start3A_1038 = arith.constant 0 : i32
      %dma_start3A_1039 = tpu.memref_slice %arg5[%dma_start3A_1028, %dma_start3A_1037, %dma_start3A_1038] : memref<3x2x128xi32, #tpu.memory_space<vmem>> -> memref<1x2x128xi32, #tpu.memory_space<vmem>>
      %dma_start3A_1040 = tpu.memref_squeeze %dma_start3A_1039 : memref<1x2x128xi32, #tpu.memory_space<vmem>> -> memref<2x128xi32, #tpu.memory_space<vmem>>
      %dma_start3A_1041 = arith.constant 0 : i32
      %dma_start3A_1042 = arith.constant 0 : i32
      %dma_start3A_1043 = tpu.memref_slice %arg3[%add3A_1027, %dma_start3A_1041, %dma_start3A_1042] : memref<2560x2x128xi32, #tpu.memory_space<hbm>> -> memref<1x2x128xi32, #tpu.memory_space<hbm>>
      %dma_start3A_1044 = tpu.memref_squeeze %dma_start3A_1043 : memref<1x2x128xi32, #tpu.memory_space<hbm>> -> memref<2x128xi32, #tpu.memory_space<hbm>>
      tpu.enqueue_dma source(%dma_start3A_1044 : memref<2x128xi32, #tpu.memory_space<hbm>>) target(%dma_start3A_1040 : memref<2x128xi32, #tpu.memory_space<vmem>>) target_semaphore(%arg9 : memref<!tpu.dma_semaphore, #tpu.memory_space<semaphore_mem>>)
    }
    %scan3A_324 = arith.constant 24 : i32
    %dma_wait3A_325 = arith.constant 0 : i32
    %dma_wait3A_326 = arith.constant 0 : i32
    %dma_wait3A_327 = arith.constant 1 : i32
    %dma_wait3A_328 = arith.constant 0 : i32
    %dma_wait3A_329 = arith.constant 0 : i32
    %dma_wait3A_330 = tpu.memref_slice %arg6[%dma_wait3A_325, %dma_wait3A_328, %dma_wait3A_329] : memref<3x128x128xf32, #tpu.memory_space<vmem>> -> memref<1x128x128xf32, #tpu.memory_space<vmem>>
    %dma_wait3A_331 = tpu.memref_squeeze %dma_wait3A_330 : memref<1x128x128xf32, #tpu.memory_space<vmem>> -> memref<128x128xf32, #tpu.memory_space<vmem>>
    %dma_wait3A_332 = arith.constant 0 : i32
    %dma_wait3A_333 = tpu.memref_slice %arg5[%dma_wait3A_326, %dma_wait3A_327, %dma_wait3A_332] : memref<3x2x128xi32, #tpu.memory_space<vmem>> -> memref<1x1x128xi32, #tpu.memory_space<vmem>>
    %dma_wait3A_334 = tpu.memref_squeeze %dma_wait3A_333 : memref<1x1x128xi32, #tpu.memory_space<vmem>> -> memref<128xi32, #tpu.memory_space<vmem>>
    %dma_wait3A_335 = arith.constant 0 : i32
    %dma_wait3A_336 = arith.constant 0 : i32
    %dma_wait3A_337 = tpu.memref_slice %arg16[%dma_wait3A_335, %dma_wait3A_336] : memref<10112x128xf32, #tpu.memory_space<vmem_shared>> -> memref<10112x128xf32, #tpu.memory_space<vmem_shared>>
    tpu.wait_indirect_dma semaphore(%arg13 : memref<!tpu.dma_semaphore, #tpu.memory_space<semaphore_mem>>) src(%dma_wait3A_331 : memref<128x128xf32, #tpu.memory_space<vmem>>) dst(%dma_wait3A_337 : memref<10112x128xf32, #tpu.memory_space<vmem_shared>>)
    %add3A_338 = arith.constant 75 : i32
    %add3A_339 = arith.addi %mul3A_2, %add3A_338 : i32
    %dma_wait3A_340 = arith.constant 0 : i32
    %dma_wait3A_341 = arith.constant 0 : i32
    %dma_wait3A_342 = arith.constant 0 : i32
    %dma_wait3A_343 = tpu.memref_slice %arg5[%dma_wait3A_340, %dma_wait3A_341, %dma_wait3A_342] : memref<3x2x128xi32, #tpu.memory_space<vmem>> -> memref<1x2x128xi32, #tpu.memory_space<vmem>>
    %dma_wait3A_344 = tpu.memref_squeeze %dma_wait3A_343 : memref<1x2x128xi32, #tpu.memory_space<vmem>> -> memref<2x128xi32, #tpu.memory_space<vmem>>
    %dma_wait3A_345 = arith.constant 0 : i32
    %dma_wait3A_346 = arith.constant 0 : i32
    %dma_wait3A_347 = tpu.memref_slice %arg3[%add3A_339, %dma_wait3A_345, %dma_wait3A_346] : memref<2560x2x128xi32, #tpu.memory_space<hbm>> -> memref<1x2x128xi32, #tpu.memory_space<hbm>>
    %dma_wait3A_348 = tpu.memref_squeeze %dma_wait3A_347 : memref<1x2x128xi32, #tpu.memory_space<hbm>> -> memref<2x128xi32, #tpu.memory_space<hbm>>
    %dma_wait3A_349 = arith.constant 0 : i32
    %dma_wait3A_350 = arith.constant 0 : i32
    %dma_wait3A_351 = tpu.memref_slice %arg5[%dma_wait3A_340, %dma_wait3A_349, %dma_wait3A_350] : memref<3x2x128xi32, #tpu.memory_space<vmem>> -> memref<1x2x128xi32, #tpu.memory_space<vmem>>
    %dma_wait3A_352 = tpu.memref_squeeze %dma_wait3A_351 : memref<1x2x128xi32, #tpu.memory_space<vmem>> -> memref<2x128xi32, #tpu.memory_space<vmem>>
    %dma_wait3A_353 = arith.constant 0 : i32
    %dma_wait3A_354 = arith.constant 0 : i32
    %dma_wait3A_355 = tpu.memref_slice %arg3[%add3A_339, %dma_wait3A_353, %dma_wait3A_354] : memref<2560x2x128xi32, #tpu.memory_space<hbm>> -> memref<1x2x128xi32, #tpu.memory_space<hbm>>
    %dma_wait3A_356 = tpu.memref_squeeze %dma_wait3A_355 : memref<1x2x128xi32, #tpu.memory_space<hbm>> -> memref<2x128xi32, #tpu.memory_space<hbm>>
    tpu.wait_dma2 semaphore(%arg7 : memref<!tpu.dma_semaphore, #tpu.memory_space<semaphore_mem>>) src(%dma_wait3A_356 : memref<2x128xi32, #tpu.memory_space<hbm>>) dst(%dma_wait3A_352 : memref<2x128xi32, #tpu.memory_space<vmem>>)
    %dma_start3A_357 = arith.constant 0 : i32
    %dma_start3A_358 = arith.constant 0 : i32
    %dma_start3A_359 = arith.constant 0 : i32
    %dma_start3A_360 = arith.constant 0 : i32
    %dma_start3A_361 = arith.constant 0 : i32
    %dma_start3A_362 = tpu.memref_slice %arg6[%dma_start3A_359, %dma_start3A_360, %dma_start3A_361] : memref<3x128x128xf32, #tpu.memory_space<vmem>> -> memref<1x128x128xf32, #tpu.memory_space<vmem>>
    %dma_start3A_363 = tpu.memref_squeeze %dma_start3A_362 : memref<1x128x128xf32, #tpu.memory_space<vmem>> -> memref<128x128xf32, #tpu.memory_space<vmem>>
    %dma_start3A_364 = arith.constant 0 : i32
    %dma_start3A_365 = tpu.memref_slice %arg5[%dma_start3A_357, %dma_start3A_358, %dma_start3A_364] : memref<3x2x128xi32, #tpu.memory_space<vmem>> -> memref<1x1x128xi32, #tpu.memory_space<vmem>>
    %dma_start3A_366 = tpu.memref_squeeze %dma_start3A_365 : memref<1x1x128xi32, #tpu.memory_space<vmem>> -> memref<128xi32, #tpu.memory_space<vmem>>
    %dma_start3A_367 = arith.constant 0 : i32
    %dma_start3A_368 = arith.constant 0 : i32
    %dma_start3A_369 = tpu.memref_slice %arg2[%dma_start3A_367, %dma_start3A_368] : memref<10112x128xf32, #tpu.memory_space<hbm>> -> memref<10112x128xf32, #tpu.memory_space<hbm>>
    tpu.enqueue_indirect_dma source(%dma_start3A_369 : memref<10112x128xf32, #tpu.memory_space<hbm>>) target(%dma_start3A_363 : memref<128x128xf32, #tpu.memory_space<vmem>>) offsets(%dma_start3A_366 : memref<128xi32, #tpu.memory_space<vmem>>) semaphore(%arg10 : memref<!tpu.dma_semaphore, #tpu.memory_space<semaphore_mem>>)
    %dma_wait3A_370 = arith.constant 0 : i32
    %dma_wait3A_371 = arith.constant 0 : i32
    %dma_wait3A_372 = arith.constant 0 : i32
    %dma_wait3A_373 = arith.constant 0 : i32
    %dma_wait3A_374 = arith.constant 0 : i32
    %dma_wait3A_375 = tpu.memref_slice %arg6[%dma_wait3A_372, %dma_wait3A_373, %dma_wait3A_374] : memref<3x128x128xf32, #tpu.memory_space<vmem>> -> memref<1x128x128xf32, #tpu.memory_space<vmem>>
    %dma_wait3A_376 = tpu.memref_squeeze %dma_wait3A_375 : memref<1x128x128xf32, #tpu.memory_space<vmem>> -> memref<128x128xf32, #tpu.memory_space<vmem>>
    %dma_wait3A_377 = arith.constant 0 : i32
    %dma_wait3A_378 = tpu.memref_slice %arg5[%dma_wait3A_370, %dma_wait3A_371, %dma_wait3A_377] : memref<3x2x128xi32, #tpu.memory_space<vmem>> -> memref<1x1x128xi32, #tpu.memory_space<vmem>>
    %dma_wait3A_379 = tpu.memref_squeeze %dma_wait3A_378 : memref<1x1x128xi32, #tpu.memory_space<vmem>> -> memref<128xi32, #tpu.memory_space<vmem>>
    %dma_wait3A_380 = arith.constant 0 : i32
    %dma_wait3A_381 = arith.constant 0 : i32
    %dma_wait3A_382 = tpu.memref_slice %arg2[%dma_wait3A_380, %dma_wait3A_381] : memref<10112x128xf32, #tpu.memory_space<hbm>> -> memref<10112x128xf32, #tpu.memory_space<hbm>>
    tpu.wait_indirect_dma semaphore(%arg10 : memref<!tpu.dma_semaphore, #tpu.memory_space<semaphore_mem>>) src(%dma_wait3A_382 : memref<10112x128xf32, #tpu.memory_space<hbm>>) dst(%dma_wait3A_376 : memref<128x128xf32, #tpu.memory_space<vmem>>)
    %dma_start3A_383 = arith.constant 0 : i32
    %dma_start3A_384 = arith.constant 0 : i32
    %dma_start3A_385 = arith.constant 1 : i32
    %dma_start3A_386 = arith.constant 0 : i32
    %dma_start3A_387 = arith.constant 0 : i32
    %dma_start3A_388 = tpu.memref_slice %arg6[%dma_start3A_383, %dma_start3A_386, %dma_start3A_387] : memref<3x128x128xf32, #tpu.memory_space<vmem>> -> memref<1x128x128xf32, #tpu.memory_space<vmem>>
    %dma_start3A_389 = tpu.memref_squeeze %dma_start3A_388 : memref<1x128x128xf32, #tpu.memory_space<vmem>> -> memref<128x128xf32, #tpu.memory_space<vmem>>
    %dma_start3A_390 = arith.constant 0 : i32
    %dma_start3A_391 = tpu.memref_slice %arg5[%dma_start3A_384, %dma_start3A_385, %dma_start3A_390] : memref<3x2x128xi32, #tpu.memory_space<vmem>> -> memref<1x1x128xi32, #tpu.memory_space<vmem>>
    %dma_start3A_392 = tpu.memref_squeeze %dma_start3A_391 : memref<1x1x128xi32, #tpu.memory_space<vmem>> -> memref<128xi32, #tpu.memory_space<vmem>>
    %dma_start3A_393 = arith.constant 0 : i32
    %dma_start3A_394 = arith.constant 0 : i32
    %dma_start3A_395 = tpu.memref_slice %arg16[%dma_start3A_393, %dma_start3A_394] : memref<10112x128xf32, #tpu.memory_space<vmem_shared>> -> memref<10112x128xf32, #tpu.memory_space<vmem_shared>>
    tpu.enqueue_indirect_dma source(%dma_start3A_389 : memref<128x128xf32, #tpu.memory_space<vmem>>) target(%dma_start3A_395 : memref<10112x128xf32, #tpu.memory_space<vmem_shared>>) offsets(%dma_start3A_392 : memref<128xi32, #tpu.memory_space<vmem>>) semaphore(%arg13 : memref<!tpu.dma_semaphore, #tpu.memory_space<semaphore_mem>>) {add = true}
    %add3A_396 = arith.constant 78 : i32
    %add3A_397 = arith.addi %mul3A_2, %add3A_396 : i32
    %dma_start3A_398 = arith.constant 0 : i32
    %dma_start3A_399 = arith.constant 0 : i32
    %dma_start3A_400 = arith.constant 0 : i32
    %dma_start3A_401 = tpu.memref_slice %arg5[%dma_start3A_398, %dma_start3A_399, %dma_start3A_400] : memref<3x2x128xi32, #tpu.memory_space<vmem>> -> memref<1x2x128xi32, #tpu.memory_space<vmem>>
    %dma_start3A_402 = tpu.memref_squeeze %dma_start3A_401 : memref<1x2x128xi32, #tpu.memory_space<vmem>> -> memref<2x128xi32, #tpu.memory_space<vmem>>
    %dma_start3A_403 = arith.constant 0 : i32
    %dma_start3A_404 = arith.constant 0 : i32
    %dma_start3A_405 = tpu.memref_slice %arg3[%add3A_397, %dma_start3A_403, %dma_start3A_404] : memref<2560x2x128xi32, #tpu.memory_space<hbm>> -> memref<1x2x128xi32, #tpu.memory_space<hbm>>
    %dma_start3A_406 = tpu.memref_squeeze %dma_start3A_405 : memref<1x2x128xi32, #tpu.memory_space<hbm>> -> memref<2x128xi32, #tpu.memory_space<hbm>>
    %dma_start3A_407 = arith.constant 0 : i32
    %dma_start3A_408 = arith.constant 0 : i32
    %dma_start3A_409 = tpu.memref_slice %arg5[%dma_start3A_398, %dma_start3A_407, %dma_start3A_408] : memref<3x2x128xi32, #tpu.memory_space<vmem>> -> memref<1x2x128xi32, #tpu.memory_space<vmem>>
    %dma_start3A_410 = tpu.memref_squeeze %dma_start3A_409 : memref<1x2x128xi32, #tpu.memory_space<vmem>> -> memref<2x128xi32, #tpu.memory_space<vmem>>
    %dma_start3A_411 = arith.constant 0 : i32
    %dma_start3A_412 = arith.constant 0 : i32
    %dma_start3A_413 = tpu.memref_slice %arg3[%add3A_397, %dma_start3A_411, %dma_start3A_412] : memref<2560x2x128xi32, #tpu.memory_space<hbm>> -> memref<1x2x128xi32, #tpu.memory_space<hbm>>
    %dma_start3A_414 = tpu.memref_squeeze %dma_start3A_413 : memref<1x2x128xi32, #tpu.memory_space<hbm>> -> memref<2x128xi32, #tpu.memory_space<hbm>>
    tpu.enqueue_dma source(%dma_start3A_414 : memref<2x128xi32, #tpu.memory_space<hbm>>) target(%dma_start3A_410 : memref<2x128xi32, #tpu.memory_space<vmem>>) target_semaphore(%arg7 : memref<!tpu.dma_semaphore, #tpu.memory_space<semaphore_mem>>)
    %dma_wait3A_415 = arith.constant 1 : i32
    %dma_wait3A_416 = arith.constant 1 : i32
    %dma_wait3A_417 = arith.constant 1 : i32
    %dma_wait3A_418 = arith.constant 0 : i32
    %dma_wait3A_419 = arith.constant 0 : i32
    %dma_wait3A_420 = tpu.memref_slice %arg6[%dma_wait3A_415, %dma_wait3A_418, %dma_wait3A_419] : memref<3x128x128xf32, #tpu.memory_space<vmem>> -> memref<1x128x128xf32, #tpu.memory_space<vmem>>
    %dma_wait3A_421 = tpu.memref_squeeze %dma_wait3A_420 : memref<1x128x128xf32, #tpu.memory_space<vmem>> -> memref<128x128xf32, #tpu.memory_space<vmem>>
    %dma_wait3A_422 = arith.constant 0 : i32
    %dma_wait3A_423 = tpu.memref_slice %arg5[%dma_wait3A_416, %dma_wait3A_417, %dma_wait3A_422] : memref<3x2x128xi32, #tpu.memory_space<vmem>> -> memref<1x1x128xi32, #tpu.memory_space<vmem>>
    %dma_wait3A_424 = tpu.memref_squeeze %dma_wait3A_423 : memref<1x1x128xi32, #tpu.memory_space<vmem>> -> memref<128xi32, #tpu.memory_space<vmem>>
    %dma_wait3A_425 = arith.constant 0 : i32
    %dma_wait3A_426 = arith.constant 0 : i32
    %dma_wait3A_427 = tpu.memref_slice %arg16[%dma_wait3A_425, %dma_wait3A_426] : memref<10112x128xf32, #tpu.memory_space<vmem_shared>> -> memref<10112x128xf32, #tpu.memory_space<vmem_shared>>
    tpu.wait_indirect_dma semaphore(%arg14 : memref<!tpu.dma_semaphore, #tpu.memory_space<semaphore_mem>>) src(%dma_wait3A_421 : memref<128x128xf32, #tpu.memory_space<vmem>>) dst(%dma_wait3A_427 : memref<10112x128xf32, #tpu.memory_space<vmem_shared>>)
    %add3A_428 = arith.constant 76 : i32
    %add3A_429 = arith.addi %mul3A_2, %add3A_428 : i32
    %dma_wait3A_430 = arith.constant 1 : i32
    %dma_wait3A_431 = arith.constant 0 : i32
    %dma_wait3A_432 = arith.constant 0 : i32
    %dma_wait3A_433 = tpu.memref_slice %arg5[%dma_wait3A_430, %dma_wait3A_431, %dma_wait3A_432] : memref<3x2x128xi32, #tpu.memory_space<vmem>> -> memref<1x2x128xi32, #tpu.memory_space<vmem>>
    %dma_wait3A_434 = tpu.memref_squeeze %dma_wait3A_433 : memref<1x2x128xi32, #tpu.memory_space<vmem>> -> memref<2x128xi32, #tpu.memory_space<vmem>>
    %dma_wait3A_435 = arith.constant 0 : i32
    %dma_wait3A_436 = arith.constant 0 : i32
    %dma_wait3A_437 = tpu.memref_slice %arg3[%add3A_429, %dma_wait3A_435, %dma_wait3A_436] : memref<2560x2x128xi32, #tpu.memory_space<hbm>> -> memref<1x2x128xi32, #tpu.memory_space<hbm>>
    %dma_wait3A_438 = tpu.memref_squeeze %dma_wait3A_437 : memref<1x2x128xi32, #tpu.memory_space<hbm>> -> memref<2x128xi32, #tpu.memory_space<hbm>>
    %dma_wait3A_439 = arith.constant 0 : i32
    %dma_wait3A_440 = arith.constant 0 : i32
    %dma_wait3A_441 = tpu.memref_slice %arg5[%dma_wait3A_430, %dma_wait3A_439, %dma_wait3A_440] : memref<3x2x128xi32, #tpu.memory_space<vmem>> -> memref<1x2x128xi32, #tpu.memory_space<vmem>>
    %dma_wait3A_442 = tpu.memref_squeeze %dma_wait3A_441 : memref<1x2x128xi32, #tpu.memory_space<vmem>> -> memref<2x128xi32, #tpu.memory_space<vmem>>
    %dma_wait3A_443 = arith.constant 0 : i32
    %dma_wait3A_444 = arith.constant 0 : i32
    %dma_wait3A_445 = tpu.memref_slice %arg3[%add3A_429, %dma_wait3A_443, %dma_wait3A_444] : memref<2560x2x128xi32, #tpu.memory_space<hbm>> -> memref<1x2x128xi32, #tpu.memory_space<hbm>>
    %dma_wait3A_446 = tpu.memref_squeeze %dma_wait3A_445 : memref<1x2x128xi32, #tpu.memory_space<hbm>> -> memref<2x128xi32, #tpu.memory_space<hbm>>
    tpu.wait_dma2 semaphore(%arg8 : memref<!tpu.dma_semaphore, #tpu.memory_space<semaphore_mem>>) src(%dma_wait3A_446 : memref<2x128xi32, #tpu.memory_space<hbm>>) dst(%dma_wait3A_442 : memref<2x128xi32, #tpu.memory_space<vmem>>)
    %dma_start3A_447 = arith.constant 1 : i32
    %dma_start3A_448 = arith.constant 0 : i32
    %dma_start3A_449 = arith.constant 1 : i32
    %dma_start3A_450 = arith.constant 0 : i32
    %dma_start3A_451 = arith.constant 0 : i32
    %dma_start3A_452 = tpu.memref_slice %arg6[%dma_start3A_449, %dma_start3A_450, %dma_start3A_451] : memref<3x128x128xf32, #tpu.memory_space<vmem>> -> memref<1x128x128xf32, #tpu.memory_space<vmem>>
    %dma_start3A_453 = tpu.memref_squeeze %dma_start3A_452 : memref<1x128x128xf32, #tpu.memory_space<vmem>> -> memref<128x128xf32, #tpu.memory_space<vmem>>
    %dma_start3A_454 = arith.constant 0 : i32
    %dma_start3A_455 = tpu.memref_slice %arg5[%dma_start3A_447, %dma_start3A_448, %dma_start3A_454] : memref<3x2x128xi32, #tpu.memory_space<vmem>> -> memref<1x1x128xi32, #tpu.memory_space<vmem>>
    %dma_start3A_456 = tpu.memref_squeeze %dma_start3A_455 : memref<1x1x128xi32, #tpu.memory_space<vmem>> -> memref<128xi32, #tpu.memory_space<vmem>>
    %dma_start3A_457 = arith.constant 0 : i32
    %dma_start3A_458 = arith.constant 0 : i32
    %dma_start3A_459 = tpu.memref_slice %arg2[%dma_start3A_457, %dma_start3A_458] : memref<10112x128xf32, #tpu.memory_space<hbm>> -> memref<10112x128xf32, #tpu.memory_space<hbm>>
    tpu.enqueue_indirect_dma source(%dma_start3A_459 : memref<10112x128xf32, #tpu.memory_space<hbm>>) target(%dma_start3A_453 : memref<128x128xf32, #tpu.memory_space<vmem>>) offsets(%dma_start3A_456 : memref<128xi32, #tpu.memory_space<vmem>>) semaphore(%arg11 : memref<!tpu.dma_semaphore, #tpu.memory_space<semaphore_mem>>)
    %dma_wait3A_460 = arith.constant 1 : i32
    %dma_wait3A_461 = arith.constant 0 : i32
    %dma_wait3A_462 = arith.constant 1 : i32
    %dma_wait3A_463 = arith.constant 0 : i32
    %dma_wait3A_464 = arith.constant 0 : i32
    %dma_wait3A_465 = tpu.memref_slice %arg6[%dma_wait3A_462, %dma_wait3A_463, %dma_wait3A_464] : memref<3x128x128xf32, #tpu.memory_space<vmem>> -> memref<1x128x128xf32, #tpu.memory_space<vmem>>
    %dma_wait3A_466 = tpu.memref_squeeze %dma_wait3A_465 : memref<1x128x128xf32, #tpu.memory_space<vmem>> -> memref<128x128xf32, #tpu.memory_space<vmem>>
    %dma_wait3A_467 = arith.constant 0 : i32
    %dma_wait3A_468 = tpu.memref_slice %arg5[%dma_wait3A_460, %dma_wait3A_461, %dma_wait3A_467] : memref<3x2x128xi32, #tpu.memory_space<vmem>> -> memref<1x1x128xi32, #tpu.memory_space<vmem>>
    %dma_wait3A_469 = tpu.memref_squeeze %dma_wait3A_468 : memref<1x1x128xi32, #tpu.memory_space<vmem>> -> memref<128xi32, #tpu.memory_space<vmem>>
    %dma_wait3A_470 = arith.constant 0 : i32
    %dma_wait3A_471 = arith.constant 0 : i32
    %dma_wait3A_472 = tpu.memref_slice %arg2[%dma_wait3A_470, %dma_wait3A_471] : memref<10112x128xf32, #tpu.memory_space<hbm>> -> memref<10112x128xf32, #tpu.memory_space<hbm>>
    tpu.wait_indirect_dma semaphore(%arg11 : memref<!tpu.dma_semaphore, #tpu.memory_space<semaphore_mem>>) src(%dma_wait3A_472 : memref<10112x128xf32, #tpu.memory_space<hbm>>) dst(%dma_wait3A_466 : memref<128x128xf32, #tpu.memory_space<vmem>>)
    %dma_start3A_473 = arith.constant 1 : i32
    %dma_start3A_474 = arith.constant 1 : i32
    %dma_start3A_475 = arith.constant 1 : i32
    %dma_start3A_476 = arith.constant 0 : i32
    %dma_start3A_477 = arith.constant 0 : i32
    %dma_start3A_478 = tpu.memref_slice %arg6[%dma_start3A_473, %dma_start3A_476, %dma_start3A_477] : memref<3x128x128xf32, #tpu.memory_space<vmem>> -> memref<1x128x128xf32, #tpu.memory_space<vmem>>
    %dma_start3A_479 = tpu.memref_squeeze %dma_start3A_478 : memref<1x128x128xf32, #tpu.memory_space<vmem>> -> memref<128x128xf32, #tpu.memory_space<vmem>>
    %dma_start3A_480 = arith.constant 0 : i32
    %dma_start3A_481 = tpu.memref_slice %arg5[%dma_start3A_474, %dma_start3A_475, %dma_start3A_480] : memref<3x2x128xi32, #tpu.memory_space<vmem>> -> memref<1x1x128xi32, #tpu.memory_space<vmem>>
    %dma_start3A_482 = tpu.memref_squeeze %dma_start3A_481 : memref<1x1x128xi32, #tpu.memory_space<vmem>> -> memref<128xi32, #tpu.memory_space<vmem>>
    %dma_start3A_483 = arith.constant 0 : i32
    %dma_start3A_484 = arith.constant 0 : i32
    %dma_start3A_485 = tpu.memref_slice %arg16[%dma_start3A_483, %dma_start3A_484] : memref<10112x128xf32, #tpu.memory_space<vmem_shared>> -> memref<10112x128xf32, #tpu.memory_space<vmem_shared>>
    tpu.enqueue_indirect_dma source(%dma_start3A_479 : memref<128x128xf32, #tpu.memory_space<vmem>>) target(%dma_start3A_485 : memref<10112x128xf32, #tpu.memory_space<vmem_shared>>) offsets(%dma_start3A_482 : memref<128xi32, #tpu.memory_space<vmem>>) semaphore(%arg14 : memref<!tpu.dma_semaphore, #tpu.memory_space<semaphore_mem>>) {add = true}
    %add3A_486 = arith.constant 79 : i32
    %add3A_487 = arith.addi %mul3A_2, %add3A_486 : i32
    %dma_start3A_488 = arith.constant 1 : i32
    %dma_start3A_489 = arith.constant 0 : i32
    %dma_start3A_490 = arith.constant 0 : i32
    %dma_start3A_491 = tpu.memref_slice %arg5[%dma_start3A_488, %dma_start3A_489, %dma_start3A_490] : memref<3x2x128xi32, #tpu.memory_space<vmem>> -> memref<1x2x128xi32, #tpu.memory_space<vmem>>
    %dma_start3A_492 = tpu.memref_squeeze %dma_start3A_491 : memref<1x2x128xi32, #tpu.memory_space<vmem>> -> memref<2x128xi32, #tpu.memory_space<vmem>>
    %dma_start3A_493 = arith.constant 0 : i32
    %dma_start3A_494 = arith.constant 0 : i32
    %dma_start3A_495 = tpu.memref_slice %arg3[%add3A_487, %dma_start3A_493, %dma_start3A_494] : memref<2560x2x128xi32, #tpu.memory_space<hbm>> -> memref<1x2x128xi32, #tpu.memory_space<hbm>>
    %dma_start3A_496 = tpu.memref_squeeze %dma_start3A_495 : memref<1x2x128xi32, #tpu.memory_space<hbm>> -> memref<2x128xi32, #tpu.memory_space<hbm>>
    %dma_start3A_497 = arith.constant 0 : i32
    %dma_start3A_498 = arith.constant 0 : i32
    %dma_start3A_499 = tpu.memref_slice %arg5[%dma_start3A_488, %dma_start3A_497, %dma_start3A_498] : memref<3x2x128xi32, #tpu.memory_space<vmem>> -> memref<1x2x128xi32, #tpu.memory_space<vmem>>
    %dma_start3A_500 = tpu.memref_squeeze %dma_start3A_499 : memref<1x2x128xi32, #tpu.memory_space<vmem>> -> memref<2x128xi32, #tpu.memory_space<vmem>>
    %dma_start3A_501 = arith.constant 0 : i32
    %dma_start3A_502 = arith.constant 0 : i32
    %dma_start3A_503 = tpu.memref_slice %arg3[%add3A_487, %dma_start3A_501, %dma_start3A_502] : memref<2560x2x128xi32, #tpu.memory_space<hbm>> -> memref<1x2x128xi32, #tpu.memory_space<hbm>>
    %dma_start3A_504 = tpu.memref_squeeze %dma_start3A_503 : memref<1x2x128xi32, #tpu.memory_space<hbm>> -> memref<2x128xi32, #tpu.memory_space<hbm>>
    tpu.enqueue_dma source(%dma_start3A_504 : memref<2x128xi32, #tpu.memory_space<hbm>>) target(%dma_start3A_500 : memref<2x128xi32, #tpu.memory_space<vmem>>) target_semaphore(%arg8 : memref<!tpu.dma_semaphore, #tpu.memory_space<semaphore_mem>>)
    %dma_wait3A_505 = arith.constant 2 : i32
    %dma_wait3A_506 = arith.constant 2 : i32
    %dma_wait3A_507 = arith.constant 1 : i32
    %dma_wait3A_508 = arith.constant 0 : i32
    %dma_wait3A_509 = arith.constant 0 : i32
    %dma_wait3A_510 = tpu.memref_slice %arg6[%dma_wait3A_505, %dma_wait3A_508, %dma_wait3A_509] : memref<3x128x128xf32, #tpu.memory_space<vmem>> -> memref<1x128x128xf32, #tpu.memory_space<vmem>>
    %dma_wait3A_511 = tpu.memref_squeeze %dma_wait3A_510 : memref<1x128x128xf32, #tpu.memory_space<vmem>> -> memref<128x128xf32, #tpu.memory_space<vmem>>
    %dma_wait3A_512 = arith.constant 0 : i32
    %dma_wait3A_513 = tpu.memref_slice %arg5[%dma_wait3A_506, %dma_wait3A_507, %dma_wait3A_512] : memref<3x2x128xi32, #tpu.memory_space<vmem>> -> memref<1x1x128xi32, #tpu.memory_space<vmem>>
    %dma_wait3A_514 = tpu.memref_squeeze %dma_wait3A_513 : memref<1x1x128xi32, #tpu.memory_space<vmem>> -> memref<128xi32, #tpu.memory_space<vmem>>
    %dma_wait3A_515 = arith.constant 0 : i32
    %dma_wait3A_516 = arith.constant 0 : i32
    %dma_wait3A_517 = tpu.memref_slice %arg16[%dma_wait3A_515, %dma_wait3A_516] : memref<10112x128xf32, #tpu.memory_space<vmem_shared>> -> memref<10112x128xf32, #tpu.memory_space<vmem_shared>>
    tpu.wait_indirect_dma semaphore(%arg15 : memref<!tpu.dma_semaphore, #tpu.memory_space<semaphore_mem>>) src(%dma_wait3A_511 : memref<128x128xf32, #tpu.memory_space<vmem>>) dst(%dma_wait3A_517 : memref<10112x128xf32, #tpu.memory_space<vmem_shared>>)
    %add3A_518 = arith.constant 77 : i32
    %add3A_519 = arith.addi %mul3A_2, %add3A_518 : i32
    %dma_wait3A_520 = arith.constant 2 : i32
    %dma_wait3A_521 = arith.constant 0 : i32
    %dma_wait3A_522 = arith.constant 0 : i32
    %dma_wait3A_523 = tpu.memref_slice %arg5[%dma_wait3A_520, %dma_wait3A_521, %dma_wait3A_522] : memref<3x2x128xi32, #tpu.memory_space<vmem>> -> memref<1x2x128xi32, #tpu.memory_space<vmem>>
    %dma_wait3A_524 = tpu.memref_squeeze %dma_wait3A_523 : memref<1x2x128xi32, #tpu.memory_space<vmem>> -> memref<2x128xi32, #tpu.memory_space<vmem>>
    %dma_wait3A_525 = arith.constant 0 : i32
    %dma_wait3A_526 = arith.constant 0 : i32
    %dma_wait3A_527 = tpu.memref_slice %arg3[%add3A_519, %dma_wait3A_525, %dma_wait3A_526] : memref<2560x2x128xi32, #tpu.memory_space<hbm>> -> memref<1x2x128xi32, #tpu.memory_space<hbm>>
    %dma_wait3A_528 = tpu.memref_squeeze %dma_wait3A_527 : memref<1x2x128xi32, #tpu.memory_space<hbm>> -> memref<2x128xi32, #tpu.memory_space<hbm>>
    %dma_wait3A_529 = arith.constant 0 : i32
    %dma_wait3A_530 = arith.constant 0 : i32
    %dma_wait3A_531 = tpu.memref_slice %arg5[%dma_wait3A_520, %dma_wait3A_529, %dma_wait3A_530] : memref<3x2x128xi32, #tpu.memory_space<vmem>> -> memref<1x2x128xi32, #tpu.memory_space<vmem>>
    %dma_wait3A_532 = tpu.memref_squeeze %dma_wait3A_531 : memref<1x2x128xi32, #tpu.memory_space<vmem>> -> memref<2x128xi32, #tpu.memory_space<vmem>>
    %dma_wait3A_533 = arith.constant 0 : i32
    %dma_wait3A_534 = arith.constant 0 : i32
    %dma_wait3A_535 = tpu.memref_slice %arg3[%add3A_519, %dma_wait3A_533, %dma_wait3A_534] : memref<2560x2x128xi32, #tpu.memory_space<hbm>> -> memref<1x2x128xi32, #tpu.memory_space<hbm>>
    %dma_wait3A_536 = tpu.memref_squeeze %dma_wait3A_535 : memref<1x2x128xi32, #tpu.memory_space<hbm>> -> memref<2x128xi32, #tpu.memory_space<hbm>>
    tpu.wait_dma2 semaphore(%arg9 : memref<!tpu.dma_semaphore, #tpu.memory_space<semaphore_mem>>) src(%dma_wait3A_536 : memref<2x128xi32, #tpu.memory_space<hbm>>) dst(%dma_wait3A_532 : memref<2x128xi32, #tpu.memory_space<vmem>>)
    %dma_start3A_537 = arith.constant 2 : i32
    %dma_start3A_538 = arith.constant 0 : i32
    %dma_start3A_539 = arith.constant 2 : i32
    %dma_start3A_540 = arith.constant 0 : i32
    %dma_start3A_541 = arith.constant 0 : i32
    %dma_start3A_542 = tpu.memref_slice %arg6[%dma_start3A_539, %dma_start3A_540, %dma_start3A_541] : memref<3x128x128xf32, #tpu.memory_space<vmem>> -> memref<1x128x128xf32, #tpu.memory_space<vmem>>
    %dma_start3A_543 = tpu.memref_squeeze %dma_start3A_542 : memref<1x128x128xf32, #tpu.memory_space<vmem>> -> memref<128x128xf32, #tpu.memory_space<vmem>>
    %dma_start3A_544 = arith.constant 0 : i32
    %dma_start3A_545 = tpu.memref_slice %arg5[%dma_start3A_537, %dma_start3A_538, %dma_start3A_544] : memref<3x2x128xi32, #tpu.memory_space<vmem>> -> memref<1x1x128xi32, #tpu.memory_space<vmem>>
    %dma_start3A_546 = tpu.memref_squeeze %dma_start3A_545 : memref<1x1x128xi32, #tpu.memory_space<vmem>> -> memref<128xi32, #tpu.memory_space<vmem>>
    %dma_start3A_547 = arith.constant 0 : i32
    %dma_start3A_548 = arith.constant 0 : i32
    %dma_start3A_549 = tpu.memref_slice %arg2[%dma_start3A_547, %dma_start3A_548] : memref<10112x128xf32, #tpu.memory_space<hbm>> -> memref<10112x128xf32, #tpu.memory_space<hbm>>
    tpu.enqueue_indirect_dma source(%dma_start3A_549 : memref<10112x128xf32, #tpu.memory_space<hbm>>) target(%dma_start3A_543 : memref<128x128xf32, #tpu.memory_space<vmem>>) offsets(%dma_start3A_546 : memref<128xi32, #tpu.memory_space<vmem>>) semaphore(%arg12 : memref<!tpu.dma_semaphore, #tpu.memory_space<semaphore_mem>>)
    %dma_wait3A_550 = arith.constant 2 : i32
    %dma_wait3A_551 = arith.constant 0 : i32
    %dma_wait3A_552 = arith.constant 2 : i32
    %dma_wait3A_553 = arith.constant 0 : i32
    %dma_wait3A_554 = arith.constant 0 : i32
    %dma_wait3A_555 = tpu.memref_slice %arg6[%dma_wait3A_552, %dma_wait3A_553, %dma_wait3A_554] : memref<3x128x128xf32, #tpu.memory_space<vmem>> -> memref<1x128x128xf32, #tpu.memory_space<vmem>>
    %dma_wait3A_556 = tpu.memref_squeeze %dma_wait3A_555 : memref<1x128x128xf32, #tpu.memory_space<vmem>> -> memref<128x128xf32, #tpu.memory_space<vmem>>
    %dma_wait3A_557 = arith.constant 0 : i32
    %dma_wait3A_558 = tpu.memref_slice %arg5[%dma_wait3A_550, %dma_wait3A_551, %dma_wait3A_557] : memref<3x2x128xi32, #tpu.memory_space<vmem>> -> memref<1x1x128xi32, #tpu.memory_space<vmem>>
    %dma_wait3A_559 = tpu.memref_squeeze %dma_wait3A_558 : memref<1x1x128xi32, #tpu.memory_space<vmem>> -> memref<128xi32, #tpu.memory_space<vmem>>
    %dma_wait3A_560 = arith.constant 0 : i32
    %dma_wait3A_561 = arith.constant 0 : i32
    %dma_wait3A_562 = tpu.memref_slice %arg2[%dma_wait3A_560, %dma_wait3A_561] : memref<10112x128xf32, #tpu.memory_space<hbm>> -> memref<10112x128xf32, #tpu.memory_space<hbm>>
    tpu.wait_indirect_dma semaphore(%arg12 : memref<!tpu.dma_semaphore, #tpu.memory_space<semaphore_mem>>) src(%dma_wait3A_562 : memref<10112x128xf32, #tpu.memory_space<hbm>>) dst(%dma_wait3A_556 : memref<128x128xf32, #tpu.memory_space<vmem>>)
    %dma_start3A_563 = arith.constant 2 : i32
    %dma_start3A_564 = arith.constant 2 : i32
    %dma_start3A_565 = arith.constant 1 : i32
    %dma_start3A_566 = arith.constant 0 : i32
    %dma_start3A_567 = arith.constant 0 : i32
    %dma_start3A_568 = tpu.memref_slice %arg6[%dma_start3A_563, %dma_start3A_566, %dma_start3A_567] : memref<3x128x128xf32, #tpu.memory_space<vmem>> -> memref<1x128x128xf32, #tpu.memory_space<vmem>>
    %dma_start3A_569 = tpu.memref_squeeze %dma_start3A_568 : memref<1x128x128xf32, #tpu.memory_space<vmem>> -> memref<128x128xf32, #tpu.memory_space<vmem>>
    %dma_start3A_570 = arith.constant 0 : i32
    %dma_start3A_571 = tpu.memref_slice %arg5[%dma_start3A_564, %dma_start3A_565, %dma_start3A_570] : memref<3x2x128xi32, #tpu.memory_space<vmem>> -> memref<1x1x128xi32, #tpu.memory_space<vmem>>
    %dma_start3A_572 = tpu.memref_squeeze %dma_start3A_571 : memref<1x1x128xi32, #tpu.memory_space<vmem>> -> memref<128xi32, #tpu.memory_space<vmem>>
    %dma_start3A_573 = arith.constant 0 : i32
    %dma_start3A_574 = arith.constant 0 : i32
    %dma_start3A_575 = tpu.memref_slice %arg16[%dma_start3A_573, %dma_start3A_574] : memref<10112x128xf32, #tpu.memory_space<vmem_shared>> -> memref<10112x128xf32, #tpu.memory_space<vmem_shared>>
    tpu.enqueue_indirect_dma source(%dma_start3A_569 : memref<128x128xf32, #tpu.memory_space<vmem>>) target(%dma_start3A_575 : memref<10112x128xf32, #tpu.memory_space<vmem_shared>>) offsets(%dma_start3A_572 : memref<128xi32, #tpu.memory_space<vmem>>) semaphore(%arg15 : memref<!tpu.dma_semaphore, #tpu.memory_space<semaphore_mem>>) {add = true}
    %dma_wait3A_576 = arith.constant 0 : i32
    %dma_wait3A_577 = arith.constant 0 : i32
    %dma_wait3A_578 = arith.constant 1 : i32
    %dma_wait3A_579 = arith.constant 0 : i32
    %dma_wait3A_580 = arith.constant 0 : i32
    %dma_wait3A_581 = tpu.memref_slice %arg6[%dma_wait3A_576, %dma_wait3A_579, %dma_wait3A_580] : memref<3x128x128xf32, #tpu.memory_space<vmem>> -> memref<1x128x128xf32, #tpu.memory_space<vmem>>
    %dma_wait3A_582 = tpu.memref_squeeze %dma_wait3A_581 : memref<1x128x128xf32, #tpu.memory_space<vmem>> -> memref<128x128xf32, #tpu.memory_space<vmem>>
    %dma_wait3A_583 = arith.constant 0 : i32
    %dma_wait3A_584 = tpu.memref_slice %arg5[%dma_wait3A_577, %dma_wait3A_578, %dma_wait3A_583] : memref<3x2x128xi32, #tpu.memory_space<vmem>> -> memref<1x1x128xi32, #tpu.memory_space<vmem>>
    %dma_wait3A_585 = tpu.memref_squeeze %dma_wait3A_584 : memref<1x1x128xi32, #tpu.memory_space<vmem>> -> memref<128xi32, #tpu.memory_space<vmem>>
    %dma_wait3A_586 = arith.constant 0 : i32
    %dma_wait3A_587 = arith.constant 0 : i32
    %dma_wait3A_588 = tpu.memref_slice %arg16[%dma_wait3A_586, %dma_wait3A_587] : memref<10112x128xf32, #tpu.memory_space<vmem_shared>> -> memref<10112x128xf32, #tpu.memory_space<vmem_shared>>
    tpu.wait_indirect_dma semaphore(%arg13 : memref<!tpu.dma_semaphore, #tpu.memory_space<semaphore_mem>>) src(%dma_wait3A_582 : memref<128x128xf32, #tpu.memory_space<vmem>>) dst(%dma_wait3A_588 : memref<10112x128xf32, #tpu.memory_space<vmem_shared>>)
    %add3A_589 = arith.constant 78 : i32
    %add3A_590 = arith.addi %mul3A_2, %add3A_589 : i32
    %dma_wait3A_591 = arith.constant 0 : i32
    %dma_wait3A_592 = arith.constant 0 : i32
    %dma_wait3A_593 = arith.constant 0 : i32
    %dma_wait3A_594 = tpu.memref_slice %arg5[%dma_wait3A_591, %dma_wait3A_592, %dma_wait3A_593] : memref<3x2x128xi32, #tpu.memory_space<vmem>> -> memref<1x2x128xi32, #tpu.memory_space<vmem>>
    %dma_wait3A_595 = tpu.memref_squeeze %dma_wait3A_594 : memref<1x2x128xi32, #tpu.memory_space<vmem>> -> memref<2x128xi32, #tpu.memory_space<vmem>>
    %dma_wait3A_596 = arith.constant 0 : i32
    %dma_wait3A_597 = arith.constant 0 : i32
    %dma_wait3A_598 = tpu.memref_slice %arg3[%add3A_590, %dma_wait3A_596, %dma_wait3A_597] : memref<2560x2x128xi32, #tpu.memory_space<hbm>> -> memref<1x2x128xi32, #tpu.memory_space<hbm>>
    %dma_wait3A_599 = tpu.memref_squeeze %dma_wait3A_598 : memref<1x2x128xi32, #tpu.memory_space<hbm>> -> memref<2x128xi32, #tpu.memory_space<hbm>>
    %dma_wait3A_600 = arith.constant 0 : i32
    %dma_wait3A_601 = arith.constant 0 : i32
    %dma_wait3A_602 = tpu.memref_slice %arg5[%dma_wait3A_591, %dma_wait3A_600, %dma_wait3A_601] : memref<3x2x128xi32, #tpu.memory_space<vmem>> -> memref<1x2x128xi32, #tpu.memory_space<vmem>>
    %dma_wait3A_603 = tpu.memref_squeeze %dma_wait3A_602 : memref<1x2x128xi32, #tpu.memory_space<vmem>> -> memref<2x128xi32, #tpu.memory_space<vmem>>
    %dma_wait3A_604 = arith.constant 0 : i32
    %dma_wait3A_605 = arith.constant 0 : i32
    %dma_wait3A_606 = tpu.memref_slice %arg3[%add3A_590, %dma_wait3A_604, %dma_wait3A_605] : memref<2560x2x128xi32, #tpu.memory_space<hbm>> -> memref<1x2x128xi32, #tpu.memory_space<hbm>>
    %dma_wait3A_607 = tpu.memref_squeeze %dma_wait3A_606 : memref<1x2x128xi32, #tpu.memory_space<hbm>> -> memref<2x128xi32, #tpu.memory_space<hbm>>
    tpu.wait_dma2 semaphore(%arg7 : memref<!tpu.dma_semaphore, #tpu.memory_space<semaphore_mem>>) src(%dma_wait3A_607 : memref<2x128xi32, #tpu.memory_space<hbm>>) dst(%dma_wait3A_603 : memref<2x128xi32, #tpu.memory_space<vmem>>)
    %dma_start3A_608 = arith.constant 0 : i32
    %dma_start3A_609 = arith.constant 0 : i32
    %dma_start3A_610 = arith.constant 0 : i32
    %dma_start3A_611 = arith.constant 0 : i32
    %dma_start3A_612 = arith.constant 0 : i32
    %dma_start3A_613 = tpu.memref_slice %arg6[%dma_start3A_610, %dma_start3A_611, %dma_start3A_612] : memref<3x128x128xf32, #tpu.memory_space<vmem>> -> memref<1x128x128xf32, #tpu.memory_space<vmem>>
    %dma_start3A_614 = tpu.memref_squeeze %dma_start3A_613 : memref<1x128x128xf32, #tpu.memory_space<vmem>> -> memref<128x128xf32, #tpu.memory_space<vmem>>
    %dma_start3A_615 = arith.constant 0 : i32
    %dma_start3A_616 = tpu.memref_slice %arg5[%dma_start3A_608, %dma_start3A_609, %dma_start3A_615] : memref<3x2x128xi32, #tpu.memory_space<vmem>> -> memref<1x1x128xi32, #tpu.memory_space<vmem>>
    %dma_start3A_617 = tpu.memref_squeeze %dma_start3A_616 : memref<1x1x128xi32, #tpu.memory_space<vmem>> -> memref<128xi32, #tpu.memory_space<vmem>>
    %dma_start3A_618 = arith.constant 0 : i32
    %dma_start3A_619 = arith.constant 0 : i32
    %dma_start3A_620 = tpu.memref_slice %arg2[%dma_start3A_618, %dma_start3A_619] : memref<10112x128xf32, #tpu.memory_space<hbm>> -> memref<10112x128xf32, #tpu.memory_space<hbm>>
    tpu.enqueue_indirect_dma source(%dma_start3A_620 : memref<10112x128xf32, #tpu.memory_space<hbm>>) target(%dma_start3A_614 : memref<128x128xf32, #tpu.memory_space<vmem>>) offsets(%dma_start3A_617 : memref<128xi32, #tpu.memory_space<vmem>>) semaphore(%arg10 : memref<!tpu.dma_semaphore, #tpu.memory_space<semaphore_mem>>)
    %dma_wait3A_621 = arith.constant 0 : i32
    %dma_wait3A_622 = arith.constant 0 : i32
    %dma_wait3A_623 = arith.constant 0 : i32
    %dma_wait3A_624 = arith.constant 0 : i32
    %dma_wait3A_625 = arith.constant 0 : i32
    %dma_wait3A_626 = tpu.memref_slice %arg6[%dma_wait3A_623, %dma_wait3A_624, %dma_wait3A_625] : memref<3x128x128xf32, #tpu.memory_space<vmem>> -> memref<1x128x128xf32, #tpu.memory_space<vmem>>
    %dma_wait3A_627 = tpu.memref_squeeze %dma_wait3A_626 : memref<1x128x128xf32, #tpu.memory_space<vmem>> -> memref<128x128xf32, #tpu.memory_space<vmem>>
    %dma_wait3A_628 = arith.constant 0 : i32
    %dma_wait3A_629 = tpu.memref_slice %arg5[%dma_wait3A_621, %dma_wait3A_622, %dma_wait3A_628] : memref<3x2x128xi32, #tpu.memory_space<vmem>> -> memref<1x1x128xi32, #tpu.memory_space<vmem>>
    %dma_wait3A_630 = tpu.memref_squeeze %dma_wait3A_629 : memref<1x1x128xi32, #tpu.memory_space<vmem>> -> memref<128xi32, #tpu.memory_space<vmem>>
    %dma_wait3A_631 = arith.constant 0 : i32
    %dma_wait3A_632 = arith.constant 0 : i32
    %dma_wait3A_633 = tpu.memref_slice %arg2[%dma_wait3A_631, %dma_wait3A_632] : memref<10112x128xf32, #tpu.memory_space<hbm>> -> memref<10112x128xf32, #tpu.memory_space<hbm>>
    tpu.wait_indirect_dma semaphore(%arg10 : memref<!tpu.dma_semaphore, #tpu.memory_space<semaphore_mem>>) src(%dma_wait3A_633 : memref<10112x128xf32, #tpu.memory_space<hbm>>) dst(%dma_wait3A_627 : memref<128x128xf32, #tpu.memory_space<vmem>>)
    %dma_start3A_634 = arith.constant 0 : i32
    %dma_start3A_635 = arith.constant 0 : i32
    %dma_start3A_636 = arith.constant 1 : i32
    %dma_start3A_637 = arith.constant 0 : i32
    %dma_start3A_638 = arith.constant 0 : i32
    %dma_start3A_639 = tpu.memref_slice %arg6[%dma_start3A_634, %dma_start3A_637, %dma_start3A_638] : memref<3x128x128xf32, #tpu.memory_space<vmem>> -> memref<1x128x128xf32, #tpu.memory_space<vmem>>
    %dma_start3A_640 = tpu.memref_squeeze %dma_start3A_639 : memref<1x128x128xf32, #tpu.memory_space<vmem>> -> memref<128x128xf32, #tpu.memory_space<vmem>>
    %dma_start3A_641 = arith.constant 0 : i32
    %dma_start3A_642 = tpu.memref_slice %arg5[%dma_start3A_635, %dma_start3A_636, %dma_start3A_641] : memref<3x2x128xi32, #tpu.memory_space<vmem>> -> memref<1x1x128xi32, #tpu.memory_space<vmem>>
    %dma_start3A_643 = tpu.memref_squeeze %dma_start3A_642 : memref<1x1x128xi32, #tpu.memory_space<vmem>> -> memref<128xi32, #tpu.memory_space<vmem>>
    %dma_start3A_644 = arith.constant 0 : i32
    %dma_start3A_645 = arith.constant 0 : i32
    %dma_start3A_646 = tpu.memref_slice %arg16[%dma_start3A_644, %dma_start3A_645] : memref<10112x128xf32, #tpu.memory_space<vmem_shared>> -> memref<10112x128xf32, #tpu.memory_space<vmem_shared>>
    tpu.enqueue_indirect_dma source(%dma_start3A_640 : memref<128x128xf32, #tpu.memory_space<vmem>>) target(%dma_start3A_646 : memref<10112x128xf32, #tpu.memory_space<vmem_shared>>) offsets(%dma_start3A_643 : memref<128xi32, #tpu.memory_space<vmem>>) semaphore(%arg13 : memref<!tpu.dma_semaphore, #tpu.memory_space<semaphore_mem>>) {add = true}
    %dma_wait3A_647 = arith.constant 1 : i32
    %dma_wait3A_648 = arith.constant 1 : i32
    %dma_wait3A_649 = arith.constant 1 : i32
    %dma_wait3A_650 = arith.constant 0 : i32
    %dma_wait3A_651 = arith.constant 0 : i32
    %dma_wait3A_652 = tpu.memref_slice %arg6[%dma_wait3A_647, %dma_wait3A_650, %dma_wait3A_651] : memref<3x128x128xf32, #tpu.memory_space<vmem>> -> memref<1x128x128xf32, #tpu.memory_space<vmem>>
    %dma_wait3A_653 = tpu.memref_squeeze %dma_wait3A_652 : memref<1x128x128xf32, #tpu.memory_space<vmem>> -> memref<128x128xf32, #tpu.memory_space<vmem>>
    %dma_wait3A_654 = arith.constant 0 : i32
    %dma_wait3A_655 = tpu.memref_slice %arg5[%dma_wait3A_648, %dma_wait3A_649, %dma_wait3A_654] : memref<3x2x128xi32, #tpu.memory_space<vmem>> -> memref<1x1x128xi32, #tpu.memory_space<vmem>>
    %dma_wait3A_656 = tpu.memref_squeeze %dma_wait3A_655 : memref<1x1x128xi32, #tpu.memory_space<vmem>> -> memref<128xi32, #tpu.memory_space<vmem>>
    %dma_wait3A_657 = arith.constant 0 : i32
    %dma_wait3A_658 = arith.constant 0 : i32
    %dma_wait3A_659 = tpu.memref_slice %arg16[%dma_wait3A_657, %dma_wait3A_658] : memref<10112x128xf32, #tpu.memory_space<vmem_shared>> -> memref<10112x128xf32, #tpu.memory_space<vmem_shared>>
    tpu.wait_indirect_dma semaphore(%arg14 : memref<!tpu.dma_semaphore, #tpu.memory_space<semaphore_mem>>) src(%dma_wait3A_653 : memref<128x128xf32, #tpu.memory_space<vmem>>) dst(%dma_wait3A_659 : memref<10112x128xf32, #tpu.memory_space<vmem_shared>>)
    %add3A_660 = arith.constant 79 : i32
    %add3A_661 = arith.addi %mul3A_2, %add3A_660 : i32
    %dma_wait3A_662 = arith.constant 1 : i32
    %dma_wait3A_663 = arith.constant 0 : i32
    %dma_wait3A_664 = arith.constant 0 : i32
    %dma_wait3A_665 = tpu.memref_slice %arg5[%dma_wait3A_662, %dma_wait3A_663, %dma_wait3A_664] : memref<3x2x128xi32, #tpu.memory_space<vmem>> -> memref<1x2x128xi32, #tpu.memory_space<vmem>>
    %dma_wait3A_666 = tpu.memref_squeeze %dma_wait3A_665 : memref<1x2x128xi32, #tpu.memory_space<vmem>> -> memref<2x128xi32, #tpu.memory_space<vmem>>
    %dma_wait3A_667 = arith.constant 0 : i32
    %dma_wait3A_668 = arith.constant 0 : i32
    %dma_wait3A_669 = tpu.memref_slice %arg3[%add3A_661, %dma_wait3A_667, %dma_wait3A_668] : memref<2560x2x128xi32, #tpu.memory_space<hbm>> -> memref<1x2x128xi32, #tpu.memory_space<hbm>>
    %dma_wait3A_670 = tpu.memref_squeeze %dma_wait3A_669 : memref<1x2x128xi32, #tpu.memory_space<hbm>> -> memref<2x128xi32, #tpu.memory_space<hbm>>
    %dma_wait3A_671 = arith.constant 0 : i32
    %dma_wait3A_672 = arith.constant 0 : i32
    %dma_wait3A_673 = tpu.memref_slice %arg5[%dma_wait3A_662, %dma_wait3A_671, %dma_wait3A_672] : memref<3x2x128xi32, #tpu.memory_space<vmem>> -> memref<1x2x128xi32, #tpu.memory_space<vmem>>
    %dma_wait3A_674 = tpu.memref_squeeze %dma_wait3A_673 : memref<1x2x128xi32, #tpu.memory_space<vmem>> -> memref<2x128xi32, #tpu.memory_space<vmem>>
    %dma_wait3A_675 = arith.constant 0 : i32
    %dma_wait3A_676 = arith.constant 0 : i32
    %dma_wait3A_677 = tpu.memref_slice %arg3[%add3A_661, %dma_wait3A_675, %dma_wait3A_676] : memref<2560x2x128xi32, #tpu.memory_space<hbm>> -> memref<1x2x128xi32, #tpu.memory_space<hbm>>
    %dma_wait3A_678 = tpu.memref_squeeze %dma_wait3A_677 : memref<1x2x128xi32, #tpu.memory_space<hbm>> -> memref<2x128xi32, #tpu.memory_space<hbm>>
    tpu.wait_dma2 semaphore(%arg8 : memref<!tpu.dma_semaphore, #tpu.memory_space<semaphore_mem>>) src(%dma_wait3A_678 : memref<2x128xi32, #tpu.memory_space<hbm>>) dst(%dma_wait3A_674 : memref<2x128xi32, #tpu.memory_space<vmem>>)
    %dma_start3A_679 = arith.constant 1 : i32
    %dma_start3A_680 = arith.constant 0 : i32
    %dma_start3A_681 = arith.constant 1 : i32
    %dma_start3A_682 = arith.constant 0 : i32
    %dma_start3A_683 = arith.constant 0 : i32
    %dma_start3A_684 = tpu.memref_slice %arg6[%dma_start3A_681, %dma_start3A_682, %dma_start3A_683] : memref<3x128x128xf32, #tpu.memory_space<vmem>> -> memref<1x128x128xf32, #tpu.memory_space<vmem>>
    %dma_start3A_685 = tpu.memref_squeeze %dma_start3A_684 : memref<1x128x128xf32, #tpu.memory_space<vmem>> -> memref<128x128xf32, #tpu.memory_space<vmem>>
    %dma_start3A_686 = arith.constant 0 : i32
    %dma_start3A_687 = tpu.memref_slice %arg5[%dma_start3A_679, %dma_start3A_680, %dma_start3A_686] : memref<3x2x128xi32, #tpu.memory_space<vmem>> -> memref<1x1x128xi32, #tpu.memory_space<vmem>>
    %dma_start3A_688 = tpu.memref_squeeze %dma_start3A_687 : memref<1x1x128xi32, #tpu.memory_space<vmem>> -> memref<128xi32, #tpu.memory_space<vmem>>
    %dma_start3A_689 = arith.constant 0 : i32
    %dma_start3A_690 = arith.constant 0 : i32
    %dma_start3A_691 = tpu.memref_slice %arg2[%dma_start3A_689, %dma_start3A_690] : memref<10112x128xf32, #tpu.memory_space<hbm>> -> memref<10112x128xf32, #tpu.memory_space<hbm>>
    tpu.enqueue_indirect_dma source(%dma_start3A_691 : memref<10112x128xf32, #tpu.memory_space<hbm>>) target(%dma_start3A_685 : memref<128x128xf32, #tpu.memory_space<vmem>>) offsets(%dma_start3A_688 : memref<128xi32, #tpu.memory_space<vmem>>) semaphore(%arg11 : memref<!tpu.dma_semaphore, #tpu.memory_space<semaphore_mem>>)
    %dma_wait3A_692 = arith.constant 1 : i32
    %dma_wait3A_693 = arith.constant 0 : i32
    %dma_wait3A_694 = arith.constant 1 : i32
    %dma_wait3A_695 = arith.constant 0 : i32
    %dma_wait3A_696 = arith.constant 0 : i32
    %dma_wait3A_697 = tpu.memref_slice %arg6[%dma_wait3A_694, %dma_wait3A_695, %dma_wait3A_696] : memref<3x128x128xf32, #tpu.memory_space<vmem>> -> memref<1x128x128xf32, #tpu.memory_space<vmem>>
    %dma_wait3A_698 = tpu.memref_squeeze %dma_wait3A_697 : memref<1x128x128xf32, #tpu.memory_space<vmem>> -> memref<128x128xf32, #tpu.memory_space<vmem>>
    %dma_wait3A_699 = arith.constant 0 : i32
    %dma_wait3A_700 = tpu.memref_slice %arg5[%dma_wait3A_692, %dma_wait3A_693, %dma_wait3A_699] : memref<3x2x128xi32, #tpu.memory_space<vmem>> -> memref<1x1x128xi32, #tpu.memory_space<vmem>>
    %dma_wait3A_701 = tpu.memref_squeeze %dma_wait3A_700 : memref<1x1x128xi32, #tpu.memory_space<vmem>> -> memref<128xi32, #tpu.memory_space<vmem>>
    %dma_wait3A_702 = arith.constant 0 : i32
    %dma_wait3A_703 = arith.constant 0 : i32
    %dma_wait3A_704 = tpu.memref_slice %arg2[%dma_wait3A_702, %dma_wait3A_703] : memref<10112x128xf32, #tpu.memory_space<hbm>> -> memref<10112x128xf32, #tpu.memory_space<hbm>>
    tpu.wait_indirect_dma semaphore(%arg11 : memref<!tpu.dma_semaphore, #tpu.memory_space<semaphore_mem>>) src(%dma_wait3A_704 : memref<10112x128xf32, #tpu.memory_space<hbm>>) dst(%dma_wait3A_698 : memref<128x128xf32, #tpu.memory_space<vmem>>)
    %dma_start3A_705 = arith.constant 1 : i32
    %dma_start3A_706 = arith.constant 1 : i32
    %dma_start3A_707 = arith.constant 1 : i32
    %dma_start3A_708 = arith.constant 0 : i32
    %dma_start3A_709 = arith.constant 0 : i32
    %dma_start3A_710 = tpu.memref_slice %arg6[%dma_start3A_705, %dma_start3A_708, %dma_start3A_709] : memref<3x128x128xf32, #tpu.memory_space<vmem>> -> memref<1x128x128xf32, #tpu.memory_space<vmem>>
    %dma_start3A_711 = tpu.memref_squeeze %dma_start3A_710 : memref<1x128x128xf32, #tpu.memory_space<vmem>> -> memref<128x128xf32, #tpu.memory_space<vmem>>
    %dma_start3A_712 = arith.constant 0 : i32
    %dma_start3A_713 = tpu.memref_slice %arg5[%dma_start3A_706, %dma_start3A_707, %dma_start3A_712] : memref<3x2x128xi32, #tpu.memory_space<vmem>> -> memref<1x1x128xi32, #tpu.memory_space<vmem>>
    %dma_start3A_714 = tpu.memref_squeeze %dma_start3A_713 : memref<1x1x128xi32, #tpu.memory_space<vmem>> -> memref<128xi32, #tpu.memory_space<vmem>>
    %dma_start3A_715 = arith.constant 0 : i32
    %dma_start3A_716 = arith.constant 0 : i32
    %dma_start3A_717 = tpu.memref_slice %arg16[%dma_start3A_715, %dma_start3A_716] : memref<10112x128xf32, #tpu.memory_space<vmem_shared>> -> memref<10112x128xf32, #tpu.memory_space<vmem_shared>>
    tpu.enqueue_indirect_dma source(%dma_start3A_711 : memref<128x128xf32, #tpu.memory_space<vmem>>) target(%dma_start3A_717 : memref<10112x128xf32, #tpu.memory_space<vmem_shared>>) offsets(%dma_start3A_714 : memref<128xi32, #tpu.memory_space<vmem>>) semaphore(%arg14 : memref<!tpu.dma_semaphore, #tpu.memory_space<semaphore_mem>>) {add = true}
    %dma_wait3A_718 = arith.constant 2 : i32
    %dma_wait3A_719 = arith.constant 2 : i32
    %dma_wait3A_720 = arith.constant 1 : i32
    %dma_wait3A_721 = arith.constant 0 : i32
    %dma_wait3A_722 = arith.constant 0 : i32
    %dma_wait3A_723 = tpu.memref_slice %arg6[%dma_wait3A_718, %dma_wait3A_721, %dma_wait3A_722] : memref<3x128x128xf32, #tpu.memory_space<vmem>> -> memref<1x128x128xf32, #tpu.memory_space<vmem>>
    %dma_wait3A_724 = tpu.memref_squeeze %dma_wait3A_723 : memref<1x128x128xf32, #tpu.memory_space<vmem>> -> memref<128x128xf32, #tpu.memory_space<vmem>>
    %dma_wait3A_725 = arith.constant 0 : i32
    %dma_wait3A_726 = tpu.memref_slice %arg5[%dma_wait3A_719, %dma_wait3A_720, %dma_wait3A_725] : memref<3x2x128xi32, #tpu.memory_space<vmem>> -> memref<1x1x128xi32, #tpu.memory_space<vmem>>
    %dma_wait3A_727 = tpu.memref_squeeze %dma_wait3A_726 : memref<1x1x128xi32, #tpu.memory_space<vmem>> -> memref<128xi32, #tpu.memory_space<vmem>>
    %dma_wait3A_728 = arith.constant 0 : i32
    %dma_wait3A_729 = arith.constant 0 : i32
    %dma_wait3A_730 = tpu.memref_slice %arg16[%dma_wait3A_728, %dma_wait3A_729] : memref<10112x128xf32, #tpu.memory_space<vmem_shared>> -> memref<10112x128xf32, #tpu.memory_space<vmem_shared>>
    tpu.wait_indirect_dma semaphore(%arg15 : memref<!tpu.dma_semaphore, #tpu.memory_space<semaphore_mem>>) src(%dma_wait3A_724 : memref<128x128xf32, #tpu.memory_space<vmem>>) dst(%dma_wait3A_730 : memref<10112x128xf32, #tpu.memory_space<vmem_shared>>)
    %dma_wait3A_731 = arith.constant 0 : i32
    %dma_wait3A_732 = arith.constant 0 : i32
    %dma_wait3A_733 = arith.constant 1 : i32
    %dma_wait3A_734 = arith.constant 0 : i32
    %dma_wait3A_735 = arith.constant 0 : i32
    %dma_wait3A_736 = tpu.memref_slice %arg6[%dma_wait3A_731, %dma_wait3A_734, %dma_wait3A_735] : memref<3x128x128xf32, #tpu.memory_space<vmem>> -> memref<1x128x128xf32, #tpu.memory_space<vmem>>
    %dma_wait3A_737 = tpu.memref_squeeze %dma_wait3A_736 : memref<1x128x128xf32, #tpu.memory_space<vmem>> -> memref<128x128xf32, #tpu.memory_space<vmem>>
    %dma_wait3A_738 = arith.constant 0 : i32
    %dma_wait3A_739 = tpu.memref_slice %arg5[%dma_wait3A_732, %dma_wait3A_733, %dma_wait3A_738] : memref<3x2x128xi32, #tpu.memory_space<vmem>> -> memref<1x1x128xi32, #tpu.memory_space<vmem>>
    %dma_wait3A_740 = tpu.memref_squeeze %dma_wait3A_739 : memref<1x1x128xi32, #tpu.memory_space<vmem>> -> memref<128xi32, #tpu.memory_space<vmem>>
    %dma_wait3A_741 = arith.constant 0 : i32
    %dma_wait3A_742 = arith.constant 0 : i32
    %dma_wait3A_743 = tpu.memref_slice %arg16[%dma_wait3A_741, %dma_wait3A_742] : memref<10112x128xf32, #tpu.memory_space<vmem_shared>> -> memref<10112x128xf32, #tpu.memory_space<vmem_shared>>
    tpu.wait_indirect_dma semaphore(%arg13 : memref<!tpu.dma_semaphore, #tpu.memory_space<semaphore_mem>>) src(%dma_wait3A_737 : memref<128x128xf32, #tpu.memory_space<vmem>>) dst(%dma_wait3A_743 : memref<10112x128xf32, #tpu.memory_space<vmem_shared>>)
    %dma_wait3A_744 = arith.constant 1 : i32
    %dma_wait3A_745 = arith.constant 1 : i32
    %dma_wait3A_746 = arith.constant 1 : i32
    %dma_wait3A_747 = arith.constant 0 : i32
    %dma_wait3A_748 = arith.constant 0 : i32
    %dma_wait3A_749 = tpu.memref_slice %arg6[%dma_wait3A_744, %dma_wait3A_747, %dma_wait3A_748] : memref<3x128x128xf32, #tpu.memory_space<vmem>> -> memref<1x128x128xf32, #tpu.memory_space<vmem>>
    %dma_wait3A_750 = tpu.memref_squeeze %dma_wait3A_749 : memref<1x128x128xf32, #tpu.memory_space<vmem>> -> memref<128x128xf32, #tpu.memory_space<vmem>>
    %dma_wait3A_751 = arith.constant 0 : i32
    %dma_wait3A_752 = tpu.memref_slice %arg5[%dma_wait3A_745, %dma_wait3A_746, %dma_wait3A_751] : memref<3x2x128xi32, #tpu.memory_space<vmem>> -> memref<1x1x128xi32, #tpu.memory_space<vmem>>
    %dma_wait3A_753 = tpu.memref_squeeze %dma_wait3A_752 : memref<1x1x128xi32, #tpu.memory_space<vmem>> -> memref<128xi32, #tpu.memory_space<vmem>>
    %dma_wait3A_754 = arith.constant 0 : i32
    %dma_wait3A_755 = arith.constant 0 : i32
    %dma_wait3A_756 = tpu.memref_slice %arg16[%dma_wait3A_754, %dma_wait3A_755] : memref<10112x128xf32, #tpu.memory_space<vmem_shared>> -> memref<10112x128xf32, #tpu.memory_space<vmem_shared>>
    tpu.wait_indirect_dma semaphore(%arg14 : memref<!tpu.dma_semaphore, #tpu.memory_space<semaphore_mem>>) src(%dma_wait3A_750 : memref<128x128xf32, #tpu.memory_space<vmem>>) dst(%dma_wait3A_756 : memref<10112x128xf32, #tpu.memory_space<vmem_shared>>)
    %barrier3A_757 = arith.constant 0 : index
    tpu.barrier barrier_id(%barrier3A_757)
    %mul3A_758 = arith.constant 632 : i32
    %mul3A_759 = arith.muli %arg1, %mul3A_758 : i32
    %mul3A_760 = arith.constant 632 : i32
    %mul3A_761 = arith.muli %arg1, %mul3A_760 : i32
    "tpu.region"() ({
      %run_scoped3A_762 = tpu.sem_alloc : memref<!tpu.dma_semaphore, #tpu.memory_space<semaphore_mem>>
      %dma_start3A_763 = arith.constant 0 : i32
      %dma_start3A_764 = tpu.memref_slice %arg4[%arg0, %mul3A_761, %dma_start3A_763] : memref<2x10112x128xf32, #tpu.memory_space<hbm>> -> memref<1x632x128xf32, #tpu.memory_space<hbm>>
      %dma_start3A_765 = tpu.memref_squeeze %dma_start3A_764 : memref<1x632x128xf32, #tpu.memory_space<hbm>> -> memref<632x128xf32, #tpu.memory_space<hbm>>
      %dma_start3A_766 = arith.constant 0 : i32
      %dma_start3A_767 = tpu.memref_slice %arg16[%mul3A_759, %dma_start3A_766] : memref<10112x128xf32, #tpu.memory_space<vmem_shared>> -> memref<632x128xf32, #tpu.memory_space<vmem_shared>>
      tpu.enqueue_dma source(%dma_start3A_767 : memref<632x128xf32, #tpu.memory_space<vmem_shared>>) target(%dma_start3A_765 : memref<632x128xf32, #tpu.memory_space<hbm>>) target_semaphore(%run_scoped3A_762 : memref<!tpu.dma_semaphore, #tpu.memory_space<semaphore_mem>>)
      %dma_wait3A_768 = arith.constant 0 : i32
      %dma_wait3A_769 = tpu.memref_slice %arg4[%arg0, %mul3A_761, %dma_wait3A_768] : memref<2x10112x128xf32, #tpu.memory_space<hbm>> -> memref<1x632x128xf32, #tpu.memory_space<hbm>>
      %dma_wait3A_770 = tpu.memref_squeeze %dma_wait3A_769 : memref<1x632x128xf32, #tpu.memory_space<hbm>> -> memref<632x128xf32, #tpu.memory_space<hbm>>
      %dma_wait3A_771 = arith.constant 0 : i32
      %dma_wait3A_772 = tpu.memref_slice %arg16[%mul3A_759, %dma_wait3A_771] : memref<10112x128xf32, #tpu.memory_space<vmem_shared>> -> memref<632x128xf32, #tpu.memory_space<vmem_shared>>
      tpu.wait_dma2 semaphore(%run_scoped3A_762 : memref<!tpu.dma_semaphore, #tpu.memory_space<semaphore_mem>>) src(%dma_wait3A_772 : memref<632x128xf32, #tpu.memory_space<vmem_shared>>) dst(%dma_wait3A_770 : memref<632x128xf32, #tpu.memory_space<hbm>>)
      tpu.yield
    }) : () -> ()
    return
  }
}

#map = affine_map<(d0, d1) -> (0, 0, 0)>
#map1 = affine_map<(d0, d1) -> (0, 0)>
module attributes {stable_mosaic.version = 14 : i64} {
  func.func @_deg_body(%arg0: i32, %arg1: i32, %arg2: memref<2560x2x128xi32, #tpu.memory_space<hbm>>, %arg3: memref<2x10112xf32, #tpu.memory_space<hbm>>, %arg4: memref<160x2x128xi32, #tpu.memory_space<vmem>>, %arg5: memref<128xf32, #tpu.memory_space<vmem>>, %arg6: memref<64xf32, #tpu.memory_space<vmem>>, %arg7: memref<!tpu.dma_semaphore, #tpu.memory_space<semaphore_mem>>, %arg8: memref<10112xf32, #tpu.memory_space<vmem_shared>>) attributes {dimension_semantics = [#tpu.dimension_semantics<core_parallel>, #tpu.dimension_semantics<subcore_parallel>], iteration_bounds = array<i64: 2, 16>, scalar_prefetch = 0 : i64, scratch_operands = 5 : i64, tpu.core_type = #tpu.core_type<sc_vector_subcore>, window_params = [{transform_indices = #map}, {transform_indices = #map1}]} {
    %broadcast_in_dim3A = arith.constant 0.000000e+00 : f32
    %broadcast_in_dim3A_0 = vector.broadcast %broadcast_in_dim3A : f32 to vector<16xf32>
    %broadcast_in_dim3A_1 = arith.constant 1.000000e+00 : f32
    %broadcast_in_dim3A_2 = vector.broadcast %broadcast_in_dim3A_1 : f32 to vector<16xf32>
    %swap3A = arith.constant 0 : index
    %swap3A_3 = tpu.vector_load %arg6[%swap3A] {strides = array<i32>} : memref<64xf32, #tpu.memory_space<vmem>>, vector<16xf32>,
    %swap3A_4 = vector.shape_cast %swap3A_3 : vector<16xf32> to vector<16xf32>
    %swap3A_5 = vector.shape_cast %broadcast_in_dim3A_0 : vector<16xf32> to vector<16xf32>
    tpu.vector_store %arg6[%swap3A], %swap3A_5 {strides = array<i32>} : memref<64xf32, #tpu.memory_space<vmem>>, vector<16xf32>,
    %swap3A_6 = arith.constant 16 : index
    %swap3A_7 = tpu.vector_load %arg6[%swap3A_6] {strides = array<i32>} : memref<64xf32, #tpu.memory_space<vmem>>, vector<16xf32>,
    %swap3A_8 = vector.shape_cast %swap3A_7 : vector<16xf32> to vector<16xf32>
    %swap3A_9 = vector.shape_cast %broadcast_in_dim3A_0 : vector<16xf32> to vector<16xf32>
    tpu.vector_store %arg6[%swap3A_6], %swap3A_9 {strides = array<i32>} : memref<64xf32, #tpu.memory_space<vmem>>, vector<16xf32>,
    %swap3A_10 = arith.constant 32 : index
    %swap3A_11 = tpu.vector_load %arg6[%swap3A_10] {strides = array<i32>} : memref<64xf32, #tpu.memory_space<vmem>>, vector<16xf32>,
    %swap3A_12 = vector.shape_cast %swap3A_11 : vector<16xf32> to vector<16xf32>
    %swap3A_13 = vector.shape_cast %broadcast_in_dim3A_0 : vector<16xf32> to vector<16xf32>
    tpu.vector_store %arg6[%swap3A_10], %swap3A_13 {strides = array<i32>} : memref<64xf32, #tpu.memory_space<vmem>>, vector<16xf32>,
    %swap3A_14 = arith.constant 48 : index
    %swap3A_15 = tpu.vector_load %arg6[%swap3A_14] {strides = array<i32>} : memref<64xf32, #tpu.memory_space<vmem>>, vector<16xf32>,
    %swap3A_16 = vector.shape_cast %swap3A_15 : vector<16xf32> to vector<16xf32>
    %swap3A_17 = vector.shape_cast %broadcast_in_dim3A_0 : vector<16xf32> to vector<16xf32>
    tpu.vector_store %arg6[%swap3A_14], %swap3A_17 {strides = array<i32>} : memref<64xf32, #tpu.memory_space<vmem>>, vector<16xf32>,
    %swap3A_18 = arith.constant 0 : index
    %swap3A_19 = tpu.vector_load %arg5[%swap3A_18] {strides = array<i32>} : memref<128xf32, #tpu.memory_space<vmem>>, vector<16xf32>,
    %swap3A_20 = vector.shape_cast %swap3A_19 : vector<16xf32> to vector<16xf32>
    %swap3A_21 = vector.shape_cast %broadcast_in_dim3A_2 : vector<16xf32> to vector<16xf32>
    tpu.vector_store %arg5[%swap3A_18], %swap3A_21 {strides = array<i32>} : memref<128xf32, #tpu.memory_space<vmem>>, vector<16xf32>,
    %swap3A_22 = arith.constant 16 : index
    %swap3A_23 = tpu.vector_load %arg5[%swap3A_22] {strides = array<i32>} : memref<128xf32, #tpu.memory_space<vmem>>, vector<16xf32>,
    %swap3A_24 = vector.shape_cast %swap3A_23 : vector<16xf32> to vector<16xf32>
    %swap3A_25 = vector.shape_cast %broadcast_in_dim3A_2 : vector<16xf32> to vector<16xf32>
    tpu.vector_store %arg5[%swap3A_22], %swap3A_25 {strides = array<i32>} : memref<128xf32, #tpu.memory_space<vmem>>, vector<16xf32>,
    %swap3A_26 = arith.constant 32 : index
    %swap3A_27 = tpu.vector_load %arg5[%swap3A_26] {strides = array<i32>} : memref<128xf32, #tpu.memory_space<vmem>>, vector<16xf32>,
    %swap3A_28 = vector.shape_cast %swap3A_27 : vector<16xf32> to vector<16xf32>
    %swap3A_29 = vector.shape_cast %broadcast_in_dim3A_2 : vector<16xf32> to vector<16xf32>
    tpu.vector_store %arg5[%swap3A_26], %swap3A_29 {strides = array<i32>} : memref<128xf32, #tpu.memory_space<vmem>>, vector<16xf32>,
    %swap3A_30 = arith.constant 48 : index
    %swap3A_31 = tpu.vector_load %arg5[%swap3A_30] {strides = array<i32>} : memref<128xf32, #tpu.memory_space<vmem>>, vector<16xf32>,
    %swap3A_32 = vector.shape_cast %swap3A_31 : vector<16xf32> to vector<16xf32>
    %swap3A_33 = vector.shape_cast %broadcast_in_dim3A_2 : vector<16xf32> to vector<16xf32>
    tpu.vector_store %arg5[%swap3A_30], %swap3A_33 {strides = array<i32>} : memref<128xf32, #tpu.memory_space<vmem>>, vector<16xf32>,
    %swap3A_34 = arith.constant 64 : index
    %swap3A_35 = tpu.vector_load %arg5[%swap3A_34] {strides = array<i32>} : memref<128xf32, #tpu.memory_space<vmem>>, vector<16xf32>,
    %swap3A_36 = vector.shape_cast %swap3A_35 : vector<16xf32> to vector<16xf32>
    %swap3A_37 = vector.shape_cast %broadcast_in_dim3A_2 : vector<16xf32> to vector<16xf32>
    tpu.vector_store %arg5[%swap3A_34], %swap3A_37 {strides = array<i32>} : memref<128xf32, #tpu.memory_space<vmem>>, vector<16xf32>,
    %swap3A_38 = arith.constant 80 : index
    %swap3A_39 = tpu.vector_load %arg5[%swap3A_38] {strides = array<i32>} : memref<128xf32, #tpu.memory_space<vmem>>, vector<16xf32>,
    %swap3A_40 = vector.shape_cast %swap3A_39 : vector<16xf32> to vector<16xf32>
    %swap3A_41 = vector.shape_cast %broadcast_in_dim3A_2 : vector<16xf32> to vector<16xf32>
    tpu.vector_store %arg5[%swap3A_38], %swap3A_41 {strides = array<i32>} : memref<128xf32, #tpu.memory_space<vmem>>, vector<16xf32>,
    %swap3A_42 = arith.constant 96 : index
    %swap3A_43 = tpu.vector_load %arg5[%swap3A_42] {strides = array<i32>} : memref<128xf32, #tpu.memory_space<vmem>>, vector<16xf32>,
    %swap3A_44 = vector.shape_cast %swap3A_43 : vector<16xf32> to vector<16xf32>
    %swap3A_45 = vector.shape_cast %broadcast_in_dim3A_2 : vector<16xf32> to vector<16xf32>
    tpu.vector_store %arg5[%swap3A_42], %swap3A_45 {strides = array<i32>} : memref<128xf32, #tpu.memory_space<vmem>>, vector<16xf32>,
    %swap3A_46 = arith.constant 112 : index
    %swap3A_47 = tpu.vector_load %arg5[%swap3A_46] {strides = array<i32>} : memref<128xf32, #tpu.memory_space<vmem>>, vector<16xf32>,
    %swap3A_48 = vector.shape_cast %swap3A_47 : vector<16xf32> to vector<16xf32>
    %swap3A_49 = vector.shape_cast %broadcast_in_dim3A_2 : vector<16xf32> to vector<16xf32>
    tpu.vector_store %arg5[%swap3A_46], %swap3A_49 {strides = array<i32>} : memref<128xf32, #tpu.memory_space<vmem>>, vector<16xf32>,
    %mul3A = arith.constant 632 : i32
    %mul3A_50 = arith.muli %arg1, %mul3A : i32
    %add3A = arith.constant 0 : i32
    %add3A_51 = arith.addi %mul3A_50, %add3A : i32
    "tpu.region"() ({
      %run_scoped3A = tpu.sem_alloc : memref<!tpu.dma_semaphore, #tpu.memory_space<semaphore_mem>>
      %dma_start3A = tpu.memref_slice %arg8[%add3A_51] : memref<10112xf32, #tpu.memory_space<vmem_shared>> -> memref<64xf32, #tpu.memory_space<vmem_shared>>
      %dma_start3A_100 = tpu.memref_slice %arg8[%add3A_51] : memref<10112xf32, #tpu.memory_space<vmem_shared>> -> memref<64xf32, #tpu.memory_space<vmem_shared>>
      tpu.enqueue_dma source(%arg6 : memref<64xf32, #tpu.memory_space<vmem>>) target(%dma_start3A_100 : memref<64xf32, #tpu.memory_space<vmem_shared>>) target_semaphore(%run_scoped3A : memref<!tpu.dma_semaphore, #tpu.memory_space<semaphore_mem>>)
      %dma_wait3A = tpu.memref_slice %arg8[%add3A_51] : memref<10112xf32, #tpu.memory_space<vmem_shared>> -> memref<64xf32, #tpu.memory_space<vmem_shared>>
      %dma_wait3A_101 = tpu.memref_slice %arg8[%add3A_51] : memref<10112xf32, #tpu.memory_space<vmem_shared>> -> memref<64xf32, #tpu.memory_space<vmem_shared>>
      tpu.wait_dma2 semaphore(%run_scoped3A : memref<!tpu.dma_semaphore, #tpu.memory_space<semaphore_mem>>) src(%arg6 : memref<64xf32, #tpu.memory_space<vmem>>) dst(%dma_wait3A_101 : memref<64xf32, #tpu.memory_space<vmem_shared>>)
      tpu.yield
    }) : () -> ()
    %mul3A_52 = arith.constant 632 : i32
    %mul3A_53 = arith.muli %arg1, %mul3A_52 : i32
    %add3A_54 = arith.constant 64 : i32
    %add3A_55 = arith.addi %mul3A_53, %add3A_54 : i32
    "tpu.region"() ({
      %run_scoped3A = tpu.sem_alloc : memref<!tpu.dma_semaphore, #tpu.memory_space<semaphore_mem>>
      %dma_start3A = tpu.memref_slice %arg8[%add3A_55] : memref<10112xf32, #tpu.memory_space<vmem_shared>> -> memref<64xf32, #tpu.memory_space<vmem_shared>>
      %dma_start3A_100 = tpu.memref_slice %arg8[%add3A_55] : memref<10112xf32, #tpu.memory_space<vmem_shared>> -> memref<64xf32, #tpu.memory_space<vmem_shared>>
      tpu.enqueue_dma source(%arg6 : memref<64xf32, #tpu.memory_space<vmem>>) target(%dma_start3A_100 : memref<64xf32, #tpu.memory_space<vmem_shared>>) target_semaphore(%run_scoped3A : memref<!tpu.dma_semaphore, #tpu.memory_space<semaphore_mem>>)
      %dma_wait3A = tpu.memref_slice %arg8[%add3A_55] : memref<10112xf32, #tpu.memory_space<vmem_shared>> -> memref<64xf32, #tpu.memory_space<vmem_shared>>
      %dma_wait3A_101 = tpu.memref_slice %arg8[%add3A_55] : memref<10112xf32, #tpu.memory_space<vmem_shared>> -> memref<64xf32, #tpu.memory_space<vmem_shared>>
      tpu.wait_dma2 semaphore(%run_scoped3A : memref<!tpu.dma_semaphore, #tpu.memory_space<semaphore_mem>>) src(%arg6 : memref<64xf32, #tpu.memory_space<vmem>>) dst(%dma_wait3A_101 : memref<64xf32, #tpu.memory_space<vmem_shared>>)
      tpu.yield
    }) : () -> ()
    %mul3A_56 = arith.constant 632 : i32
    %mul3A_57 = arith.muli %arg1, %mul3A_56 : i32
    %add3A_58 = arith.constant 128 : i32
    %add3A_59 = arith.addi %mul3A_57, %add3A_58 : i32
    "tpu.region"() ({
      %run_scoped3A = tpu.sem_alloc : memref<!tpu.dma_semaphore, #tpu.memory_space<semaphore_mem>>
      %dma_start3A = tpu.memref_slice %arg8[%add3A_59] : memref<10112xf32, #tpu.memory_space<vmem_shared>> -> memref<64xf32, #tpu.memory_space<vmem_shared>>
      %dma_start3A_100 = tpu.memref_slice %arg8[%add3A_59] : memref<10112xf32, #tpu.memory_space<vmem_shared>> -> memref<64xf32, #tpu.memory_space<vmem_shared>>
      tpu.enqueue_dma source(%arg6 : memref<64xf32, #tpu.memory_space<vmem>>) target(%dma_start3A_100 : memref<64xf32, #tpu.memory_space<vmem_shared>>) target_semaphore(%run_scoped3A : memref<!tpu.dma_semaphore, #tpu.memory_space<semaphore_mem>>)
      %dma_wait3A = tpu.memref_slice %arg8[%add3A_59] : memref<10112xf32, #tpu.memory_space<vmem_shared>> -> memref<64xf32, #tpu.memory_space<vmem_shared>>
      %dma_wait3A_101 = tpu.memref_slice %arg8[%add3A_59] : memref<10112xf32, #tpu.memory_space<vmem_shared>> -> memref<64xf32, #tpu.memory_space<vmem_shared>>
      tpu.wait_dma2 semaphore(%run_scoped3A : memref<!tpu.dma_semaphore, #tpu.memory_space<semaphore_mem>>) src(%arg6 : memref<64xf32, #tpu.memory_space<vmem>>) dst(%dma_wait3A_101 : memref<64xf32, #tpu.memory_space<vmem_shared>>)
      tpu.yield
    }) : () -> ()
    %mul3A_60 = arith.constant 632 : i32
    %mul3A_61 = arith.muli %arg1, %mul3A_60 : i32
    %add3A_62 = arith.constant 192 : i32
    %add3A_63 = arith.addi %mul3A_61, %add3A_62 : i32
    "tpu.region"() ({
      %run_scoped3A = tpu.sem_alloc : memref<!tpu.dma_semaphore, #tpu.memory_space<semaphore_mem>>
      %dma_start3A = tpu.memref_slice %arg8[%add3A_63] : memref<10112xf32, #tpu.memory_space<vmem_shared>> -> memref<64xf32, #tpu.memory_space<vmem_shared>>
      %dma_start3A_100 = tpu.memref_slice %arg8[%add3A_63] : memref<10112xf32, #tpu.memory_space<vmem_shared>> -> memref<64xf32, #tpu.memory_space<vmem_shared>>
      tpu.enqueue_dma source(%arg6 : memref<64xf32, #tpu.memory_space<vmem>>) target(%dma_start3A_100 : memref<64xf32, #tpu.memory_space<vmem_shared>>) target_semaphore(%run_scoped3A : memref<!tpu.dma_semaphore, #tpu.memory_space<semaphore_mem>>)
      %dma_wait3A = tpu.memref_slice %arg8[%add3A_63] : memref<10112xf32, #tpu.memory_space<vmem_shared>> -> memref<64xf32, #tpu.memory_space<vmem_shared>>
      %dma_wait3A_101 = tpu.memref_slice %arg8[%add3A_63] : memref<10112xf32, #tpu.memory_space<vmem_shared>> -> memref<64xf32, #tpu.memory_space<vmem_shared>>
      tpu.wait_dma2 semaphore(%run_scoped3A : memref<!tpu.dma_semaphore, #tpu.memory_space<semaphore_mem>>) src(%arg6 : memref<64xf32, #tpu.memory_space<vmem>>) dst(%dma_wait3A_101 : memref<64xf32, #tpu.memory_space<vmem_shared>>)
      tpu.yield
    }) : () -> ()
    %mul3A_64 = arith.constant 632 : i32
    %mul3A_65 = arith.muli %arg1, %mul3A_64 : i32
    %add3A_66 = arith.constant 256 : i32
    %add3A_67 = arith.addi %mul3A_65, %add3A_66 : i32
    "tpu.region"() ({
      %run_scoped3A = tpu.sem_alloc : memref<!tpu.dma_semaphore, #tpu.memory_space<semaphore_mem>>
      %dma_start3A = tpu.memref_slice %arg8[%add3A_67] : memref<10112xf32, #tpu.memory_space<vmem_shared>> -> memref<64xf32, #tpu.memory_space<vmem_shared>>
      %dma_start3A_100 = tpu.memref_slice %arg8[%add3A_67] : memref<10112xf32, #tpu.memory_space<vmem_shared>> -> memref<64xf32, #tpu.memory_space<vmem_shared>>
      tpu.enqueue_dma source(%arg6 : memref<64xf32, #tpu.memory_space<vmem>>) target(%dma_start3A_100 : memref<64xf32, #tpu.memory_space<vmem_shared>>) target_semaphore(%run_scoped3A : memref<!tpu.dma_semaphore, #tpu.memory_space<semaphore_mem>>)
      %dma_wait3A = tpu.memref_slice %arg8[%add3A_67] : memref<10112xf32, #tpu.memory_space<vmem_shared>> -> memref<64xf32, #tpu.memory_space<vmem_shared>>
      %dma_wait3A_101 = tpu.memref_slice %arg8[%add3A_67] : memref<10112xf32, #tpu.memory_space<vmem_shared>> -> memref<64xf32, #tpu.memory_space<vmem_shared>>
      tpu.wait_dma2 semaphore(%run_scoped3A : memref<!tpu.dma_semaphore, #tpu.memory_space<semaphore_mem>>) src(%arg6 : memref<64xf32, #tpu.memory_space<vmem>>) dst(%dma_wait3A_101 : memref<64xf32, #tpu.memory_space<vmem_shared>>)
      tpu.yield
    }) : () -> ()
    %mul3A_68 = arith.constant 632 : i32
    %mul3A_69 = arith.muli %arg1, %mul3A_68 : i32
    %add3A_70 = arith.constant 320 : i32
    %add3A_71 = arith.addi %mul3A_69, %add3A_70 : i32
    "tpu.region"() ({
      %run_scoped3A = tpu.sem_alloc : memref<!tpu.dma_semaphore, #tpu.memory_space<semaphore_mem>>
      %dma_start3A = tpu.memref_slice %arg8[%add3A_71] : memref<10112xf32, #tpu.memory_space<vmem_shared>> -> memref<64xf32, #tpu.memory_space<vmem_shared>>
      %dma_start3A_100 = tpu.memref_slice %arg8[%add3A_71] : memref<10112xf32, #tpu.memory_space<vmem_shared>> -> memref<64xf32, #tpu.memory_space<vmem_shared>>
      tpu.enqueue_dma source(%arg6 : memref<64xf32, #tpu.memory_space<vmem>>) target(%dma_start3A_100 : memref<64xf32, #tpu.memory_space<vmem_shared>>) target_semaphore(%run_scoped3A : memref<!tpu.dma_semaphore, #tpu.memory_space<semaphore_mem>>)
      %dma_wait3A = tpu.memref_slice %arg8[%add3A_71] : memref<10112xf32, #tpu.memory_space<vmem_shared>> -> memref<64xf32, #tpu.memory_space<vmem_shared>>
      %dma_wait3A_101 = tpu.memref_slice %arg8[%add3A_71] : memref<10112xf32, #tpu.memory_space<vmem_shared>> -> memref<64xf32, #tpu.memory_space<vmem_shared>>
      tpu.wait_dma2 semaphore(%run_scoped3A : memref<!tpu.dma_semaphore, #tpu.memory_space<semaphore_mem>>) src(%arg6 : memref<64xf32, #tpu.memory_space<vmem>>) dst(%dma_wait3A_101 : memref<64xf32, #tpu.memory_space<vmem_shared>>)
      tpu.yield
    }) : () -> ()
    %mul3A_72 = arith.constant 632 : i32
    %mul3A_73 = arith.muli %arg1, %mul3A_72 : i32
    %add3A_74 = arith.constant 384 : i32
    %add3A_75 = arith.addi %mul3A_73, %add3A_74 : i32
    "tpu.region"() ({
      %run_scoped3A = tpu.sem_alloc : memref<!tpu.dma_semaphore, #tpu.memory_space<semaphore_mem>>
      %dma_start3A = tpu.memref_slice %arg8[%add3A_75] : memref<10112xf32, #tpu.memory_space<vmem_shared>> -> memref<64xf32, #tpu.memory_space<vmem_shared>>
      %dma_start3A_100 = tpu.memref_slice %arg8[%add3A_75] : memref<10112xf32, #tpu.memory_space<vmem_shared>> -> memref<64xf32, #tpu.memory_space<vmem_shared>>
      tpu.enqueue_dma source(%arg6 : memref<64xf32, #tpu.memory_space<vmem>>) target(%dma_start3A_100 : memref<64xf32, #tpu.memory_space<vmem_shared>>) target_semaphore(%run_scoped3A : memref<!tpu.dma_semaphore, #tpu.memory_space<semaphore_mem>>)
      %dma_wait3A = tpu.memref_slice %arg8[%add3A_75] : memref<10112xf32, #tpu.memory_space<vmem_shared>> -> memref<64xf32, #tpu.memory_space<vmem_shared>>
      %dma_wait3A_101 = tpu.memref_slice %arg8[%add3A_75] : memref<10112xf32, #tpu.memory_space<vmem_shared>> -> memref<64xf32, #tpu.memory_space<vmem_shared>>
      tpu.wait_dma2 semaphore(%run_scoped3A : memref<!tpu.dma_semaphore, #tpu.memory_space<semaphore_mem>>) src(%arg6 : memref<64xf32, #tpu.memory_space<vmem>>) dst(%dma_wait3A_101 : memref<64xf32, #tpu.memory_space<vmem_shared>>)
      tpu.yield
    }) : () -> ()
    %mul3A_76 = arith.constant 632 : i32
    %mul3A_77 = arith.muli %arg1, %mul3A_76 : i32
    %add3A_78 = arith.constant 448 : i32
    %add3A_79 = arith.addi %mul3A_77, %add3A_78 : i32
    "tpu.region"() ({
      %run_scoped3A = tpu.sem_alloc : memref<!tpu.dma_semaphore, #tpu.memory_space<semaphore_mem>>
      %dma_start3A = tpu.memref_slice %arg8[%add3A_79] : memref<10112xf32, #tpu.memory_space<vmem_shared>> -> memref<64xf32, #tpu.memory_space<vmem_shared>>
      %dma_start3A_100 = tpu.memref_slice %arg8[%add3A_79] : memref<10112xf32, #tpu.memory_space<vmem_shared>> -> memref<64xf32, #tpu.memory_space<vmem_shared>>
      tpu.enqueue_dma source(%arg6 : memref<64xf32, #tpu.memory_space<vmem>>) target(%dma_start3A_100 : memref<64xf32, #tpu.memory_space<vmem_shared>>) target_semaphore(%run_scoped3A : memref<!tpu.dma_semaphore, #tpu.memory_space<semaphore_mem>>)
      %dma_wait3A = tpu.memref_slice %arg8[%add3A_79] : memref<10112xf32, #tpu.memory_space<vmem_shared>> -> memref<64xf32, #tpu.memory_space<vmem_shared>>
      %dma_wait3A_101 = tpu.memref_slice %arg8[%add3A_79] : memref<10112xf32, #tpu.memory_space<vmem_shared>> -> memref<64xf32, #tpu.memory_space<vmem_shared>>
      tpu.wait_dma2 semaphore(%run_scoped3A : memref<!tpu.dma_semaphore, #tpu.memory_space<semaphore_mem>>) src(%arg6 : memref<64xf32, #tpu.memory_space<vmem>>) dst(%dma_wait3A_101 : memref<64xf32, #tpu.memory_space<vmem_shared>>)
      tpu.yield
    }) : () -> ()
    %mul3A_80 = arith.constant 632 : i32
    %mul3A_81 = arith.muli %arg1, %mul3A_80 : i32
    %add3A_82 = arith.constant 512 : i32
    %add3A_83 = arith.addi %mul3A_81, %add3A_82 : i32
    "tpu.region"() ({
      %run_scoped3A = tpu.sem_alloc : memref<!tpu.dma_semaphore, #tpu.memory_space<semaphore_mem>>
      %dma_start3A = tpu.memref_slice %arg8[%add3A_83] : memref<10112xf32, #tpu.memory_space<vmem_shared>> -> memref<64xf32, #tpu.memory_space<vmem_shared>>
      %dma_start3A_100 = tpu.memref_slice %arg8[%add3A_83] : memref<10112xf32, #tpu.memory_space<vmem_shared>> -> memref<64xf32, #tpu.memory_space<vmem_shared>>
      tpu.enqueue_dma source(%arg6 : memref<64xf32, #tpu.memory_space<vmem>>) target(%dma_start3A_100 : memref<64xf32, #tpu.memory_space<vmem_shared>>) target_semaphore(%run_scoped3A : memref<!tpu.dma_semaphore, #tpu.memory_space<semaphore_mem>>)
      %dma_wait3A = tpu.memref_slice %arg8[%add3A_83] : memref<10112xf32, #tpu.memory_space<vmem_shared>> -> memref<64xf32, #tpu.memory_space<vmem_shared>>
      %dma_wait3A_101 = tpu.memref_slice %arg8[%add3A_83] : memref<10112xf32, #tpu.memory_space<vmem_shared>> -> memref<64xf32, #tpu.memory_space<vmem_shared>>
      tpu.wait_dma2 semaphore(%run_scoped3A : memref<!tpu.dma_semaphore, #tpu.memory_space<semaphore_mem>>) src(%arg6 : memref<64xf32, #tpu.memory_space<vmem>>) dst(%dma_wait3A_101 : memref<64xf32, #tpu.memory_space<vmem_shared>>)
      tpu.yield
    }) : () -> ()
    %mul3A_84 = arith.constant 632 : i32
    %mul3A_85 = arith.muli %arg1, %mul3A_84 : i32
    %add3A_86 = arith.constant 576 : i32
    %add3A_87 = arith.addi %mul3A_85, %add3A_86 : i32
    "tpu.region"() ({
      %run_scoped3A = tpu.sem_alloc : memref<!tpu.dma_semaphore, #tpu.memory_space<semaphore_mem>>
      %dma_start3A = arith.constant 0 : i32
      %dma_start3A_100 = tpu.memref_slice %arg6[%dma_start3A] : memref<64xf32, #tpu.memory_space<vmem>> -> memref<56xf32, #tpu.memory_space<vmem>>
      %dma_start3A_101 = tpu.memref_slice %arg8[%add3A_87] : memref<10112xf32, #tpu.memory_space<vmem_shared>> -> memref<56xf32, #tpu.memory_space<vmem_shared>>
      %dma_start3A_102 = tpu.memref_slice %arg8[%add3A_87] : memref<10112xf32, #tpu.memory_space<vmem_shared>> -> memref<56xf32, #tpu.memory_space<vmem_shared>>
      %dma_start3A_103 = arith.constant 0 : i32
      %dma_start3A_104 = tpu.memref_slice %arg6[%dma_start3A_103] : memref<64xf32, #tpu.memory_space<vmem>> -> memref<56xf32, #tpu.memory_space<vmem>>
      tpu.enqueue_dma source(%dma_start3A_104 : memref<56xf32, #tpu.memory_space<vmem>>) target(%dma_start3A_102 : memref<56xf32, #tpu.memory_space<vmem_shared>>) target_semaphore(%run_scoped3A : memref<!tpu.dma_semaphore, #tpu.memory_space<semaphore_mem>>)
      %dma_wait3A = arith.constant 0 : i32
      %dma_wait3A_105 = tpu.memref_slice %arg6[%dma_wait3A] : memref<64xf32, #tpu.memory_space<vmem>> -> memref<56xf32, #tpu.memory_space<vmem>>
      %dma_wait3A_106 = tpu.memref_slice %arg8[%add3A_87] : memref<10112xf32, #tpu.memory_space<vmem_shared>> -> memref<56xf32, #tpu.memory_space<vmem_shared>>
      %dma_wait3A_107 = tpu.memref_slice %arg8[%add3A_87] : memref<10112xf32, #tpu.memory_space<vmem_shared>> -> memref<56xf32, #tpu.memory_space<vmem_shared>>
      %dma_wait3A_108 = arith.constant 0 : i32
      %dma_wait3A_109 = tpu.memref_slice %arg6[%dma_wait3A_108] : memref<64xf32, #tpu.memory_space<vmem>> -> memref<56xf32, #tpu.memory_space<vmem>>
      tpu.wait_dma2 semaphore(%run_scoped3A : memref<!tpu.dma_semaphore, #tpu.memory_space<semaphore_mem>>) src(%dma_wait3A_109 : memref<56xf32, #tpu.memory_space<vmem>>) dst(%dma_wait3A_107 : memref<56xf32, #tpu.memory_space<vmem_shared>>)
      tpu.yield
    }) : () -> ()
    %barrier3A = arith.constant 0 : index
    tpu.barrier barrier_id(%barrier3A)
    %mul3A_88 = arith.constant 160 : i32
    %mul3A_89 = arith.muli %arg1, %mul3A_88 : i32
    "tpu.region"() ({
      %run_scoped3A = tpu.sem_alloc : memref<!tpu.dma_semaphore, #tpu.memory_space<semaphore_mem>>
      %dma_start3A = arith.constant 0 : i32
      %dma_start3A_100 = arith.constant 0 : i32
      %dma_start3A_101 = tpu.memref_slice %arg2[%mul3A_89, %dma_start3A, %dma_start3A_100] : memref<2560x2x128xi32, #tpu.memory_space<hbm>> -> memref<160x2x128xi32, #tpu.memory_space<hbm>>
      %dma_start3A_102 = arith.constant 0 : i32
      %dma_start3A_103 = arith.constant 0 : i32
      %dma_start3A_104 = tpu.memref_slice %arg2[%mul3A_89, %dma_start3A_102, %dma_start3A_103] : memref<2560x2x128xi32, #tpu.memory_space<hbm>> -> memref<160x2x128xi32, #tpu.memory_space<hbm>>
      tpu.enqueue_dma source(%dma_start3A_104 : memref<160x2x128xi32, #tpu.memory_space<hbm>>) target(%arg4 : memref<160x2x128xi32, #tpu.memory_space<vmem>>) target_semaphore(%run_scoped3A : memref<!tpu.dma_semaphore, #tpu.memory_space<semaphore_mem>>)
      %dma_wait3A = arith.constant 0 : i32
      %dma_wait3A_105 = arith.constant 0 : i32
      %dma_wait3A_106 = tpu.memref_slice %arg2[%mul3A_89, %dma_wait3A, %dma_wait3A_105] : memref<2560x2x128xi32, #tpu.memory_space<hbm>> -> memref<160x2x128xi32, #tpu.memory_space<hbm>>
      %dma_wait3A_107 = arith.constant 0 : i32
      %dma_wait3A_108 = arith.constant 0 : i32
      %dma_wait3A_109 = tpu.memref_slice %arg2[%mul3A_89, %dma_wait3A_107, %dma_wait3A_108] : memref<2560x2x128xi32, #tpu.memory_space<hbm>> -> memref<160x2x128xi32, #tpu.memory_space<hbm>>
      tpu.wait_dma2 semaphore(%run_scoped3A : memref<!tpu.dma_semaphore, #tpu.memory_space<semaphore_mem>>) src(%dma_wait3A_109 : memref<160x2x128xi32, #tpu.memory_space<hbm>>) dst(%arg4 : memref<160x2x128xi32, #tpu.memory_space<vmem>>)
      tpu.yield
    }) : () -> ()
    %scan3A = arith.constant 0 : i32
    %scan3A_90 = arith.constant 0 : i32
    %scan3A_91 = arith.constant 10 : i32
    %scan3A_92 = arith.addi %scan3A_90, %scan3A_91 : i32
    %scan3A_93 = arith.constant 1 : i32
    scf.for %scan3A_100 = %scan3A_90 to %scan3A_92 step %scan3A_93  : i32 {
      %mul3A_101 = arith.constant 16 : i32
      %mul3A_102 = arith.muli %scan3A_100, %mul3A_101 : i32
      %add3A_103 = arith.constant 0 : i32
      %add3A_104 = arith.addi %mul3A_102, %add3A_103 : i32
      %dma_start3A = arith.constant 0 : i32
      %dma_start3A_105 = tpu.memref_slice %arg4[%add3A_104, %arg0, %dma_start3A] : memref<160x2x128xi32, #tpu.memory_space<vmem>> -> memref<1x1x128xi32, #tpu.memory_space<vmem>>
      %dma_start3A_106 = tpu.memref_squeeze %dma_start3A_105 : memref<1x1x128xi32, #tpu.memory_space<vmem>> -> memref<128xi32, #tpu.memory_space<vmem>>
      %dma_start3A_107 = arith.constant 0 : i32
      %dma_start3A_108 = tpu.memref_slice %arg8[%dma_start3A_107] : memref<10112xf32, #tpu.memory_space<vmem_shared>> -> memref<10112xf32, #tpu.memory_space<vmem_shared>>
      tpu.enqueue_indirect_dma source(%arg5 : memref<128xf32, #tpu.memory_space<vmem>>) target(%dma_start3A_108 : memref<10112xf32, #tpu.memory_space<vmem_shared>>) offsets(%dma_start3A_106 : memref<128xi32, #tpu.memory_space<vmem>>) semaphore(%arg7 : memref<!tpu.dma_semaphore, #tpu.memory_space<semaphore_mem>>) {add = true}
      %mul3A_109 = arith.constant 16 : i32
      %mul3A_110 = arith.muli %scan3A_100, %mul3A_109 : i32
      %add3A_111 = arith.constant 1 : i32
      %add3A_112 = arith.addi %mul3A_110, %add3A_111 : i32
      %dma_start3A_113 = arith.constant 0 : i32
      %dma_start3A_114 = tpu.memref_slice %arg4[%add3A_112, %arg0, %dma_start3A_113] : memref<160x2x128xi32, #tpu.memory_space<vmem>> -> memref<1x1x128xi32, #tpu.memory_space<vmem>>
      %dma_start3A_115 = tpu.memref_squeeze %dma_start3A_114 : memref<1x1x128xi32, #tpu.memory_space<vmem>> -> memref<128xi32, #tpu.memory_space<vmem>>
      %dma_start3A_116 = arith.constant 0 : i32
      %dma_start3A_117 = tpu.memref_slice %arg8[%dma_start3A_116] : memref<10112xf32, #tpu.memory_space<vmem_shared>> -> memref<10112xf32, #tpu.memory_space<vmem_shared>>
      tpu.enqueue_indirect_dma source(%arg5 : memref<128xf32, #tpu.memory_space<vmem>>) target(%dma_start3A_117 : memref<10112xf32, #tpu.memory_space<vmem_shared>>) offsets(%dma_start3A_115 : memref<128xi32, #tpu.memory_space<vmem>>) semaphore(%arg7 : memref<!tpu.dma_semaphore, #tpu.memory_space<semaphore_mem>>) {add = true}
      %mul3A_118 = arith.constant 16 : i32
      %mul3A_119 = arith.muli %scan3A_100, %mul3A_118 : i32
      %add3A_120 = arith.constant 2 : i32
      %add3A_121 = arith.addi %mul3A_119, %add3A_120 : i32
      %dma_start3A_122 = arith.constant 0 : i32
      %dma_start3A_123 = tpu.memref_slice %arg4[%add3A_121, %arg0, %dma_start3A_122] : memref<160x2x128xi32, #tpu.memory_space<vmem>> -> memref<1x1x128xi32, #tpu.memory_space<vmem>>
      %dma_start3A_124 = tpu.memref_squeeze %dma_start3A_123 : memref<1x1x128xi32, #tpu.memory_space<vmem>> -> memref<128xi32, #tpu.memory_space<vmem>>
      %dma_start3A_125 = arith.constant 0 : i32
      %dma_start3A_126 = tpu.memref_slice %arg8[%dma_start3A_125] : memref<10112xf32, #tpu.memory_space<vmem_shared>> -> memref<10112xf32, #tpu.memory_space<vmem_shared>>
      tpu.enqueue_indirect_dma source(%arg5 : memref<128xf32, #tpu.memory_space<vmem>>) target(%dma_start3A_126 : memref<10112xf32, #tpu.memory_space<vmem_shared>>) offsets(%dma_start3A_124 : memref<128xi32, #tpu.memory_space<vmem>>) semaphore(%arg7 : memref<!tpu.dma_semaphore, #tpu.memory_space<semaphore_mem>>) {add = true}
      %mul3A_127 = arith.constant 16 : i32
      %mul3A_128 = arith.muli %scan3A_100, %mul3A_127 : i32
      %add3A_129 = arith.constant 3 : i32
      %add3A_130 = arith.addi %mul3A_128, %add3A_129 : i32
      %dma_start3A_131 = arith.constant 0 : i32
      %dma_start3A_132 = tpu.memref_slice %arg4[%add3A_130, %arg0, %dma_start3A_131] : memref<160x2x128xi32, #tpu.memory_space<vmem>> -> memref<1x1x128xi32, #tpu.memory_space<vmem>>
      %dma_start3A_133 = tpu.memref_squeeze %dma_start3A_132 : memref<1x1x128xi32, #tpu.memory_space<vmem>> -> memref<128xi32, #tpu.memory_space<vmem>>
      %dma_start3A_134 = arith.constant 0 : i32
      %dma_start3A_135 = tpu.memref_slice %arg8[%dma_start3A_134] : memref<10112xf32, #tpu.memory_space<vmem_shared>> -> memref<10112xf32, #tpu.memory_space<vmem_shared>>
      tpu.enqueue_indirect_dma source(%arg5 : memref<128xf32, #tpu.memory_space<vmem>>) target(%dma_start3A_135 : memref<10112xf32, #tpu.memory_space<vmem_shared>>) offsets(%dma_start3A_133 : memref<128xi32, #tpu.memory_space<vmem>>) semaphore(%arg7 : memref<!tpu.dma_semaphore, #tpu.memory_space<semaphore_mem>>) {add = true}
      %mul3A_136 = arith.constant 16 : i32
      %mul3A_137 = arith.muli %scan3A_100, %mul3A_136 : i32
      %add3A_138 = arith.constant 4 : i32
      %add3A_139 = arith.addi %mul3A_137, %add3A_138 : i32
      %dma_start3A_140 = arith.constant 0 : i32
      %dma_start3A_141 = tpu.memref_slice %arg4[%add3A_139, %arg0, %dma_start3A_140] : memref<160x2x128xi32, #tpu.memory_space<vmem>> -> memref<1x1x128xi32, #tpu.memory_space<vmem>>
      %dma_start3A_142 = tpu.memref_squeeze %dma_start3A_141 : memref<1x1x128xi32, #tpu.memory_space<vmem>> -> memref<128xi32, #tpu.memory_space<vmem>>
      %dma_start3A_143 = arith.constant 0 : i32
      %dma_start3A_144 = tpu.memref_slice %arg8[%dma_start3A_143] : memref<10112xf32, #tpu.memory_space<vmem_shared>> -> memref<10112xf32, #tpu.memory_space<vmem_shared>>
      tpu.enqueue_indirect_dma source(%arg5 : memref<128xf32, #tpu.memory_space<vmem>>) target(%dma_start3A_144 : memref<10112xf32, #tpu.memory_space<vmem_shared>>) offsets(%dma_start3A_142 : memref<128xi32, #tpu.memory_space<vmem>>) semaphore(%arg7 : memref<!tpu.dma_semaphore, #tpu.memory_space<semaphore_mem>>) {add = true}
      %mul3A_145 = arith.constant 16 : i32
      %mul3A_146 = arith.muli %scan3A_100, %mul3A_145 : i32
      %add3A_147 = arith.constant 5 : i32
      %add3A_148 = arith.addi %mul3A_146, %add3A_147 : i32
      %dma_start3A_149 = arith.constant 0 : i32
      %dma_start3A_150 = tpu.memref_slice %arg4[%add3A_148, %arg0, %dma_start3A_149] : memref<160x2x128xi32, #tpu.memory_space<vmem>> -> memref<1x1x128xi32, #tpu.memory_space<vmem>>
      %dma_start3A_151 = tpu.memref_squeeze %dma_start3A_150 : memref<1x1x128xi32, #tpu.memory_space<vmem>> -> memref<128xi32, #tpu.memory_space<vmem>>
      %dma_start3A_152 = arith.constant 0 : i32
      %dma_start3A_153 = tpu.memref_slice %arg8[%dma_start3A_152] : memref<10112xf32, #tpu.memory_space<vmem_shared>> -> memref<10112xf32, #tpu.memory_space<vmem_shared>>
      tpu.enqueue_indirect_dma source(%arg5 : memref<128xf32, #tpu.memory_space<vmem>>) target(%dma_start3A_153 : memref<10112xf32, #tpu.memory_space<vmem_shared>>) offsets(%dma_start3A_151 : memref<128xi32, #tpu.memory_space<vmem>>) semaphore(%arg7 : memref<!tpu.dma_semaphore, #tpu.memory_space<semaphore_mem>>) {add = true}
      %mul3A_154 = arith.constant 16 : i32
      %mul3A_155 = arith.muli %scan3A_100, %mul3A_154 : i32
      %add3A_156 = arith.constant 6 : i32
      %add3A_157 = arith.addi %mul3A_155, %add3A_156 : i32
      %dma_start3A_158 = arith.constant 0 : i32
      %dma_start3A_159 = tpu.memref_slice %arg4[%add3A_157, %arg0, %dma_start3A_158] : memref<160x2x128xi32, #tpu.memory_space<vmem>> -> memref<1x1x128xi32, #tpu.memory_space<vmem>>
      %dma_start3A_160 = tpu.memref_squeeze %dma_start3A_159 : memref<1x1x128xi32, #tpu.memory_space<vmem>> -> memref<128xi32, #tpu.memory_space<vmem>>
      %dma_start3A_161 = arith.constant 0 : i32
      %dma_start3A_162 = tpu.memref_slice %arg8[%dma_start3A_161] : memref<10112xf32, #tpu.memory_space<vmem_shared>> -> memref<10112xf32, #tpu.memory_space<vmem_shared>>
      tpu.enqueue_indirect_dma source(%arg5 : memref<128xf32, #tpu.memory_space<vmem>>) target(%dma_start3A_162 : memref<10112xf32, #tpu.memory_space<vmem_shared>>) offsets(%dma_start3A_160 : memref<128xi32, #tpu.memory_space<vmem>>) semaphore(%arg7 : memref<!tpu.dma_semaphore, #tpu.memory_space<semaphore_mem>>) {add = true}
      %mul3A_163 = arith.constant 16 : i32
      %mul3A_164 = arith.muli %scan3A_100, %mul3A_163 : i32
      %add3A_165 = arith.constant 7 : i32
      %add3A_166 = arith.addi %mul3A_164, %add3A_165 : i32
      %dma_start3A_167 = arith.constant 0 : i32
      %dma_start3A_168 = tpu.memref_slice %arg4[%add3A_166, %arg0, %dma_start3A_167] : memref<160x2x128xi32, #tpu.memory_space<vmem>> -> memref<1x1x128xi32, #tpu.memory_space<vmem>>
      %dma_start3A_169 = tpu.memref_squeeze %dma_start3A_168 : memref<1x1x128xi32, #tpu.memory_space<vmem>> -> memref<128xi32, #tpu.memory_space<vmem>>
      %dma_start3A_170 = arith.constant 0 : i32
      %dma_start3A_171 = tpu.memref_slice %arg8[%dma_start3A_170] : memref<10112xf32, #tpu.memory_space<vmem_shared>> -> memref<10112xf32, #tpu.memory_space<vmem_shared>>
      tpu.enqueue_indirect_dma source(%arg5 : memref<128xf32, #tpu.memory_space<vmem>>) target(%dma_start3A_171 : memref<10112xf32, #tpu.memory_space<vmem_shared>>) offsets(%dma_start3A_169 : memref<128xi32, #tpu.memory_space<vmem>>) semaphore(%arg7 : memref<!tpu.dma_semaphore, #tpu.memory_space<semaphore_mem>>) {add = true}
      %mul3A_172 = arith.constant 16 : i32
      %mul3A_173 = arith.muli %scan3A_100, %mul3A_172 : i32
      %add3A_174 = arith.constant 8 : i32
      %add3A_175 = arith.addi %mul3A_173, %add3A_174 : i32
      %dma_start3A_176 = arith.constant 0 : i32
      %dma_start3A_177 = tpu.memref_slice %arg4[%add3A_175, %arg0, %dma_start3A_176] : memref<160x2x128xi32, #tpu.memory_space<vmem>> -> memref<1x1x128xi32, #tpu.memory_space<vmem>>
      %dma_start3A_178 = tpu.memref_squeeze %dma_start3A_177 : memref<1x1x128xi32, #tpu.memory_space<vmem>> -> memref<128xi32, #tpu.memory_space<vmem>>
      %dma_start3A_179 = arith.constant 0 : i32
      %dma_start3A_180 = tpu.memref_slice %arg8[%dma_start3A_179] : memref<10112xf32, #tpu.memory_space<vmem_shared>> -> memref<10112xf32, #tpu.memory_space<vmem_shared>>
      tpu.enqueue_indirect_dma source(%arg5 : memref<128xf32, #tpu.memory_space<vmem>>) target(%dma_start3A_180 : memref<10112xf32, #tpu.memory_space<vmem_shared>>) offsets(%dma_start3A_178 : memref<128xi32, #tpu.memory_space<vmem>>) semaphore(%arg7 : memref<!tpu.dma_semaphore, #tpu.memory_space<semaphore_mem>>) {add = true}
      %mul3A_181 = arith.constant 16 : i32
      %mul3A_182 = arith.muli %scan3A_100, %mul3A_181 : i32
      %add3A_183 = arith.constant 9 : i32
      %add3A_184 = arith.addi %mul3A_182, %add3A_183 : i32
      %dma_start3A_185 = arith.constant 0 : i32
      %dma_start3A_186 = tpu.memref_slice %arg4[%add3A_184, %arg0, %dma_start3A_185] : memref<160x2x128xi32, #tpu.memory_space<vmem>> -> memref<1x1x128xi32, #tpu.memory_space<vmem>>
      %dma_start3A_187 = tpu.memref_squeeze %dma_start3A_186 : memref<1x1x128xi32, #tpu.memory_space<vmem>> -> memref<128xi32, #tpu.memory_space<vmem>>
      %dma_start3A_188 = arith.constant 0 : i32
      %dma_start3A_189 = tpu.memref_slice %arg8[%dma_start3A_188] : memref<10112xf32, #tpu.memory_space<vmem_shared>> -> memref<10112xf32, #tpu.memory_space<vmem_shared>>
      tpu.enqueue_indirect_dma source(%arg5 : memref<128xf32, #tpu.memory_space<vmem>>) target(%dma_start3A_189 : memref<10112xf32, #tpu.memory_space<vmem_shared>>) offsets(%dma_start3A_187 : memref<128xi32, #tpu.memory_space<vmem>>) semaphore(%arg7 : memref<!tpu.dma_semaphore, #tpu.memory_space<semaphore_mem>>) {add = true}
      %mul3A_190 = arith.constant 16 : i32
      %mul3A_191 = arith.muli %scan3A_100, %mul3A_190 : i32
      %add3A_192 = arith.constant 10 : i32
      %add3A_193 = arith.addi %mul3A_191, %add3A_192 : i32
      %dma_start3A_194 = arith.constant 0 : i32
      %dma_start3A_195 = tpu.memref_slice %arg4[%add3A_193, %arg0, %dma_start3A_194] : memref<160x2x128xi32, #tpu.memory_space<vmem>> -> memref<1x1x128xi32, #tpu.memory_space<vmem>>
      %dma_start3A_196 = tpu.memref_squeeze %dma_start3A_195 : memref<1x1x128xi32, #tpu.memory_space<vmem>> -> memref<128xi32, #tpu.memory_space<vmem>>
      %dma_start3A_197 = arith.constant 0 : i32
      %dma_start3A_198 = tpu.memref_slice %arg8[%dma_start3A_197] : memref<10112xf32, #tpu.memory_space<vmem_shared>> -> memref<10112xf32, #tpu.memory_space<vmem_shared>>
      tpu.enqueue_indirect_dma source(%arg5 : memref<128xf32, #tpu.memory_space<vmem>>) target(%dma_start3A_198 : memref<10112xf32, #tpu.memory_space<vmem_shared>>) offsets(%dma_start3A_196 : memref<128xi32, #tpu.memory_space<vmem>>) semaphore(%arg7 : memref<!tpu.dma_semaphore, #tpu.memory_space<semaphore_mem>>) {add = true}
      %mul3A_199 = arith.constant 16 : i32
      %mul3A_200 = arith.muli %scan3A_100, %mul3A_199 : i32
      %add3A_201 = arith.constant 11 : i32
      %add3A_202 = arith.addi %mul3A_200, %add3A_201 : i32
      %dma_start3A_203 = arith.constant 0 : i32
      %dma_start3A_204 = tpu.memref_slice %arg4[%add3A_202, %arg0, %dma_start3A_203] : memref<160x2x128xi32, #tpu.memory_space<vmem>> -> memref<1x1x128xi32, #tpu.memory_space<vmem>>
      %dma_start3A_205 = tpu.memref_squeeze %dma_start3A_204 : memref<1x1x128xi32, #tpu.memory_space<vmem>> -> memref<128xi32, #tpu.memory_space<vmem>>
      %dma_start3A_206 = arith.constant 0 : i32
      %dma_start3A_207 = tpu.memref_slice %arg8[%dma_start3A_206] : memref<10112xf32, #tpu.memory_space<vmem_shared>> -> memref<10112xf32, #tpu.memory_space<vmem_shared>>
      tpu.enqueue_indirect_dma source(%arg5 : memref<128xf32, #tpu.memory_space<vmem>>) target(%dma_start3A_207 : memref<10112xf32, #tpu.memory_space<vmem_shared>>) offsets(%dma_start3A_205 : memref<128xi32, #tpu.memory_space<vmem>>) semaphore(%arg7 : memref<!tpu.dma_semaphore, #tpu.memory_space<semaphore_mem>>) {add = true}
      %mul3A_208 = arith.constant 16 : i32
      %mul3A_209 = arith.muli %scan3A_100, %mul3A_208 : i32
      %add3A_210 = arith.constant 12 : i32
      %add3A_211 = arith.addi %mul3A_209, %add3A_210 : i32
      %dma_start3A_212 = arith.constant 0 : i32
      %dma_start3A_213 = tpu.memref_slice %arg4[%add3A_211, %arg0, %dma_start3A_212] : memref<160x2x128xi32, #tpu.memory_space<vmem>> -> memref<1x1x128xi32, #tpu.memory_space<vmem>>
      %dma_start3A_214 = tpu.memref_squeeze %dma_start3A_213 : memref<1x1x128xi32, #tpu.memory_space<vmem>> -> memref<128xi32, #tpu.memory_space<vmem>>
      %dma_start3A_215 = arith.constant 0 : i32
      %dma_start3A_216 = tpu.memref_slice %arg8[%dma_start3A_215] : memref<10112xf32, #tpu.memory_space<vmem_shared>> -> memref<10112xf32, #tpu.memory_space<vmem_shared>>
      tpu.enqueue_indirect_dma source(%arg5 : memref<128xf32, #tpu.memory_space<vmem>>) target(%dma_start3A_216 : memref<10112xf32, #tpu.memory_space<vmem_shared>>) offsets(%dma_start3A_214 : memref<128xi32, #tpu.memory_space<vmem>>) semaphore(%arg7 : memref<!tpu.dma_semaphore, #tpu.memory_space<semaphore_mem>>) {add = true}
      %mul3A_217 = arith.constant 16 : i32
      %mul3A_218 = arith.muli %scan3A_100, %mul3A_217 : i32
      %add3A_219 = arith.constant 13 : i32
      %add3A_220 = arith.addi %mul3A_218, %add3A_219 : i32
      %dma_start3A_221 = arith.constant 0 : i32
      %dma_start3A_222 = tpu.memref_slice %arg4[%add3A_220, %arg0, %dma_start3A_221] : memref<160x2x128xi32, #tpu.memory_space<vmem>> -> memref<1x1x128xi32, #tpu.memory_space<vmem>>
      %dma_start3A_223 = tpu.memref_squeeze %dma_start3A_222 : memref<1x1x128xi32, #tpu.memory_space<vmem>> -> memref<128xi32, #tpu.memory_space<vmem>>
      %dma_start3A_224 = arith.constant 0 : i32
      %dma_start3A_225 = tpu.memref_slice %arg8[%dma_start3A_224] : memref<10112xf32, #tpu.memory_space<vmem_shared>> -> memref<10112xf32, #tpu.memory_space<vmem_shared>>
      tpu.enqueue_indirect_dma source(%arg5 : memref<128xf32, #tpu.memory_space<vmem>>) target(%dma_start3A_225 : memref<10112xf32, #tpu.memory_space<vmem_shared>>) offsets(%dma_start3A_223 : memref<128xi32, #tpu.memory_space<vmem>>) semaphore(%arg7 : memref<!tpu.dma_semaphore, #tpu.memory_space<semaphore_mem>>) {add = true}
      %mul3A_226 = arith.constant 16 : i32
      %mul3A_227 = arith.muli %scan3A_100, %mul3A_226 : i32
      %add3A_228 = arith.constant 14 : i32
      %add3A_229 = arith.addi %mul3A_227, %add3A_228 : i32
      %dma_start3A_230 = arith.constant 0 : i32
      %dma_start3A_231 = tpu.memref_slice %arg4[%add3A_229, %arg0, %dma_start3A_230] : memref<160x2x128xi32, #tpu.memory_space<vmem>> -> memref<1x1x128xi32, #tpu.memory_space<vmem>>
      %dma_start3A_232 = tpu.memref_squeeze %dma_start3A_231 : memref<1x1x128xi32, #tpu.memory_space<vmem>> -> memref<128xi32, #tpu.memory_space<vmem>>
      %dma_start3A_233 = arith.constant 0 : i32
      %dma_start3A_234 = tpu.memref_slice %arg8[%dma_start3A_233] : memref<10112xf32, #tpu.memory_space<vmem_shared>> -> memref<10112xf32, #tpu.memory_space<vmem_shared>>
      tpu.enqueue_indirect_dma source(%arg5 : memref<128xf32, #tpu.memory_space<vmem>>) target(%dma_start3A_234 : memref<10112xf32, #tpu.memory_space<vmem_shared>>) offsets(%dma_start3A_232 : memref<128xi32, #tpu.memory_space<vmem>>) semaphore(%arg7 : memref<!tpu.dma_semaphore, #tpu.memory_space<semaphore_mem>>) {add = true}
      %mul3A_235 = arith.constant 16 : i32
      %mul3A_236 = arith.muli %scan3A_100, %mul3A_235 : i32
      %add3A_237 = arith.constant 15 : i32
      %add3A_238 = arith.addi %mul3A_236, %add3A_237 : i32
      %dma_start3A_239 = arith.constant 0 : i32
      %dma_start3A_240 = tpu.memref_slice %arg4[%add3A_238, %arg0, %dma_start3A_239] : memref<160x2x128xi32, #tpu.memory_space<vmem>> -> memref<1x1x128xi32, #tpu.memory_space<vmem>>
      %dma_start3A_241 = tpu.memref_squeeze %dma_start3A_240 : memref<1x1x128xi32, #tpu.memory_space<vmem>> -> memref<128xi32, #tpu.memory_space<vmem>>
      %dma_start3A_242 = arith.constant 0 : i32
      %dma_start3A_243 = tpu.memref_slice %arg8[%dma_start3A_242] : memref<10112xf32, #tpu.memory_space<vmem_shared>> -> memref<10112xf32, #tpu.memory_space<vmem_shared>>
      tpu.enqueue_indirect_dma source(%arg5 : memref<128xf32, #tpu.memory_space<vmem>>) target(%dma_start3A_243 : memref<10112xf32, #tpu.memory_space<vmem_shared>>) offsets(%dma_start3A_241 : memref<128xi32, #tpu.memory_space<vmem>>) semaphore(%arg7 : memref<!tpu.dma_semaphore, #tpu.memory_space<semaphore_mem>>) {add = true}
      %mul3A_244 = arith.constant 16 : i32
      %mul3A_245 = arith.muli %scan3A_100, %mul3A_244 : i32
      %add3A_246 = arith.constant 0 : i32
      %add3A_247 = arith.addi %mul3A_245, %add3A_246 : i32
      %dma_wait3A = arith.constant 0 : i32
      %dma_wait3A_248 = tpu.memref_slice %arg4[%add3A_247, %arg0, %dma_wait3A] : memref<160x2x128xi32, #tpu.memory_space<vmem>> -> memref<1x1x128xi32, #tpu.memory_space<vmem>>
      %dma_wait3A_249 = tpu.memref_squeeze %dma_wait3A_248 : memref<1x1x128xi32, #tpu.memory_space<vmem>> -> memref<128xi32, #tpu.memory_space<vmem>>
      %dma_wait3A_250 = arith.constant 0 : i32
      %dma_wait3A_251 = tpu.memref_slice %arg8[%dma_wait3A_250] : memref<10112xf32, #tpu.memory_space<vmem_shared>> -> memref<10112xf32, #tpu.memory_space<vmem_shared>>
      tpu.wait_indirect_dma semaphore(%arg7 : memref<!tpu.dma_semaphore, #tpu.memory_space<semaphore_mem>>) src(%arg5 : memref<128xf32, #tpu.memory_space<vmem>>) dst(%dma_wait3A_251 : memref<10112xf32, #tpu.memory_space<vmem_shared>>)
      %mul3A_252 = arith.constant 16 : i32
      %mul3A_253 = arith.muli %scan3A_100, %mul3A_252 : i32
      %add3A_254 = arith.constant 1 : i32
      %add3A_255 = arith.addi %mul3A_253, %add3A_254 : i32
      %dma_wait3A_256 = arith.constant 0 : i32
      %dma_wait3A_257 = tpu.memref_slice %arg4[%add3A_255, %arg0, %dma_wait3A_256] : memref<160x2x128xi32, #tpu.memory_space<vmem>> -> memref<1x1x128xi32, #tpu.memory_space<vmem>>
      %dma_wait3A_258 = tpu.memref_squeeze %dma_wait3A_257 : memref<1x1x128xi32, #tpu.memory_space<vmem>> -> memref<128xi32, #tpu.memory_space<vmem>>
      %dma_wait3A_259 = arith.constant 0 : i32
      %dma_wait3A_260 = tpu.memref_slice %arg8[%dma_wait3A_259] : memref<10112xf32, #tpu.memory_space<vmem_shared>> -> memref<10112xf32, #tpu.memory_space<vmem_shared>>
      tpu.wait_indirect_dma semaphore(%arg7 : memref<!tpu.dma_semaphore, #tpu.memory_space<semaphore_mem>>) src(%arg5 : memref<128xf32, #tpu.memory_space<vmem>>) dst(%dma_wait3A_260 : memref<10112xf32, #tpu.memory_space<vmem_shared>>)
      %mul3A_261 = arith.constant 16 : i32
      %mul3A_262 = arith.muli %scan3A_100, %mul3A_261 : i32
      %add3A_263 = arith.constant 2 : i32
      %add3A_264 = arith.addi %mul3A_262, %add3A_263 : i32
      %dma_wait3A_265 = arith.constant 0 : i32
      %dma_wait3A_266 = tpu.memref_slice %arg4[%add3A_264, %arg0, %dma_wait3A_265] : memref<160x2x128xi32, #tpu.memory_space<vmem>> -> memref<1x1x128xi32, #tpu.memory_space<vmem>>
      %dma_wait3A_267 = tpu.memref_squeeze %dma_wait3A_266 : memref<1x1x128xi32, #tpu.memory_space<vmem>> -> memref<128xi32, #tpu.memory_space<vmem>>
      %dma_wait3A_268 = arith.constant 0 : i32
      %dma_wait3A_269 = tpu.memref_slice %arg8[%dma_wait3A_268] : memref<10112xf32, #tpu.memory_space<vmem_shared>> -> memref<10112xf32, #tpu.memory_space<vmem_shared>>
      tpu.wait_indirect_dma semaphore(%arg7 : memref<!tpu.dma_semaphore, #tpu.memory_space<semaphore_mem>>) src(%arg5 : memref<128xf32, #tpu.memory_space<vmem>>) dst(%dma_wait3A_269 : memref<10112xf32, #tpu.memory_space<vmem_shared>>)
      %mul3A_270 = arith.constant 16 : i32
      %mul3A_271 = arith.muli %scan3A_100, %mul3A_270 : i32
      %add3A_272 = arith.constant 3 : i32
      %add3A_273 = arith.addi %mul3A_271, %add3A_272 : i32
      %dma_wait3A_274 = arith.constant 0 : i32
      %dma_wait3A_275 = tpu.memref_slice %arg4[%add3A_273, %arg0, %dma_wait3A_274] : memref<160x2x128xi32, #tpu.memory_space<vmem>> -> memref<1x1x128xi32, #tpu.memory_space<vmem>>
      %dma_wait3A_276 = tpu.memref_squeeze %dma_wait3A_275 : memref<1x1x128xi32, #tpu.memory_space<vmem>> -> memref<128xi32, #tpu.memory_space<vmem>>
      %dma_wait3A_277 = arith.constant 0 : i32
      %dma_wait3A_278 = tpu.memref_slice %arg8[%dma_wait3A_277] : memref<10112xf32, #tpu.memory_space<vmem_shared>> -> memref<10112xf32, #tpu.memory_space<vmem_shared>>
      tpu.wait_indirect_dma semaphore(%arg7 : memref<!tpu.dma_semaphore, #tpu.memory_space<semaphore_mem>>) src(%arg5 : memref<128xf32, #tpu.memory_space<vmem>>) dst(%dma_wait3A_278 : memref<10112xf32, #tpu.memory_space<vmem_shared>>)
      %mul3A_279 = arith.constant 16 : i32
      %mul3A_280 = arith.muli %scan3A_100, %mul3A_279 : i32
      %add3A_281 = arith.constant 4 : i32
      %add3A_282 = arith.addi %mul3A_280, %add3A_281 : i32
      %dma_wait3A_283 = arith.constant 0 : i32
      %dma_wait3A_284 = tpu.memref_slice %arg4[%add3A_282, %arg0, %dma_wait3A_283] : memref<160x2x128xi32, #tpu.memory_space<vmem>> -> memref<1x1x128xi32, #tpu.memory_space<vmem>>
      %dma_wait3A_285 = tpu.memref_squeeze %dma_wait3A_284 : memref<1x1x128xi32, #tpu.memory_space<vmem>> -> memref<128xi32, #tpu.memory_space<vmem>>
      %dma_wait3A_286 = arith.constant 0 : i32
      %dma_wait3A_287 = tpu.memref_slice %arg8[%dma_wait3A_286] : memref<10112xf32, #tpu.memory_space<vmem_shared>> -> memref<10112xf32, #tpu.memory_space<vmem_shared>>
      tpu.wait_indirect_dma semaphore(%arg7 : memref<!tpu.dma_semaphore, #tpu.memory_space<semaphore_mem>>) src(%arg5 : memref<128xf32, #tpu.memory_space<vmem>>) dst(%dma_wait3A_287 : memref<10112xf32, #tpu.memory_space<vmem_shared>>)
      %mul3A_288 = arith.constant 16 : i32
      %mul3A_289 = arith.muli %scan3A_100, %mul3A_288 : i32
      %add3A_290 = arith.constant 5 : i32
      %add3A_291 = arith.addi %mul3A_289, %add3A_290 : i32
      %dma_wait3A_292 = arith.constant 0 : i32
      %dma_wait3A_293 = tpu.memref_slice %arg4[%add3A_291, %arg0, %dma_wait3A_292] : memref<160x2x128xi32, #tpu.memory_space<vmem>> -> memref<1x1x128xi32, #tpu.memory_space<vmem>>
      %dma_wait3A_294 = tpu.memref_squeeze %dma_wait3A_293 : memref<1x1x128xi32, #tpu.memory_space<vmem>> -> memref<128xi32, #tpu.memory_space<vmem>>
      %dma_wait3A_295 = arith.constant 0 : i32
      %dma_wait3A_296 = tpu.memref_slice %arg8[%dma_wait3A_295] : memref<10112xf32, #tpu.memory_space<vmem_shared>> -> memref<10112xf32, #tpu.memory_space<vmem_shared>>
      tpu.wait_indirect_dma semaphore(%arg7 : memref<!tpu.dma_semaphore, #tpu.memory_space<semaphore_mem>>) src(%arg5 : memref<128xf32, #tpu.memory_space<vmem>>) dst(%dma_wait3A_296 : memref<10112xf32, #tpu.memory_space<vmem_shared>>)
      %mul3A_297 = arith.constant 16 : i32
      %mul3A_298 = arith.muli %scan3A_100, %mul3A_297 : i32
      %add3A_299 = arith.constant 6 : i32
      %add3A_300 = arith.addi %mul3A_298, %add3A_299 : i32
      %dma_wait3A_301 = arith.constant 0 : i32
      %dma_wait3A_302 = tpu.memref_slice %arg4[%add3A_300, %arg0, %dma_wait3A_301] : memref<160x2x128xi32, #tpu.memory_space<vmem>> -> memref<1x1x128xi32, #tpu.memory_space<vmem>>
      %dma_wait3A_303 = tpu.memref_squeeze %dma_wait3A_302 : memref<1x1x128xi32, #tpu.memory_space<vmem>> -> memref<128xi32, #tpu.memory_space<vmem>>
      %dma_wait3A_304 = arith.constant 0 : i32
      %dma_wait3A_305 = tpu.memref_slice %arg8[%dma_wait3A_304] : memref<10112xf32, #tpu.memory_space<vmem_shared>> -> memref<10112xf32, #tpu.memory_space<vmem_shared>>
      tpu.wait_indirect_dma semaphore(%arg7 : memref<!tpu.dma_semaphore, #tpu.memory_space<semaphore_mem>>) src(%arg5 : memref<128xf32, #tpu.memory_space<vmem>>) dst(%dma_wait3A_305 : memref<10112xf32, #tpu.memory_space<vmem_shared>>)
      %mul3A_306 = arith.constant 16 : i32
      %mul3A_307 = arith.muli %scan3A_100, %mul3A_306 : i32
      %add3A_308 = arith.constant 7 : i32
      %add3A_309 = arith.addi %mul3A_307, %add3A_308 : i32
      %dma_wait3A_310 = arith.constant 0 : i32
      %dma_wait3A_311 = tpu.memref_slice %arg4[%add3A_309, %arg0, %dma_wait3A_310] : memref<160x2x128xi32, #tpu.memory_space<vmem>> -> memref<1x1x128xi32, #tpu.memory_space<vmem>>
      %dma_wait3A_312 = tpu.memref_squeeze %dma_wait3A_311 : memref<1x1x128xi32, #tpu.memory_space<vmem>> -> memref<128xi32, #tpu.memory_space<vmem>>
      %dma_wait3A_313 = arith.constant 0 : i32
      %dma_wait3A_314 = tpu.memref_slice %arg8[%dma_wait3A_313] : memref<10112xf32, #tpu.memory_space<vmem_shared>> -> memref<10112xf32, #tpu.memory_space<vmem_shared>>
      tpu.wait_indirect_dma semaphore(%arg7 : memref<!tpu.dma_semaphore, #tpu.memory_space<semaphore_mem>>) src(%arg5 : memref<128xf32, #tpu.memory_space<vmem>>) dst(%dma_wait3A_314 : memref<10112xf32, #tpu.memory_space<vmem_shared>>)
      %mul3A_315 = arith.constant 16 : i32
      %mul3A_316 = arith.muli %scan3A_100, %mul3A_315 : i32
      %add3A_317 = arith.constant 8 : i32
      %add3A_318 = arith.addi %mul3A_316, %add3A_317 : i32
      %dma_wait3A_319 = arith.constant 0 : i32
      %dma_wait3A_320 = tpu.memref_slice %arg4[%add3A_318, %arg0, %dma_wait3A_319] : memref<160x2x128xi32, #tpu.memory_space<vmem>> -> memref<1x1x128xi32, #tpu.memory_space<vmem>>
      %dma_wait3A_321 = tpu.memref_squeeze %dma_wait3A_320 : memref<1x1x128xi32, #tpu.memory_space<vmem>> -> memref<128xi32, #tpu.memory_space<vmem>>
      %dma_wait3A_322 = arith.constant 0 : i32
      %dma_wait3A_323 = tpu.memref_slice %arg8[%dma_wait3A_322] : memref<10112xf32, #tpu.memory_space<vmem_shared>> -> memref<10112xf32, #tpu.memory_space<vmem_shared>>
      tpu.wait_indirect_dma semaphore(%arg7 : memref<!tpu.dma_semaphore, #tpu.memory_space<semaphore_mem>>) src(%arg5 : memref<128xf32, #tpu.memory_space<vmem>>) dst(%dma_wait3A_323 : memref<10112xf32, #tpu.memory_space<vmem_shared>>)
      %mul3A_324 = arith.constant 16 : i32
      %mul3A_325 = arith.muli %scan3A_100, %mul3A_324 : i32
      %add3A_326 = arith.constant 9 : i32
      %add3A_327 = arith.addi %mul3A_325, %add3A_326 : i32
      %dma_wait3A_328 = arith.constant 0 : i32
      %dma_wait3A_329 = tpu.memref_slice %arg4[%add3A_327, %arg0, %dma_wait3A_328] : memref<160x2x128xi32, #tpu.memory_space<vmem>> -> memref<1x1x128xi32, #tpu.memory_space<vmem>>
      %dma_wait3A_330 = tpu.memref_squeeze %dma_wait3A_329 : memref<1x1x128xi32, #tpu.memory_space<vmem>> -> memref<128xi32, #tpu.memory_space<vmem>>
      %dma_wait3A_331 = arith.constant 0 : i32
      %dma_wait3A_332 = tpu.memref_slice %arg8[%dma_wait3A_331] : memref<10112xf32, #tpu.memory_space<vmem_shared>> -> memref<10112xf32, #tpu.memory_space<vmem_shared>>
      tpu.wait_indirect_dma semaphore(%arg7 : memref<!tpu.dma_semaphore, #tpu.memory_space<semaphore_mem>>) src(%arg5 : memref<128xf32, #tpu.memory_space<vmem>>) dst(%dma_wait3A_332 : memref<10112xf32, #tpu.memory_space<vmem_shared>>)
      %mul3A_333 = arith.constant 16 : i32
      %mul3A_334 = arith.muli %scan3A_100, %mul3A_333 : i32
      %add3A_335 = arith.constant 10 : i32
      %add3A_336 = arith.addi %mul3A_334, %add3A_335 : i32
      %dma_wait3A_337 = arith.constant 0 : i32
      %dma_wait3A_338 = tpu.memref_slice %arg4[%add3A_336, %arg0, %dma_wait3A_337] : memref<160x2x128xi32, #tpu.memory_space<vmem>> -> memref<1x1x128xi32, #tpu.memory_space<vmem>>
      %dma_wait3A_339 = tpu.memref_squeeze %dma_wait3A_338 : memref<1x1x128xi32, #tpu.memory_space<vmem>> -> memref<128xi32, #tpu.memory_space<vmem>>
      %dma_wait3A_340 = arith.constant 0 : i32
      %dma_wait3A_341 = tpu.memref_slice %arg8[%dma_wait3A_340] : memref<10112xf32, #tpu.memory_space<vmem_shared>> -> memref<10112xf32, #tpu.memory_space<vmem_shared>>
      tpu.wait_indirect_dma semaphore(%arg7 : memref<!tpu.dma_semaphore, #tpu.memory_space<semaphore_mem>>) src(%arg5 : memref<128xf32, #tpu.memory_space<vmem>>) dst(%dma_wait3A_341 : memref<10112xf32, #tpu.memory_space<vmem_shared>>)
      %mul3A_342 = arith.constant 16 : i32
      %mul3A_343 = arith.muli %scan3A_100, %mul3A_342 : i32
      %add3A_344 = arith.constant 11 : i32
      %add3A_345 = arith.addi %mul3A_343, %add3A_344 : i32
      %dma_wait3A_346 = arith.constant 0 : i32
      %dma_wait3A_347 = tpu.memref_slice %arg4[%add3A_345, %arg0, %dma_wait3A_346] : memref<160x2x128xi32, #tpu.memory_space<vmem>> -> memref<1x1x128xi32, #tpu.memory_space<vmem>>
      %dma_wait3A_348 = tpu.memref_squeeze %dma_wait3A_347 : memref<1x1x128xi32, #tpu.memory_space<vmem>> -> memref<128xi32, #tpu.memory_space<vmem>>
      %dma_wait3A_349 = arith.constant 0 : i32
      %dma_wait3A_350 = tpu.memref_slice %arg8[%dma_wait3A_349] : memref<10112xf32, #tpu.memory_space<vmem_shared>> -> memref<10112xf32, #tpu.memory_space<vmem_shared>>
      tpu.wait_indirect_dma semaphore(%arg7 : memref<!tpu.dma_semaphore, #tpu.memory_space<semaphore_mem>>) src(%arg5 : memref<128xf32, #tpu.memory_space<vmem>>) dst(%dma_wait3A_350 : memref<10112xf32, #tpu.memory_space<vmem_shared>>)
      %mul3A_351 = arith.constant 16 : i32
      %mul3A_352 = arith.muli %scan3A_100, %mul3A_351 : i32
      %add3A_353 = arith.constant 12 : i32
      %add3A_354 = arith.addi %mul3A_352, %add3A_353 : i32
      %dma_wait3A_355 = arith.constant 0 : i32
      %dma_wait3A_356 = tpu.memref_slice %arg4[%add3A_354, %arg0, %dma_wait3A_355] : memref<160x2x128xi32, #tpu.memory_space<vmem>> -> memref<1x1x128xi32, #tpu.memory_space<vmem>>
      %dma_wait3A_357 = tpu.memref_squeeze %dma_wait3A_356 : memref<1x1x128xi32, #tpu.memory_space<vmem>> -> memref<128xi32, #tpu.memory_space<vmem>>
      %dma_wait3A_358 = arith.constant 0 : i32
      %dma_wait3A_359 = tpu.memref_slice %arg8[%dma_wait3A_358] : memref<10112xf32, #tpu.memory_space<vmem_shared>> -> memref<10112xf32, #tpu.memory_space<vmem_shared>>
      tpu.wait_indirect_dma semaphore(%arg7 : memref<!tpu.dma_semaphore, #tpu.memory_space<semaphore_mem>>) src(%arg5 : memref<128xf32, #tpu.memory_space<vmem>>) dst(%dma_wait3A_359 : memref<10112xf32, #tpu.memory_space<vmem_shared>>)
      %mul3A_360 = arith.constant 16 : i32
      %mul3A_361 = arith.muli %scan3A_100, %mul3A_360 : i32
      %add3A_362 = arith.constant 13 : i32
      %add3A_363 = arith.addi %mul3A_361, %add3A_362 : i32
      %dma_wait3A_364 = arith.constant 0 : i32
      %dma_wait3A_365 = tpu.memref_slice %arg4[%add3A_363, %arg0, %dma_wait3A_364] : memref<160x2x128xi32, #tpu.memory_space<vmem>> -> memref<1x1x128xi32, #tpu.memory_space<vmem>>
      %dma_wait3A_366 = tpu.memref_squeeze %dma_wait3A_365 : memref<1x1x128xi32, #tpu.memory_space<vmem>> -> memref<128xi32, #tpu.memory_space<vmem>>
      %dma_wait3A_367 = arith.constant 0 : i32
      %dma_wait3A_368 = tpu.memref_slice %arg8[%dma_wait3A_367] : memref<10112xf32, #tpu.memory_space<vmem_shared>> -> memref<10112xf32, #tpu.memory_space<vmem_shared>>
      tpu.wait_indirect_dma semaphore(%arg7 : memref<!tpu.dma_semaphore, #tpu.memory_space<semaphore_mem>>) src(%arg5 : memref<128xf32, #tpu.memory_space<vmem>>) dst(%dma_wait3A_368 : memref<10112xf32, #tpu.memory_space<vmem_shared>>)
      %mul3A_369 = arith.constant 16 : i32
      %mul3A_370 = arith.muli %scan3A_100, %mul3A_369 : i32
      %add3A_371 = arith.constant 14 : i32
      %add3A_372 = arith.addi %mul3A_370, %add3A_371 : i32
      %dma_wait3A_373 = arith.constant 0 : i32
      %dma_wait3A_374 = tpu.memref_slice %arg4[%add3A_372, %arg0, %dma_wait3A_373] : memref<160x2x128xi32, #tpu.memory_space<vmem>> -> memref<1x1x128xi32, #tpu.memory_space<vmem>>
      %dma_wait3A_375 = tpu.memref_squeeze %dma_wait3A_374 : memref<1x1x128xi32, #tpu.memory_space<vmem>> -> memref<128xi32, #tpu.memory_space<vmem>>
      %dma_wait3A_376 = arith.constant 0 : i32
      %dma_wait3A_377 = tpu.memref_slice %arg8[%dma_wait3A_376] : memref<10112xf32, #tpu.memory_space<vmem_shared>> -> memref<10112xf32, #tpu.memory_space<vmem_shared>>
      tpu.wait_indirect_dma semaphore(%arg7 : memref<!tpu.dma_semaphore, #tpu.memory_space<semaphore_mem>>) src(%arg5 : memref<128xf32, #tpu.memory_space<vmem>>) dst(%dma_wait3A_377 : memref<10112xf32, #tpu.memory_space<vmem_shared>>)
      %mul3A_378 = arith.constant 16 : i32
      %mul3A_379 = arith.muli %scan3A_100, %mul3A_378 : i32
      %add3A_380 = arith.constant 15 : i32
      %add3A_381 = arith.addi %mul3A_379, %add3A_380 : i32
      %dma_wait3A_382 = arith.constant 0 : i32
      %dma_wait3A_383 = tpu.memref_slice %arg4[%add3A_381, %arg0, %dma_wait3A_382] : memref<160x2x128xi32, #tpu.memory_space<vmem>> -> memref<1x1x128xi32, #tpu.memory_space<vmem>>
      %dma_wait3A_384 = tpu.memref_squeeze %dma_wait3A_383 : memref<1x1x128xi32, #tpu.memory_space<vmem>> -> memref<128xi32, #tpu.memory_space<vmem>>
      %dma_wait3A_385 = arith.constant 0 : i32
      %dma_wait3A_386 = tpu.memref_slice %arg8[%dma_wait3A_385] : memref<10112xf32, #tpu.memory_space<vmem_shared>> -> memref<10112xf32, #tpu.memory_space<vmem_shared>>
      tpu.wait_indirect_dma semaphore(%arg7 : memref<!tpu.dma_semaphore, #tpu.memory_space<semaphore_mem>>) src(%arg5 : memref<128xf32, #tpu.memory_space<vmem>>) dst(%dma_wait3A_386 : memref<10112xf32, #tpu.memory_space<vmem_shared>>)
    }
    %scan3A_94 = arith.constant 10 : i32
    %barrier3A_95 = arith.constant 0 : index
    tpu.barrier barrier_id(%barrier3A_95)
    %mul3A_96 = arith.constant 632 : i32
    %mul3A_97 = arith.muli %arg1, %mul3A_96 : i32
    %mul3A_98 = arith.constant 632 : i32
    %mul3A_99 = arith.muli %arg1, %mul3A_98 : i32
    "tpu.region"() ({
      %run_scoped3A = tpu.sem_alloc : memref<!tpu.dma_semaphore, #tpu.memory_space<semaphore_mem>>
      %dma_start3A = tpu.memref_slice %arg3[%arg0, %mul3A_99] : memref<2x10112xf32, #tpu.memory_space<hbm>> -> memref<1x632xf32, #tpu.memory_space<hbm>>
      %dma_start3A_100 = tpu.memref_squeeze %dma_start3A : memref<1x632xf32, #tpu.memory_space<hbm>> -> memref<632xf32, #tpu.memory_space<hbm>>
      %dma_start3A_101 = tpu.memref_slice %arg8[%mul3A_97] : memref<10112xf32, #tpu.memory_space<vmem_shared>> -> memref<632xf32, #tpu.memory_space<vmem_shared>>
      tpu.enqueue_dma source(%dma_start3A_101 : memref<632xf32, #tpu.memory_space<vmem_shared>>) target(%dma_start3A_100 : memref<632xf32, #tpu.memory_space<hbm>>) target_semaphore(%run_scoped3A : memref<!tpu.dma_semaphore, #tpu.memory_space<semaphore_mem>>)
      %dma_wait3A = tpu.memref_slice %arg3[%arg0, %mul3A_99] : memref<2x10112xf32, #tpu.memory_space<hbm>> -> memref<1x632xf32, #tpu.memory_space<hbm>>
      %dma_wait3A_102 = tpu.memref_squeeze %dma_wait3A : memref<1x632xf32, #tpu.memory_space<hbm>> -> memref<632xf32, #tpu.memory_space<hbm>>
      %dma_wait3A_103 = tpu.memref_slice %arg8[%mul3A_97] : memref<10112xf32, #tpu.memory_space<vmem_shared>> -> memref<632xf32, #tpu.memory_space<vmem_shared>>
      tpu.wait_dma2 semaphore(%run_scoped3A : memref<!tpu.dma_semaphore, #tpu.memory_space<semaphore_mem>>) src(%dma_wait3A_103 : memref<632xf32, #tpu.memory_space<vmem_shared>>) dst(%dma_wait3A_102 : memref<632xf32, #tpu.memory_space<hbm>>)
      tpu.yield
    }) : () -> ()
    return
  }
}

#map = affine_map<(d0, d1) -> (0, 0)>
#map1 = affine_map<(d0, d1) -> (0, 0, 0)>
module attributes {stable_mosaic.version = 14 : i64} {
  func.func @_agg_body(%arg0: i32, %arg1: i32, %arg2: memref<10112x128xf32, #tpu.memory_space<hbm>>, %arg3: memref<2560x2x128xi32, #tpu.memory_space<hbm>>, %arg4: memref<2x10112x128xf32, #tpu.memory_space<hbm>>, %arg5: memref<3x2x128xi32, #tpu.memory_space<vmem>>, %arg6: memref<3x128x128xf32, #tpu.memory_space<vmem>>, %arg7: memref<!tpu.dma_semaphore, #tpu.memory_space<semaphore_mem>>, %arg8: memref<!tpu.dma_semaphore, #tpu.memory_space<semaphore_mem>>, %arg9: memref<!tpu.dma_semaphore, #tpu.memory_space<semaphore_mem>>, %arg10: memref<!tpu.dma_semaphore, #tpu.memory_space<semaphore_mem>>, %arg11: memref<!tpu.dma_semaphore, #tpu.memory_space<semaphore_mem>>, %arg12: memref<!tpu.dma_semaphore, #tpu.memory_space<semaphore_mem>>, %arg13: memref<!tpu.dma_semaphore, #tpu.memory_space<semaphore_mem>>, %arg14: memref<!tpu.dma_semaphore, #tpu.memory_space<semaphore_mem>>, %arg15: memref<!tpu.dma_semaphore, #tpu.memory_space<semaphore_mem>>, %arg16: memref<10112x128xf32, #tpu.memory_space<vmem_shared>>) attributes {dimension_semantics = [#tpu.dimension_semantics<core_parallel>, #tpu.dimension_semantics<subcore_parallel>], iteration_bounds = array<i64: 2, 16>, scalar_prefetch = 0 : i64, scratch_operands = 12 : i64, tpu.core_type = #tpu.core_type<sc_vector_subcore>, window_params = [{transform_indices = #map}, {transform_indices = #map1}, {transform_indices = #map1}]} {
    %mul3A = arith.constant 16 : i32
    %mul3A_0 = arith.muli %arg0, %mul3A : i32
    %add3A = arith.addi %mul3A_0, %arg1 : i32
    %mul3A_1 = arith.constant 80 : i32
    %mul3A_2 = arith.muli %add3A, %mul3A_1 : i32
    %broadcast_in_dim3A = arith.constant 0.000000e+00 : f32
    %broadcast_in_dim3A_3 = vector.broadcast %broadcast_in_dim3A : f32 to vector<16xf32>
    %add3A_4 = arith.constant 0 : i32
    %add3A_5 = arith.addi %mul3A_2, %add3A_4 : i32
    %dma_start3A = arith.constant 0 : i32
    %dma_start3A_6 = arith.constant 0 : i32
    %dma_start3A_7 = arith.constant 0 : i32
    %dma_start3A_8 = tpu.memref_slice %arg5[%dma_start3A, %dma_start3A_6, %dma_start3A_7] : memref<3x2x128xi32, #tpu.memory_space<vmem>> -> memref<1x2x128xi32, #tpu.memory_space<vmem>>
    %dma_start3A_9 = tpu.memref_squeeze %dma_start3A_8 : memref<1x2x128xi32, #tpu.memory_space<vmem>> -> memref<2x128xi32, #tpu.memory_space<vmem>>
    %dma_start3A_10 = arith.constant 0 : i32
    %dma_start3A_11 = arith.constant 0 : i32
    %dma_start3A_12 = tpu.memref_slice %arg3[%add3A_5, %dma_start3A_10, %dma_start3A_11] : memref<2560x2x128xi32, #tpu.memory_space<hbm>> -> memref<1x2x128xi32, #tpu.memory_space<hbm>>
    %dma_start3A_13 = tpu.memref_squeeze %dma_start3A_12 : memref<1x2x128xi32, #tpu.memory_space<hbm>> -> memref<2x128xi32, #tpu.memory_space<hbm>>
    %dma_start3A_14 = arith.constant 0 : i32
    %dma_start3A_15 = arith.constant 0 : i32
    %dma_start3A_16 = tpu.memref_slice %arg5[%dma_start3A, %dma_start3A_14, %dma_start3A_15] : memref<3x2x128xi32, #tpu.memory_space<vmem>> -> memref<1x2x128xi32, #tpu.memory_space<vmem>>
    %dma_start3A_17 = tpu.memref_squeeze %dma_start3A_16 : memref<1x2x128xi32, #tpu.memory_space<vmem>> -> memref<2x128xi32, #tpu.memory_space<vmem>>
    %dma_start3A_18 = arith.constant 0 : i32
    %dma_start3A_19 = arith.constant 0 : i32
    %dma_start3A_20 = tpu.memref_slice %arg3[%add3A_5, %dma_start3A_18, %dma_start3A_19] : memref<2560x2x128xi32, #tpu.memory_space<hbm>> -> memref<1x2x128xi32, #tpu.memory_space<hbm>>
    %dma_start3A_21 = tpu.memref_squeeze %dma_start3A_20 : memref<1x2x128xi32, #tpu.memory_space<hbm>> -> memref<2x128xi32, #tpu.memory_space<hbm>>
    tpu.enqueue_dma source(%dma_start3A_21 : memref<2x128xi32, #tpu.memory_space<hbm>>) target(%dma_start3A_17 : memref<2x128xi32, #tpu.memory_space<vmem>>) target_semaphore(%arg7 : memref<!tpu.dma_semaphore, #tpu.memory_space<semaphore_mem>>)
    %add3A_22 = arith.constant 1 : i32
    %add3A_23 = arith.addi %mul3A_2, %add3A_22 : i32
    %dma_start3A_24 = arith.constant 1 : i32
    %dma_start3A_25 = arith.constant 0 : i32
    %dma_start3A_26 = arith.constant 0 : i32
    %dma_start3A_27 = tpu.memref_slice %arg5[%dma_start3A_24, %dma_start3A_25, %dma_start3A_26] : memref<3x2x128xi32, #tpu.memory_space<vmem>> -> memref<1x2x128xi32, #tpu.memory_space<vmem>>
    %dma_start3A_28 = tpu.memref_squeeze %dma_start3A_27 : memref<1x2x128xi32, #tpu.memory_space<vmem>> -> memref<2x128xi32, #tpu.memory_space<vmem>>
    %dma_start3A_29 = arith.constant 0 : i32
    %dma_start3A_30 = arith.constant 0 : i32
    %dma_start3A_31 = tpu.memref_slice %arg3[%add3A_23, %dma_start3A_29, %dma_start3A_30] : memref<2560x2x128xi32, #tpu.memory_space<hbm>> -> memref<1x2x128xi32, #tpu.memory_space<hbm>>
    %dma_start3A_32 = tpu.memref_squeeze %dma_start3A_31 : memref<1x2x128xi32, #tpu.memory_space<hbm>> -> memref<2x128xi32, #tpu.memory_space<hbm>>
    %dma_start3A_33 = arith.constant 0 : i32
    %dma_start3A_34 = arith.constant 0 : i32
    %dma_start3A_35 = tpu.memref_slice %arg5[%dma_start3A_24, %dma_start3A_33, %dma_start3A_34] : memref<3x2x128xi32, #tpu.memory_space<vmem>> -> memref<1x2x128xi32, #tpu.memory_space<vmem>>
    %dma_start3A_36 = tpu.memref_squeeze %dma_start3A_35 : memref<1x2x128xi32, #tpu.memory_space<vmem>> -> memref<2x128xi32, #tpu.memory_space<vmem>>
    %dma_start3A_37 = arith.constant 0 : i32
    %dma_start3A_38 = arith.constant 0 : i32
    %dma_start3A_39 = tpu.memref_slice %arg3[%add3A_23, %dma_start3A_37, %dma_start3A_38] : memref<2560x2x128xi32, #tpu.memory_space<hbm>> -> memref<1x2x128xi32, #tpu.memory_space<hbm>>
    %dma_start3A_40 = tpu.memref_squeeze %dma_start3A_39 : memref<1x2x128xi32, #tpu.memory_space<hbm>> -> memref<2x128xi32, #tpu.memory_space<hbm>>
    tpu.enqueue_dma source(%dma_start3A_40 : memref<2x128xi32, #tpu.memory_space<hbm>>) target(%dma_start3A_36 : memref<2x128xi32, #tpu.memory_space<vmem>>) target_semaphore(%arg8 : memref<!tpu.dma_semaphore, #tpu.memory_space<semaphore_mem>>)
    %add3A_41 = arith.constant 2 : i32
    %add3A_42 = arith.addi %mul3A_2, %add3A_41 : i32
    %dma_start3A_43 = arith.constant 2 : i32
    %dma_start3A_44 = arith.constant 0 : i32
    %dma_start3A_45 = arith.constant 0 : i32
    %dma_start3A_46 = tpu.memref_slice %arg5[%dma_start3A_43, %dma_start3A_44, %dma_start3A_45] : memref<3x2x128xi32, #tpu.memory_space<vmem>> -> memref<1x2x128xi32, #tpu.memory_space<vmem>>
    %dma_start3A_47 = tpu.memref_squeeze %dma_start3A_46 : memref<1x2x128xi32, #tpu.memory_space<vmem>> -> memref<2x128xi32, #tpu.memory_space<vmem>>
    %dma_start3A_48 = arith.constant 0 : i32
    %dma_start3A_49 = arith.constant 0 : i32
    %dma_start3A_50 = tpu.memref_slice %arg3[%add3A_42, %dma_start3A_48, %dma_start3A_49] : memref<2560x2x128xi32, #tpu.memory_space<hbm>> -> memref<1x2x128xi32, #tpu.memory_space<hbm>>
    %dma_start3A_51 = tpu.memref_squeeze %dma_start3A_50 : memref<1x2x128xi32, #tpu.memory_space<hbm>> -> memref<2x128xi32, #tpu.memory_space<hbm>>
    %dma_start3A_52 = arith.constant 0 : i32
    %dma_start3A_53 = arith.constant 0 : i32
    %dma_start3A_54 = tpu.memref_slice %arg5[%dma_start3A_43, %dma_start3A_52, %dma_start3A_53] : memref<3x2x128xi32, #tpu.memory_space<vmem>> -> memref<1x2x128xi32, #tpu.memory_space<vmem>>
    %dma_start3A_55 = tpu.memref_squeeze %dma_start3A_54 : memref<1x2x128xi32, #tpu.memory_space<vmem>> -> memref<2x128xi32, #tpu.memory_space<vmem>>
    %dma_start3A_56 = arith.constant 0 : i32
    %dma_start3A_57 = arith.constant 0 : i32
    %dma_start3A_58 = tpu.memref_slice %arg3[%add3A_42, %dma_start3A_56, %dma_start3A_57] : memref<2560x2x128xi32, #tpu.memory_space<hbm>> -> memref<1x2x128xi32, #tpu.memory_space<hbm>>
    %dma_start3A_59 = tpu.memref_squeeze %dma_start3A_58 : memref<1x2x128xi32, #tpu.memory_space<hbm>> -> memref<2x128xi32, #tpu.memory_space<hbm>>
    tpu.enqueue_dma source(%dma_start3A_59 : memref<2x128xi32, #tpu.memory_space<hbm>>) target(%dma_start3A_55 : memref<2x128xi32, #tpu.memory_space<vmem>>) target_semaphore(%arg9 : memref<!tpu.dma_semaphore, #tpu.memory_space<semaphore_mem>>)
    %scan3A = arith.constant 0 : i32
    %scan3A_60 = arith.constant 0 : i32
    %scan3A_61 = arith.constant 128 : i32
    %scan3A_62 = arith.addi %scan3A_60, %scan3A_61 : i32
    %scan3A_63 = arith.constant 1 : i32
    scf.for %scan3A_762 = %scan3A_60 to %scan3A_62 step %scan3A_63  : i32 {
      %swap3A = arith.constant 2 : i32
      %swap3A_763 = arith.index_cast %swap3A : i32 to index
      %swap3A_764 = arith.index_cast %scan3A_762 : i32 to index
      %swap3A_765 = arith.constant 0 : index
      %swap3A_766 = tpu.vector_load %arg6[%swap3A_763, %swap3A_764, %swap3A_765] {strides = array<i32>} : memref<3x128x128xf32, #tpu.memory_space<vmem>>, vector<1x1x16xf32>,
      %swap3A_767 = vector.shape_cast %swap3A_766 : vector<1x1x16xf32> to vector<16xf32>
      %swap3A_768 = vector.shape_cast %broadcast_in_dim3A_3 : vector<16xf32> to vector<1x1x16xf32>
      tpu.vector_store %arg6[%swap3A_763, %swap3A_764, %swap3A_765], %swap3A_768 {strides = array<i32>} : memref<3x128x128xf32, #tpu.memory_space<vmem>>, vector<1x1x16xf32>,
      %swap3A_769 = arith.constant 2 : i32
      %swap3A_770 = arith.index_cast %swap3A_769 : i32 to index
      %swap3A_771 = arith.index_cast %scan3A_762 : i32 to index
      %swap3A_772 = arith.constant 16 : index
      %swap3A_773 = tpu.vector_load %arg6[%swap3A_770, %swap3A_771, %swap3A_772] {strides = array<i32>} : memref<3x128x128xf32, #tpu.memory_space<vmem>>, vector<1x1x16xf32>,
      %swap3A_774 = vector.shape_cast %swap3A_773 : vector<1x1x16xf32> to vector<16xf32>
      %swap3A_775 = vector.shape_cast %broadcast_in_dim3A_3 : vector<16xf32> to vector<1x1x16xf32>
      tpu.vector_store %arg6[%swap3A_770, %swap3A_771, %swap3A_772], %swap3A_775 {strides = array<i32>} : memref<3x128x128xf32, #tpu.memory_space<vmem>>, vector<1x1x16xf32>,
      %swap3A_776 = arith.constant 2 : i32
      %swap3A_777 = arith.index_cast %swap3A_776 : i32 to index
      %swap3A_778 = arith.index_cast %scan3A_762 : i32 to index
      %swap3A_779 = arith.constant 32 : index
      %swap3A_780 = tpu.vector_load %arg6[%swap3A_777, %swap3A_778, %swap3A_779] {strides = array<i32>} : memref<3x128x128xf32, #tpu.memory_space<vmem>>, vector<1x1x16xf32>,
      %swap3A_781 = vector.shape_cast %swap3A_780 : vector<1x1x16xf32> to vector<16xf32>
      %swap3A_782 = vector.shape_cast %broadcast_in_dim3A_3 : vector<16xf32> to vector<1x1x16xf32>
      tpu.vector_store %arg6[%swap3A_777, %swap3A_778, %swap3A_779], %swap3A_782 {strides = array<i32>} : memref<3x128x128xf32, #tpu.memory_space<vmem>>, vector<1x1x16xf32>,
      %swap3A_783 = arith.constant 2 : i32
      %swap3A_784 = arith.index_cast %swap3A_783 : i32 to index
      %swap3A_785 = arith.index_cast %scan3A_762 : i32 to index
      %swap3A_786 = arith.constant 48 : index
      %swap3A_787 = tpu.vector_load %arg6[%swap3A_784, %swap3A_785, %swap3A_786] {strides = array<i32>} : memref<3x128x128xf32, #tpu.memory_space<vmem>>, vector<1x1x16xf32>,
      %swap3A_788 = vector.shape_cast %swap3A_787 : vector<1x1x16xf32> to vector<16xf32>
      %swap3A_789 = vector.shape_cast %broadcast_in_dim3A_3 : vector<16xf32> to vector<1x1x16xf32>
      tpu.vector_store %arg6[%swap3A_784, %swap3A_785, %swap3A_786], %swap3A_789 {strides = array<i32>} : memref<3x128x128xf32, #tpu.memory_space<vmem>>, vector<1x1x16xf32>,
      %swap3A_790 = arith.constant 2 : i32
      %swap3A_791 = arith.index_cast %swap3A_790 : i32 to index
      %swap3A_792 = arith.index_cast %scan3A_762 : i32 to index
      %swap3A_793 = arith.constant 64 : index
      %swap3A_794 = tpu.vector_load %arg6[%swap3A_791, %swap3A_792, %swap3A_793] {strides = array<i32>} : memref<3x128x128xf32, #tpu.memory_space<vmem>>, vector<1x1x16xf32>,
      %swap3A_795 = vector.shape_cast %swap3A_794 : vector<1x1x16xf32> to vector<16xf32>
      %swap3A_796 = vector.shape_cast %broadcast_in_dim3A_3 : vector<16xf32> to vector<1x1x16xf32>
      tpu.vector_store %arg6[%swap3A_791, %swap3A_792, %swap3A_793], %swap3A_796 {strides = array<i32>} : memref<3x128x128xf32, #tpu.memory_space<vmem>>, vector<1x1x16xf32>,
      %swap3A_797 = arith.constant 2 : i32
      %swap3A_798 = arith.index_cast %swap3A_797 : i32 to index
      %swap3A_799 = arith.index_cast %scan3A_762 : i32 to index
      %swap3A_800 = arith.constant 80 : index
      %swap3A_801 = tpu.vector_load %arg6[%swap3A_798, %swap3A_799, %swap3A_800] {strides = array<i32>} : memref<3x128x128xf32, #tpu.memory_space<vmem>>, vector<1x1x16xf32>,
      %swap3A_802 = vector.shape_cast %swap3A_801 : vector<1x1x16xf32> to vector<16xf32>
      %swap3A_803 = vector.shape_cast %broadcast_in_dim3A_3 : vector<16xf32> to vector<1x1x16xf32>
      tpu.vector_store %arg6[%swap3A_798, %swap3A_799, %swap3A_800], %swap3A_803 {strides = array<i32>} : memref<3x128x128xf32, #tpu.memory_space<vmem>>, vector<1x1x16xf32>,
      %swap3A_804 = arith.constant 2 : i32
      %swap3A_805 = arith.index_cast %swap3A_804 : i32 to index
      %swap3A_806 = arith.index_cast %scan3A_762 : i32 to index
      %swap3A_807 = arith.constant 96 : index
      %swap3A_808 = tpu.vector_load %arg6[%swap3A_805, %swap3A_806, %swap3A_807] {strides = array<i32>} : memref<3x128x128xf32, #tpu.memory_space<vmem>>, vector<1x1x16xf32>,
      %swap3A_809 = vector.shape_cast %swap3A_808 : vector<1x1x16xf32> to vector<16xf32>
      %swap3A_810 = vector.shape_cast %broadcast_in_dim3A_3 : vector<16xf32> to vector<1x1x16xf32>
      tpu.vector_store %arg6[%swap3A_805, %swap3A_806, %swap3A_807], %swap3A_810 {strides = array<i32>} : memref<3x128x128xf32, #tpu.memory_space<vmem>>, vector<1x1x16xf32>,
      %swap3A_811 = arith.constant 2 : i32
      %swap3A_812 = arith.index_cast %swap3A_811 : i32 to index
      %swap3A_813 = arith.index_cast %scan3A_762 : i32 to index
      %swap3A_814 = arith.constant 112 : index
      %swap3A_815 = tpu.vector_load %arg6[%swap3A_812, %swap3A_813, %swap3A_814] {strides = array<i32>} : memref<3x128x128xf32, #tpu.memory_space<vmem>>, vector<1x1x16xf32>,
      %swap3A_816 = vector.shape_cast %swap3A_815 : vector<1x1x16xf32> to vector<16xf32>
      %swap3A_817 = vector.shape_cast %broadcast_in_dim3A_3 : vector<16xf32> to vector<1x1x16xf32>
      tpu.vector_store %arg6[%swap3A_812, %swap3A_813, %swap3A_814], %swap3A_817 {strides = array<i32>} : memref<3x128x128xf32, #tpu.memory_space<vmem>>, vector<1x1x16xf32>,
    }
    %scan3A_64 = arith.constant 128 : i32
    %add3A_65 = arith.constant 0 : i32
    %add3A_66 = arith.addi %mul3A_2, %add3A_65 : i32
    %dma_wait3A = arith.constant 0 : i32
    %dma_wait3A_67 = arith.constant 0 : i32
    %dma_wait3A_68 = arith.constant 0 : i32
    %dma_wait3A_69 = tpu.memref_slice %arg5[%dma_wait3A, %dma_wait3A_67, %dma_wait3A_68] : memref<3x2x128xi32, #tpu.memory_space<vmem>> -> memref<1x2x128xi32, #tpu.memory_space<vmem>>
    %dma_wait3A_70 = tpu.memref_squeeze %dma_wait3A_69 : memref<1x2x128xi32, #tpu.memory_space<vmem>> -> memref<2x128xi32, #tpu.memory_space<vmem>>
    %dma_wait3A_71 = arith.constant 0 : i32
    %dma_wait3A_72 = arith.constant 0 : i32
    %dma_wait3A_73 = tpu.memref_slice %arg3[%add3A_66, %dma_wait3A_71, %dma_wait3A_72] : memref<2560x2x128xi32, #tpu.memory_space<hbm>> -> memref<1x2x128xi32, #tpu.memory_space<hbm>>
    %dma_wait3A_74 = tpu.memref_squeeze %dma_wait3A_73 : memref<1x2x128xi32, #tpu.memory_space<hbm>> -> memref<2x128xi32, #tpu.memory_space<hbm>>
    %dma_wait3A_75 = arith.constant 0 : i32
    %dma_wait3A_76 = arith.constant 0 : i32
    %dma_wait3A_77 = tpu.memref_slice %arg5[%dma_wait3A, %dma_wait3A_75, %dma_wait3A_76] : memref<3x2x128xi32, #tpu.memory_space<vmem>> -> memref<1x2x128xi32, #tpu.memory_space<vmem>>
    %dma_wait3A_78 = tpu.memref_squeeze %dma_wait3A_77 : memref<1x2x128xi32, #tpu.memory_space<vmem>> -> memref<2x128xi32, #tpu.memory_space<vmem>>
    %dma_wait3A_79 = arith.constant 0 : i32
    %dma_wait3A_80 = arith.constant 0 : i32
    %dma_wait3A_81 = tpu.memref_slice %arg3[%add3A_66, %dma_wait3A_79, %dma_wait3A_80] : memref<2560x2x128xi32, #tpu.memory_space<hbm>> -> memref<1x2x128xi32, #tpu.memory_space<hbm>>
    %dma_wait3A_82 = tpu.memref_squeeze %dma_wait3A_81 : memref<1x2x128xi32, #tpu.memory_space<hbm>> -> memref<2x128xi32, #tpu.memory_space<hbm>>
    tpu.wait_dma2 semaphore(%arg7 : memref<!tpu.dma_semaphore, #tpu.memory_space<semaphore_mem>>) src(%dma_wait3A_82 : memref<2x128xi32, #tpu.memory_space<hbm>>) dst(%dma_wait3A_78 : memref<2x128xi32, #tpu.memory_space<vmem>>)
    %dma_start3A_83 = arith.constant 0 : i32
    %dma_start3A_84 = arith.constant 0 : i32
    %dma_start3A_85 = arith.constant 0 : i32
    %dma_start3A_86 = arith.constant 0 : i32
    %dma_start3A_87 = arith.constant 0 : i32
    %dma_start3A_88 = tpu.memref_slice %arg6[%dma_start3A_85, %dma_start3A_86, %dma_start3A_87] : memref<3x128x128xf32, #tpu.memory_space<vmem>> -> memref<1x128x128xf32, #tpu.memory_space<vmem>>
    %dma_start3A_89 = tpu.memref_squeeze %dma_start3A_88 : memref<1x128x128xf32, #tpu.memory_space<vmem>> -> memref<128x128xf32, #tpu.memory_space<vmem>>
    %dma_start3A_90 = arith.constant 0 : i32
    %dma_start3A_91 = tpu.memref_slice %arg5[%dma_start3A_83, %dma_start3A_84, %dma_start3A_90] : memref<3x2x128xi32, #tpu.memory_space<vmem>> -> memref<1x1x128xi32, #tpu.memory_space<vmem>>
    %dma_start3A_92 = tpu.memref_squeeze %dma_start3A_91 : memref<1x1x128xi32, #tpu.memory_space<vmem>> -> memref<128xi32, #tpu.memory_space<vmem>>
    %dma_start3A_93 = arith.constant 0 : i32
    %dma_start3A_94 = arith.constant 0 : i32
    %dma_start3A_95 = tpu.memref_slice %arg2[%dma_start3A_93, %dma_start3A_94] : memref<10112x128xf32, #tpu.memory_space<hbm>> -> memref<10112x128xf32, #tpu.memory_space<hbm>>
    tpu.enqueue_indirect_dma source(%dma_start3A_95 : memref<10112x128xf32, #tpu.memory_space<hbm>>) target(%dma_start3A_89 : memref<128x128xf32, #tpu.memory_space<vmem>>) offsets(%dma_start3A_92 : memref<128xi32, #tpu.memory_space<vmem>>) semaphore(%arg10 : memref<!tpu.dma_semaphore, #tpu.memory_space<semaphore_mem>>)
    %add3A_96 = arith.constant 1 : i32
    %add3A_97 = arith.addi %mul3A_2, %add3A_96 : i32
    %dma_wait3A_98 = arith.constant 1 : i32
    %dma_wait3A_99 = arith.constant 0 : i32
    %dma_wait3A_100 = arith.constant 0 : i32
    %dma_wait3A_101 = tpu.memref_slice %arg5[%dma_wait3A_98, %dma_wait3A_99, %dma_wait3A_100] : memref<3x2x128xi32, #tpu.memory_space<vmem>> -> memref<1x2x128xi32, #tpu.memory_space<vmem>>
    %dma_wait3A_102 = tpu.memref_squeeze %dma_wait3A_101 : memref<1x2x128xi32, #tpu.memory_space<vmem>> -> memref<2x128xi32, #tpu.memory_space<vmem>>
    %dma_wait3A_103 = arith.constant 0 : i32
    %dma_wait3A_104 = arith.constant 0 : i32
    %dma_wait3A_105 = tpu.memref_slice %arg3[%add3A_97, %dma_wait3A_103, %dma_wait3A_104] : memref<2560x2x128xi32, #tpu.memory_space<hbm>> -> memref<1x2x128xi32, #tpu.memory_space<hbm>>
    %dma_wait3A_106 = tpu.memref_squeeze %dma_wait3A_105 : memref<1x2x128xi32, #tpu.memory_space<hbm>> -> memref<2x128xi32, #tpu.memory_space<hbm>>
    %dma_wait3A_107 = arith.constant 0 : i32
    %dma_wait3A_108 = arith.constant 0 : i32
    %dma_wait3A_109 = tpu.memref_slice %arg5[%dma_wait3A_98, %dma_wait3A_107, %dma_wait3A_108] : memref<3x2x128xi32, #tpu.memory_space<vmem>> -> memref<1x2x128xi32, #tpu.memory_space<vmem>>
    %dma_wait3A_110 = tpu.memref_squeeze %dma_wait3A_109 : memref<1x2x128xi32, #tpu.memory_space<vmem>> -> memref<2x128xi32, #tpu.memory_space<vmem>>
    %dma_wait3A_111 = arith.constant 0 : i32
    %dma_wait3A_112 = arith.constant 0 : i32
    %dma_wait3A_113 = tpu.memref_slice %arg3[%add3A_97, %dma_wait3A_111, %dma_wait3A_112] : memref<2560x2x128xi32, #tpu.memory_space<hbm>> -> memref<1x2x128xi32, #tpu.memory_space<hbm>>
    %dma_wait3A_114 = tpu.memref_squeeze %dma_wait3A_113 : memref<1x2x128xi32, #tpu.memory_space<hbm>> -> memref<2x128xi32, #tpu.memory_space<hbm>>
    tpu.wait_dma2 semaphore(%arg8 : memref<!tpu.dma_semaphore, #tpu.memory_space<semaphore_mem>>) src(%dma_wait3A_114 : memref<2x128xi32, #tpu.memory_space<hbm>>) dst(%dma_wait3A_110 : memref<2x128xi32, #tpu.memory_space<vmem>>)
    %dma_start3A_115 = arith.constant 1 : i32
    %dma_start3A_116 = arith.constant 0 : i32
    %dma_start3A_117 = arith.constant 1 : i32
    %dma_start3A_118 = arith.constant 0 : i32
    %dma_start3A_119 = arith.constant 0 : i32
    %dma_start3A_120 = tpu.memref_slice %arg6[%dma_start3A_117, %dma_start3A_118, %dma_start3A_119] : memref<3x128x128xf32, #tpu.memory_space<vmem>> -> memref<1x128x128xf32, #tpu.memory_space<vmem>>
    %dma_start3A_121 = tpu.memref_squeeze %dma_start3A_120 : memref<1x128x128xf32, #tpu.memory_space<vmem>> -> memref<128x128xf32, #tpu.memory_space<vmem>>
    %dma_start3A_122 = arith.constant 0 : i32
    %dma_start3A_123 = tpu.memref_slice %arg5[%dma_start3A_115, %dma_start3A_116, %dma_start3A_122] : memref<3x2x128xi32, #tpu.memory_space<vmem>> -> memref<1x1x128xi32, #tpu.memory_space<vmem>>
    %dma_start3A_124 = tpu.memref_squeeze %dma_start3A_123 : memref<1x1x128xi32, #tpu.memory_space<vmem>> -> memref<128xi32, #tpu.memory_space<vmem>>
    %dma_start3A_125 = arith.constant 0 : i32
    %dma_start3A_126 = arith.constant 0 : i32
    %dma_start3A_127 = tpu.memref_slice %arg2[%dma_start3A_125, %dma_start3A_126] : memref<10112x128xf32, #tpu.memory_space<hbm>> -> memref<10112x128xf32, #tpu.memory_space<hbm>>
    tpu.enqueue_indirect_dma source(%dma_start3A_127 : memref<10112x128xf32, #tpu.memory_space<hbm>>) target(%dma_start3A_121 : memref<128x128xf32, #tpu.memory_space<vmem>>) offsets(%dma_start3A_124 : memref<128xi32, #tpu.memory_space<vmem>>) semaphore(%arg11 : memref<!tpu.dma_semaphore, #tpu.memory_space<semaphore_mem>>)
    %mul3A_128 = arith.constant 632 : i32
    %mul3A_129 = arith.muli %arg1, %mul3A_128 : i32
    %add3A_130 = arith.constant 0 : i32
    %add3A_131 = arith.addi %mul3A_129, %add3A_130 : i32
    %run_scoped3A = arith.constant 2 : i32
    "tpu.region"() ({
      %run_scoped3A_762 = tpu.sem_alloc : memref<!tpu.dma_semaphore, #tpu.memory_space<semaphore_mem>>
      %dma_start3A_763 = arith.constant 0 : i32
      %dma_start3A_764 = arith.constant 0 : i32
      %dma_start3A_765 = tpu.memref_slice %arg6[%run_scoped3A, %dma_start3A_763, %dma_start3A_764] : memref<3x128x128xf32, #tpu.memory_space<vmem>> -> memref<1x128x128xf32, #tpu.memory_space<vmem>>
      %dma_start3A_766 = tpu.memref_squeeze %dma_start3A_765 : memref<1x128x128xf32, #tpu.memory_space<vmem>> -> memref<128x128xf32, #tpu.memory_space<vmem>>
      %dma_start3A_767 = arith.constant 0 : i32
      %dma_start3A_768 = tpu.memref_slice %arg16[%add3A_131, %dma_start3A_767] : memref<10112x128xf32, #tpu.memory_space<vmem_shared>> -> memref<128x128xf32, #tpu.memory_space<vmem_shared>>
      %dma_start3A_769 = arith.constant 0 : i32
      %dma_start3A_770 = tpu.memref_slice %arg16[%add3A_131, %dma_start3A_769] : memref<10112x128xf32, #tpu.memory_space<vmem_shared>> -> memref<128x128xf32, #tpu.memory_space<vmem_shared>>
      %dma_start3A_771 = arith.constant 0 : i32
      %dma_start3A_772 = arith.constant 0 : i32
      %dma_start3A_773 = tpu.memref_slice %arg6[%run_scoped3A, %dma_start3A_771, %dma_start3A_772] : memref<3x128x128xf32, #tpu.memory_space<vmem>> -> memref<1x128x128xf32, #tpu.memory_space<vmem>>
      %dma_start3A_774 = tpu.memref_squeeze %dma_start3A_773 : memref<1x128x128xf32, #tpu.memory_space<vmem>> -> memref<128x128xf32, #tpu.memory_space<vmem>>
      tpu.enqueue_dma source(%dma_start3A_774 : memref<128x128xf32, #tpu.memory_space<vmem>>) target(%dma_start3A_770 : memref<128x128xf32, #tpu.memory_space<vmem_shared>>) target_semaphore(%run_scoped3A_762 : memref<!tpu.dma_semaphore, #tpu.memory_space<semaphore_mem>>)
      %dma_wait3A_775 = arith.constant 0 : i32
      %dma_wait3A_776 = arith.constant 0 : i32
      %dma_wait3A_777 = tpu.memref_slice %arg6[%run_scoped3A, %dma_wait3A_775, %dma_wait3A_776] : memref<3x128x128xf32, #tpu.memory_space<vmem>> -> memref<1x128x128xf32, #tpu.memory_space<vmem>>
      %dma_wait3A_778 = tpu.memref_squeeze %dma_wait3A_777 : memref<1x128x128xf32, #tpu.memory_space<vmem>> -> memref<128x128xf32, #tpu.memory_space<vmem>>
      %dma_wait3A_779 = arith.constant 0 : i32
      %dma_wait3A_780 = tpu.memref_slice %arg16[%add3A_131, %dma_wait3A_779] : memref<10112x128xf32, #tpu.memory_space<vmem_shared>> -> memref<128x128xf32, #tpu.memory_space<vmem_shared>>
      %dma_wait3A_781 = arith.constant 0 : i32
      %dma_wait3A_782 = tpu.memref_slice %arg16[%add3A_131, %dma_wait3A_781] : memref<10112x128xf32, #tpu.memory_space<vmem_shared>> -> memref<128x128xf32, #tpu.memory_space<vmem_shared>>
      %dma_wait3A_783 = arith.constant 0 : i32
      %dma_wait3A_784 = arith.constant 0 : i32
      %dma_wait3A_785 = tpu.memref_slice %arg6[%run_scoped3A, %dma_wait3A_783, %dma_wait3A_784] : memref<3x128x128xf32, #tpu.memory_space<vmem>> -> memref<1x128x128xf32, #tpu.memory_space<vmem>>
      %dma_wait3A_786 = tpu.memref_squeeze %dma_wait3A_785 : memref<1x128x128xf32, #tpu.memory_space<vmem>> -> memref<128x128xf32, #tpu.memory_space<vmem>>
      tpu.wait_dma2 semaphore(%run_scoped3A_762 : memref<!tpu.dma_semaphore, #tpu.memory_space<semaphore_mem>>) src(%dma_wait3A_786 : memref<128x128xf32, #tpu.memory_space<vmem>>) dst(%dma_wait3A_782 : memref<128x128xf32, #tpu.memory_space<vmem_shared>>)
      tpu.yield
    }) : () -> ()
    %mul3A_132 = arith.constant 632 : i32
    %mul3A_133 = arith.muli %arg1, %mul3A_132 : i32
    %add3A_134 = arith.constant 128 : i32
    %add3A_135 = arith.addi %mul3A_133, %add3A_134 : i32
    %run_scoped3A_136 = arith.constant 2 : i32
    "tpu.region"() ({
      %run_scoped3A_762 = tpu.sem_alloc : memref<!tpu.dma_semaphore, #tpu.memory_space<semaphore_mem>>
      %dma_start3A_763 = arith.constant 0 : i32
      %dma_start3A_764 = arith.constant 0 : i32
      %dma_start3A_765 = tpu.memref_slice %arg6[%run_scoped3A_136, %dma_start3A_763, %dma_start3A_764] : memref<3x128x128xf32, #tpu.memory_space<vmem>> -> memref<1x128x128xf32, #tpu.memory_space<vmem>>
      %dma_start3A_766 = tpu.memref_squeeze %dma_start3A_765 : memref<1x128x128xf32, #tpu.memory_space<vmem>> -> memref<128x128xf32, #tpu.memory_space<vmem>>
      %dma_start3A_767 = arith.constant 0 : i32
      %dma_start3A_768 = tpu.memref_slice %arg16[%add3A_135, %dma_start3A_767] : memref<10112x128xf32, #tpu.memory_space<vmem_shared>> -> memref<128x128xf32, #tpu.memory_space<vmem_shared>>
      %dma_start3A_769 = arith.constant 0 : i32
      %dma_start3A_770 = tpu.memref_slice %arg16[%add3A_135, %dma_start3A_769] : memref<10112x128xf32, #tpu.memory_space<vmem_shared>> -> memref<128x128xf32, #tpu.memory_space<vmem_shared>>
      %dma_start3A_771 = arith.constant 0 : i32
      %dma_start3A_772 = arith.constant 0 : i32
      %dma_start3A_773 = tpu.memref_slice %arg6[%run_scoped3A_136, %dma_start3A_771, %dma_start3A_772] : memref<3x128x128xf32, #tpu.memory_space<vmem>> -> memref<1x128x128xf32, #tpu.memory_space<vmem>>
      %dma_start3A_774 = tpu.memref_squeeze %dma_start3A_773 : memref<1x128x128xf32, #tpu.memory_space<vmem>> -> memref<128x128xf32, #tpu.memory_space<vmem>>
      tpu.enqueue_dma source(%dma_start3A_774 : memref<128x128xf32, #tpu.memory_space<vmem>>) target(%dma_start3A_770 : memref<128x128xf32, #tpu.memory_space<vmem_shared>>) target_semaphore(%run_scoped3A_762 : memref<!tpu.dma_semaphore, #tpu.memory_space<semaphore_mem>>)
      %dma_wait3A_775 = arith.constant 0 : i32
      %dma_wait3A_776 = arith.constant 0 : i32
      %dma_wait3A_777 = tpu.memref_slice %arg6[%run_scoped3A_136, %dma_wait3A_775, %dma_wait3A_776] : memref<3x128x128xf32, #tpu.memory_space<vmem>> -> memref<1x128x128xf32, #tpu.memory_space<vmem>>
      %dma_wait3A_778 = tpu.memref_squeeze %dma_wait3A_777 : memref<1x128x128xf32, #tpu.memory_space<vmem>> -> memref<128x128xf32, #tpu.memory_space<vmem>>
      %dma_wait3A_779 = arith.constant 0 : i32
      %dma_wait3A_780 = tpu.memref_slice %arg16[%add3A_135, %dma_wait3A_779] : memref<10112x128xf32, #tpu.memory_space<vmem_shared>> -> memref<128x128xf32, #tpu.memory_space<vmem_shared>>
      %dma_wait3A_781 = arith.constant 0 : i32
      %dma_wait3A_782 = tpu.memref_slice %arg16[%add3A_135, %dma_wait3A_781] : memref<10112x128xf32, #tpu.memory_space<vmem_shared>> -> memref<128x128xf32, #tpu.memory_space<vmem_shared>>
      %dma_wait3A_783 = arith.constant 0 : i32
      %dma_wait3A_784 = arith.constant 0 : i32
      %dma_wait3A_785 = tpu.memref_slice %arg6[%run_scoped3A_136, %dma_wait3A_783, %dma_wait3A_784] : memref<3x128x128xf32, #tpu.memory_space<vmem>> -> memref<1x128x128xf32, #tpu.memory_space<vmem>>
      %dma_wait3A_786 = tpu.memref_squeeze %dma_wait3A_785 : memref<1x128x128xf32, #tpu.memory_space<vmem>> -> memref<128x128xf32, #tpu.memory_space<vmem>>
      tpu.wait_dma2 semaphore(%run_scoped3A_762 : memref<!tpu.dma_semaphore, #tpu.memory_space<semaphore_mem>>) src(%dma_wait3A_786 : memref<128x128xf32, #tpu.memory_space<vmem>>) dst(%dma_wait3A_782 : memref<128x128xf32, #tpu.memory_space<vmem_shared>>)
      tpu.yield
    }) : () -> ()
    %mul3A_137 = arith.constant 632 : i32
    %mul3A_138 = arith.muli %arg1, %mul3A_137 : i32
    %add3A_139 = arith.constant 256 : i32
    %add3A_140 = arith.addi %mul3A_138, %add3A_139 : i32
    %run_scoped3A_141 = arith.constant 2 : i32
    "tpu.region"() ({
      %run_scoped3A_762 = tpu.sem_alloc : memref<!tpu.dma_semaphore, #tpu.memory_space<semaphore_mem>>
      %dma_start3A_763 = arith.constant 0 : i32
      %dma_start3A_764 = arith.constant 0 : i32
      %dma_start3A_765 = tpu.memref_slice %arg6[%run_scoped3A_141, %dma_start3A_763, %dma_start3A_764] : memref<3x128x128xf32, #tpu.memory_space<vmem>> -> memref<1x128x128xf32, #tpu.memory_space<vmem>>
      %dma_start3A_766 = tpu.memref_squeeze %dma_start3A_765 : memref<1x128x128xf32, #tpu.memory_space<vmem>> -> memref<128x128xf32, #tpu.memory_space<vmem>>
      %dma_start3A_767 = arith.constant 0 : i32
      %dma_start3A_768 = tpu.memref_slice %arg16[%add3A_140, %dma_start3A_767] : memref<10112x128xf32, #tpu.memory_space<vmem_shared>> -> memref<128x128xf32, #tpu.memory_space<vmem_shared>>
      %dma_start3A_769 = arith.constant 0 : i32
      %dma_start3A_770 = tpu.memref_slice %arg16[%add3A_140, %dma_start3A_769] : memref<10112x128xf32, #tpu.memory_space<vmem_shared>> -> memref<128x128xf32, #tpu.memory_space<vmem_shared>>
      %dma_start3A_771 = arith.constant 0 : i32
      %dma_start3A_772 = arith.constant 0 : i32
      %dma_start3A_773 = tpu.memref_slice %arg6[%run_scoped3A_141, %dma_start3A_771, %dma_start3A_772] : memref<3x128x128xf32, #tpu.memory_space<vmem>> -> memref<1x128x128xf32, #tpu.memory_space<vmem>>
      %dma_start3A_774 = tpu.memref_squeeze %dma_start3A_773 : memref<1x128x128xf32, #tpu.memory_space<vmem>> -> memref<128x128xf32, #tpu.memory_space<vmem>>
      tpu.enqueue_dma source(%dma_start3A_774 : memref<128x128xf32, #tpu.memory_space<vmem>>) target(%dma_start3A_770 : memref<128x128xf32, #tpu.memory_space<vmem_shared>>) target_semaphore(%run_scoped3A_762 : memref<!tpu.dma_semaphore, #tpu.memory_space<semaphore_mem>>)
      %dma_wait3A_775 = arith.constant 0 : i32
      %dma_wait3A_776 = arith.constant 0 : i32
      %dma_wait3A_777 = tpu.memref_slice %arg6[%run_scoped3A_141, %dma_wait3A_775, %dma_wait3A_776] : memref<3x128x128xf32, #tpu.memory_space<vmem>> -> memref<1x128x128xf32, #tpu.memory_space<vmem>>
      %dma_wait3A_778 = tpu.memref_squeeze %dma_wait3A_777 : memref<1x128x128xf32, #tpu.memory_space<vmem>> -> memref<128x128xf32, #tpu.memory_space<vmem>>
      %dma_wait3A_779 = arith.constant 0 : i32
      %dma_wait3A_780 = tpu.memref_slice %arg16[%add3A_140, %dma_wait3A_779] : memref<10112x128xf32, #tpu.memory_space<vmem_shared>> -> memref<128x128xf32, #tpu.memory_space<vmem_shared>>
      %dma_wait3A_781 = arith.constant 0 : i32
      %dma_wait3A_782 = tpu.memref_slice %arg16[%add3A_140, %dma_wait3A_781] : memref<10112x128xf32, #tpu.memory_space<vmem_shared>> -> memref<128x128xf32, #tpu.memory_space<vmem_shared>>
      %dma_wait3A_783 = arith.constant 0 : i32
      %dma_wait3A_784 = arith.constant 0 : i32
      %dma_wait3A_785 = tpu.memref_slice %arg6[%run_scoped3A_141, %dma_wait3A_783, %dma_wait3A_784] : memref<3x128x128xf32, #tpu.memory_space<vmem>> -> memref<1x128x128xf32, #tpu.memory_space<vmem>>
      %dma_wait3A_786 = tpu.memref_squeeze %dma_wait3A_785 : memref<1x128x128xf32, #tpu.memory_space<vmem>> -> memref<128x128xf32, #tpu.memory_space<vmem>>
      tpu.wait_dma2 semaphore(%run_scoped3A_762 : memref<!tpu.dma_semaphore, #tpu.memory_space<semaphore_mem>>) src(%dma_wait3A_786 : memref<128x128xf32, #tpu.memory_space<vmem>>) dst(%dma_wait3A_782 : memref<128x128xf32, #tpu.memory_space<vmem_shared>>)
      tpu.yield
    }) : () -> ()
    %mul3A_142 = arith.constant 632 : i32
    %mul3A_143 = arith.muli %arg1, %mul3A_142 : i32
    %add3A_144 = arith.constant 384 : i32
    %add3A_145 = arith.addi %mul3A_143, %add3A_144 : i32
    %run_scoped3A_146 = arith.constant 2 : i32
    "tpu.region"() ({
      %run_scoped3A_762 = tpu.sem_alloc : memref<!tpu.dma_semaphore, #tpu.memory_space<semaphore_mem>>
      %dma_start3A_763 = arith.constant 0 : i32
      %dma_start3A_764 = arith.constant 0 : i32
      %dma_start3A_765 = tpu.memref_slice %arg6[%run_scoped3A_146, %dma_start3A_763, %dma_start3A_764] : memref<3x128x128xf32, #tpu.memory_space<vmem>> -> memref<1x128x128xf32, #tpu.memory_space<vmem>>
      %dma_start3A_766 = tpu.memref_squeeze %dma_start3A_765 : memref<1x128x128xf32, #tpu.memory_space<vmem>> -> memref<128x128xf32, #tpu.memory_space<vmem>>
      %dma_start3A_767 = arith.constant 0 : i32
      %dma_start3A_768 = tpu.memref_slice %arg16[%add3A_145, %dma_start3A_767] : memref<10112x128xf32, #tpu.memory_space<vmem_shared>> -> memref<128x128xf32, #tpu.memory_space<vmem_shared>>
      %dma_start3A_769 = arith.constant 0 : i32
      %dma_start3A_770 = tpu.memref_slice %arg16[%add3A_145, %dma_start3A_769] : memref<10112x128xf32, #tpu.memory_space<vmem_shared>> -> memref<128x128xf32, #tpu.memory_space<vmem_shared>>
      %dma_start3A_771 = arith.constant 0 : i32
      %dma_start3A_772 = arith.constant 0 : i32
      %dma_start3A_773 = tpu.memref_slice %arg6[%run_scoped3A_146, %dma_start3A_771, %dma_start3A_772] : memref<3x128x128xf32, #tpu.memory_space<vmem>> -> memref<1x128x128xf32, #tpu.memory_space<vmem>>
      %dma_start3A_774 = tpu.memref_squeeze %dma_start3A_773 : memref<1x128x128xf32, #tpu.memory_space<vmem>> -> memref<128x128xf32, #tpu.memory_space<vmem>>
      tpu.enqueue_dma source(%dma_start3A_774 : memref<128x128xf32, #tpu.memory_space<vmem>>) target(%dma_start3A_770 : memref<128x128xf32, #tpu.memory_space<vmem_shared>>) target_semaphore(%run_scoped3A_762 : memref<!tpu.dma_semaphore, #tpu.memory_space<semaphore_mem>>)
      %dma_wait3A_775 = arith.constant 0 : i32
      %dma_wait3A_776 = arith.constant 0 : i32
      %dma_wait3A_777 = tpu.memref_slice %arg6[%run_scoped3A_146, %dma_wait3A_775, %dma_wait3A_776] : memref<3x128x128xf32, #tpu.memory_space<vmem>> -> memref<1x128x128xf32, #tpu.memory_space<vmem>>
      %dma_wait3A_778 = tpu.memref_squeeze %dma_wait3A_777 : memref<1x128x128xf32, #tpu.memory_space<vmem>> -> memref<128x128xf32, #tpu.memory_space<vmem>>
      %dma_wait3A_779 = arith.constant 0 : i32
      %dma_wait3A_780 = tpu.memref_slice %arg16[%add3A_145, %dma_wait3A_779] : memref<10112x128xf32, #tpu.memory_space<vmem_shared>> -> memref<128x128xf32, #tpu.memory_space<vmem_shared>>
      %dma_wait3A_781 = arith.constant 0 : i32
      %dma_wait3A_782 = tpu.memref_slice %arg16[%add3A_145, %dma_wait3A_781] : memref<10112x128xf32, #tpu.memory_space<vmem_shared>> -> memref<128x128xf32, #tpu.memory_space<vmem_shared>>
      %dma_wait3A_783 = arith.constant 0 : i32
      %dma_wait3A_784 = arith.constant 0 : i32
      %dma_wait3A_785 = tpu.memref_slice %arg6[%run_scoped3A_146, %dma_wait3A_783, %dma_wait3A_784] : memref<3x128x128xf32, #tpu.memory_space<vmem>> -> memref<1x128x128xf32, #tpu.memory_space<vmem>>
      %dma_wait3A_786 = tpu.memref_squeeze %dma_wait3A_785 : memref<1x128x128xf32, #tpu.memory_space<vmem>> -> memref<128x128xf32, #tpu.memory_space<vmem>>
      tpu.wait_dma2 semaphore(%run_scoped3A_762 : memref<!tpu.dma_semaphore, #tpu.memory_space<semaphore_mem>>) src(%dma_wait3A_786 : memref<128x128xf32, #tpu.memory_space<vmem>>) dst(%dma_wait3A_782 : memref<128x128xf32, #tpu.memory_space<vmem_shared>>)
      tpu.yield
    }) : () -> ()
    %mul3A_147 = arith.constant 632 : i32
    %mul3A_148 = arith.muli %arg1, %mul3A_147 : i32
    %add3A_149 = arith.constant 512 : i32
    %add3A_150 = arith.addi %mul3A_148, %add3A_149 : i32
    %run_scoped3A_151 = arith.constant 2 : i32
    "tpu.region"() ({
      %run_scoped3A_762 = tpu.sem_alloc : memref<!tpu.dma_semaphore, #tpu.memory_space<semaphore_mem>>
      %dma_start3A_763 = arith.constant 0 : i32
      %dma_start3A_764 = arith.constant 0 : i32
      %dma_start3A_765 = tpu.memref_slice %arg6[%run_scoped3A_151, %dma_start3A_763, %dma_start3A_764] : memref<3x128x128xf32, #tpu.memory_space<vmem>> -> memref<1x120x128xf32, #tpu.memory_space<vmem>>
      %dma_start3A_766 = tpu.memref_squeeze %dma_start3A_765 : memref<1x120x128xf32, #tpu.memory_space<vmem>> -> memref<120x128xf32, #tpu.memory_space<vmem>>
      %dma_start3A_767 = arith.constant 0 : i32
      %dma_start3A_768 = tpu.memref_slice %arg16[%add3A_150, %dma_start3A_767] : memref<10112x128xf32, #tpu.memory_space<vmem_shared>> -> memref<120x128xf32, #tpu.memory_space<vmem_shared>>
      %dma_start3A_769 = arith.constant 0 : i32
      %dma_start3A_770 = tpu.memref_slice %arg16[%add3A_150, %dma_start3A_769] : memref<10112x128xf32, #tpu.memory_space<vmem_shared>> -> memref<120x128xf32, #tpu.memory_space<vmem_shared>>
      %dma_start3A_771 = arith.constant 0 : i32
      %dma_start3A_772 = arith.constant 0 : i32
      %dma_start3A_773 = tpu.memref_slice %arg6[%run_scoped3A_151, %dma_start3A_771, %dma_start3A_772] : memref<3x128x128xf32, #tpu.memory_space<vmem>> -> memref<1x120x128xf32, #tpu.memory_space<vmem>>
      %dma_start3A_774 = tpu.memref_squeeze %dma_start3A_773 : memref<1x120x128xf32, #tpu.memory_space<vmem>> -> memref<120x128xf32, #tpu.memory_space<vmem>>
      tpu.enqueue_dma source(%dma_start3A_774 : memref<120x128xf32, #tpu.memory_space<vmem>>) target(%dma_start3A_770 : memref<120x128xf32, #tpu.memory_space<vmem_shared>>) target_semaphore(%run_scoped3A_762 : memref<!tpu.dma_semaphore, #tpu.memory_space<semaphore_mem>>)
      %dma_wait3A_775 = arith.constant 0 : i32
      %dma_wait3A_776 = arith.constant 0 : i32
      %dma_wait3A_777 = tpu.memref_slice %arg6[%run_scoped3A_151, %dma_wait3A_775, %dma_wait3A_776] : memref<3x128x128xf32, #tpu.memory_space<vmem>> -> memref<1x120x128xf32, #tpu.memory_space<vmem>>
      %dma_wait3A_778 = tpu.memref_squeeze %dma_wait3A_777 : memref<1x120x128xf32, #tpu.memory_space<vmem>> -> memref<120x128xf32, #tpu.memory_space<vmem>>
      %dma_wait3A_779 = arith.constant 0 : i32
      %dma_wait3A_780 = tpu.memref_slice %arg16[%add3A_150, %dma_wait3A_779] : memref<10112x128xf32, #tpu.memory_space<vmem_shared>> -> memref<120x128xf32, #tpu.memory_space<vmem_shared>>
      %dma_wait3A_781 = arith.constant 0 : i32
      %dma_wait3A_782 = tpu.memref_slice %arg16[%add3A_150, %dma_wait3A_781] : memref<10112x128xf32, #tpu.memory_space<vmem_shared>> -> memref<120x128xf32, #tpu.memory_space<vmem_shared>>
      %dma_wait3A_783 = arith.constant 0 : i32
      %dma_wait3A_784 = arith.constant 0 : i32
      %dma_wait3A_785 = tpu.memref_slice %arg6[%run_scoped3A_151, %dma_wait3A_783, %dma_wait3A_784] : memref<3x128x128xf32, #tpu.memory_space<vmem>> -> memref<1x120x128xf32, #tpu.memory_space<vmem>>
      %dma_wait3A_786 = tpu.memref_squeeze %dma_wait3A_785 : memref<1x120x128xf32, #tpu.memory_space<vmem>> -> memref<120x128xf32, #tpu.memory_space<vmem>>
      tpu.wait_dma2 semaphore(%run_scoped3A_762 : memref<!tpu.dma_semaphore, #tpu.memory_space<semaphore_mem>>) src(%dma_wait3A_786 : memref<120x128xf32, #tpu.memory_space<vmem>>) dst(%dma_wait3A_782 : memref<120x128xf32, #tpu.memory_space<vmem_shared>>)
      tpu.yield
    }) : () -> ()
    %barrier3A = arith.constant 0 : index
    tpu.barrier barrier_id(%barrier3A)
    %dma_wait3A_152 = arith.constant 0 : i32
    %dma_wait3A_153 = arith.constant 0 : i32
    %dma_wait3A_154 = arith.constant 0 : i32
    %dma_wait3A_155 = arith.constant 0 : i32
    %dma_wait3A_156 = arith.constant 0 : i32
    %dma_wait3A_157 = tpu.memref_slice %arg6[%dma_wait3A_154, %dma_wait3A_155, %dma_wait3A_156] : memref<3x128x128xf32, #tpu.memory_space<vmem>> -> memref<1x128x128xf32, #tpu.memory_space<vmem>>
    %dma_wait3A_158 = tpu.memref_squeeze %dma_wait3A_157 : memref<1x128x128xf32, #tpu.memory_space<vmem>> -> memref<128x128xf32, #tpu.memory_space<vmem>>
    %dma_wait3A_159 = arith.constant 0 : i32
    %dma_wait3A_160 = tpu.memref_slice %arg5[%dma_wait3A_152, %dma_wait3A_153, %dma_wait3A_159] : memref<3x2x128xi32, #tpu.memory_space<vmem>> -> memref<1x1x128xi32, #tpu.memory_space<vmem>>
    %dma_wait3A_161 = tpu.memref_squeeze %dma_wait3A_160 : memref<1x1x128xi32, #tpu.memory_space<vmem>> -> memref<128xi32, #tpu.memory_space<vmem>>
    %dma_wait3A_162 = arith.constant 0 : i32
    %dma_wait3A_163 = arith.constant 0 : i32
    %dma_wait3A_164 = tpu.memref_slice %arg2[%dma_wait3A_162, %dma_wait3A_163] : memref<10112x128xf32, #tpu.memory_space<hbm>> -> memref<10112x128xf32, #tpu.memory_space<hbm>>
    tpu.wait_indirect_dma semaphore(%arg10 : memref<!tpu.dma_semaphore, #tpu.memory_space<semaphore_mem>>) src(%dma_wait3A_164 : memref<10112x128xf32, #tpu.memory_space<hbm>>) dst(%dma_wait3A_158 : memref<128x128xf32, #tpu.memory_space<vmem>>)
    %dma_start3A_165 = arith.constant 0 : i32
    %dma_start3A_166 = arith.constant 0 : i32
    %dma_start3A_167 = arith.constant 1 : i32
    %dma_start3A_168 = arith.constant 0 : i32
    %dma_start3A_169 = arith.constant 0 : i32
    %dma_start3A_170 = tpu.memref_slice %arg6[%dma_start3A_165, %dma_start3A_168, %dma_start3A_169] : memref<3x128x128xf32, #tpu.memory_space<vmem>> -> memref<1x128x128xf32, #tpu.memory_space<vmem>>
    %dma_start3A_171 = tpu.memref_squeeze %dma_start3A_170 : memref<1x128x128xf32, #tpu.memory_space<vmem>> -> memref<128x128xf32, #tpu.memory_space<vmem>>
    %dma_start3A_172 = arith.constant 0 : i32
    %dma_start3A_173 = tpu.memref_slice %arg5[%dma_start3A_166, %dma_start3A_167, %dma_start3A_172] : memref<3x2x128xi32, #tpu.memory_space<vmem>> -> memref<1x1x128xi32, #tpu.memory_space<vmem>>
    %dma_start3A_174 = tpu.memref_squeeze %dma_start3A_173 : memref<1x1x128xi32, #tpu.memory_space<vmem>> -> memref<128xi32, #tpu.memory_space<vmem>>
    %dma_start3A_175 = arith.constant 0 : i32
    %dma_start3A_176 = arith.constant 0 : i32
    %dma_start3A_177 = tpu.memref_slice %arg16[%dma_start3A_175, %dma_start3A_176] : memref<10112x128xf32, #tpu.memory_space<vmem_shared>> -> memref<10112x128xf32, #tpu.memory_space<vmem_shared>>
    tpu.enqueue_indirect_dma source(%dma_start3A_171 : memref<128x128xf32, #tpu.memory_space<vmem>>) target(%dma_start3A_177 : memref<10112x128xf32, #tpu.memory_space<vmem_shared>>) offsets(%dma_start3A_174 : memref<128xi32, #tpu.memory_space<vmem>>) semaphore(%arg13 : memref<!tpu.dma_semaphore, #tpu.memory_space<semaphore_mem>>) {add = true}
    %add3A_178 = arith.constant 3 : i32
    %add3A_179 = arith.addi %mul3A_2, %add3A_178 : i32
    %dma_start3A_180 = arith.constant 0 : i32
    %dma_start3A_181 = arith.constant 0 : i32
    %dma_start3A_182 = arith.constant 0 : i32
    %dma_start3A_183 = tpu.memref_slice %arg5[%dma_start3A_180, %dma_start3A_181, %dma_start3A_182] : memref<3x2x128xi32, #tpu.memory_space<vmem>> -> memref<1x2x128xi32, #tpu.memory_space<vmem>>
    %dma_start3A_184 = tpu.memref_squeeze %dma_start3A_183 : memref<1x2x128xi32, #tpu.memory_space<vmem>> -> memref<2x128xi32, #tpu.memory_space<vmem>>
    %dma_start3A_185 = arith.constant 0 : i32
    %dma_start3A_186 = arith.constant 0 : i32
    %dma_start3A_187 = tpu.memref_slice %arg3[%add3A_179, %dma_start3A_185, %dma_start3A_186] : memref<2560x2x128xi32, #tpu.memory_space<hbm>> -> memref<1x2x128xi32, #tpu.memory_space<hbm>>
    %dma_start3A_188 = tpu.memref_squeeze %dma_start3A_187 : memref<1x2x128xi32, #tpu.memory_space<hbm>> -> memref<2x128xi32, #tpu.memory_space<hbm>>
    %dma_start3A_189 = arith.constant 0 : i32
    %dma_start3A_190 = arith.constant 0 : i32
    %dma_start3A_191 = tpu.memref_slice %arg5[%dma_start3A_180, %dma_start3A_189, %dma_start3A_190] : memref<3x2x128xi32, #tpu.memory_space<vmem>> -> memref<1x2x128xi32, #tpu.memory_space<vmem>>
    %dma_start3A_192 = tpu.memref_squeeze %dma_start3A_191 : memref<1x2x128xi32, #tpu.memory_space<vmem>> -> memref<2x128xi32, #tpu.memory_space<vmem>>
    %dma_start3A_193 = arith.constant 0 : i32
    %dma_start3A_194 = arith.constant 0 : i32
    %dma_start3A_195 = tpu.memref_slice %arg3[%add3A_179, %dma_start3A_193, %dma_start3A_194] : memref<2560x2x128xi32, #tpu.memory_space<hbm>> -> memref<1x2x128xi32, #tpu.memory_space<hbm>>
    %dma_start3A_196 = tpu.memref_squeeze %dma_start3A_195 : memref<1x2x128xi32, #tpu.memory_space<hbm>> -> memref<2x128xi32, #tpu.memory_space<hbm>>
    tpu.enqueue_dma source(%dma_start3A_196 : memref<2x128xi32, #tpu.memory_space<hbm>>) target(%dma_start3A_192 : memref<2x128xi32, #tpu.memory_space<vmem>>) target_semaphore(%arg7 : memref<!tpu.dma_semaphore, #tpu.memory_space<semaphore_mem>>)
    %dma_wait3A_197 = arith.constant 1 : i32
    %dma_wait3A_198 = arith.constant 0 : i32
    %dma_wait3A_199 = arith.constant 1 : i32
    %dma_wait3A_200 = arith.constant 0 : i32
    %dma_wait3A_201 = arith.constant 0 : i32
    %dma_wait3A_202 = tpu.memref_slice %arg6[%dma_wait3A_199, %dma_wait3A_200, %dma_wait3A_201] : memref<3x128x128xf32, #tpu.memory_space<vmem>> -> memref<1x128x128xf32, #tpu.memory_space<vmem>>
    %dma_wait3A_203 = tpu.memref_squeeze %dma_wait3A_202 : memref<1x128x128xf32, #tpu.memory_space<vmem>> -> memref<128x128xf32, #tpu.memory_space<vmem>>
    %dma_wait3A_204 = arith.constant 0 : i32
    %dma_wait3A_205 = tpu.memref_slice %arg5[%dma_wait3A_197, %dma_wait3A_198, %dma_wait3A_204] : memref<3x2x128xi32, #tpu.memory_space<vmem>> -> memref<1x1x128xi32, #tpu.memory_space<vmem>>
    %dma_wait3A_206 = tpu.memref_squeeze %dma_wait3A_205 : memref<1x1x128xi32, #tpu.memory_space<vmem>> -> memref<128xi32, #tpu.memory_space<vmem>>
    %dma_wait3A_207 = arith.constant 0 : i32
    %dma_wait3A_208 = arith.constant 0 : i32
    %dma_wait3A_209 = tpu.memref_slice %arg2[%dma_wait3A_207, %dma_wait3A_208] : memref<10112x128xf32, #tpu.memory_space<hbm>> -> memref<10112x128xf32, #tpu.memory_space<hbm>>
    tpu.wait_indirect_dma semaphore(%arg11 : memref<!tpu.dma_semaphore, #tpu.memory_space<semaphore_mem>>) src(%dma_wait3A_209 : memref<10112x128xf32, #tpu.memory_space<hbm>>) dst(%dma_wait3A_203 : memref<128x128xf32, #tpu.memory_space<vmem>>)
    %dma_start3A_210 = arith.constant 1 : i32
    %dma_start3A_211 = arith.constant 1 : i32
    %dma_start3A_212 = arith.constant 1 : i32
    %dma_start3A_213 = arith.constant 0 : i32
    %dma_start3A_214 = arith.constant 0 : i32
    %dma_start3A_215 = tpu.memref_slice %arg6[%dma_start3A_210, %dma_start3A_213, %dma_start3A_214] : memref<3x128x128xf32, #tpu.memory_space<vmem>> -> memref<1x128x128xf32, #tpu.memory_space<vmem>>
    %dma_start3A_216 = tpu.memref_squeeze %dma_start3A_215 : memref<1x128x128xf32, #tpu.memory_space<vmem>> -> memref<128x128xf32, #tpu.memory_space<vmem>>
    %dma_start3A_217 = arith.constant 0 : i32
    %dma_start3A_218 = tpu.memref_slice %arg5[%dma_start3A_211, %dma_start3A_212, %dma_start3A_217] : memref<3x2x128xi32, #tpu.memory_space<vmem>> -> memref<1x1x128xi32, #tpu.memory_space<vmem>>
    %dma_start3A_219 = tpu.memref_squeeze %dma_start3A_218 : memref<1x1x128xi32, #tpu.memory_space<vmem>> -> memref<128xi32, #tpu.memory_space<vmem>>
    %dma_start3A_220 = arith.constant 0 : i32
    %dma_start3A_221 = arith.constant 0 : i32
    %dma_start3A_222 = tpu.memref_slice %arg16[%dma_start3A_220, %dma_start3A_221] : memref<10112x128xf32, #tpu.memory_space<vmem_shared>> -> memref<10112x128xf32, #tpu.memory_space<vmem_shared>>
    tpu.enqueue_indirect_dma source(%dma_start3A_216 : memref<128x128xf32, #tpu.memory_space<vmem>>) target(%dma_start3A_222 : memref<10112x128xf32, #tpu.memory_space<vmem_shared>>) offsets(%dma_start3A_219 : memref<128xi32, #tpu.memory_space<vmem>>) semaphore(%arg14 : memref<!tpu.dma_semaphore, #tpu.memory_space<semaphore_mem>>) {add = true}
    %add3A_223 = arith.constant 4 : i32
    %add3A_224 = arith.addi %mul3A_2, %add3A_223 : i32
    %dma_start3A_225 = arith.constant 1 : i32
    %dma_start3A_226 = arith.constant 0 : i32
    %dma_start3A_227 = arith.constant 0 : i32
    %dma_start3A_228 = tpu.memref_slice %arg5[%dma_start3A_225, %dma_start3A_226, %dma_start3A_227] : memref<3x2x128xi32, #tpu.memory_space<vmem>> -> memref<1x2x128xi32, #tpu.memory_space<vmem>>
    %dma_start3A_229 = tpu.memref_squeeze %dma_start3A_228 : memref<1x2x128xi32, #tpu.memory_space<vmem>> -> memref<2x128xi32, #tpu.memory_space<vmem>>
    %dma_start3A_230 = arith.constant 0 : i32
    %dma_start3A_231 = arith.constant 0 : i32
    %dma_start3A_232 = tpu.memref_slice %arg3[%add3A_224, %dma_start3A_230, %dma_start3A_231] : memref<2560x2x128xi32, #tpu.memory_space<hbm>> -> memref<1x2x128xi32, #tpu.memory_space<hbm>>
    %dma_start3A_233 = tpu.memref_squeeze %dma_start3A_232 : memref<1x2x128xi32, #tpu.memory_space<hbm>> -> memref<2x128xi32, #tpu.memory_space<hbm>>
    %dma_start3A_234 = arith.constant 0 : i32
    %dma_start3A_235 = arith.constant 0 : i32
    %dma_start3A_236 = tpu.memref_slice %arg5[%dma_start3A_225, %dma_start3A_234, %dma_start3A_235] : memref<3x2x128xi32, #tpu.memory_space<vmem>> -> memref<1x2x128xi32, #tpu.memory_space<vmem>>
    %dma_start3A_237 = tpu.memref_squeeze %dma_start3A_236 : memref<1x2x128xi32, #tpu.memory_space<vmem>> -> memref<2x128xi32, #tpu.memory_space<vmem>>
    %dma_start3A_238 = arith.constant 0 : i32
    %dma_start3A_239 = arith.constant 0 : i32
    %dma_start3A_240 = tpu.memref_slice %arg3[%add3A_224, %dma_start3A_238, %dma_start3A_239] : memref<2560x2x128xi32, #tpu.memory_space<hbm>> -> memref<1x2x128xi32, #tpu.memory_space<hbm>>
    %dma_start3A_241 = tpu.memref_squeeze %dma_start3A_240 : memref<1x2x128xi32, #tpu.memory_space<hbm>> -> memref<2x128xi32, #tpu.memory_space<hbm>>
    tpu.enqueue_dma source(%dma_start3A_241 : memref<2x128xi32, #tpu.memory_space<hbm>>) target(%dma_start3A_237 : memref<2x128xi32, #tpu.memory_space<vmem>>) target_semaphore(%arg8 : memref<!tpu.dma_semaphore, #tpu.memory_space<semaphore_mem>>)
    %add3A_242 = arith.constant 2 : i32
    %add3A_243 = arith.addi %mul3A_2, %add3A_242 : i32
    %dma_wait3A_244 = arith.constant 2 : i32
    %dma_wait3A_245 = arith.constant 0 : i32
    %dma_wait3A_246 = arith.constant 0 : i32
    %dma_wait3A_247 = tpu.memref_slice %arg5[%dma_wait3A_244, %dma_wait3A_245, %dma_wait3A_246] : memref<3x2x128xi32, #tpu.memory_space<vmem>> -> memref<1x2x128xi32, #tpu.memory_space<vmem>>
    %dma_wait3A_248 = tpu.memref_squeeze %dma_wait3A_247 : memref<1x2x128xi32, #tpu.memory_space<vmem>> -> memref<2x128xi32, #tpu.memory_space<vmem>>
    %dma_wait3A_249 = arith.constant 0 : i32
    %dma_wait3A_250 = arith.constant 0 : i32
    %dma_wait3A_251 = tpu.memref_slice %arg3[%add3A_243, %dma_wait3A_249, %dma_wait3A_250] : memref<2560x2x128xi32, #tpu.memory_space<hbm>> -> memref<1x2x128xi32, #tpu.memory_space<hbm>>
    %dma_wait3A_252 = tpu.memref_squeeze %dma_wait3A_251 : memref<1x2x128xi32, #tpu.memory_space<hbm>> -> memref<2x128xi32, #tpu.memory_space<hbm>>
    %dma_wait3A_253 = arith.constant 0 : i32
    %dma_wait3A_254 = arith.constant 0 : i32
    %dma_wait3A_255 = tpu.memref_slice %arg5[%dma_wait3A_244, %dma_wait3A_253, %dma_wait3A_254] : memref<3x2x128xi32, #tpu.memory_space<vmem>> -> memref<1x2x128xi32, #tpu.memory_space<vmem>>
    %dma_wait3A_256 = tpu.memref_squeeze %dma_wait3A_255 : memref<1x2x128xi32, #tpu.memory_space<vmem>> -> memref<2x128xi32, #tpu.memory_space<vmem>>
    %dma_wait3A_257 = arith.constant 0 : i32
    %dma_wait3A_258 = arith.constant 0 : i32
    %dma_wait3A_259 = tpu.memref_slice %arg3[%add3A_243, %dma_wait3A_257, %dma_wait3A_258] : memref<2560x2x128xi32, #tpu.memory_space<hbm>> -> memref<1x2x128xi32, #tpu.memory_space<hbm>>
    %dma_wait3A_260 = tpu.memref_squeeze %dma_wait3A_259 : memref<1x2x128xi32, #tpu.memory_space<hbm>> -> memref<2x128xi32, #tpu.memory_space<hbm>>
    tpu.wait_dma2 semaphore(%arg9 : memref<!tpu.dma_semaphore, #tpu.memory_space<semaphore_mem>>) src(%dma_wait3A_260 : memref<2x128xi32, #tpu.memory_space<hbm>>) dst(%dma_wait3A_256 : memref<2x128xi32, #tpu.memory_space<vmem>>)
    %dma_start3A_261 = arith.constant 2 : i32
    %dma_start3A_262 = arith.constant 0 : i32
    %dma_start3A_263 = arith.constant 2 : i32
    %dma_start3A_264 = arith.constant 0 : i32
    %dma_start3A_265 = arith.constant 0 : i32
    %dma_start3A_266 = tpu.memref_slice %arg6[%dma_start3A_263, %dma_start3A_264, %dma_start3A_265] : memref<3x128x128xf32, #tpu.memory_space<vmem>> -> memref<1x128x128xf32, #tpu.memory_space<vmem>>
    %dma_start3A_267 = tpu.memref_squeeze %dma_start3A_266 : memref<1x128x128xf32, #tpu.memory_space<vmem>> -> memref<128x128xf32, #tpu.memory_space<vmem>>
    %dma_start3A_268 = arith.constant 0 : i32
    %dma_start3A_269 = tpu.memref_slice %arg5[%dma_start3A_261, %dma_start3A_262, %dma_start3A_268] : memref<3x2x128xi32, #tpu.memory_space<vmem>> -> memref<1x1x128xi32, #tpu.memory_space<vmem>>
    %dma_start3A_270 = tpu.memref_squeeze %dma_start3A_269 : memref<1x1x128xi32, #tpu.memory_space<vmem>> -> memref<128xi32, #tpu.memory_space<vmem>>
    %dma_start3A_271 = arith.constant 0 : i32
    %dma_start3A_272 = arith.constant 0 : i32
    %dma_start3A_273 = tpu.memref_slice %arg2[%dma_start3A_271, %dma_start3A_272] : memref<10112x128xf32, #tpu.memory_space<hbm>> -> memref<10112x128xf32, #tpu.memory_space<hbm>>
    tpu.enqueue_indirect_dma source(%dma_start3A_273 : memref<10112x128xf32, #tpu.memory_space<hbm>>) target(%dma_start3A_267 : memref<128x128xf32, #tpu.memory_space<vmem>>) offsets(%dma_start3A_270 : memref<128xi32, #tpu.memory_space<vmem>>) semaphore(%arg12 : memref<!tpu.dma_semaphore, #tpu.memory_space<semaphore_mem>>)
    %dma_wait3A_274 = arith.constant 2 : i32
    %dma_wait3A_275 = arith.constant 0 : i32
    %dma_wait3A_276 = arith.constant 2 : i32
    %dma_wait3A_277 = arith.constant 0 : i32
    %dma_wait3A_278 = arith.constant 0 : i32
    %dma_wait3A_279 = tpu.memref_slice %arg6[%dma_wait3A_276, %dma_wait3A_277, %dma_wait3A_278] : memref<3x128x128xf32, #tpu.memory_space<vmem>> -> memref<1x128x128xf32, #tpu.memory_space<vmem>>
    %dma_wait3A_280 = tpu.memref_squeeze %dma_wait3A_279 : memref<1x128x128xf32, #tpu.memory_space<vmem>> -> memref<128x128xf32, #tpu.memory_space<vmem>>
    %dma_wait3A_281 = arith.constant 0 : i32
    %dma_wait3A_282 = tpu.memref_slice %arg5[%dma_wait3A_274, %dma_wait3A_275, %dma_wait3A_281] : memref<3x2x128xi32, #tpu.memory_space<vmem>> -> memref<1x1x128xi32, #tpu.memory_space<vmem>>
    %dma_wait3A_283 = tpu.memref_squeeze %dma_wait3A_282 : memref<1x1x128xi32, #tpu.memory_space<vmem>> -> memref<128xi32, #tpu.memory_space<vmem>>
    %dma_wait3A_284 = arith.constant 0 : i32
    %dma_wait3A_285 = arith.constant 0 : i32
    %dma_wait3A_286 = tpu.memref_slice %arg2[%dma_wait3A_284, %dma_wait3A_285] : memref<10112x128xf32, #tpu.memory_space<hbm>> -> memref<10112x128xf32, #tpu.memory_space<hbm>>
    tpu.wait_indirect_dma semaphore(%arg12 : memref<!tpu.dma_semaphore, #tpu.memory_space<semaphore_mem>>) src(%dma_wait3A_286 : memref<10112x128xf32, #tpu.memory_space<hbm>>) dst(%dma_wait3A_280 : memref<128x128xf32, #tpu.memory_space<vmem>>)
    %dma_start3A_287 = arith.constant 2 : i32
    %dma_start3A_288 = arith.constant 2 : i32
    %dma_start3A_289 = arith.constant 1 : i32
    %dma_start3A_290 = arith.constant 0 : i32
    %dma_start3A_291 = arith.constant 0 : i32
    %dma_start3A_292 = tpu.memref_slice %arg6[%dma_start3A_287, %dma_start3A_290, %dma_start3A_291] : memref<3x128x128xf32, #tpu.memory_space<vmem>> -> memref<1x128x128xf32, #tpu.memory_space<vmem>>
    %dma_start3A_293 = tpu.memref_squeeze %dma_start3A_292 : memref<1x128x128xf32, #tpu.memory_space<vmem>> -> memref<128x128xf32, #tpu.memory_space<vmem>>
    %dma_start3A_294 = arith.constant 0 : i32
    %dma_start3A_295 = tpu.memref_slice %arg5[%dma_start3A_288, %dma_start3A_289, %dma_start3A_294] : memref<3x2x128xi32, #tpu.memory_space<vmem>> -> memref<1x1x128xi32, #tpu.memory_space<vmem>>
    %dma_start3A_296 = tpu.memref_squeeze %dma_start3A_295 : memref<1x1x128xi32, #tpu.memory_space<vmem>> -> memref<128xi32, #tpu.memory_space<vmem>>
    %dma_start3A_297 = arith.constant 0 : i32
    %dma_start3A_298 = arith.constant 0 : i32
    %dma_start3A_299 = tpu.memref_slice %arg16[%dma_start3A_297, %dma_start3A_298] : memref<10112x128xf32, #tpu.memory_space<vmem_shared>> -> memref<10112x128xf32, #tpu.memory_space<vmem_shared>>
    tpu.enqueue_indirect_dma source(%dma_start3A_293 : memref<128x128xf32, #tpu.memory_space<vmem>>) target(%dma_start3A_299 : memref<10112x128xf32, #tpu.memory_space<vmem_shared>>) offsets(%dma_start3A_296 : memref<128xi32, #tpu.memory_space<vmem>>) semaphore(%arg15 : memref<!tpu.dma_semaphore, #tpu.memory_space<semaphore_mem>>) {add = true}
    %add3A_300 = arith.constant 5 : i32
    %add3A_301 = arith.addi %mul3A_2, %add3A_300 : i32
    %dma_start3A_302 = arith.constant 2 : i32
    %dma_start3A_303 = arith.constant 0 : i32
    %dma_start3A_304 = arith.constant 0 : i32
    %dma_start3A_305 = tpu.memref_slice %arg5[%dma_start3A_302, %dma_start3A_303, %dma_start3A_304] : memref<3x2x128xi32, #tpu.memory_space<vmem>> -> memref<1x2x128xi32, #tpu.memory_space<vmem>>
    %dma_start3A_306 = tpu.memref_squeeze %dma_start3A_305 : memref<1x2x128xi32, #tpu.memory_space<vmem>> -> memref<2x128xi32, #tpu.memory_space<vmem>>
    %dma_start3A_307 = arith.constant 0 : i32
    %dma_start3A_308 = arith.constant 0 : i32
    %dma_start3A_309 = tpu.memref_slice %arg3[%add3A_301, %dma_start3A_307, %dma_start3A_308] : memref<2560x2x128xi32, #tpu.memory_space<hbm>> -> memref<1x2x128xi32, #tpu.memory_space<hbm>>
    %dma_start3A_310 = tpu.memref_squeeze %dma_start3A_309 : memref<1x2x128xi32, #tpu.memory_space<hbm>> -> memref<2x128xi32, #tpu.memory_space<hbm>>
    %dma_start3A_311 = arith.constant 0 : i32
    %dma_start3A_312 = arith.constant 0 : i32
    %dma_start3A_313 = tpu.memref_slice %arg5[%dma_start3A_302, %dma_start3A_311, %dma_start3A_312] : memref<3x2x128xi32, #tpu.memory_space<vmem>> -> memref<1x2x128xi32, #tpu.memory_space<vmem>>
    %dma_start3A_314 = tpu.memref_squeeze %dma_start3A_313 : memref<1x2x128xi32, #tpu.memory_space<vmem>> -> memref<2x128xi32, #tpu.memory_space<vmem>>
    %dma_start3A_315 = arith.constant 0 : i32
    %dma_start3A_316 = arith.constant 0 : i32
    %dma_start3A_317 = tpu.memref_slice %arg3[%add3A_301, %dma_start3A_315, %dma_start3A_316] : memref<2560x2x128xi32, #tpu.memory_space<hbm>> -> memref<1x2x128xi32, #tpu.memory_space<hbm>>
    %dma_start3A_318 = tpu.memref_squeeze %dma_start3A_317 : memref<1x2x128xi32, #tpu.memory_space<hbm>> -> memref<2x128xi32, #tpu.memory_space<hbm>>
    tpu.enqueue_dma source(%dma_start3A_318 : memref<2x128xi32, #tpu.memory_space<hbm>>) target(%dma_start3A_314 : memref<2x128xi32, #tpu.memory_space<vmem>>) target_semaphore(%arg9 : memref<!tpu.dma_semaphore, #tpu.memory_space<semaphore_mem>>)
    %scan3A_319 = arith.constant 0 : i32
    %scan3A_320 = arith.constant 1 : i32
    %scan3A_321 = arith.constant 24 : i32
    %scan3A_322 = arith.addi %scan3A_320, %scan3A_321 : i32
    %scan3A_323 = arith.constant 1 : i32
    scf.for %scan3A_762 = %scan3A_320 to %scan3A_322 step %scan3A_323  : i32 {
      %mul3A_763 = arith.constant 3 : i32
      %mul3A_764 = arith.muli %mul3A_763, %scan3A_762 : i32
      %add3A_765 = arith.constant 0 : i32
      %add3A_766 = arith.addi %mul3A_764, %add3A_765 : i32
      %dma_wait3A_767 = arith.constant 0 : i32
      %dma_wait3A_768 = arith.constant 0 : i32
      %dma_wait3A_769 = arith.constant 1 : i32
      %dma_wait3A_770 = arith.constant 0 : i32
      %dma_wait3A_771 = arith.constant 0 : i32
      %dma_wait3A_772 = tpu.memref_slice %arg6[%dma_wait3A_767, %dma_wait3A_770, %dma_wait3A_771] : memref<3x128x128xf32, #tpu.memory_space<vmem>> -> memref<1x128x128xf32, #tpu.memory_space<vmem>>
      %dma_wait3A_773 = tpu.memref_squeeze %dma_wait3A_772 : memref<1x128x128xf32, #tpu.memory_space<vmem>> -> memref<128x128xf32, #tpu.memory_space<vmem>>
      %dma_wait3A_774 = arith.constant 0 : i32
      %dma_wait3A_775 = tpu.memref_slice %arg5[%dma_wait3A_768, %dma_wait3A_769, %dma_wait3A_774] : memref<3x2x128xi32, #tpu.memory_space<vmem>> -> memref<1x1x128xi32, #tpu.memory_space<vmem>>
      %dma_wait3A_776 = tpu.memref_squeeze %dma_wait3A_775 : memref<1x1x128xi32, #tpu.memory_space<vmem>> -> memref<128xi32, #tpu.memory_space<vmem>>
      %dma_wait3A_777 = arith.constant 0 : i32
      %dma_wait3A_778 = arith.constant 0 : i32
      %dma_wait3A_779 = tpu.memref_slice %arg16[%dma_wait3A_777, %dma_wait3A_778] : memref<10112x128xf32, #tpu.memory_space<vmem_shared>> -> memref<10112x128xf32, #tpu.memory_space<vmem_shared>>
      tpu.wait_indirect_dma semaphore(%arg13 : memref<!tpu.dma_semaphore, #tpu.memory_space<semaphore_mem>>) src(%dma_wait3A_773 : memref<128x128xf32, #tpu.memory_space<vmem>>) dst(%dma_wait3A_779 : memref<10112x128xf32, #tpu.memory_space<vmem_shared>>)
      %add3A_780 = arith.addi %mul3A_2, %add3A_766 : i32
      %dma_wait3A_781 = arith.constant 0 : i32
      %dma_wait3A_782 = arith.constant 0 : i32
      %dma_wait3A_783 = arith.constant 0 : i32
      %dma_wait3A_784 = tpu.memref_slice %arg5[%dma_wait3A_781, %dma_wait3A_782, %dma_wait3A_783] : memref<3x2x128xi32, #tpu.memory_space<vmem>> -> memref<1x2x128xi32, #tpu.memory_space<vmem>>
      %dma_wait3A_785 = tpu.memref_squeeze %dma_wait3A_784 : memref<1x2x128xi32, #tpu.memory_space<vmem>> -> memref<2x128xi32, #tpu.memory_space<vmem>>
      %dma_wait3A_786 = arith.constant 0 : i32
      %dma_wait3A_787 = arith.constant 0 : i32
      %dma_wait3A_788 = tpu.memref_slice %arg3[%add3A_780, %dma_wait3A_786, %dma_wait3A_787] : memref<2560x2x128xi32, #tpu.memory_space<hbm>> -> memref<1x2x128xi32, #tpu.memory_space<hbm>>
      %dma_wait3A_789 = tpu.memref_squeeze %dma_wait3A_788 : memref<1x2x128xi32, #tpu.memory_space<hbm>> -> memref<2x128xi32, #tpu.memory_space<hbm>>
      %dma_wait3A_790 = arith.constant 0 : i32
      %dma_wait3A_791 = arith.constant 0 : i32
      %dma_wait3A_792 = tpu.memref_slice %arg5[%dma_wait3A_781, %dma_wait3A_790, %dma_wait3A_791] : memref<3x2x128xi32, #tpu.memory_space<vmem>> -> memref<1x2x128xi32, #tpu.memory_space<vmem>>
      %dma_wait3A_793 = tpu.memref_squeeze %dma_wait3A_792 : memref<1x2x128xi32, #tpu.memory_space<vmem>> -> memref<2x128xi32, #tpu.memory_space<vmem>>
      %dma_wait3A_794 = arith.constant 0 : i32
      %dma_wait3A_795 = arith.constant 0 : i32
      %dma_wait3A_796 = tpu.memref_slice %arg3[%add3A_780, %dma_wait3A_794, %dma_wait3A_795] : memref<2560x2x128xi32, #tpu.memory_space<hbm>> -> memref<1x2x128xi32, #tpu.memory_space<hbm>>
      %dma_wait3A_797 = tpu.memref_squeeze %dma_wait3A_796 : memref<1x2x128xi32, #tpu.memory_space<hbm>> -> memref<2x128xi32, #tpu.memory_space<hbm>>
      tpu.wait_dma2 semaphore(%arg7 : memref<!tpu.dma_semaphore, #tpu.memory_space<semaphore_mem>>) src(%dma_wait3A_797 : memref<2x128xi32, #tpu.memory_space<hbm>>) dst(%dma_wait3A_793 : memref<2x128xi32, #tpu.memory_space<vmem>>)
      %dma_start3A_798 = arith.constant 0 : i32
      %dma_start3A_799 = arith.constant 0 : i32
      %dma_start3A_800 = arith.constant 0 : i32
      %dma_start3A_801 = arith.constant 0 : i32
      %dma_start3A_802 = arith.constant 0 : i32
      %dma_start3A_803 = tpu.memref_slice %arg6[%dma_start3A_800, %dma_start3A_801, %dma_start3A_802] : memref<3x128x128xf32, #tpu.memory_space<vmem>> -> memref<1x128x128xf32, #tpu.memory_space<vmem>>
      %dma_start3A_804 = tpu.memref_squeeze %dma_start3A_803 : memref<1x128x128xf32, #tpu.memory_space<vmem>> -> memref<128x128xf32, #tpu.memory_space<vmem>>
      %dma_start3A_805 = arith.constant 0 : i32
      %dma_start3A_806 = tpu.memref_slice %arg5[%dma_start3A_798, %dma_start3A_799, %dma_start3A_805] : memref<3x2x128xi32, #tpu.memory_space<vmem>> -> memref<1x1x128xi32, #tpu.memory_space<vmem>>
      %dma_start3A_807 = tpu.memref_squeeze %dma_start3A_806 : memref<1x1x128xi32, #tpu.memory_space<vmem>> -> memref<128xi32, #tpu.memory_space<vmem>>
      %dma_start3A_808 = arith.constant 0 : i32
      %dma_start3A_809 = arith.constant 0 : i32
      %dma_start3A_810 = tpu.memref_slice %arg2[%dma_start3A_808, %dma_start3A_809] : memref<10112x128xf32, #tpu.memory_space<hbm>> -> memref<10112x128xf32, #tpu.memory_space<hbm>>
      tpu.enqueue_indirect_dma source(%dma_start3A_810 : memref<10112x128xf32, #tpu.memory_space<hbm>>) target(%dma_start3A_804 : memref<128x128xf32, #tpu.memory_space<vmem>>) offsets(%dma_start3A_807 : memref<128xi32, #tpu.memory_space<vmem>>) semaphore(%arg10 : memref<!tpu.dma_semaphore, #tpu.memory_space<semaphore_mem>>)
      %dma_wait3A_811 = arith.constant 0 : i32
      %dma_wait3A_812 = arith.constant 0 : i32
      %dma_wait3A_813 = arith.constant 0 : i32
      %dma_wait3A_814 = arith.constant 0 : i32
      %dma_wait3A_815 = arith.constant 0 : i32
      %dma_wait3A_816 = tpu.memref_slice %arg6[%dma_wait3A_813, %dma_wait3A_814, %dma_wait3A_815] : memref<3x128x128xf32, #tpu.memory_space<vmem>> -> memref<1x128x128xf32, #tpu.memory_space<vmem>>
      %dma_wait3A_817 = tpu.memref_squeeze %dma_wait3A_816 : memref<1x128x128xf32, #tpu.memory_space<vmem>> -> memref<128x128xf32, #tpu.memory_space<vmem>>
      %dma_wait3A_818 = arith.constant 0 : i32
      %dma_wait3A_819 = tpu.memref_slice %arg5[%dma_wait3A_811, %dma_wait3A_812, %dma_wait3A_818] : memref<3x2x128xi32, #tpu.memory_space<vmem>> -> memref<1x1x128xi32, #tpu.memory_space<vmem>>
      %dma_wait3A_820 = tpu.memref_squeeze %dma_wait3A_819 : memref<1x1x128xi32, #tpu.memory_space<vmem>> -> memref<128xi32, #tpu.memory_space<vmem>>
      %dma_wait3A_821 = arith.constant 0 : i32
      %dma_wait3A_822 = arith.constant 0 : i32
      %dma_wait3A_823 = tpu.memref_slice %arg2[%dma_wait3A_821, %dma_wait3A_822] : memref<10112x128xf32, #tpu.memory_space<hbm>> -> memref<10112x128xf32, #tpu.memory_space<hbm>>
      tpu.wait_indirect_dma semaphore(%arg10 : memref<!tpu.dma_semaphore, #tpu.memory_space<semaphore_mem>>) src(%dma_wait3A_823 : memref<10112x128xf32, #tpu.memory_space<hbm>>) dst(%dma_wait3A_817 : memref<128x128xf32, #tpu.memory_space<vmem>>)
      %dma_start3A_824 = arith.constant 0 : i32
      %dma_start3A_825 = arith.constant 0 : i32
      %dma_start3A_826 = arith.constant 1 : i32
      %dma_start3A_827 = arith.constant 0 : i32
      %dma_start3A_828 = arith.constant 0 : i32
      %dma_start3A_829 = tpu.memref_slice %arg6[%dma_start3A_824, %dma_start3A_827, %dma_start3A_828] : memref<3x128x128xf32, #tpu.memory_space<vmem>> -> memref<1x128x128xf32, #tpu.memory_space<vmem>>
      %dma_start3A_830 = tpu.memref_squeeze %dma_start3A_829 : memref<1x128x128xf32, #tpu.memory_space<vmem>> -> memref<128x128xf32, #tpu.memory_space<vmem>>
      %dma_start3A_831 = arith.constant 0 : i32
      %dma_start3A_832 = tpu.memref_slice %arg5[%dma_start3A_825, %dma_start3A_826, %dma_start3A_831] : memref<3x2x128xi32, #tpu.memory_space<vmem>> -> memref<1x1x128xi32, #tpu.memory_space<vmem>>
      %dma_start3A_833 = tpu.memref_squeeze %dma_start3A_832 : memref<1x1x128xi32, #tpu.memory_space<vmem>> -> memref<128xi32, #tpu.memory_space<vmem>>
      %dma_start3A_834 = arith.constant 0 : i32
      %dma_start3A_835 = arith.constant 0 : i32
      %dma_start3A_836 = tpu.memref_slice %arg16[%dma_start3A_834, %dma_start3A_835] : memref<10112x128xf32, #tpu.memory_space<vmem_shared>> -> memref<10112x128xf32, #tpu.memory_space<vmem_shared>>
      tpu.enqueue_indirect_dma source(%dma_start3A_830 : memref<128x128xf32, #tpu.memory_space<vmem>>) target(%dma_start3A_836 : memref<10112x128xf32, #tpu.memory_space<vmem_shared>>) offsets(%dma_start3A_833 : memref<128xi32, #tpu.memory_space<vmem>>) semaphore(%arg13 : memref<!tpu.dma_semaphore, #tpu.memory_space<semaphore_mem>>) {add = true}
      %add3A_837 = arith.constant 3 : i32
      %add3A_838 = arith.addi %add3A_766, %add3A_837 : i32
      %add3A_839 = arith.addi %mul3A_2, %add3A_838 : i32
      %dma_start3A_840 = arith.constant 0 : i32
      %dma_start3A_841 = arith.constant 0 : i32
      %dma_start3A_842 = arith.constant 0 : i32
      %dma_start3A_843 = tpu.memref_slice %arg5[%dma_start3A_840, %dma_start3A_841, %dma_start3A_842] : memref<3x2x128xi32, #tpu.memory_space<vmem>> -> memref<1x2x128xi32, #tpu.memory_space<vmem>>
      %dma_start3A_844 = tpu.memref_squeeze %dma_start3A_843 : memref<1x2x128xi32, #tpu.memory_space<vmem>> -> memref<2x128xi32, #tpu.memory_space<vmem>>
      %dma_start3A_845 = arith.constant 0 : i32
      %dma_start3A_846 = arith.constant 0 : i32
      %dma_start3A_847 = tpu.memref_slice %arg3[%add3A_839, %dma_start3A_845, %dma_start3A_846] : memref<2560x2x128xi32, #tpu.memory_space<hbm>> -> memref<1x2x128xi32, #tpu.memory_space<hbm>>
      %dma_start3A_848 = tpu.memref_squeeze %dma_start3A_847 : memref<1x2x128xi32, #tpu.memory_space<hbm>> -> memref<2x128xi32, #tpu.memory_space<hbm>>
      %dma_start3A_849 = arith.constant 0 : i32
      %dma_start3A_850 = arith.constant 0 : i32
      %dma_start3A_851 = tpu.memref_slice %arg5[%dma_start3A_840, %dma_start3A_849, %dma_start3A_850] : memref<3x2x128xi32, #tpu.memory_space<vmem>> -> memref<1x2x128xi32, #tpu.memory_space<vmem>>
      %dma_start3A_852 = tpu.memref_squeeze %dma_start3A_851 : memref<1x2x128xi32, #tpu.memory_space<vmem>> -> memref<2x128xi32, #tpu.memory_space<vmem>>
      %dma_start3A_853 = arith.constant 0 : i32
      %dma_start3A_854 = arith.constant 0 : i32
      %dma_start3A_855 = tpu.memref_slice %arg3[%add3A_839, %dma_start3A_853, %dma_start3A_854] : memref<2560x2x128xi32, #tpu.memory_space<hbm>> -> memref<1x2x128xi32, #tpu.memory_space<hbm>>
      %dma_start3A_856 = tpu.memref_squeeze %dma_start3A_855 : memref<1x2x128xi32, #tpu.memory_space<hbm>> -> memref<2x128xi32, #tpu.memory_space<hbm>>
      tpu.enqueue_dma source(%dma_start3A_856 : memref<2x128xi32, #tpu.memory_space<hbm>>) target(%dma_start3A_852 : memref<2x128xi32, #tpu.memory_space<vmem>>) target_semaphore(%arg7 : memref<!tpu.dma_semaphore, #tpu.memory_space<semaphore_mem>>)
      %mul3A_857 = arith.constant 3 : i32
      %mul3A_858 = arith.muli %mul3A_857, %scan3A_762 : i32
      %add3A_859 = arith.constant 1 : i32
      %add3A_860 = arith.addi %mul3A_858, %add3A_859 : i32
      %dma_wait3A_861 = arith.constant 1 : i32
      %dma_wait3A_862 = arith.constant 1 : i32
      %dma_wait3A_863 = arith.constant 1 : i32
      %dma_wait3A_864 = arith.constant 0 : i32
      %dma_wait3A_865 = arith.constant 0 : i32
      %dma_wait3A_866 = tpu.memref_slice %arg6[%dma_wait3A_861, %dma_wait3A_864, %dma_wait3A_865] : memref<3x128x128xf32, #tpu.memory_space<vmem>> -> memref<1x128x128xf32, #tpu.memory_space<vmem>>
      %dma_wait3A_867 = tpu.memref_squeeze %dma_wait3A_866 : memref<1x128x128xf32, #tpu.memory_space<vmem>> -> memref<128x128xf32, #tpu.memory_space<vmem>>
      %dma_wait3A_868 = arith.constant 0 : i32
      %dma_wait3A_869 = tpu.memref_slice %arg5[%dma_wait3A_862, %dma_wait3A_863, %dma_wait3A_868] : memref<3x2x128xi32, #tpu.memory_space<vmem>> -> memref<1x1x128xi32, #tpu.memory_space<vmem>>
      %dma_wait3A_870 = tpu.memref_squeeze %dma_wait3A_869 : memref<1x1x128xi32, #tpu.memory_space<vmem>> -> memref<128xi32, #tpu.memory_space<vmem>>
      %dma_wait3A_871 = arith.constant 0 : i32
      %dma_wait3A_872 = arith.constant 0 : i32
      %dma_wait3A_873 = tpu.memref_slice %arg16[%dma_wait3A_871, %dma_wait3A_872] : memref<10112x128xf32, #tpu.memory_space<vmem_shared>> -> memref<10112x128xf32, #tpu.memory_space<vmem_shared>>
      tpu.wait_indirect_dma semaphore(%arg14 : memref<!tpu.dma_semaphore, #tpu.memory_space<semaphore_mem>>) src(%dma_wait3A_867 : memref<128x128xf32, #tpu.memory_space<vmem>>) dst(%dma_wait3A_873 : memref<10112x128xf32, #tpu.memory_space<vmem_shared>>)
      %add3A_874 = arith.addi %mul3A_2, %add3A_860 : i32
      %dma_wait3A_875 = arith.constant 1 : i32
      %dma_wait3A_876 = arith.constant 0 : i32
      %dma_wait3A_877 = arith.constant 0 : i32
      %dma_wait3A_878 = tpu.memref_slice %arg5[%dma_wait3A_875, %dma_wait3A_876, %dma_wait3A_877] : memref<3x2x128xi32, #tpu.memory_space<vmem>> -> memref<1x2x128xi32, #tpu.memory_space<vmem>>
      %dma_wait3A_879 = tpu.memref_squeeze %dma_wait3A_878 : memref<1x2x128xi32, #tpu.memory_space<vmem>> -> memref<2x128xi32, #tpu.memory_space<vmem>>
      %dma_wait3A_880 = arith.constant 0 : i32
      %dma_wait3A_881 = arith.constant 0 : i32
      %dma_wait3A_882 = tpu.memref_slice %arg3[%add3A_874, %dma_wait3A_880, %dma_wait3A_881] : memref<2560x2x128xi32, #tpu.memory_space<hbm>> -> memref<1x2x128xi32, #tpu.memory_space<hbm>>
      %dma_wait3A_883 = tpu.memref_squeeze %dma_wait3A_882 : memref<1x2x128xi32, #tpu.memory_space<hbm>> -> memref<2x128xi32, #tpu.memory_space<hbm>>
      %dma_wait3A_884 = arith.constant 0 : i32
      %dma_wait3A_885 = arith.constant 0 : i32
      %dma_wait3A_886 = tpu.memref_slice %arg5[%dma_wait3A_875, %dma_wait3A_884, %dma_wait3A_885] : memref<3x2x128xi32, #tpu.memory_space<vmem>> -> memref<1x2x128xi32, #tpu.memory_space<vmem>>
      %dma_wait3A_887 = tpu.memref_squeeze %dma_wait3A_886 : memref<1x2x128xi32, #tpu.memory_space<vmem>> -> memref<2x128xi32, #tpu.memory_space<vmem>>
      %dma_wait3A_888 = arith.constant 0 : i32
      %dma_wait3A_889 = arith.constant 0 : i32
      %dma_wait3A_890 = tpu.memref_slice %arg3[%add3A_874, %dma_wait3A_888, %dma_wait3A_889] : memref<2560x2x128xi32, #tpu.memory_space<hbm>> -> memref<1x2x128xi32, #tpu.memory_space<hbm>>
      %dma_wait3A_891 = tpu.memref_squeeze %dma_wait3A_890 : memref<1x2x128xi32, #tpu.memory_space<hbm>> -> memref<2x128xi32, #tpu.memory_space<hbm>>
      tpu.wait_dma2 semaphore(%arg8 : memref<!tpu.dma_semaphore, #tpu.memory_space<semaphore_mem>>) src(%dma_wait3A_891 : memref<2x128xi32, #tpu.memory_space<hbm>>) dst(%dma_wait3A_887 : memref<2x128xi32, #tpu.memory_space<vmem>>)
      %dma_start3A_892 = arith.constant 1 : i32
      %dma_start3A_893 = arith.constant 0 : i32
      %dma_start3A_894 = arith.constant 1 : i32
      %dma_start3A_895 = arith.constant 0 : i32
      %dma_start3A_896 = arith.constant 0 : i32
      %dma_start3A_897 = tpu.memref_slice %arg6[%dma_start3A_894, %dma_start3A_895, %dma_start3A_896] : memref<3x128x128xf32, #tpu.memory_space<vmem>> -> memref<1x128x128xf32, #tpu.memory_space<vmem>>
      %dma_start3A_898 = tpu.memref_squeeze %dma_start3A_897 : memref<1x128x128xf32, #tpu.memory_space<vmem>> -> memref<128x128xf32, #tpu.memory_space<vmem>>
      %dma_start3A_899 = arith.constant 0 : i32
      %dma_start3A_900 = tpu.memref_slice %arg5[%dma_start3A_892, %dma_start3A_893, %dma_start3A_899] : memref<3x2x128xi32, #tpu.memory_space<vmem>> -> memref<1x1x128xi32, #tpu.memory_space<vmem>>
      %dma_start3A_901 = tpu.memref_squeeze %dma_start3A_900 : memref<1x1x128xi32, #tpu.memory_space<vmem>> -> memref<128xi32, #tpu.memory_space<vmem>>
      %dma_start3A_902 = arith.constant 0 : i32
      %dma_start3A_903 = arith.constant 0 : i32
      %dma_start3A_904 = tpu.memref_slice %arg2[%dma_start3A_902, %dma_start3A_903] : memref<10112x128xf32, #tpu.memory_space<hbm>> -> memref<10112x128xf32, #tpu.memory_space<hbm>>
      tpu.enqueue_indirect_dma source(%dma_start3A_904 : memref<10112x128xf32, #tpu.memory_space<hbm>>) target(%dma_start3A_898 : memref<128x128xf32, #tpu.memory_space<vmem>>) offsets(%dma_start3A_901 : memref<128xi32, #tpu.memory_space<vmem>>) semaphore(%arg11 : memref<!tpu.dma_semaphore, #tpu.memory_space<semaphore_mem>>)
      %dma_wait3A_905 = arith.constant 1 : i32
      %dma_wait3A_906 = arith.constant 0 : i32
      %dma_wait3A_907 = arith.constant 1 : i32
      %dma_wait3A_908 = arith.constant 0 : i32
      %dma_wait3A_909 = arith.constant 0 : i32
      %dma_wait3A_910 = tpu.memref_slice %arg6[%dma_wait3A_907, %dma_wait3A_908, %dma_wait3A_909] : memref<3x128x128xf32, #tpu.memory_space<vmem>> -> memref<1x128x128xf32, #tpu.memory_space<vmem>>
      %dma_wait3A_911 = tpu.memref_squeeze %dma_wait3A_910 : memref<1x128x128xf32, #tpu.memory_space<vmem>> -> memref<128x128xf32, #tpu.memory_space<vmem>>
      %dma_wait3A_912 = arith.constant 0 : i32
      %dma_wait3A_913 = tpu.memref_slice %arg5[%dma_wait3A_905, %dma_wait3A_906, %dma_wait3A_912] : memref<3x2x128xi32, #tpu.memory_space<vmem>> -> memref<1x1x128xi32, #tpu.memory_space<vmem>>
      %dma_wait3A_914 = tpu.memref_squeeze %dma_wait3A_913 : memref<1x1x128xi32, #tpu.memory_space<vmem>> -> memref<128xi32, #tpu.memory_space<vmem>>
      %dma_wait3A_915 = arith.constant 0 : i32
      %dma_wait3A_916 = arith.constant 0 : i32
      %dma_wait3A_917 = tpu.memref_slice %arg2[%dma_wait3A_915, %dma_wait3A_916] : memref<10112x128xf32, #tpu.memory_space<hbm>> -> memref<10112x128xf32, #tpu.memory_space<hbm>>
      tpu.wait_indirect_dma semaphore(%arg11 : memref<!tpu.dma_semaphore, #tpu.memory_space<semaphore_mem>>) src(%dma_wait3A_917 : memref<10112x128xf32, #tpu.memory_space<hbm>>) dst(%dma_wait3A_911 : memref<128x128xf32, #tpu.memory_space<vmem>>)
      %dma_start3A_918 = arith.constant 1 : i32
      %dma_start3A_919 = arith.constant 1 : i32
      %dma_start3A_920 = arith.constant 1 : i32
      %dma_start3A_921 = arith.constant 0 : i32
      %dma_start3A_922 = arith.constant 0 : i32
      %dma_start3A_923 = tpu.memref_slice %arg6[%dma_start3A_918, %dma_start3A_921, %dma_start3A_922] : memref<3x128x128xf32, #tpu.memory_space<vmem>> -> memref<1x128x128xf32, #tpu.memory_space<vmem>>
      %dma_start3A_924 = tpu.memref_squeeze %dma_start3A_923 : memref<1x128x128xf32, #tpu.memory_space<vmem>> -> memref<128x128xf32, #tpu.memory_space<vmem>>
      %dma_start3A_925 = arith.constant 0 : i32
      %dma_start3A_926 = tpu.memref_slice %arg5[%dma_start3A_919, %dma_start3A_920, %dma_start3A_925] : memref<3x2x128xi32, #tpu.memory_space<vmem>> -> memref<1x1x128xi32, #tpu.memory_space<vmem>>
      %dma_start3A_927 = tpu.memref_squeeze %dma_start3A_926 : memref<1x1x128xi32, #tpu.memory_space<vmem>> -> memref<128xi32, #tpu.memory_space<vmem>>
      %dma_start3A_928 = arith.constant 0 : i32
      %dma_start3A_929 = arith.constant 0 : i32
      %dma_start3A_930 = tpu.memref_slice %arg16[%dma_start3A_928, %dma_start3A_929] : memref<10112x128xf32, #tpu.memory_space<vmem_shared>> -> memref<10112x128xf32, #tpu.memory_space<vmem_shared>>
      tpu.enqueue_indirect_dma source(%dma_start3A_924 : memref<128x128xf32, #tpu.memory_space<vmem>>) target(%dma_start3A_930 : memref<10112x128xf32, #tpu.memory_space<vmem_shared>>) offsets(%dma_start3A_927 : memref<128xi32, #tpu.memory_space<vmem>>) semaphore(%arg14 : memref<!tpu.dma_semaphore, #tpu.memory_space<semaphore_mem>>) {add = true}
      %add3A_931 = arith.constant 3 : i32
      %add3A_932 = arith.addi %add3A_860, %add3A_931 : i32
      %add3A_933 = arith.addi %mul3A_2, %add3A_932 : i32
      %dma_start3A_934 = arith.constant 1 : i32
      %dma_start3A_935 = arith.constant 0 : i32
      %dma_start3A_936 = arith.constant 0 : i32
      %dma_start3A_937 = tpu.memref_slice %arg5[%dma_start3A_934, %dma_start3A_935, %dma_start3A_936] : memref<3x2x128xi32, #tpu.memory_space<vmem>> -> memref<1x2x128xi32, #tpu.memory_space<vmem>>
      %dma_start3A_938 = tpu.memref_squeeze %dma_start3A_937 : memref<1x2x128xi32, #tpu.memory_space<vmem>> -> memref<2x128xi32, #tpu.memory_space<vmem>>
      %dma_start3A_939 = arith.constant 0 : i32
      %dma_start3A_940 = arith.constant 0 : i32
      %dma_start3A_941 = tpu.memref_slice %arg3[%add3A_933, %dma_start3A_939, %dma_start3A_940] : memref<2560x2x128xi32, #tpu.memory_space<hbm>> -> memref<1x2x128xi32, #tpu.memory_space<hbm>>
      %dma_start3A_942 = tpu.memref_squeeze %dma_start3A_941 : memref<1x2x128xi32, #tpu.memory_space<hbm>> -> memref<2x128xi32, #tpu.memory_space<hbm>>
      %dma_start3A_943 = arith.constant 0 : i32
      %dma_start3A_944 = arith.constant 0 : i32
      %dma_start3A_945 = tpu.memref_slice %arg5[%dma_start3A_934, %dma_start3A_943, %dma_start3A_944] : memref<3x2x128xi32, #tpu.memory_space<vmem>> -> memref<1x2x128xi32, #tpu.memory_space<vmem>>
      %dma_start3A_946 = tpu.memref_squeeze %dma_start3A_945 : memref<1x2x128xi32, #tpu.memory_space<vmem>> -> memref<2x128xi32, #tpu.memory_space<vmem>>
      %dma_start3A_947 = arith.constant 0 : i32
      %dma_start3A_948 = arith.constant 0 : i32
      %dma_start3A_949 = tpu.memref_slice %arg3[%add3A_933, %dma_start3A_947, %dma_start3A_948] : memref<2560x2x128xi32, #tpu.memory_space<hbm>> -> memref<1x2x128xi32, #tpu.memory_space<hbm>>
      %dma_start3A_950 = tpu.memref_squeeze %dma_start3A_949 : memref<1x2x128xi32, #tpu.memory_space<hbm>> -> memref<2x128xi32, #tpu.memory_space<hbm>>
      tpu.enqueue_dma source(%dma_start3A_950 : memref<2x128xi32, #tpu.memory_space<hbm>>) target(%dma_start3A_946 : memref<2x128xi32, #tpu.memory_space<vmem>>) target_semaphore(%arg8 : memref<!tpu.dma_semaphore, #tpu.memory_space<semaphore_mem>>)
      %mul3A_951 = arith.constant 3 : i32
      %mul3A_952 = arith.muli %mul3A_951, %scan3A_762 : i32
      %add3A_953 = arith.constant 2 : i32
      %add3A_954 = arith.addi %mul3A_952, %add3A_953 : i32
      %dma_wait3A_955 = arith.constant 2 : i32
      %dma_wait3A_956 = arith.constant 2 : i32
      %dma_wait3A_957 = arith.constant 1 : i32
      %dma_wait3A_958 = arith.constant 0 : i32
      %dma_wait3A_959 = arith.constant 0 : i32
      %dma_wait3A_960 = tpu.memref_slice %arg6[%dma_wait3A_955, %dma_wait3A_958, %dma_wait3A_959] : memref<3x128x128xf32, #tpu.memory_space<vmem>> -> memref<1x128x128xf32, #tpu.memory_space<vmem>>
      %dma_wait3A_961 = tpu.memref_squeeze %dma_wait3A_960 : memref<1x128x128xf32, #tpu.memory_space<vmem>> -> memref<128x128xf32, #tpu.memory_space<vmem>>
      %dma_wait3A_962 = arith.constant 0 : i32
      %dma_wait3A_963 = tpu.memref_slice %arg5[%dma_wait3A_956, %dma_wait3A_957, %dma_wait3A_962] : memref<3x2x128xi32, #tpu.memory_space<vmem>> -> memref<1x1x128xi32, #tpu.memory_space<vmem>>
      %dma_wait3A_964 = tpu.memref_squeeze %dma_wait3A_963 : memref<1x1x128xi32, #tpu.memory_space<vmem>> -> memref<128xi32, #tpu.memory_space<vmem>>
      %dma_wait3A_965 = arith.constant 0 : i32
      %dma_wait3A_966 = arith.constant 0 : i32
      %dma_wait3A_967 = tpu.memref_slice %arg16[%dma_wait3A_965, %dma_wait3A_966] : memref<10112x128xf32, #tpu.memory_space<vmem_shared>> -> memref<10112x128xf32, #tpu.memory_space<vmem_shared>>
      tpu.wait_indirect_dma semaphore(%arg15 : memref<!tpu.dma_semaphore, #tpu.memory_space<semaphore_mem>>) src(%dma_wait3A_961 : memref<128x128xf32, #tpu.memory_space<vmem>>) dst(%dma_wait3A_967 : memref<10112x128xf32, #tpu.memory_space<vmem_shared>>)
      %add3A_968 = arith.addi %mul3A_2, %add3A_954 : i32
      %dma_wait3A_969 = arith.constant 2 : i32
      %dma_wait3A_970 = arith.constant 0 : i32
      %dma_wait3A_971 = arith.constant 0 : i32
      %dma_wait3A_972 = tpu.memref_slice %arg5[%dma_wait3A_969, %dma_wait3A_970, %dma_wait3A_971] : memref<3x2x128xi32, #tpu.memory_space<vmem>> -> memref<1x2x128xi32, #tpu.memory_space<vmem>>
      %dma_wait3A_973 = tpu.memref_squeeze %dma_wait3A_972 : memref<1x2x128xi32, #tpu.memory_space<vmem>> -> memref<2x128xi32, #tpu.memory_space<vmem>>
      %dma_wait3A_974 = arith.constant 0 : i32
      %dma_wait3A_975 = arith.constant 0 : i32
      %dma_wait3A_976 = tpu.memref_slice %arg3[%add3A_968, %dma_wait3A_974, %dma_wait3A_975] : memref<2560x2x128xi32, #tpu.memory_space<hbm>> -> memref<1x2x128xi32, #tpu.memory_space<hbm>>
      %dma_wait3A_977 = tpu.memref_squeeze %dma_wait3A_976 : memref<1x2x128xi32, #tpu.memory_space<hbm>> -> memref<2x128xi32, #tpu.memory_space<hbm>>
      %dma_wait3A_978 = arith.constant 0 : i32
      %dma_wait3A_979 = arith.constant 0 : i32
      %dma_wait3A_980 = tpu.memref_slice %arg5[%dma_wait3A_969, %dma_wait3A_978, %dma_wait3A_979] : memref<3x2x128xi32, #tpu.memory_space<vmem>> -> memref<1x2x128xi32, #tpu.memory_space<vmem>>
      %dma_wait3A_981 = tpu.memref_squeeze %dma_wait3A_980 : memref<1x2x128xi32, #tpu.memory_space<vmem>> -> memref<2x128xi32, #tpu.memory_space<vmem>>
      %dma_wait3A_982 = arith.constant 0 : i32
      %dma_wait3A_983 = arith.constant 0 : i32
      %dma_wait3A_984 = tpu.memref_slice %arg3[%add3A_968, %dma_wait3A_982, %dma_wait3A_983] : memref<2560x2x128xi32, #tpu.memory_space<hbm>> -> memref<1x2x128xi32, #tpu.memory_space<hbm>>
      %dma_wait3A_985 = tpu.memref_squeeze %dma_wait3A_984 : memref<1x2x128xi32, #tpu.memory_space<hbm>> -> memref<2x128xi32, #tpu.memory_space<hbm>>
      tpu.wait_dma2 semaphore(%arg9 : memref<!tpu.dma_semaphore, #tpu.memory_space<semaphore_mem>>) src(%dma_wait3A_985 : memref<2x128xi32, #tpu.memory_space<hbm>>) dst(%dma_wait3A_981 : memref<2x128xi32, #tpu.memory_space<vmem>>)
      %dma_start3A_986 = arith.constant 2 : i32
      %dma_start3A_987 = arith.constant 0 : i32
      %dma_start3A_988 = arith.constant 2 : i32
      %dma_start3A_989 = arith.constant 0 : i32
      %dma_start3A_990 = arith.constant 0 : i32
      %dma_start3A_991 = tpu.memref_slice %arg6[%dma_start3A_988, %dma_start3A_989, %dma_start3A_990] : memref<3x128x128xf32, #tpu.memory_space<vmem>> -> memref<1x128x128xf32, #tpu.memory_space<vmem>>
      %dma_start3A_992 = tpu.memref_squeeze %dma_start3A_991 : memref<1x128x128xf32, #tpu.memory_space<vmem>> -> memref<128x128xf32, #tpu.memory_space<vmem>>
      %dma_start3A_993 = arith.constant 0 : i32
      %dma_start3A_994 = tpu.memref_slice %arg5[%dma_start3A_986, %dma_start3A_987, %dma_start3A_993] : memref<3x2x128xi32, #tpu.memory_space<vmem>> -> memref<1x1x128xi32, #tpu.memory_space<vmem>>
      %dma_start3A_995 = tpu.memref_squeeze %dma_start3A_994 : memref<1x1x128xi32, #tpu.memory_space<vmem>> -> memref<128xi32, #tpu.memory_space<vmem>>
      %dma_start3A_996 = arith.constant 0 : i32
      %dma_start3A_997 = arith.constant 0 : i32
      %dma_start3A_998 = tpu.memref_slice %arg2[%dma_start3A_996, %dma_start3A_997] : memref<10112x128xf32, #tpu.memory_space<hbm>> -> memref<10112x128xf32, #tpu.memory_space<hbm>>
      tpu.enqueue_indirect_dma source(%dma_start3A_998 : memref<10112x128xf32, #tpu.memory_space<hbm>>) target(%dma_start3A_992 : memref<128x128xf32, #tpu.memory_space<vmem>>) offsets(%dma_start3A_995 : memref<128xi32, #tpu.memory_space<vmem>>) semaphore(%arg12 : memref<!tpu.dma_semaphore, #tpu.memory_space<semaphore_mem>>)
      %dma_wait3A_999 = arith.constant 2 : i32
      %dma_wait3A_1000 = arith.constant 0 : i32
      %dma_wait3A_1001 = arith.constant 2 : i32
      %dma_wait3A_1002 = arith.constant 0 : i32
      %dma_wait3A_1003 = arith.constant 0 : i32
      %dma_wait3A_1004 = tpu.memref_slice %arg6[%dma_wait3A_1001, %dma_wait3A_1002, %dma_wait3A_1003] : memref<3x128x128xf32, #tpu.memory_space<vmem>> -> memref<1x128x128xf32, #tpu.memory_space<vmem>>
      %dma_wait3A_1005 = tpu.memref_squeeze %dma_wait3A_1004 : memref<1x128x128xf32, #tpu.memory_space<vmem>> -> memref<128x128xf32, #tpu.memory_space<vmem>>
      %dma_wait3A_1006 = arith.constant 0 : i32
      %dma_wait3A_1007 = tpu.memref_slice %arg5[%dma_wait3A_999, %dma_wait3A_1000, %dma_wait3A_1006] : memref<3x2x128xi32, #tpu.memory_space<vmem>> -> memref<1x1x128xi32, #tpu.memory_space<vmem>>
      %dma_wait3A_1008 = tpu.memref_squeeze %dma_wait3A_1007 : memref<1x1x128xi32, #tpu.memory_space<vmem>> -> memref<128xi32, #tpu.memory_space<vmem>>
      %dma_wait3A_1009 = arith.constant 0 : i32
      %dma_wait3A_1010 = arith.constant 0 : i32
      %dma_wait3A_1011 = tpu.memref_slice %arg2[%dma_wait3A_1009, %dma_wait3A_1010] : memref<10112x128xf32, #tpu.memory_space<hbm>> -> memref<10112x128xf32, #tpu.memory_space<hbm>>
      tpu.wait_indirect_dma semaphore(%arg12 : memref<!tpu.dma_semaphore, #tpu.memory_space<semaphore_mem>>) src(%dma_wait3A_1011 : memref<10112x128xf32, #tpu.memory_space<hbm>>) dst(%dma_wait3A_1005 : memref<128x128xf32, #tpu.memory_space<vmem>>)
      %dma_start3A_1012 = arith.constant 2 : i32
      %dma_start3A_1013 = arith.constant 2 : i32
      %dma_start3A_1014 = arith.constant 1 : i32
      %dma_start3A_1015 = arith.constant 0 : i32
      %dma_start3A_1016 = arith.constant 0 : i32
      %dma_start3A_1017 = tpu.memref_slice %arg6[%dma_start3A_1012, %dma_start3A_1015, %dma_start3A_1016] : memref<3x128x128xf32, #tpu.memory_space<vmem>> -> memref<1x128x128xf32, #tpu.memory_space<vmem>>
      %dma_start3A_1018 = tpu.memref_squeeze %dma_start3A_1017 : memref<1x128x128xf32, #tpu.memory_space<vmem>> -> memref<128x128xf32, #tpu.memory_space<vmem>>
      %dma_start3A_1019 = arith.constant 0 : i32
      %dma_start3A_1020 = tpu.memref_slice %arg5[%dma_start3A_1013, %dma_start3A_1014, %dma_start3A_1019] : memref<3x2x128xi32, #tpu.memory_space<vmem>> -> memref<1x1x128xi32, #tpu.memory_space<vmem>>
      %dma_start3A_1021 = tpu.memref_squeeze %dma_start3A_1020 : memref<1x1x128xi32, #tpu.memory_space<vmem>> -> memref<128xi32, #tpu.memory_space<vmem>>
      %dma_start3A_1022 = arith.constant 0 : i32
      %dma_start3A_1023 = arith.constant 0 : i32
      %dma_start3A_1024 = tpu.memref_slice %arg16[%dma_start3A_1022, %dma_start3A_1023] : memref<10112x128xf32, #tpu.memory_space<vmem_shared>> -> memref<10112x128xf32, #tpu.memory_space<vmem_shared>>
      tpu.enqueue_indirect_dma source(%dma_start3A_1018 : memref<128x128xf32, #tpu.memory_space<vmem>>) target(%dma_start3A_1024 : memref<10112x128xf32, #tpu.memory_space<vmem_shared>>) offsets(%dma_start3A_1021 : memref<128xi32, #tpu.memory_space<vmem>>) semaphore(%arg15 : memref<!tpu.dma_semaphore, #tpu.memory_space<semaphore_mem>>) {add = true}
      %add3A_1025 = arith.constant 3 : i32
      %add3A_1026 = arith.addi %add3A_954, %add3A_1025 : i32
      %add3A_1027 = arith.addi %mul3A_2, %add3A_1026 : i32
      %dma_start3A_1028 = arith.constant 2 : i32
      %dma_start3A_1029 = arith.constant 0 : i32
      %dma_start3A_1030 = arith.constant 0 : i32
      %dma_start3A_1031 = tpu.memref_slice %arg5[%dma_start3A_1028, %dma_start3A_1029, %dma_start3A_1030] : memref<3x2x128xi32, #tpu.memory_space<vmem>> -> memref<1x2x128xi32, #tpu.memory_space<vmem>>
      %dma_start3A_1032 = tpu.memref_squeeze %dma_start3A_1031 : memref<1x2x128xi32, #tpu.memory_space<vmem>> -> memref<2x128xi32, #tpu.memory_space<vmem>>
      %dma_start3A_1033 = arith.constant 0 : i32
      %dma_start3A_1034 = arith.constant 0 : i32
      %dma_start3A_1035 = tpu.memref_slice %arg3[%add3A_1027, %dma_start3A_1033, %dma_start3A_1034] : memref<2560x2x128xi32, #tpu.memory_space<hbm>> -> memref<1x2x128xi32, #tpu.memory_space<hbm>>
      %dma_start3A_1036 = tpu.memref_squeeze %dma_start3A_1035 : memref<1x2x128xi32, #tpu.memory_space<hbm>> -> memref<2x128xi32, #tpu.memory_space<hbm>>
      %dma_start3A_1037 = arith.constant 0 : i32
      %dma_start3A_1038 = arith.constant 0 : i32
      %dma_start3A_1039 = tpu.memref_slice %arg5[%dma_start3A_1028, %dma_start3A_1037, %dma_start3A_1038] : memref<3x2x128xi32, #tpu.memory_space<vmem>> -> memref<1x2x128xi32, #tpu.memory_space<vmem>>
      %dma_start3A_1040 = tpu.memref_squeeze %dma_start3A_1039 : memref<1x2x128xi32, #tpu.memory_space<vmem>> -> memref<2x128xi32, #tpu.memory_space<vmem>>
      %dma_start3A_1041 = arith.constant 0 : i32
      %dma_start3A_1042 = arith.constant 0 : i32
      %dma_start3A_1043 = tpu.memref_slice %arg3[%add3A_1027, %dma_start3A_1041, %dma_start3A_1042] : memref<2560x2x128xi32, #tpu.memory_space<hbm>> -> memref<1x2x128xi32, #tpu.memory_space<hbm>>
      %dma_start3A_1044 = tpu.memref_squeeze %dma_start3A_1043 : memref<1x2x128xi32, #tpu.memory_space<hbm>> -> memref<2x128xi32, #tpu.memory_space<hbm>>
      tpu.enqueue_dma source(%dma_start3A_1044 : memref<2x128xi32, #tpu.memory_space<hbm>>) target(%dma_start3A_1040 : memref<2x128xi32, #tpu.memory_space<vmem>>) target_semaphore(%arg9 : memref<!tpu.dma_semaphore, #tpu.memory_space<semaphore_mem>>)
    }
    %scan3A_324 = arith.constant 24 : i32
    %dma_wait3A_325 = arith.constant 0 : i32
    %dma_wait3A_326 = arith.constant 0 : i32
    %dma_wait3A_327 = arith.constant 1 : i32
    %dma_wait3A_328 = arith.constant 0 : i32
    %dma_wait3A_329 = arith.constant 0 : i32
    %dma_wait3A_330 = tpu.memref_slice %arg6[%dma_wait3A_325, %dma_wait3A_328, %dma_wait3A_329] : memref<3x128x128xf32, #tpu.memory_space<vmem>> -> memref<1x128x128xf32, #tpu.memory_space<vmem>>
    %dma_wait3A_331 = tpu.memref_squeeze %dma_wait3A_330 : memref<1x128x128xf32, #tpu.memory_space<vmem>> -> memref<128x128xf32, #tpu.memory_space<vmem>>
    %dma_wait3A_332 = arith.constant 0 : i32
    %dma_wait3A_333 = tpu.memref_slice %arg5[%dma_wait3A_326, %dma_wait3A_327, %dma_wait3A_332] : memref<3x2x128xi32, #tpu.memory_space<vmem>> -> memref<1x1x128xi32, #tpu.memory_space<vmem>>
    %dma_wait3A_334 = tpu.memref_squeeze %dma_wait3A_333 : memref<1x1x128xi32, #tpu.memory_space<vmem>> -> memref<128xi32, #tpu.memory_space<vmem>>
    %dma_wait3A_335 = arith.constant 0 : i32
    %dma_wait3A_336 = arith.constant 0 : i32
    %dma_wait3A_337 = tpu.memref_slice %arg16[%dma_wait3A_335, %dma_wait3A_336] : memref<10112x128xf32, #tpu.memory_space<vmem_shared>> -> memref<10112x128xf32, #tpu.memory_space<vmem_shared>>
    tpu.wait_indirect_dma semaphore(%arg13 : memref<!tpu.dma_semaphore, #tpu.memory_space<semaphore_mem>>) src(%dma_wait3A_331 : memref<128x128xf32, #tpu.memory_space<vmem>>) dst(%dma_wait3A_337 : memref<10112x128xf32, #tpu.memory_space<vmem_shared>>)
    %add3A_338 = arith.constant 75 : i32
    %add3A_339 = arith.addi %mul3A_2, %add3A_338 : i32
    %dma_wait3A_340 = arith.constant 0 : i32
    %dma_wait3A_341 = arith.constant 0 : i32
    %dma_wait3A_342 = arith.constant 0 : i32
    %dma_wait3A_343 = tpu.memref_slice %arg5[%dma_wait3A_340, %dma_wait3A_341, %dma_wait3A_342] : memref<3x2x128xi32, #tpu.memory_space<vmem>> -> memref<1x2x128xi32, #tpu.memory_space<vmem>>
    %dma_wait3A_344 = tpu.memref_squeeze %dma_wait3A_343 : memref<1x2x128xi32, #tpu.memory_space<vmem>> -> memref<2x128xi32, #tpu.memory_space<vmem>>
    %dma_wait3A_345 = arith.constant 0 : i32
    %dma_wait3A_346 = arith.constant 0 : i32
    %dma_wait3A_347 = tpu.memref_slice %arg3[%add3A_339, %dma_wait3A_345, %dma_wait3A_346] : memref<2560x2x128xi32, #tpu.memory_space<hbm>> -> memref<1x2x128xi32, #tpu.memory_space<hbm>>
    %dma_wait3A_348 = tpu.memref_squeeze %dma_wait3A_347 : memref<1x2x128xi32, #tpu.memory_space<hbm>> -> memref<2x128xi32, #tpu.memory_space<hbm>>
    %dma_wait3A_349 = arith.constant 0 : i32
    %dma_wait3A_350 = arith.constant 0 : i32
    %dma_wait3A_351 = tpu.memref_slice %arg5[%dma_wait3A_340, %dma_wait3A_349, %dma_wait3A_350] : memref<3x2x128xi32, #tpu.memory_space<vmem>> -> memref<1x2x128xi32, #tpu.memory_space<vmem>>
    %dma_wait3A_352 = tpu.memref_squeeze %dma_wait3A_351 : memref<1x2x128xi32, #tpu.memory_space<vmem>> -> memref<2x128xi32, #tpu.memory_space<vmem>>
    %dma_wait3A_353 = arith.constant 0 : i32
    %dma_wait3A_354 = arith.constant 0 : i32
    %dma_wait3A_355 = tpu.memref_slice %arg3[%add3A_339, %dma_wait3A_353, %dma_wait3A_354] : memref<2560x2x128xi32, #tpu.memory_space<hbm>> -> memref<1x2x128xi32, #tpu.memory_space<hbm>>
    %dma_wait3A_356 = tpu.memref_squeeze %dma_wait3A_355 : memref<1x2x128xi32, #tpu.memory_space<hbm>> -> memref<2x128xi32, #tpu.memory_space<hbm>>
    tpu.wait_dma2 semaphore(%arg7 : memref<!tpu.dma_semaphore, #tpu.memory_space<semaphore_mem>>) src(%dma_wait3A_356 : memref<2x128xi32, #tpu.memory_space<hbm>>) dst(%dma_wait3A_352 : memref<2x128xi32, #tpu.memory_space<vmem>>)
    %dma_start3A_357 = arith.constant 0 : i32
    %dma_start3A_358 = arith.constant 0 : i32
    %dma_start3A_359 = arith.constant 0 : i32
    %dma_start3A_360 = arith.constant 0 : i32
    %dma_start3A_361 = arith.constant 0 : i32
    %dma_start3A_362 = tpu.memref_slice %arg6[%dma_start3A_359, %dma_start3A_360, %dma_start3A_361] : memref<3x128x128xf32, #tpu.memory_space<vmem>> -> memref<1x128x128xf32, #tpu.memory_space<vmem>>
    %dma_start3A_363 = tpu.memref_squeeze %dma_start3A_362 : memref<1x128x128xf32, #tpu.memory_space<vmem>> -> memref<128x128xf32, #tpu.memory_space<vmem>>
    %dma_start3A_364 = arith.constant 0 : i32
    %dma_start3A_365 = tpu.memref_slice %arg5[%dma_start3A_357, %dma_start3A_358, %dma_start3A_364] : memref<3x2x128xi32, #tpu.memory_space<vmem>> -> memref<1x1x128xi32, #tpu.memory_space<vmem>>
    %dma_start3A_366 = tpu.memref_squeeze %dma_start3A_365 : memref<1x1x128xi32, #tpu.memory_space<vmem>> -> memref<128xi32, #tpu.memory_space<vmem>>
    %dma_start3A_367 = arith.constant 0 : i32
    %dma_start3A_368 = arith.constant 0 : i32
    %dma_start3A_369 = tpu.memref_slice %arg2[%dma_start3A_367, %dma_start3A_368] : memref<10112x128xf32, #tpu.memory_space<hbm>> -> memref<10112x128xf32, #tpu.memory_space<hbm>>
    tpu.enqueue_indirect_dma source(%dma_start3A_369 : memref<10112x128xf32, #tpu.memory_space<hbm>>) target(%dma_start3A_363 : memref<128x128xf32, #tpu.memory_space<vmem>>) offsets(%dma_start3A_366 : memref<128xi32, #tpu.memory_space<vmem>>) semaphore(%arg10 : memref<!tpu.dma_semaphore, #tpu.memory_space<semaphore_mem>>)
    %dma_wait3A_370 = arith.constant 0 : i32
    %dma_wait3A_371 = arith.constant 0 : i32
    %dma_wait3A_372 = arith.constant 0 : i32
    %dma_wait3A_373 = arith.constant 0 : i32
    %dma_wait3A_374 = arith.constant 0 : i32
    %dma_wait3A_375 = tpu.memref_slice %arg6[%dma_wait3A_372, %dma_wait3A_373, %dma_wait3A_374] : memref<3x128x128xf32, #tpu.memory_space<vmem>> -> memref<1x128x128xf32, #tpu.memory_space<vmem>>
    %dma_wait3A_376 = tpu.memref_squeeze %dma_wait3A_375 : memref<1x128x128xf32, #tpu.memory_space<vmem>> -> memref<128x128xf32, #tpu.memory_space<vmem>>
    %dma_wait3A_377 = arith.constant 0 : i32
    %dma_wait3A_378 = tpu.memref_slice %arg5[%dma_wait3A_370, %dma_wait3A_371, %dma_wait3A_377] : memref<3x2x128xi32, #tpu.memory_space<vmem>> -> memref<1x1x128xi32, #tpu.memory_space<vmem>>
    %dma_wait3A_379 = tpu.memref_squeeze %dma_wait3A_378 : memref<1x1x128xi32, #tpu.memory_space<vmem>> -> memref<128xi32, #tpu.memory_space<vmem>>
    %dma_wait3A_380 = arith.constant 0 : i32
    %dma_wait3A_381 = arith.constant 0 : i32
    %dma_wait3A_382 = tpu.memref_slice %arg2[%dma_wait3A_380, %dma_wait3A_381] : memref<10112x128xf32, #tpu.memory_space<hbm>> -> memref<10112x128xf32, #tpu.memory_space<hbm>>
    tpu.wait_indirect_dma semaphore(%arg10 : memref<!tpu.dma_semaphore, #tpu.memory_space<semaphore_mem>>) src(%dma_wait3A_382 : memref<10112x128xf32, #tpu.memory_space<hbm>>) dst(%dma_wait3A_376 : memref<128x128xf32, #tpu.memory_space<vmem>>)
    %dma_start3A_383 = arith.constant 0 : i32
    %dma_start3A_384 = arith.constant 0 : i32
    %dma_start3A_385 = arith.constant 1 : i32
    %dma_start3A_386 = arith.constant 0 : i32
    %dma_start3A_387 = arith.constant 0 : i32
    %dma_start3A_388 = tpu.memref_slice %arg6[%dma_start3A_383, %dma_start3A_386, %dma_start3A_387] : memref<3x128x128xf32, #tpu.memory_space<vmem>> -> memref<1x128x128xf32, #tpu.memory_space<vmem>>
    %dma_start3A_389 = tpu.memref_squeeze %dma_start3A_388 : memref<1x128x128xf32, #tpu.memory_space<vmem>> -> memref<128x128xf32, #tpu.memory_space<vmem>>
    %dma_start3A_390 = arith.constant 0 : i32
    %dma_start3A_391 = tpu.memref_slice %arg5[%dma_start3A_384, %dma_start3A_385, %dma_start3A_390] : memref<3x2x128xi32, #tpu.memory_space<vmem>> -> memref<1x1x128xi32, #tpu.memory_space<vmem>>
    %dma_start3A_392 = tpu.memref_squeeze %dma_start3A_391 : memref<1x1x128xi32, #tpu.memory_space<vmem>> -> memref<128xi32, #tpu.memory_space<vmem>>
    %dma_start3A_393 = arith.constant 0 : i32
    %dma_start3A_394 = arith.constant 0 : i32
    %dma_start3A_395 = tpu.memref_slice %arg16[%dma_start3A_393, %dma_start3A_394] : memref<10112x128xf32, #tpu.memory_space<vmem_shared>> -> memref<10112x128xf32, #tpu.memory_space<vmem_shared>>
    tpu.enqueue_indirect_dma source(%dma_start3A_389 : memref<128x128xf32, #tpu.memory_space<vmem>>) target(%dma_start3A_395 : memref<10112x128xf32, #tpu.memory_space<vmem_shared>>) offsets(%dma_start3A_392 : memref<128xi32, #tpu.memory_space<vmem>>) semaphore(%arg13 : memref<!tpu.dma_semaphore, #tpu.memory_space<semaphore_mem>>) {add = true}
    %add3A_396 = arith.constant 78 : i32
    %add3A_397 = arith.addi %mul3A_2, %add3A_396 : i32
    %dma_start3A_398 = arith.constant 0 : i32
    %dma_start3A_399 = arith.constant 0 : i32
    %dma_start3A_400 = arith.constant 0 : i32
    %dma_start3A_401 = tpu.memref_slice %arg5[%dma_start3A_398, %dma_start3A_399, %dma_start3A_400] : memref<3x2x128xi32, #tpu.memory_space<vmem>> -> memref<1x2x128xi32, #tpu.memory_space<vmem>>
    %dma_start3A_402 = tpu.memref_squeeze %dma_start3A_401 : memref<1x2x128xi32, #tpu.memory_space<vmem>> -> memref<2x128xi32, #tpu.memory_space<vmem>>
    %dma_start3A_403 = arith.constant 0 : i32
    %dma_start3A_404 = arith.constant 0 : i32
    %dma_start3A_405 = tpu.memref_slice %arg3[%add3A_397, %dma_start3A_403, %dma_start3A_404] : memref<2560x2x128xi32, #tpu.memory_space<hbm>> -> memref<1x2x128xi32, #tpu.memory_space<hbm>>
    %dma_start3A_406 = tpu.memref_squeeze %dma_start3A_405 : memref<1x2x128xi32, #tpu.memory_space<hbm>> -> memref<2x128xi32, #tpu.memory_space<hbm>>
    %dma_start3A_407 = arith.constant 0 : i32
    %dma_start3A_408 = arith.constant 0 : i32
    %dma_start3A_409 = tpu.memref_slice %arg5[%dma_start3A_398, %dma_start3A_407, %dma_start3A_408] : memref<3x2x128xi32, #tpu.memory_space<vmem>> -> memref<1x2x128xi32, #tpu.memory_space<vmem>>
    %dma_start3A_410 = tpu.memref_squeeze %dma_start3A_409 : memref<1x2x128xi32, #tpu.memory_space<vmem>> -> memref<2x128xi32, #tpu.memory_space<vmem>>
    %dma_start3A_411 = arith.constant 0 : i32
    %dma_start3A_412 = arith.constant 0 : i32
    %dma_start3A_413 = tpu.memref_slice %arg3[%add3A_397, %dma_start3A_411, %dma_start3A_412] : memref<2560x2x128xi32, #tpu.memory_space<hbm>> -> memref<1x2x128xi32, #tpu.memory_space<hbm>>
    %dma_start3A_414 = tpu.memref_squeeze %dma_start3A_413 : memref<1x2x128xi32, #tpu.memory_space<hbm>> -> memref<2x128xi32, #tpu.memory_space<hbm>>
    tpu.enqueue_dma source(%dma_start3A_414 : memref<2x128xi32, #tpu.memory_space<hbm>>) target(%dma_start3A_410 : memref<2x128xi32, #tpu.memory_space<vmem>>) target_semaphore(%arg7 : memref<!tpu.dma_semaphore, #tpu.memory_space<semaphore_mem>>)
    %dma_wait3A_415 = arith.constant 1 : i32
    %dma_wait3A_416 = arith.constant 1 : i32
    %dma_wait3A_417 = arith.constant 1 : i32
    %dma_wait3A_418 = arith.constant 0 : i32
    %dma_wait3A_419 = arith.constant 0 : i32
    %dma_wait3A_420 = tpu.memref_slice %arg6[%dma_wait3A_415, %dma_wait3A_418, %dma_wait3A_419] : memref<3x128x128xf32, #tpu.memory_space<vmem>> -> memref<1x128x128xf32, #tpu.memory_space<vmem>>
    %dma_wait3A_421 = tpu.memref_squeeze %dma_wait3A_420 : memref<1x128x128xf32, #tpu.memory_space<vmem>> -> memref<128x128xf32, #tpu.memory_space<vmem>>
    %dma_wait3A_422 = arith.constant 0 : i32
    %dma_wait3A_423 = tpu.memref_slice %arg5[%dma_wait3A_416, %dma_wait3A_417, %dma_wait3A_422] : memref<3x2x128xi32, #tpu.memory_space<vmem>> -> memref<1x1x128xi32, #tpu.memory_space<vmem>>
    %dma_wait3A_424 = tpu.memref_squeeze %dma_wait3A_423 : memref<1x1x128xi32, #tpu.memory_space<vmem>> -> memref<128xi32, #tpu.memory_space<vmem>>
    %dma_wait3A_425 = arith.constant 0 : i32
    %dma_wait3A_426 = arith.constant 0 : i32
    %dma_wait3A_427 = tpu.memref_slice %arg16[%dma_wait3A_425, %dma_wait3A_426] : memref<10112x128xf32, #tpu.memory_space<vmem_shared>> -> memref<10112x128xf32, #tpu.memory_space<vmem_shared>>
    tpu.wait_indirect_dma semaphore(%arg14 : memref<!tpu.dma_semaphore, #tpu.memory_space<semaphore_mem>>) src(%dma_wait3A_421 : memref<128x128xf32, #tpu.memory_space<vmem>>) dst(%dma_wait3A_427 : memref<10112x128xf32, #tpu.memory_space<vmem_shared>>)
    %add3A_428 = arith.constant 76 : i32
    %add3A_429 = arith.addi %mul3A_2, %add3A_428 : i32
    %dma_wait3A_430 = arith.constant 1 : i32
    %dma_wait3A_431 = arith.constant 0 : i32
    %dma_wait3A_432 = arith.constant 0 : i32
    %dma_wait3A_433 = tpu.memref_slice %arg5[%dma_wait3A_430, %dma_wait3A_431, %dma_wait3A_432] : memref<3x2x128xi32, #tpu.memory_space<vmem>> -> memref<1x2x128xi32, #tpu.memory_space<vmem>>
    %dma_wait3A_434 = tpu.memref_squeeze %dma_wait3A_433 : memref<1x2x128xi32, #tpu.memory_space<vmem>> -> memref<2x128xi32, #tpu.memory_space<vmem>>
    %dma_wait3A_435 = arith.constant 0 : i32
    %dma_wait3A_436 = arith.constant 0 : i32
    %dma_wait3A_437 = tpu.memref_slice %arg3[%add3A_429, %dma_wait3A_435, %dma_wait3A_436] : memref<2560x2x128xi32, #tpu.memory_space<hbm>> -> memref<1x2x128xi32, #tpu.memory_space<hbm>>
    %dma_wait3A_438 = tpu.memref_squeeze %dma_wait3A_437 : memref<1x2x128xi32, #tpu.memory_space<hbm>> -> memref<2x128xi32, #tpu.memory_space<hbm>>
    %dma_wait3A_439 = arith.constant 0 : i32
    %dma_wait3A_440 = arith.constant 0 : i32
    %dma_wait3A_441 = tpu.memref_slice %arg5[%dma_wait3A_430, %dma_wait3A_439, %dma_wait3A_440] : memref<3x2x128xi32, #tpu.memory_space<vmem>> -> memref<1x2x128xi32, #tpu.memory_space<vmem>>
    %dma_wait3A_442 = tpu.memref_squeeze %dma_wait3A_441 : memref<1x2x128xi32, #tpu.memory_space<vmem>> -> memref<2x128xi32, #tpu.memory_space<vmem>>
    %dma_wait3A_443 = arith.constant 0 : i32
    %dma_wait3A_444 = arith.constant 0 : i32
    %dma_wait3A_445 = tpu.memref_slice %arg3[%add3A_429, %dma_wait3A_443, %dma_wait3A_444] : memref<2560x2x128xi32, #tpu.memory_space<hbm>> -> memref<1x2x128xi32, #tpu.memory_space<hbm>>
    %dma_wait3A_446 = tpu.memref_squeeze %dma_wait3A_445 : memref<1x2x128xi32, #tpu.memory_space<hbm>> -> memref<2x128xi32, #tpu.memory_space<hbm>>
    tpu.wait_dma2 semaphore(%arg8 : memref<!tpu.dma_semaphore, #tpu.memory_space<semaphore_mem>>) src(%dma_wait3A_446 : memref<2x128xi32, #tpu.memory_space<hbm>>) dst(%dma_wait3A_442 : memref<2x128xi32, #tpu.memory_space<vmem>>)
    %dma_start3A_447 = arith.constant 1 : i32
    %dma_start3A_448 = arith.constant 0 : i32
    %dma_start3A_449 = arith.constant 1 : i32
    %dma_start3A_450 = arith.constant 0 : i32
    %dma_start3A_451 = arith.constant 0 : i32
    %dma_start3A_452 = tpu.memref_slice %arg6[%dma_start3A_449, %dma_start3A_450, %dma_start3A_451] : memref<3x128x128xf32, #tpu.memory_space<vmem>> -> memref<1x128x128xf32, #tpu.memory_space<vmem>>
    %dma_start3A_453 = tpu.memref_squeeze %dma_start3A_452 : memref<1x128x128xf32, #tpu.memory_space<vmem>> -> memref<128x128xf32, #tpu.memory_space<vmem>>
    %dma_start3A_454 = arith.constant 0 : i32
    %dma_start3A_455 = tpu.memref_slice %arg5[%dma_start3A_447, %dma_start3A_448, %dma_start3A_454] : memref<3x2x128xi32, #tpu.memory_space<vmem>> -> memref<1x1x128xi32, #tpu.memory_space<vmem>>
    %dma_start3A_456 = tpu.memref_squeeze %dma_start3A_455 : memref<1x1x128xi32, #tpu.memory_space<vmem>> -> memref<128xi32, #tpu.memory_space<vmem>>
    %dma_start3A_457 = arith.constant 0 : i32
    %dma_start3A_458 = arith.constant 0 : i32
    %dma_start3A_459 = tpu.memref_slice %arg2[%dma_start3A_457, %dma_start3A_458] : memref<10112x128xf32, #tpu.memory_space<hbm>> -> memref<10112x128xf32, #tpu.memory_space<hbm>>
    tpu.enqueue_indirect_dma source(%dma_start3A_459 : memref<10112x128xf32, #tpu.memory_space<hbm>>) target(%dma_start3A_453 : memref<128x128xf32, #tpu.memory_space<vmem>>) offsets(%dma_start3A_456 : memref<128xi32, #tpu.memory_space<vmem>>) semaphore(%arg11 : memref<!tpu.dma_semaphore, #tpu.memory_space<semaphore_mem>>)
    %dma_wait3A_460 = arith.constant 1 : i32
    %dma_wait3A_461 = arith.constant 0 : i32
    %dma_wait3A_462 = arith.constant 1 : i32
    %dma_wait3A_463 = arith.constant 0 : i32
    %dma_wait3A_464 = arith.constant 0 : i32
    %dma_wait3A_465 = tpu.memref_slice %arg6[%dma_wait3A_462, %dma_wait3A_463, %dma_wait3A_464] : memref<3x128x128xf32, #tpu.memory_space<vmem>> -> memref<1x128x128xf32, #tpu.memory_space<vmem>>
    %dma_wait3A_466 = tpu.memref_squeeze %dma_wait3A_465 : memref<1x128x128xf32, #tpu.memory_space<vmem>> -> memref<128x128xf32, #tpu.memory_space<vmem>>
    %dma_wait3A_467 = arith.constant 0 : i32
    %dma_wait3A_468 = tpu.memref_slice %arg5[%dma_wait3A_460, %dma_wait3A_461, %dma_wait3A_467] : memref<3x2x128xi32, #tpu.memory_space<vmem>> -> memref<1x1x128xi32, #tpu.memory_space<vmem>>
    %dma_wait3A_469 = tpu.memref_squeeze %dma_wait3A_468 : memref<1x1x128xi32, #tpu.memory_space<vmem>> -> memref<128xi32, #tpu.memory_space<vmem>>
    %dma_wait3A_470 = arith.constant 0 : i32
    %dma_wait3A_471 = arith.constant 0 : i32
    %dma_wait3A_472 = tpu.memref_slice %arg2[%dma_wait3A_470, %dma_wait3A_471] : memref<10112x128xf32, #tpu.memory_space<hbm>> -> memref<10112x128xf32, #tpu.memory_space<hbm>>
    tpu.wait_indirect_dma semaphore(%arg11 : memref<!tpu.dma_semaphore, #tpu.memory_space<semaphore_mem>>) src(%dma_wait3A_472 : memref<10112x128xf32, #tpu.memory_space<hbm>>) dst(%dma_wait3A_466 : memref<128x128xf32, #tpu.memory_space<vmem>>)
    %dma_start3A_473 = arith.constant 1 : i32
    %dma_start3A_474 = arith.constant 1 : i32
    %dma_start3A_475 = arith.constant 1 : i32
    %dma_start3A_476 = arith.constant 0 : i32
    %dma_start3A_477 = arith.constant 0 : i32
    %dma_start3A_478 = tpu.memref_slice %arg6[%dma_start3A_473, %dma_start3A_476, %dma_start3A_477] : memref<3x128x128xf32, #tpu.memory_space<vmem>> -> memref<1x128x128xf32, #tpu.memory_space<vmem>>
    %dma_start3A_479 = tpu.memref_squeeze %dma_start3A_478 : memref<1x128x128xf32, #tpu.memory_space<vmem>> -> memref<128x128xf32, #tpu.memory_space<vmem>>
    %dma_start3A_480 = arith.constant 0 : i32
    %dma_start3A_481 = tpu.memref_slice %arg5[%dma_start3A_474, %dma_start3A_475, %dma_start3A_480] : memref<3x2x128xi32, #tpu.memory_space<vmem>> -> memref<1x1x128xi32, #tpu.memory_space<vmem>>
    %dma_start3A_482 = tpu.memref_squeeze %dma_start3A_481 : memref<1x1x128xi32, #tpu.memory_space<vmem>> -> memref<128xi32, #tpu.memory_space<vmem>>
    %dma_start3A_483 = arith.constant 0 : i32
    %dma_start3A_484 = arith.constant 0 : i32
    %dma_start3A_485 = tpu.memref_slice %arg16[%dma_start3A_483, %dma_start3A_484] : memref<10112x128xf32, #tpu.memory_space<vmem_shared>> -> memref<10112x128xf32, #tpu.memory_space<vmem_shared>>
    tpu.enqueue_indirect_dma source(%dma_start3A_479 : memref<128x128xf32, #tpu.memory_space<vmem>>) target(%dma_start3A_485 : memref<10112x128xf32, #tpu.memory_space<vmem_shared>>) offsets(%dma_start3A_482 : memref<128xi32, #tpu.memory_space<vmem>>) semaphore(%arg14 : memref<!tpu.dma_semaphore, #tpu.memory_space<semaphore_mem>>) {add = true}
    %add3A_486 = arith.constant 79 : i32
    %add3A_487 = arith.addi %mul3A_2, %add3A_486 : i32
    %dma_start3A_488 = arith.constant 1 : i32
    %dma_start3A_489 = arith.constant 0 : i32
    %dma_start3A_490 = arith.constant 0 : i32
    %dma_start3A_491 = tpu.memref_slice %arg5[%dma_start3A_488, %dma_start3A_489, %dma_start3A_490] : memref<3x2x128xi32, #tpu.memory_space<vmem>> -> memref<1x2x128xi32, #tpu.memory_space<vmem>>
    %dma_start3A_492 = tpu.memref_squeeze %dma_start3A_491 : memref<1x2x128xi32, #tpu.memory_space<vmem>> -> memref<2x128xi32, #tpu.memory_space<vmem>>
    %dma_start3A_493 = arith.constant 0 : i32
    %dma_start3A_494 = arith.constant 0 : i32
    %dma_start3A_495 = tpu.memref_slice %arg3[%add3A_487, %dma_start3A_493, %dma_start3A_494] : memref<2560x2x128xi32, #tpu.memory_space<hbm>> -> memref<1x2x128xi32, #tpu.memory_space<hbm>>
    %dma_start3A_496 = tpu.memref_squeeze %dma_start3A_495 : memref<1x2x128xi32, #tpu.memory_space<hbm>> -> memref<2x128xi32, #tpu.memory_space<hbm>>
    %dma_start3A_497 = arith.constant 0 : i32
    %dma_start3A_498 = arith.constant 0 : i32
    %dma_start3A_499 = tpu.memref_slice %arg5[%dma_start3A_488, %dma_start3A_497, %dma_start3A_498] : memref<3x2x128xi32, #tpu.memory_space<vmem>> -> memref<1x2x128xi32, #tpu.memory_space<vmem>>
    %dma_start3A_500 = tpu.memref_squeeze %dma_start3A_499 : memref<1x2x128xi32, #tpu.memory_space<vmem>> -> memref<2x128xi32, #tpu.memory_space<vmem>>
    %dma_start3A_501 = arith.constant 0 : i32
    %dma_start3A_502 = arith.constant 0 : i32
    %dma_start3A_503 = tpu.memref_slice %arg3[%add3A_487, %dma_start3A_501, %dma_start3A_502] : memref<2560x2x128xi32, #tpu.memory_space<hbm>> -> memref<1x2x128xi32, #tpu.memory_space<hbm>>
    %dma_start3A_504 = tpu.memref_squeeze %dma_start3A_503 : memref<1x2x128xi32, #tpu.memory_space<hbm>> -> memref<2x128xi32, #tpu.memory_space<hbm>>
    tpu.enqueue_dma source(%dma_start3A_504 : memref<2x128xi32, #tpu.memory_space<hbm>>) target(%dma_start3A_500 : memref<2x128xi32, #tpu.memory_space<vmem>>) target_semaphore(%arg8 : memref<!tpu.dma_semaphore, #tpu.memory_space<semaphore_mem>>)
    %dma_wait3A_505 = arith.constant 2 : i32
    %dma_wait3A_506 = arith.constant 2 : i32
    %dma_wait3A_507 = arith.constant 1 : i32
    %dma_wait3A_508 = arith.constant 0 : i32
    %dma_wait3A_509 = arith.constant 0 : i32
    %dma_wait3A_510 = tpu.memref_slice %arg6[%dma_wait3A_505, %dma_wait3A_508, %dma_wait3A_509] : memref<3x128x128xf32, #tpu.memory_space<vmem>> -> memref<1x128x128xf32, #tpu.memory_space<vmem>>
    %dma_wait3A_511 = tpu.memref_squeeze %dma_wait3A_510 : memref<1x128x128xf32, #tpu.memory_space<vmem>> -> memref<128x128xf32, #tpu.memory_space<vmem>>
    %dma_wait3A_512 = arith.constant 0 : i32
    %dma_wait3A_513 = tpu.memref_slice %arg5[%dma_wait3A_506, %dma_wait3A_507, %dma_wait3A_512] : memref<3x2x128xi32, #tpu.memory_space<vmem>> -> memref<1x1x128xi32, #tpu.memory_space<vmem>>
    %dma_wait3A_514 = tpu.memref_squeeze %dma_wait3A_513 : memref<1x1x128xi32, #tpu.memory_space<vmem>> -> memref<128xi32, #tpu.memory_space<vmem>>
    %dma_wait3A_515 = arith.constant 0 : i32
    %dma_wait3A_516 = arith.constant 0 : i32
    %dma_wait3A_517 = tpu.memref_slice %arg16[%dma_wait3A_515, %dma_wait3A_516] : memref<10112x128xf32, #tpu.memory_space<vmem_shared>> -> memref<10112x128xf32, #tpu.memory_space<vmem_shared>>
    tpu.wait_indirect_dma semaphore(%arg15 : memref<!tpu.dma_semaphore, #tpu.memory_space<semaphore_mem>>) src(%dma_wait3A_511 : memref<128x128xf32, #tpu.memory_space<vmem>>) dst(%dma_wait3A_517 : memref<10112x128xf32, #tpu.memory_space<vmem_shared>>)
    %add3A_518 = arith.constant 77 : i32
    %add3A_519 = arith.addi %mul3A_2, %add3A_518 : i32
    %dma_wait3A_520 = arith.constant 2 : i32
    %dma_wait3A_521 = arith.constant 0 : i32
    %dma_wait3A_522 = arith.constant 0 : i32
    %dma_wait3A_523 = tpu.memref_slice %arg5[%dma_wait3A_520, %dma_wait3A_521, %dma_wait3A_522] : memref<3x2x128xi32, #tpu.memory_space<vmem>> -> memref<1x2x128xi32, #tpu.memory_space<vmem>>
    %dma_wait3A_524 = tpu.memref_squeeze %dma_wait3A_523 : memref<1x2x128xi32, #tpu.memory_space<vmem>> -> memref<2x128xi32, #tpu.memory_space<vmem>>
    %dma_wait3A_525 = arith.constant 0 : i32
    %dma_wait3A_526 = arith.constant 0 : i32
    %dma_wait3A_527 = tpu.memref_slice %arg3[%add3A_519, %dma_wait3A_525, %dma_wait3A_526] : memref<2560x2x128xi32, #tpu.memory_space<hbm>> -> memref<1x2x128xi32, #tpu.memory_space<hbm>>
    %dma_wait3A_528 = tpu.memref_squeeze %dma_wait3A_527 : memref<1x2x128xi32, #tpu.memory_space<hbm>> -> memref<2x128xi32, #tpu.memory_space<hbm>>
    %dma_wait3A_529 = arith.constant 0 : i32
    %dma_wait3A_530 = arith.constant 0 : i32
    %dma_wait3A_531 = tpu.memref_slice %arg5[%dma_wait3A_520, %dma_wait3A_529, %dma_wait3A_530] : memref<3x2x128xi32, #tpu.memory_space<vmem>> -> memref<1x2x128xi32, #tpu.memory_space<vmem>>
    %dma_wait3A_532 = tpu.memref_squeeze %dma_wait3A_531 : memref<1x2x128xi32, #tpu.memory_space<vmem>> -> memref<2x128xi32, #tpu.memory_space<vmem>>
    %dma_wait3A_533 = arith.constant 0 : i32
    %dma_wait3A_534 = arith.constant 0 : i32
    %dma_wait3A_535 = tpu.memref_slice %arg3[%add3A_519, %dma_wait3A_533, %dma_wait3A_534] : memref<2560x2x128xi32, #tpu.memory_space<hbm>> -> memref<1x2x128xi32, #tpu.memory_space<hbm>>
    %dma_wait3A_536 = tpu.memref_squeeze %dma_wait3A_535 : memref<1x2x128xi32, #tpu.memory_space<hbm>> -> memref<2x128xi32, #tpu.memory_space<hbm>>
    tpu.wait_dma2 semaphore(%arg9 : memref<!tpu.dma_semaphore, #tpu.memory_space<semaphore_mem>>) src(%dma_wait3A_536 : memref<2x128xi32, #tpu.memory_space<hbm>>) dst(%dma_wait3A_532 : memref<2x128xi32, #tpu.memory_space<vmem>>)
    %dma_start3A_537 = arith.constant 2 : i32
    %dma_start3A_538 = arith.constant 0 : i32
    %dma_start3A_539 = arith.constant 2 : i32
    %dma_start3A_540 = arith.constant 0 : i32
    %dma_start3A_541 = arith.constant 0 : i32
    %dma_start3A_542 = tpu.memref_slice %arg6[%dma_start3A_539, %dma_start3A_540, %dma_start3A_541] : memref<3x128x128xf32, #tpu.memory_space<vmem>> -> memref<1x128x128xf32, #tpu.memory_space<vmem>>
    %dma_start3A_543 = tpu.memref_squeeze %dma_start3A_542 : memref<1x128x128xf32, #tpu.memory_space<vmem>> -> memref<128x128xf32, #tpu.memory_space<vmem>>
    %dma_start3A_544 = arith.constant 0 : i32
    %dma_start3A_545 = tpu.memref_slice %arg5[%dma_start3A_537, %dma_start3A_538, %dma_start3A_544] : memref<3x2x128xi32, #tpu.memory_space<vmem>> -> memref<1x1x128xi32, #tpu.memory_space<vmem>>
    %dma_start3A_546 = tpu.memref_squeeze %dma_start3A_545 : memref<1x1x128xi32, #tpu.memory_space<vmem>> -> memref<128xi32, #tpu.memory_space<vmem>>
    %dma_start3A_547 = arith.constant 0 : i32
    %dma_start3A_548 = arith.constant 0 : i32
    %dma_start3A_549 = tpu.memref_slice %arg2[%dma_start3A_547, %dma_start3A_548] : memref<10112x128xf32, #tpu.memory_space<hbm>> -> memref<10112x128xf32, #tpu.memory_space<hbm>>
    tpu.enqueue_indirect_dma source(%dma_start3A_549 : memref<10112x128xf32, #tpu.memory_space<hbm>>) target(%dma_start3A_543 : memref<128x128xf32, #tpu.memory_space<vmem>>) offsets(%dma_start3A_546 : memref<128xi32, #tpu.memory_space<vmem>>) semaphore(%arg12 : memref<!tpu.dma_semaphore, #tpu.memory_space<semaphore_mem>>)
    %dma_wait3A_550 = arith.constant 2 : i32
    %dma_wait3A_551 = arith.constant 0 : i32
    %dma_wait3A_552 = arith.constant 2 : i32
    %dma_wait3A_553 = arith.constant 0 : i32
    %dma_wait3A_554 = arith.constant 0 : i32
    %dma_wait3A_555 = tpu.memref_slice %arg6[%dma_wait3A_552, %dma_wait3A_553, %dma_wait3A_554] : memref<3x128x128xf32, #tpu.memory_space<vmem>> -> memref<1x128x128xf32, #tpu.memory_space<vmem>>
    %dma_wait3A_556 = tpu.memref_squeeze %dma_wait3A_555 : memref<1x128x128xf32, #tpu.memory_space<vmem>> -> memref<128x128xf32, #tpu.memory_space<vmem>>
    %dma_wait3A_557 = arith.constant 0 : i32
    %dma_wait3A_558 = tpu.memref_slice %arg5[%dma_wait3A_550, %dma_wait3A_551, %dma_wait3A_557] : memref<3x2x128xi32, #tpu.memory_space<vmem>> -> memref<1x1x128xi32, #tpu.memory_space<vmem>>
    %dma_wait3A_559 = tpu.memref_squeeze %dma_wait3A_558 : memref<1x1x128xi32, #tpu.memory_space<vmem>> -> memref<128xi32, #tpu.memory_space<vmem>>
    %dma_wait3A_560 = arith.constant 0 : i32
    %dma_wait3A_561 = arith.constant 0 : i32
    %dma_wait3A_562 = tpu.memref_slice %arg2[%dma_wait3A_560, %dma_wait3A_561] : memref<10112x128xf32, #tpu.memory_space<hbm>> -> memref<10112x128xf32, #tpu.memory_space<hbm>>
    tpu.wait_indirect_dma semaphore(%arg12 : memref<!tpu.dma_semaphore, #tpu.memory_space<semaphore_mem>>) src(%dma_wait3A_562 : memref<10112x128xf32, #tpu.memory_space<hbm>>) dst(%dma_wait3A_556 : memref<128x128xf32, #tpu.memory_space<vmem>>)
    %dma_start3A_563 = arith.constant 2 : i32
    %dma_start3A_564 = arith.constant 2 : i32
    %dma_start3A_565 = arith.constant 1 : i32
    %dma_start3A_566 = arith.constant 0 : i32
    %dma_start3A_567 = arith.constant 0 : i32
    %dma_start3A_568 = tpu.memref_slice %arg6[%dma_start3A_563, %dma_start3A_566, %dma_start3A_567] : memref<3x128x128xf32, #tpu.memory_space<vmem>> -> memref<1x128x128xf32, #tpu.memory_space<vmem>>
    %dma_start3A_569 = tpu.memref_squeeze %dma_start3A_568 : memref<1x128x128xf32, #tpu.memory_space<vmem>> -> memref<128x128xf32, #tpu.memory_space<vmem>>
    %dma_start3A_570 = arith.constant 0 : i32
    %dma_start3A_571 = tpu.memref_slice %arg5[%dma_start3A_564, %dma_start3A_565, %dma_start3A_570] : memref<3x2x128xi32, #tpu.memory_space<vmem>> -> memref<1x1x128xi32, #tpu.memory_space<vmem>>
    %dma_start3A_572 = tpu.memref_squeeze %dma_start3A_571 : memref<1x1x128xi32, #tpu.memory_space<vmem>> -> memref<128xi32, #tpu.memory_space<vmem>>
    %dma_start3A_573 = arith.constant 0 : i32
    %dma_start3A_574 = arith.constant 0 : i32
    %dma_start3A_575 = tpu.memref_slice %arg16[%dma_start3A_573, %dma_start3A_574] : memref<10112x128xf32, #tpu.memory_space<vmem_shared>> -> memref<10112x128xf32, #tpu.memory_space<vmem_shared>>
    tpu.enqueue_indirect_dma source(%dma_start3A_569 : memref<128x128xf32, #tpu.memory_space<vmem>>) target(%dma_start3A_575 : memref<10112x128xf32, #tpu.memory_space<vmem_shared>>) offsets(%dma_start3A_572 : memref<128xi32, #tpu.memory_space<vmem>>) semaphore(%arg15 : memref<!tpu.dma_semaphore, #tpu.memory_space<semaphore_mem>>) {add = true}
    %dma_wait3A_576 = arith.constant 0 : i32
    %dma_wait3A_577 = arith.constant 0 : i32
    %dma_wait3A_578 = arith.constant 1 : i32
    %dma_wait3A_579 = arith.constant 0 : i32
    %dma_wait3A_580 = arith.constant 0 : i32
    %dma_wait3A_581 = tpu.memref_slice %arg6[%dma_wait3A_576, %dma_wait3A_579, %dma_wait3A_580] : memref<3x128x128xf32, #tpu.memory_space<vmem>> -> memref<1x128x128xf32, #tpu.memory_space<vmem>>
    %dma_wait3A_582 = tpu.memref_squeeze %dma_wait3A_581 : memref<1x128x128xf32, #tpu.memory_space<vmem>> -> memref<128x128xf32, #tpu.memory_space<vmem>>
    %dma_wait3A_583 = arith.constant 0 : i32
    %dma_wait3A_584 = tpu.memref_slice %arg5[%dma_wait3A_577, %dma_wait3A_578, %dma_wait3A_583] : memref<3x2x128xi32, #tpu.memory_space<vmem>> -> memref<1x1x128xi32, #tpu.memory_space<vmem>>
    %dma_wait3A_585 = tpu.memref_squeeze %dma_wait3A_584 : memref<1x1x128xi32, #tpu.memory_space<vmem>> -> memref<128xi32, #tpu.memory_space<vmem>>
    %dma_wait3A_586 = arith.constant 0 : i32
    %dma_wait3A_587 = arith.constant 0 : i32
    %dma_wait3A_588 = tpu.memref_slice %arg16[%dma_wait3A_586, %dma_wait3A_587] : memref<10112x128xf32, #tpu.memory_space<vmem_shared>> -> memref<10112x128xf32, #tpu.memory_space<vmem_shared>>
    tpu.wait_indirect_dma semaphore(%arg13 : memref<!tpu.dma_semaphore, #tpu.memory_space<semaphore_mem>>) src(%dma_wait3A_582 : memref<128x128xf32, #tpu.memory_space<vmem>>) dst(%dma_wait3A_588 : memref<10112x128xf32, #tpu.memory_space<vmem_shared>>)
    %add3A_589 = arith.constant 78 : i32
    %add3A_590 = arith.addi %mul3A_2, %add3A_589 : i32
    %dma_wait3A_591 = arith.constant 0 : i32
    %dma_wait3A_592 = arith.constant 0 : i32
    %dma_wait3A_593 = arith.constant 0 : i32
    %dma_wait3A_594 = tpu.memref_slice %arg5[%dma_wait3A_591, %dma_wait3A_592, %dma_wait3A_593] : memref<3x2x128xi32, #tpu.memory_space<vmem>> -> memref<1x2x128xi32, #tpu.memory_space<vmem>>
    %dma_wait3A_595 = tpu.memref_squeeze %dma_wait3A_594 : memref<1x2x128xi32, #tpu.memory_space<vmem>> -> memref<2x128xi32, #tpu.memory_space<vmem>>
    %dma_wait3A_596 = arith.constant 0 : i32
    %dma_wait3A_597 = arith.constant 0 : i32
    %dma_wait3A_598 = tpu.memref_slice %arg3[%add3A_590, %dma_wait3A_596, %dma_wait3A_597] : memref<2560x2x128xi32, #tpu.memory_space<hbm>> -> memref<1x2x128xi32, #tpu.memory_space<hbm>>
    %dma_wait3A_599 = tpu.memref_squeeze %dma_wait3A_598 : memref<1x2x128xi32, #tpu.memory_space<hbm>> -> memref<2x128xi32, #tpu.memory_space<hbm>>
    %dma_wait3A_600 = arith.constant 0 : i32
    %dma_wait3A_601 = arith.constant 0 : i32
    %dma_wait3A_602 = tpu.memref_slice %arg5[%dma_wait3A_591, %dma_wait3A_600, %dma_wait3A_601] : memref<3x2x128xi32, #tpu.memory_space<vmem>> -> memref<1x2x128xi32, #tpu.memory_space<vmem>>
    %dma_wait3A_603 = tpu.memref_squeeze %dma_wait3A_602 : memref<1x2x128xi32, #tpu.memory_space<vmem>> -> memref<2x128xi32, #tpu.memory_space<vmem>>
    %dma_wait3A_604 = arith.constant 0 : i32
    %dma_wait3A_605 = arith.constant 0 : i32
    %dma_wait3A_606 = tpu.memref_slice %arg3[%add3A_590, %dma_wait3A_604, %dma_wait3A_605] : memref<2560x2x128xi32, #tpu.memory_space<hbm>> -> memref<1x2x128xi32, #tpu.memory_space<hbm>>
    %dma_wait3A_607 = tpu.memref_squeeze %dma_wait3A_606 : memref<1x2x128xi32, #tpu.memory_space<hbm>> -> memref<2x128xi32, #tpu.memory_space<hbm>>
    tpu.wait_dma2 semaphore(%arg7 : memref<!tpu.dma_semaphore, #tpu.memory_space<semaphore_mem>>) src(%dma_wait3A_607 : memref<2x128xi32, #tpu.memory_space<hbm>>) dst(%dma_wait3A_603 : memref<2x128xi32, #tpu.memory_space<vmem>>)
    %dma_start3A_608 = arith.constant 0 : i32
    %dma_start3A_609 = arith.constant 0 : i32
    %dma_start3A_610 = arith.constant 0 : i32
    %dma_start3A_611 = arith.constant 0 : i32
    %dma_start3A_612 = arith.constant 0 : i32
    %dma_start3A_613 = tpu.memref_slice %arg6[%dma_start3A_610, %dma_start3A_611, %dma_start3A_612] : memref<3x128x128xf32, #tpu.memory_space<vmem>> -> memref<1x128x128xf32, #tpu.memory_space<vmem>>
    %dma_start3A_614 = tpu.memref_squeeze %dma_start3A_613 : memref<1x128x128xf32, #tpu.memory_space<vmem>> -> memref<128x128xf32, #tpu.memory_space<vmem>>
    %dma_start3A_615 = arith.constant 0 : i32
    %dma_start3A_616 = tpu.memref_slice %arg5[%dma_start3A_608, %dma_start3A_609, %dma_start3A_615] : memref<3x2x128xi32, #tpu.memory_space<vmem>> -> memref<1x1x128xi32, #tpu.memory_space<vmem>>
    %dma_start3A_617 = tpu.memref_squeeze %dma_start3A_616 : memref<1x1x128xi32, #tpu.memory_space<vmem>> -> memref<128xi32, #tpu.memory_space<vmem>>
    %dma_start3A_618 = arith.constant 0 : i32
    %dma_start3A_619 = arith.constant 0 : i32
    %dma_start3A_620 = tpu.memref_slice %arg2[%dma_start3A_618, %dma_start3A_619] : memref<10112x128xf32, #tpu.memory_space<hbm>> -> memref<10112x128xf32, #tpu.memory_space<hbm>>
    tpu.enqueue_indirect_dma source(%dma_start3A_620 : memref<10112x128xf32, #tpu.memory_space<hbm>>) target(%dma_start3A_614 : memref<128x128xf32, #tpu.memory_space<vmem>>) offsets(%dma_start3A_617 : memref<128xi32, #tpu.memory_space<vmem>>) semaphore(%arg10 : memref<!tpu.dma_semaphore, #tpu.memory_space<semaphore_mem>>)
    %dma_wait3A_621 = arith.constant 0 : i32
    %dma_wait3A_622 = arith.constant 0 : i32
    %dma_wait3A_623 = arith.constant 0 : i32
    %dma_wait3A_624 = arith.constant 0 : i32
    %dma_wait3A_625 = arith.constant 0 : i32
    %dma_wait3A_626 = tpu.memref_slice %arg6[%dma_wait3A_623, %dma_wait3A_624, %dma_wait3A_625] : memref<3x128x128xf32, #tpu.memory_space<vmem>> -> memref<1x128x128xf32, #tpu.memory_space<vmem>>
    %dma_wait3A_627 = tpu.memref_squeeze %dma_wait3A_626 : memref<1x128x128xf32, #tpu.memory_space<vmem>> -> memref<128x128xf32, #tpu.memory_space<vmem>>
    %dma_wait3A_628 = arith.constant 0 : i32
    %dma_wait3A_629 = tpu.memref_slice %arg5[%dma_wait3A_621, %dma_wait3A_622, %dma_wait3A_628] : memref<3x2x128xi32, #tpu.memory_space<vmem>> -> memref<1x1x128xi32, #tpu.memory_space<vmem>>
    %dma_wait3A_630 = tpu.memref_squeeze %dma_wait3A_629 : memref<1x1x128xi32, #tpu.memory_space<vmem>> -> memref<128xi32, #tpu.memory_space<vmem>>
    %dma_wait3A_631 = arith.constant 0 : i32
    %dma_wait3A_632 = arith.constant 0 : i32
    %dma_wait3A_633 = tpu.memref_slice %arg2[%dma_wait3A_631, %dma_wait3A_632] : memref<10112x128xf32, #tpu.memory_space<hbm>> -> memref<10112x128xf32, #tpu.memory_space<hbm>>
    tpu.wait_indirect_dma semaphore(%arg10 : memref<!tpu.dma_semaphore, #tpu.memory_space<semaphore_mem>>) src(%dma_wait3A_633 : memref<10112x128xf32, #tpu.memory_space<hbm>>) dst(%dma_wait3A_627 : memref<128x128xf32, #tpu.memory_space<vmem>>)
    %dma_start3A_634 = arith.constant 0 : i32
    %dma_start3A_635 = arith.constant 0 : i32
    %dma_start3A_636 = arith.constant 1 : i32
    %dma_start3A_637 = arith.constant 0 : i32
    %dma_start3A_638 = arith.constant 0 : i32
    %dma_start3A_639 = tpu.memref_slice %arg6[%dma_start3A_634, %dma_start3A_637, %dma_start3A_638] : memref<3x128x128xf32, #tpu.memory_space<vmem>> -> memref<1x128x128xf32, #tpu.memory_space<vmem>>
    %dma_start3A_640 = tpu.memref_squeeze %dma_start3A_639 : memref<1x128x128xf32, #tpu.memory_space<vmem>> -> memref<128x128xf32, #tpu.memory_space<vmem>>
    %dma_start3A_641 = arith.constant 0 : i32
    %dma_start3A_642 = tpu.memref_slice %arg5[%dma_start3A_635, %dma_start3A_636, %dma_start3A_641] : memref<3x2x128xi32, #tpu.memory_space<vmem>> -> memref<1x1x128xi32, #tpu.memory_space<vmem>>
    %dma_start3A_643 = tpu.memref_squeeze %dma_start3A_642 : memref<1x1x128xi32, #tpu.memory_space<vmem>> -> memref<128xi32, #tpu.memory_space<vmem>>
    %dma_start3A_644 = arith.constant 0 : i32
    %dma_start3A_645 = arith.constant 0 : i32
    %dma_start3A_646 = tpu.memref_slice %arg16[%dma_start3A_644, %dma_start3A_645] : memref<10112x128xf32, #tpu.memory_space<vmem_shared>> -> memref<10112x128xf32, #tpu.memory_space<vmem_shared>>
    tpu.enqueue_indirect_dma source(%dma_start3A_640 : memref<128x128xf32, #tpu.memory_space<vmem>>) target(%dma_start3A_646 : memref<10112x128xf32, #tpu.memory_space<vmem_shared>>) offsets(%dma_start3A_643 : memref<128xi32, #tpu.memory_space<vmem>>) semaphore(%arg13 : memref<!tpu.dma_semaphore, #tpu.memory_space<semaphore_mem>>) {add = true}
    %dma_wait3A_647 = arith.constant 1 : i32
    %dma_wait3A_648 = arith.constant 1 : i32
    %dma_wait3A_649 = arith.constant 1 : i32
    %dma_wait3A_650 = arith.constant 0 : i32
    %dma_wait3A_651 = arith.constant 0 : i32
    %dma_wait3A_652 = tpu.memref_slice %arg6[%dma_wait3A_647, %dma_wait3A_650, %dma_wait3A_651] : memref<3x128x128xf32, #tpu.memory_space<vmem>> -> memref<1x128x128xf32, #tpu.memory_space<vmem>>
    %dma_wait3A_653 = tpu.memref_squeeze %dma_wait3A_652 : memref<1x128x128xf32, #tpu.memory_space<vmem>> -> memref<128x128xf32, #tpu.memory_space<vmem>>
    %dma_wait3A_654 = arith.constant 0 : i32
    %dma_wait3A_655 = tpu.memref_slice %arg5[%dma_wait3A_648, %dma_wait3A_649, %dma_wait3A_654] : memref<3x2x128xi32, #tpu.memory_space<vmem>> -> memref<1x1x128xi32, #tpu.memory_space<vmem>>
    %dma_wait3A_656 = tpu.memref_squeeze %dma_wait3A_655 : memref<1x1x128xi32, #tpu.memory_space<vmem>> -> memref<128xi32, #tpu.memory_space<vmem>>
    %dma_wait3A_657 = arith.constant 0 : i32
    %dma_wait3A_658 = arith.constant 0 : i32
    %dma_wait3A_659 = tpu.memref_slice %arg16[%dma_wait3A_657, %dma_wait3A_658] : memref<10112x128xf32, #tpu.memory_space<vmem_shared>> -> memref<10112x128xf32, #tpu.memory_space<vmem_shared>>
    tpu.wait_indirect_dma semaphore(%arg14 : memref<!tpu.dma_semaphore, #tpu.memory_space<semaphore_mem>>) src(%dma_wait3A_653 : memref<128x128xf32, #tpu.memory_space<vmem>>) dst(%dma_wait3A_659 : memref<10112x128xf32, #tpu.memory_space<vmem_shared>>)
    %add3A_660 = arith.constant 79 : i32
    %add3A_661 = arith.addi %mul3A_2, %add3A_660 : i32
    %dma_wait3A_662 = arith.constant 1 : i32
    %dma_wait3A_663 = arith.constant 0 : i32
    %dma_wait3A_664 = arith.constant 0 : i32
    %dma_wait3A_665 = tpu.memref_slice %arg5[%dma_wait3A_662, %dma_wait3A_663, %dma_wait3A_664] : memref<3x2x128xi32, #tpu.memory_space<vmem>> -> memref<1x2x128xi32, #tpu.memory_space<vmem>>
    %dma_wait3A_666 = tpu.memref_squeeze %dma_wait3A_665 : memref<1x2x128xi32, #tpu.memory_space<vmem>> -> memref<2x128xi32, #tpu.memory_space<vmem>>
    %dma_wait3A_667 = arith.constant 0 : i32
    %dma_wait3A_668 = arith.constant 0 : i32
    %dma_wait3A_669 = tpu.memref_slice %arg3[%add3A_661, %dma_wait3A_667, %dma_wait3A_668] : memref<2560x2x128xi32, #tpu.memory_space<hbm>> -> memref<1x2x128xi32, #tpu.memory_space<hbm>>
    %dma_wait3A_670 = tpu.memref_squeeze %dma_wait3A_669 : memref<1x2x128xi32, #tpu.memory_space<hbm>> -> memref<2x128xi32, #tpu.memory_space<hbm>>
    %dma_wait3A_671 = arith.constant 0 : i32
    %dma_wait3A_672 = arith.constant 0 : i32
    %dma_wait3A_673 = tpu.memref_slice %arg5[%dma_wait3A_662, %dma_wait3A_671, %dma_wait3A_672] : memref<3x2x128xi32, #tpu.memory_space<vmem>> -> memref<1x2x128xi32, #tpu.memory_space<vmem>>
    %dma_wait3A_674 = tpu.memref_squeeze %dma_wait3A_673 : memref<1x2x128xi32, #tpu.memory_space<vmem>> -> memref<2x128xi32, #tpu.memory_space<vmem>>
    %dma_wait3A_675 = arith.constant 0 : i32
    %dma_wait3A_676 = arith.constant 0 : i32
    %dma_wait3A_677 = tpu.memref_slice %arg3[%add3A_661, %dma_wait3A_675, %dma_wait3A_676] : memref<2560x2x128xi32, #tpu.memory_space<hbm>> -> memref<1x2x128xi32, #tpu.memory_space<hbm>>
    %dma_wait3A_678 = tpu.memref_squeeze %dma_wait3A_677 : memref<1x2x128xi32, #tpu.memory_space<hbm>> -> memref<2x128xi32, #tpu.memory_space<hbm>>
    tpu.wait_dma2 semaphore(%arg8 : memref<!tpu.dma_semaphore, #tpu.memory_space<semaphore_mem>>) src(%dma_wait3A_678 : memref<2x128xi32, #tpu.memory_space<hbm>>) dst(%dma_wait3A_674 : memref<2x128xi32, #tpu.memory_space<vmem>>)
    %dma_start3A_679 = arith.constant 1 : i32
    %dma_start3A_680 = arith.constant 0 : i32
    %dma_start3A_681 = arith.constant 1 : i32
    %dma_start3A_682 = arith.constant 0 : i32
    %dma_start3A_683 = arith.constant 0 : i32
    %dma_start3A_684 = tpu.memref_slice %arg6[%dma_start3A_681, %dma_start3A_682, %dma_start3A_683] : memref<3x128x128xf32, #tpu.memory_space<vmem>> -> memref<1x128x128xf32, #tpu.memory_space<vmem>>
    %dma_start3A_685 = tpu.memref_squeeze %dma_start3A_684 : memref<1x128x128xf32, #tpu.memory_space<vmem>> -> memref<128x128xf32, #tpu.memory_space<vmem>>
    %dma_start3A_686 = arith.constant 0 : i32
    %dma_start3A_687 = tpu.memref_slice %arg5[%dma_start3A_679, %dma_start3A_680, %dma_start3A_686] : memref<3x2x128xi32, #tpu.memory_space<vmem>> -> memref<1x1x128xi32, #tpu.memory_space<vmem>>
    %dma_start3A_688 = tpu.memref_squeeze %dma_start3A_687 : memref<1x1x128xi32, #tpu.memory_space<vmem>> -> memref<128xi32, #tpu.memory_space<vmem>>
    %dma_start3A_689 = arith.constant 0 : i32
    %dma_start3A_690 = arith.constant 0 : i32
    %dma_start3A_691 = tpu.memref_slice %arg2[%dma_start3A_689, %dma_start3A_690] : memref<10112x128xf32, #tpu.memory_space<hbm>> -> memref<10112x128xf32, #tpu.memory_space<hbm>>
    tpu.enqueue_indirect_dma source(%dma_start3A_691 : memref<10112x128xf32, #tpu.memory_space<hbm>>) target(%dma_start3A_685 : memref<128x128xf32, #tpu.memory_space<vmem>>) offsets(%dma_start3A_688 : memref<128xi32, #tpu.memory_space<vmem>>) semaphore(%arg11 : memref<!tpu.dma_semaphore, #tpu.memory_space<semaphore_mem>>)
    %dma_wait3A_692 = arith.constant 1 : i32
    %dma_wait3A_693 = arith.constant 0 : i32
    %dma_wait3A_694 = arith.constant 1 : i32
    %dma_wait3A_695 = arith.constant 0 : i32
    %dma_wait3A_696 = arith.constant 0 : i32
    %dma_wait3A_697 = tpu.memref_slice %arg6[%dma_wait3A_694, %dma_wait3A_695, %dma_wait3A_696] : memref<3x128x128xf32, #tpu.memory_space<vmem>> -> memref<1x128x128xf32, #tpu.memory_space<vmem>>
    %dma_wait3A_698 = tpu.memref_squeeze %dma_wait3A_697 : memref<1x128x128xf32, #tpu.memory_space<vmem>> -> memref<128x128xf32, #tpu.memory_space<vmem>>
    %dma_wait3A_699 = arith.constant 0 : i32
    %dma_wait3A_700 = tpu.memref_slice %arg5[%dma_wait3A_692, %dma_wait3A_693, %dma_wait3A_699] : memref<3x2x128xi32, #tpu.memory_space<vmem>> -> memref<1x1x128xi32, #tpu.memory_space<vmem>>
    %dma_wait3A_701 = tpu.memref_squeeze %dma_wait3A_700 : memref<1x1x128xi32, #tpu.memory_space<vmem>> -> memref<128xi32, #tpu.memory_space<vmem>>
    %dma_wait3A_702 = arith.constant 0 : i32
    %dma_wait3A_703 = arith.constant 0 : i32
    %dma_wait3A_704 = tpu.memref_slice %arg2[%dma_wait3A_702, %dma_wait3A_703] : memref<10112x128xf32, #tpu.memory_space<hbm>> -> memref<10112x128xf32, #tpu.memory_space<hbm>>
    tpu.wait_indirect_dma semaphore(%arg11 : memref<!tpu.dma_semaphore, #tpu.memory_space<semaphore_mem>>) src(%dma_wait3A_704 : memref<10112x128xf32, #tpu.memory_space<hbm>>) dst(%dma_wait3A_698 : memref<128x128xf32, #tpu.memory_space<vmem>>)
    %dma_start3A_705 = arith.constant 1 : i32
    %dma_start3A_706 = arith.constant 1 : i32
    %dma_start3A_707 = arith.constant 1 : i32
    %dma_start3A_708 = arith.constant 0 : i32
    %dma_start3A_709 = arith.constant 0 : i32
    %dma_start3A_710 = tpu.memref_slice %arg6[%dma_start3A_705, %dma_start3A_708, %dma_start3A_709] : memref<3x128x128xf32, #tpu.memory_space<vmem>> -> memref<1x128x128xf32, #tpu.memory_space<vmem>>
    %dma_start3A_711 = tpu.memref_squeeze %dma_start3A_710 : memref<1x128x128xf32, #tpu.memory_space<vmem>> -> memref<128x128xf32, #tpu.memory_space<vmem>>
    %dma_start3A_712 = arith.constant 0 : i32
    %dma_start3A_713 = tpu.memref_slice %arg5[%dma_start3A_706, %dma_start3A_707, %dma_start3A_712] : memref<3x2x128xi32, #tpu.memory_space<vmem>> -> memref<1x1x128xi32, #tpu.memory_space<vmem>>
    %dma_start3A_714 = tpu.memref_squeeze %dma_start3A_713 : memref<1x1x128xi32, #tpu.memory_space<vmem>> -> memref<128xi32, #tpu.memory_space<vmem>>
    %dma_start3A_715 = arith.constant 0 : i32
    %dma_start3A_716 = arith.constant 0 : i32
    %dma_start3A_717 = tpu.memref_slice %arg16[%dma_start3A_715, %dma_start3A_716] : memref<10112x128xf32, #tpu.memory_space<vmem_shared>> -> memref<10112x128xf32, #tpu.memory_space<vmem_shared>>
    tpu.enqueue_indirect_dma source(%dma_start3A_711 : memref<128x128xf32, #tpu.memory_space<vmem>>) target(%dma_start3A_717 : memref<10112x128xf32, #tpu.memory_space<vmem_shared>>) offsets(%dma_start3A_714 : memref<128xi32, #tpu.memory_space<vmem>>) semaphore(%arg14 : memref<!tpu.dma_semaphore, #tpu.memory_space<semaphore_mem>>) {add = true}
    %dma_wait3A_718 = arith.constant 2 : i32
    %dma_wait3A_719 = arith.constant 2 : i32
    %dma_wait3A_720 = arith.constant 1 : i32
    %dma_wait3A_721 = arith.constant 0 : i32
    %dma_wait3A_722 = arith.constant 0 : i32
    %dma_wait3A_723 = tpu.memref_slice %arg6[%dma_wait3A_718, %dma_wait3A_721, %dma_wait3A_722] : memref<3x128x128xf32, #tpu.memory_space<vmem>> -> memref<1x128x128xf32, #tpu.memory_space<vmem>>
    %dma_wait3A_724 = tpu.memref_squeeze %dma_wait3A_723 : memref<1x128x128xf32, #tpu.memory_space<vmem>> -> memref<128x128xf32, #tpu.memory_space<vmem>>
    %dma_wait3A_725 = arith.constant 0 : i32
    %dma_wait3A_726 = tpu.memref_slice %arg5[%dma_wait3A_719, %dma_wait3A_720, %dma_wait3A_725] : memref<3x2x128xi32, #tpu.memory_space<vmem>> -> memref<1x1x128xi32, #tpu.memory_space<vmem>>
    %dma_wait3A_727 = tpu.memref_squeeze %dma_wait3A_726 : memref<1x1x128xi32, #tpu.memory_space<vmem>> -> memref<128xi32, #tpu.memory_space<vmem>>
    %dma_wait3A_728 = arith.constant 0 : i32
    %dma_wait3A_729 = arith.constant 0 : i32
    %dma_wait3A_730 = tpu.memref_slice %arg16[%dma_wait3A_728, %dma_wait3A_729] : memref<10112x128xf32, #tpu.memory_space<vmem_shared>> -> memref<10112x128xf32, #tpu.memory_space<vmem_shared>>
    tpu.wait_indirect_dma semaphore(%arg15 : memref<!tpu.dma_semaphore, #tpu.memory_space<semaphore_mem>>) src(%dma_wait3A_724 : memref<128x128xf32, #tpu.memory_space<vmem>>) dst(%dma_wait3A_730 : memref<10112x128xf32, #tpu.memory_space<vmem_shared>>)
    %dma_wait3A_731 = arith.constant 0 : i32
    %dma_wait3A_732 = arith.constant 0 : i32
    %dma_wait3A_733 = arith.constant 1 : i32
    %dma_wait3A_734 = arith.constant 0 : i32
    %dma_wait3A_735 = arith.constant 0 : i32
    %dma_wait3A_736 = tpu.memref_slice %arg6[%dma_wait3A_731, %dma_wait3A_734, %dma_wait3A_735] : memref<3x128x128xf32, #tpu.memory_space<vmem>> -> memref<1x128x128xf32, #tpu.memory_space<vmem>>
    %dma_wait3A_737 = tpu.memref_squeeze %dma_wait3A_736 : memref<1x128x128xf32, #tpu.memory_space<vmem>> -> memref<128x128xf32, #tpu.memory_space<vmem>>
    %dma_wait3A_738 = arith.constant 0 : i32
    %dma_wait3A_739 = tpu.memref_slice %arg5[%dma_wait3A_732, %dma_wait3A_733, %dma_wait3A_738] : memref<3x2x128xi32, #tpu.memory_space<vmem>> -> memref<1x1x128xi32, #tpu.memory_space<vmem>>
    %dma_wait3A_740 = tpu.memref_squeeze %dma_wait3A_739 : memref<1x1x128xi32, #tpu.memory_space<vmem>> -> memref<128xi32, #tpu.memory_space<vmem>>
    %dma_wait3A_741 = arith.constant 0 : i32
    %dma_wait3A_742 = arith.constant 0 : i32
    %dma_wait3A_743 = tpu.memref_slice %arg16[%dma_wait3A_741, %dma_wait3A_742] : memref<10112x128xf32, #tpu.memory_space<vmem_shared>> -> memref<10112x128xf32, #tpu.memory_space<vmem_shared>>
    tpu.wait_indirect_dma semaphore(%arg13 : memref<!tpu.dma_semaphore, #tpu.memory_space<semaphore_mem>>) src(%dma_wait3A_737 : memref<128x128xf32, #tpu.memory_space<vmem>>) dst(%dma_wait3A_743 : memref<10112x128xf32, #tpu.memory_space<vmem_shared>>)
    %dma_wait3A_744 = arith.constant 1 : i32
    %dma_wait3A_745 = arith.constant 1 : i32
    %dma_wait3A_746 = arith.constant 1 : i32
    %dma_wait3A_747 = arith.constant 0 : i32
    %dma_wait3A_748 = arith.constant 0 : i32
    %dma_wait3A_749 = tpu.memref_slice %arg6[%dma_wait3A_744, %dma_wait3A_747, %dma_wait3A_748] : memref<3x128x128xf32, #tpu.memory_space<vmem>> -> memref<1x128x128xf32, #tpu.memory_space<vmem>>
    %dma_wait3A_750 = tpu.memref_squeeze %dma_wait3A_749 : memref<1x128x128xf32, #tpu.memory_space<vmem>> -> memref<128x128xf32, #tpu.memory_space<vmem>>
    %dma_wait3A_751 = arith.constant 0 : i32
    %dma_wait3A_752 = tpu.memref_slice %arg5[%dma_wait3A_745, %dma_wait3A_746, %dma_wait3A_751] : memref<3x2x128xi32, #tpu.memory_space<vmem>> -> memref<1x1x128xi32, #tpu.memory_space<vmem>>
    %dma_wait3A_753 = tpu.memref_squeeze %dma_wait3A_752 : memref<1x1x128xi32, #tpu.memory_space<vmem>> -> memref<128xi32, #tpu.memory_space<vmem>>
    %dma_wait3A_754 = arith.constant 0 : i32
    %dma_wait3A_755 = arith.constant 0 : i32
    %dma_wait3A_756 = tpu.memref_slice %arg16[%dma_wait3A_754, %dma_wait3A_755] : memref<10112x128xf32, #tpu.memory_space<vmem_shared>> -> memref<10112x128xf32, #tpu.memory_space<vmem_shared>>
    tpu.wait_indirect_dma semaphore(%arg14 : memref<!tpu.dma_semaphore, #tpu.memory_space<semaphore_mem>>) src(%dma_wait3A_750 : memref<128x128xf32, #tpu.memory_space<vmem>>) dst(%dma_wait3A_756 : memref<10112x128xf32, #tpu.memory_space<vmem_shared>>)
    %barrier3A_757 = arith.constant 0 : index
    tpu.barrier barrier_id(%barrier3A_757)
    %mul3A_758 = arith.constant 632 : i32
    %mul3A_759 = arith.muli %arg1, %mul3A_758 : i32
    %mul3A_760 = arith.constant 632 : i32
    %mul3A_761 = arith.muli %arg1, %mul3A_760 : i32
    "tpu.region"() ({
      %run_scoped3A_762 = tpu.sem_alloc : memref<!tpu.dma_semaphore, #tpu.memory_space<semaphore_mem>>
      %dma_start3A_763 = arith.constant 0 : i32
      %dma_start3A_764 = tpu.memref_slice %arg4[%arg0, %mul3A_761, %dma_start3A_763] : memref<2x10112x128xf32, #tpu.memory_space<hbm>> -> memref<1x632x128xf32, #tpu.memory_space<hbm>>
      %dma_start3A_765 = tpu.memref_squeeze %dma_start3A_764 : memref<1x632x128xf32, #tpu.memory_space<hbm>> -> memref<632x128xf32, #tpu.memory_space<hbm>>
      %dma_start3A_766 = arith.constant 0 : i32
      %dma_start3A_767 = tpu.memref_slice %arg16[%mul3A_759, %dma_start3A_766] : memref<10112x128xf32, #tpu.memory_space<vmem_shared>> -> memref<632x128xf32, #tpu.memory_space<vmem_shared>>
      tpu.enqueue_dma source(%dma_start3A_767 : memref<632x128xf32, #tpu.memory_space<vmem_shared>>) target(%dma_start3A_765 : memref<632x128xf32, #tpu.memory_space<hbm>>) target_semaphore(%run_scoped3A_762 : memref<!tpu.dma_semaphore, #tpu.memory_space<semaphore_mem>>)
      %dma_wait3A_768 = arith.constant 0 : i32
      %dma_wait3A_769 = tpu.memref_slice %arg4[%arg0, %mul3A_761, %dma_wait3A_768] : memref<2x10112x128xf32, #tpu.memory_space<hbm>> -> memref<1x632x128xf32, #tpu.memory_space<hbm>>
      %dma_wait3A_770 = tpu.memref_squeeze %dma_wait3A_769 : memref<1x632x128xf32, #tpu.memory_space<hbm>> -> memref<632x128xf32, #tpu.memory_space<hbm>>
      %dma_wait3A_771 = arith.constant 0 : i32
      %dma_wait3A_772 = tpu.memref_slice %arg16[%mul3A_759, %dma_wait3A_771] : memref<10112x128xf32, #tpu.memory_space<vmem_shared>> -> memref<632x128xf32, #tpu.memory_space<vmem_shared>>
      tpu.wait_dma2 semaphore(%run_scoped3A_762 : memref<!tpu.dma_semaphore, #tpu.memory_space<semaphore_mem>>) src(%dma_wait3A_772 : memref<632x128xf32, #tpu.memory_space<vmem_shared>>) dst(%dma_wait3A_770 : memref<632x128xf32, #tpu.memory_space<hbm>>)
      tpu.yield
    }) : () -> ()
    return
  }
}

module attributes {stable_mosaic.version = 14 : i64} {
  func.func @_mm1_body(%arg0: i32, %arg1: memref<1264x128xf32, #tpu.memory_space<vmem>>, %arg2: memref<1264x1xf32, #tpu.memory_space<vmem>>, %arg3: memref<128x128xf32, #tpu.memory_space<vmem>>, %arg4: memref<1264x128xf32, #tpu.memory_space<vmem>>) attributes {dimension_semantics = [#tpu.dimension_semantics<arbitrary>], iteration_bounds = array<i64: 8>, scalar_prefetch = 0 : i64, scratch_operands = 0 : i64, tpu.core_type = #tpu.core_type<tc>, window_params = [{transform_indices = @transform_0, window_bounds = array<i64: 1264, 128>}, {transform_indices = @transform_1, window_bounds = array<i64: 1264, 1>}, {pipeline_mode = #tpu.pipeline_mode<synchronous>, transform_indices = @transform_2, window_bounds = array<i64: 128, 128>}, {transform_indices = @transform_3, window_bounds = array<i64: 1264, 128>}]} {
    %get3A = arith.constant 0 : index
    %get3A_0 = arith.constant 0 : index
    %get3A_1 = vector.load %arg2[%get3A, %get3A_0] : memref<1264x1xf32, #tpu.memory_space<vmem>>, vector<1264x1xf32>
    %gt3A = arith.constant 0.000000e+00 : f32
    %gt3A_2 = vector.broadcast %gt3A : f32 to vector<1264x1xf32>
    %gt3A_3 = arith.cmpf ogt, %get3A_1, %gt3A_2 : vector<1264x1xf32>
    %max3A = arith.constant 1.000000e+00 : f32
    %max3A_4 = vector.broadcast %max3A : f32 to vector<1264x1xf32>
    %max3A_5 = arith.maximumf %get3A_1, %max3A_4 : vector<1264x1xf32>
    %rsqrt3A = math.rsqrt %max3A_5 : vector<1264x1xf32>
    %jit3A = arith.constant 0.000000e+00 : f32
    %broadcast_in_dim3A = vector.broadcast %jit3A : f32 to vector<1264x1xf32>
    %select_n3A = arith.select %gt3A_3, %rsqrt3A, %broadcast_in_dim3A : vector<1264x1xi1>, vector<1264x1xf32>
    %get3A_6 = arith.constant 0 : index
    %get3A_7 = arith.constant 0 : index
    %get3A_8 = vector.load %arg1[%get3A_6, %get3A_7] : memref<1264x128xf32, #tpu.memory_space<vmem>>, vector<1264x128xf32>
    %mul3A = vector.broadcast %select_n3A : vector<1264x1xf32> to vector<1264x128xf32>
    %mul3A_9 = arith.mulf %get3A_8, %mul3A : vector<1264x128xf32>
    %get3A_10 = arith.constant 0 : index
    %get3A_11 = arith.constant 0 : index
    %get3A_12 = vector.load %arg3[%get3A_10, %get3A_11] : memref<128x128xf32, #tpu.memory_space<vmem>>, vector<128x128xf32>
    %dot_general3A = arith.constant dense<0.000000e+00> : vector<1264x128xf32>
    %dot_general3A_13 = tpu.matmul %mul3A_9, %get3A_12, %dot_general3A {dimension_numbers = #tpu.dot_dimension_numbers<[1], [0], [0], [1], [0, 0, 1, 1], [], []>, transpose_lhs_hint = false} : vector<1264x128xf32>, vector<128x128xf32>, vector<1264x128xf32> -> vector<1264x128xf32>
    %swap3A = arith.constant 0 : index
    %swap3A_14 = arith.constant 0 : index
    %swap3A_15 = vector.load %arg4[%swap3A, %swap3A_14] : memref<1264x128xf32, #tpu.memory_space<vmem>>, vector<1264x128xf32>
    tpu.vector_store %arg4[%swap3A, %swap3A_14], %dot_general3A_13 {strides = array<i32>} : memref<1264x128xf32, #tpu.memory_space<vmem>>, vector<1264x128xf32>,
    return
  }
  func.func @transform_0(%arg0: i32) -> (i32, i32) {
    %c0_i32 = arith.constant 0 : i32
    %c0_i32_0 = arith.constant 0 : i32
    return %arg0, %c0_i32 : i32, i32
  }
  func.func @transform_1(%arg0: i32) -> (i32, i32) {
    %c0_i32 = arith.constant 0 : i32
    %c0_i32_0 = arith.constant 0 : i32
    return %arg0, %c0_i32 : i32, i32
  }
  func.func @transform_2(%arg0: i32) -> (i32, i32) {
    %c0_i32 = arith.constant 0 : i32
    %c0_i32_0 = arith.constant 0 : i32
    %c0_i32_1 = arith.constant 0 : i32
    return %c0_i32, %c0_i32_0 : i32, i32
  }
  func.func @transform_3(%arg0: i32) -> (i32, i32) {
    %c0_i32 = arith.constant 0 : i32
    %c0_i32_0 = arith.constant 0 : i32
    return %arg0, %c0_i32 : i32, i32
  }
}

module attributes {stable_mosaic.version = 14 : i64} {
  func.func @_mid_body(%arg0: i32, %arg1: memref<1264x128xf32, #tpu.memory_space<vmem>>, %arg2: memref<1264x128xf32, #tpu.memory_space<vmem>>, %arg3: memref<1264x1xf32, #tpu.memory_space<vmem>>, %arg4: memref<1264x1xf32, #tpu.memory_space<vmem>>, %arg5: memref<1x128xf32, #tpu.memory_space<vmem>>, %arg6: memref<128x128xf32, #tpu.memory_space<vmem>>, %arg7: memref<1264x128xf32, #tpu.memory_space<vmem>>) attributes {dimension_semantics = [#tpu.dimension_semantics<arbitrary>], iteration_bounds = array<i64: 8>, scalar_prefetch = 0 : i64, scratch_operands = 0 : i64, tpu.core_type = #tpu.core_type<tc>, window_params = [{transform_indices = @transform_0, window_bounds = array<i64: 1264, 128>}, {transform_indices = @transform_1, window_bounds = array<i64: 1264, 128>}, {transform_indices = @transform_2, window_bounds = array<i64: 1264, 1>}, {transform_indices = @transform_3, window_bounds = array<i64: 1264, 1>}, {pipeline_mode = #tpu.pipeline_mode<synchronous>, transform_indices = @transform_4, window_bounds = array<i64: 1, 128>}, {pipeline_mode = #tpu.pipeline_mode<synchronous>, transform_indices = @transform_5, window_bounds = array<i64: 128, 128>}, {transform_indices = @transform_6, window_bounds = array<i64: 1264, 128>}]} {
    %get3A = arith.constant 0 : index
    %get3A_0 = arith.constant 0 : index
    %get3A_1 = vector.load %arg4[%get3A, %get3A_0] : memref<1264x1xf32, #tpu.memory_space<vmem>>, vector<1264x1xf32>
    %gt3A = arith.constant 0.000000e+00 : f32
    %gt3A_2 = vector.broadcast %gt3A : f32 to vector<1264x1xf32>
    %gt3A_3 = arith.cmpf ogt, %get3A_1, %gt3A_2 : vector<1264x1xf32>
    %max3A = arith.constant 1.000000e+00 : f32
    %max3A_4 = vector.broadcast %max3A : f32 to vector<1264x1xf32>
    %max3A_5 = arith.maximumf %get3A_1, %max3A_4 : vector<1264x1xf32>
    %rsqrt3A = math.rsqrt %max3A_5 : vector<1264x1xf32>
    %jit3A = arith.constant 0.000000e+00 : f32
    %broadcast_in_dim3A = vector.broadcast %jit3A : f32 to vector<1264x1xf32>
    %select_n3A = arith.select %gt3A_3, %rsqrt3A, %broadcast_in_dim3A : vector<1264x1xi1>, vector<1264x1xf32>
    %get3A_6 = arith.constant 0 : index
    %get3A_7 = arith.constant 0 : index
    %get3A_8 = vector.load %arg3[%get3A_6, %get3A_7] : memref<1264x1xf32, #tpu.memory_space<vmem>>, vector<1264x1xf32>
    %gt3A_9 = arith.constant 0.000000e+00 : f32
    %gt3A_10 = vector.broadcast %gt3A_9 : f32 to vector<1264x1xf32>
    %gt3A_11 = arith.cmpf ogt, %get3A_8, %gt3A_10 : vector<1264x1xf32>
    %max3A_12 = arith.constant 1.000000e+00 : f32
    %max3A_13 = vector.broadcast %max3A_12 : f32 to vector<1264x1xf32>
    %max3A_14 = arith.maximumf %get3A_8, %max3A_13 : vector<1264x1xf32>
    %rsqrt3A_15 = math.rsqrt %max3A_14 : vector<1264x1xf32>
    %jit3A_16 = arith.constant 0.000000e+00 : f32
    %broadcast_in_dim3A_17 = vector.broadcast %jit3A_16 : f32 to vector<1264x1xf32>
    %select_n3A_18 = arith.select %gt3A_11, %rsqrt3A_15, %broadcast_in_dim3A_17 : vector<1264x1xi1>, vector<1264x1xf32>
    %get3A_19 = arith.constant 0 : index
    %get3A_20 = arith.constant 0 : index
    %get3A_21 = vector.load %arg1[%get3A_19, %get3A_20] : memref<1264x128xf32, #tpu.memory_space<vmem>>, vector<1264x128xf32>
    %get3A_22 = arith.constant 0 : index
    %get3A_23 = arith.constant 0 : index
    %get3A_24 = vector.load %arg2[%get3A_22, %get3A_23] : memref<1264x128xf32, #tpu.memory_space<vmem>>, vector<1264x128xf32>
    %add3A = arith.addf %get3A_21, %get3A_24 : vector<1264x128xf32>
    %mul3A = vector.broadcast %select_n3A : vector<1264x1xf32> to vector<1264x128xf32>
    %mul3A_25 = arith.mulf %add3A, %mul3A : vector<1264x128xf32>
    %get3A_26 = arith.constant 0 : index
    %get3A_27 = arith.constant 0 : index
    %get3A_28 = vector.load %arg5[%get3A_26, %get3A_27] : memref<1x128xf32, #tpu.memory_space<vmem>>, vector<1x128xf32>
    %add3A_29 = vector.broadcast %get3A_28 : vector<1x128xf32> to vector<1264x128xf32>
    %add3A_30 = arith.addf %mul3A_25, %add3A_29 : vector<1264x128xf32>
    %max3A_31 = arith.constant 0.000000e+00 : f32
    %max3A_32 = vector.broadcast %max3A_31 : f32 to vector<1264x128xf32>
    %max3A_33 = arith.maximumf %add3A_30, %max3A_32 : vector<1264x128xf32>
    %mul3A_34 = vector.broadcast %select_n3A_18 : vector<1264x1xf32> to vector<1264x128xf32>
    %mul3A_35 = arith.mulf %max3A_33, %mul3A_34 : vector<1264x128xf32>
    %get3A_36 = arith.constant 0 : index
    %get3A_37 = arith.constant 0 : index
    %get3A_38 = vector.load %arg6[%get3A_36, %get3A_37] : memref<128x128xf32, #tpu.memory_space<vmem>>, vector<128x128xf32>
    %dot_general3A = arith.constant dense<0.000000e+00> : vector<1264x128xf32>
    %dot_general3A_39 = tpu.matmul %mul3A_35, %get3A_38, %dot_general3A {dimension_numbers = #tpu.dot_dimension_numbers<[1], [0], [0], [1], [0, 0, 1, 1], [], []>, transpose_lhs_hint = false} : vector<1264x128xf32>, vector<128x128xf32>, vector<1264x128xf32> -> vector<1264x128xf32>
    %swap3A = arith.constant 0 : index
    %swap3A_40 = arith.constant 0 : index
    %swap3A_41 = vector.load %arg7[%swap3A, %swap3A_40] : memref<1264x128xf32, #tpu.memory_space<vmem>>, vector<1264x128xf32>
    tpu.vector_store %arg7[%swap3A, %swap3A_40], %dot_general3A_39 {strides = array<i32>} : memref<1264x128xf32, #tpu.memory_space<vmem>>, vector<1264x128xf32>,
    return
  }
  func.func @transform_0(%arg0: i32) -> (i32, i32) {
    %c0_i32 = arith.constant 0 : i32
    %c0_i32_0 = arith.constant 0 : i32
    return %arg0, %c0_i32 : i32, i32
  }
  func.func @transform_1(%arg0: i32) -> (i32, i32) {
    %c0_i32 = arith.constant 0 : i32
    %c0_i32_0 = arith.constant 0 : i32
    return %arg0, %c0_i32 : i32, i32
  }
  func.func @transform_2(%arg0: i32) -> (i32, i32) {
    %c0_i32 = arith.constant 0 : i32
    %c0_i32_0 = arith.constant 0 : i32
    return %arg0, %c0_i32 : i32, i32
  }
  func.func @transform_3(%arg0: i32) -> (i32, i32) {
    %c0_i32 = arith.constant 0 : i32
    %c0_i32_0 = arith.constant 0 : i32
    return %arg0, %c0_i32 : i32, i32
  }
  func.func @transform_4(%arg0: i32) -> (i32, i32) {
    %c0_i32 = arith.constant 0 : i32
    %c0_i32_0 = arith.constant 0 : i32
    %c0_i32_1 = arith.constant 0 : i32
    return %c0_i32, %c0_i32_0 : i32, i32
  }
  func.func @transform_5(%arg0: i32) -> (i32, i32) {
    %c0_i32 = arith.constant 0 : i32
    %c0_i32_0 = arith.constant 0 : i32
    %c0_i32_1 = arith.constant 0 : i32
    return %c0_i32, %c0_i32_0 : i32, i32
  }
  func.func @transform_6(%arg0: i32) -> (i32, i32) {
    %c0_i32 = arith.constant 0 : i32
    %c0_i32_0 = arith.constant 0 : i32
    return %arg0, %c0_i32 : i32, i32
  }
}

module attributes {stable_mosaic.version = 14 : i64} {
  func.func @_fin_body(%arg0: i32, %arg1: memref<2000x128xf32, #tpu.memory_space<vmem>>, %arg2: memref<2000x128xf32, #tpu.memory_space<vmem>>, %arg3: memref<2000x1xf32, #tpu.memory_space<vmem>>, %arg4: memref<1x128xf32, #tpu.memory_space<vmem>>, %arg5: memref<2000x128xf32, #tpu.memory_space<vmem>>) attributes {dimension_semantics = [#tpu.dimension_semantics<arbitrary>], iteration_bounds = array<i64: 5>, scalar_prefetch = 0 : i64, scratch_operands = 0 : i64, tpu.core_type = #tpu.core_type<tc>, window_params = [{transform_indices = @transform_0, window_bounds = array<i64: 2000, 128>}, {transform_indices = @transform_1, window_bounds = array<i64: 2000, 128>}, {transform_indices = @transform_2, window_bounds = array<i64: 2000, 1>}, {pipeline_mode = #tpu.pipeline_mode<synchronous>, transform_indices = @transform_3, window_bounds = array<i64: 1, 128>}, {transform_indices = @transform_4, window_bounds = array<i64: 2000, 128>}]} {
    %get3A = arith.constant 0 : index
    %get3A_0 = arith.constant 0 : index
    %get3A_1 = vector.load %arg3[%get3A, %get3A_0] : memref<2000x1xf32, #tpu.memory_space<vmem>>, vector<2000x1xf32>
    %gt3A = arith.constant 0.000000e+00 : f32
    %gt3A_2 = vector.broadcast %gt3A : f32 to vector<2000x1xf32>
    %gt3A_3 = arith.cmpf ogt, %get3A_1, %gt3A_2 : vector<2000x1xf32>
    %max3A = arith.constant 1.000000e+00 : f32
    %max3A_4 = vector.broadcast %max3A : f32 to vector<2000x1xf32>
    %max3A_5 = arith.maximumf %get3A_1, %max3A_4 : vector<2000x1xf32>
    %rsqrt3A = math.rsqrt %max3A_5 : vector<2000x1xf32>
    %jit3A = arith.constant 0.000000e+00 : f32
    %broadcast_in_dim3A = vector.broadcast %jit3A : f32 to vector<2000x1xf32>
    %select_n3A = arith.select %gt3A_3, %rsqrt3A, %broadcast_in_dim3A : vector<2000x1xi1>, vector<2000x1xf32>
    %get3A_6 = arith.constant 0 : index
    %get3A_7 = arith.constant 0 : index
    %get3A_8 = vector.load %arg1[%get3A_6, %get3A_7] : memref<2000x128xf32, #tpu.memory_space<vmem>>, vector<2000x128xf32>
    %get3A_9 = arith.constant 0 : index
    %get3A_10 = arith.constant 0 : index
    %get3A_11 = vector.load %arg2[%get3A_9, %get3A_10] : memref<2000x128xf32, #tpu.memory_space<vmem>>, vector<2000x128xf32>
    %add3A = arith.addf %get3A_8, %get3A_11 : vector<2000x128xf32>
    %mul3A = vector.broadcast %select_n3A : vector<2000x1xf32> to vector<2000x128xf32>
    %mul3A_12 = arith.mulf %add3A, %mul3A : vector<2000x128xf32>
    %get3A_13 = arith.constant 0 : index
    %get3A_14 = arith.constant 0 : index
    %get3A_15 = vector.load %arg4[%get3A_13, %get3A_14] : memref<1x128xf32, #tpu.memory_space<vmem>>, vector<1x128xf32>
    %add3A_16 = vector.broadcast %get3A_15 : vector<1x128xf32> to vector<2000x128xf32>
    %add3A_17 = arith.addf %mul3A_12, %add3A_16 : vector<2000x128xf32>
    %swap3A = arith.constant 0 : index
    %swap3A_18 = arith.constant 0 : index
    %swap3A_19 = vector.load %arg5[%swap3A, %swap3A_18] : memref<2000x128xf32, #tpu.memory_space<vmem>>, vector<2000x128xf32>
    tpu.vector_store %arg5[%swap3A, %swap3A_18], %add3A_17 {strides = array<i32>} : memref<2000x128xf32, #tpu.memory_space<vmem>>, vector<2000x128xf32>,
    return
  }
  func.func @transform_0(%arg0: i32) -> (i32, i32) {
    %c0_i32 = arith.constant 0 : i32
    %c0_i32_0 = arith.constant 0 : i32
    return %arg0, %c0_i32 : i32, i32
  }
  func.func @transform_1(%arg0: i32) -> (i32, i32) {
    %c0_i32 = arith.constant 0 : i32
    %c0_i32_0 = arith.constant 0 : i32
    return %arg0, %c0_i32 : i32, i32
  }
  func.func @transform_2(%arg0: i32) -> (i32, i32) {
    %c0_i32 = arith.constant 0 : i32
    %c0_i32_0 = arith.constant 0 : i32
    return %arg0, %c0_i32 : i32, i32
  }
  func.func @transform_3(%arg0: i32) -> (i32, i32) {
    %c0_i32 = arith.constant 0 : i32
    %c0_i32_0 = arith.constant 0 : i32
    %c0_i32_1 = arith.constant 0 : i32
    return %c0_i32, %c0_i32_0 : i32, i32
  }
  func.func @transform_4(%arg0: i32) -> (i32, i32) {
    %c0_i32 = arith.constant 0 : i32
    %c0_i32_0 = arith.constant 0 : i32
    return %arg0, %c0_i32 : i32, i32
  }
}

</mosaic_0001>

<sc_bundles>
// kernel: kernel.11.cloned.1.call-start
scs
__scs_entry_jumppad:
0x0: {  	(pc) =	sbr.rel $0x88, $3  }
0x1: {  	(tag) =	ssettag $0x0;
	lr =	simm.s32 $0x1  }
0x2: {  	[smem:$0x3F9B] =	sst lr;
	_ =	strace $0xD0000000  }
0x3: {  	_ = 	snop  }
0x4: {  	_ = 	snop  }
0x5: {  	_ = 	snop  }
0x6: {  	_ = 	snop  }
0x7: {  	_ = 	snop  }
__scs_overlays_trampoline_lowered:
0x8: {  	[smem:$0x3FAA] =	sst s0  }
0x9: {  	[smem:$0x3FAB] =	sst s1  }
0xa: {  	[smem:$0x3FAC] =	sst s2  }
0xb: {  	[smem:$0x3FAD] =	sst s3  }
0xc: {  	[smem:$0x3FAE] =	sst s4  }
0xd: {  	[smem:$0x3FAF] =	sst s5  }
0xe: {  	[smem:$0x3FB0] =	sst s6  }
0xf: {  	[smem:$0x3FB1] =	sst s7  }
0x10: {  	[smem:$0x3FB2] =	sst s8  }
0x11: {  	[smem:$0x3FB3] =	sst s9;
	s0 =	simm.s32 @!p0 $0x0  }
0x12: {  	s1 =	sld [smem:$0x3F99];
	s0 =	simm.s32 @p0 $0x1  }
0x13: {  	[smem:$0x3FB4] =	sst s0;
	s0 =	simm.s32 @!p1 $0x0  }
0x14: {  	s2 =	sld [smem:$0x3F98];
	s0 =	simm.s32 @p1 $0x1  }
0x15: {  	[smem:$0x3FB5] =	sst s0;
	s0 =	simm.s32 @!p2 $0x0  }
0x16: {  	s3 =	sld [smem:$0x3FDB];
	s0 =	simm.s32 @p2 $0x1  }
0x17: {  	s4 =	simm.s32 $0x1BF5;
	[smem:$0x3FB7] =	sst s0  }
0x18: {  	s0 =	sld [smem:$0x3F9A];
	_ =	swait.ge [sflag:s4], $0x0  }
0x19: {  	s7 =	sld [smem:$0x3F9B]  }
0x1a: {  	s8 =	sadd.s32 $0xFFFFE003, lr  }
0x1b: {  	s9 =	sadd.s32 $0xFFFFFEF7, lr;
	s5 =	simm.s32 $0xFFFFFFFF;
	p2 =	slt.u32 s8, $0xFFFFF086  }
0x1c: {  	p1 =	slt.u32 s9, $0xF7A;
	s5 =	simm.s32 @!p2 $0x0  }
0x1d: {  	s5 =	simm.s32 @p1 $0x1;
	p0 =	seq.s32 s7, s2  }
0x1e: {  	s7 =	smul.u32 @!p0 $0xF7A, s2;
	p2 =	seq.s32 @!p0 s5, $0x0  }
0x1f: {  	s9 =	smul.u32 $0xF7A, s1;
	s8 =	simm.s32 @!p0 $0x1BF5;
	p2 =	por !p2, p0  }
0x20: {  	[sflag:s8] =	ssyncset.s32 @!p0 $0xFFFFF086;
	s6 =	sadd.s32 @!p0 s3, s7;
	s7 =	simm.s32 @!p0 $0x108  }
0x21: {  	s3 =	sadd.s32 s3, s9;
	s6 =	sadd.s32 @!p0 $0x88, s6;
	s7 =	simm.s32 @p2 $0x1082  }
0x22: {  	[simem:s7], [sflag:s8] =	dma.local @!p0 [hbm:s6], $0xF7A  }
0x23: {  	s9 =	sor.u32 $0xD0000000, s2;
	s6 =	simm.s32 $0x108;
	_ =	swait.ge @!p0 [sflag:s8], $0x0  }
0x24: {  	s3 =	sadd.s32 $0x88, s3;
	s6 =	simm.s32 @!p1 $0x1082;
	[sflag:s4] =	ssyncset.s32 $0xFFFFF086  }
0x25: {  	[simem:s6], [sflag:s4] =	dma.local [hbm:s3], $0xF7A  }
0x26: {  	[smem:$0x3F9B] =	sst s1;
	(tag) =	ssettag s2;
	_ =	strace s9  }
0x27: {  	s1 =	sld [smem:$0x3FAB]  }
0x28: {  	s2 =	sld [smem:$0x3FAC]  }
0x29: {  	s4 =	sld [smem:$0x3FAE]  }
0x2a: {  	p0 =	seq.s32 s5, $0x0;
	s5 =	sld [smem:$0x3FAF]  }
0x2b: {  	s6 =	sld [smem:$0x3FB0]  }
0x2c: {  	s7 =	sld [smem:$0x3FB1]  }
0x2d: {  	s3 =	simm.s32 $0x108;
	s8 =	sld [smem:$0x3FB2]  }
0x2e: {  	s3 =	simm.s32 @!p0 $0x1082;
	s9 =	sld [smem:$0x3FB3]  }
0x2f: {  	lr =	sadd.s32 s0, s3;
	s0 =	sld [smem:$0x3FAA]  }
0x30: {  	s3 =	sld [smem:$0x3FAD]  }
0x31: {  	[smem:$0x3FB6] =	sst s10  }
0x32: {  	s10 =	sld [smem:$0x3FB4];
	_ =	sdelay $0x3  }
0x33: {  	p0 =	seq.s32 s10, $0x1;
	s10 =	sld [smem:$0x3FB6];
	_ =	sdelay $0x3  }
0x34: {  	[smem:$0x3FB6] =	sst s10  }
0x35: {  	s10 =	sld [smem:$0x3FB5];
	_ =	sdelay $0x3  }
0x36: {  	p1 =	seq.s32 s10, $0x1;
	s10 =	sld [smem:$0x3FB6];
	_ =	sdelay $0x3  }
0x37: {  	[smem:$0x3FB6] =	sst s10  }
0x38: {  	s10 =	sld [smem:$0x3FB7]  }
0x39: {  	_ = 	snop;
	(pc) =	sbr.ind lr, $3  }
0x3a: {  	_ = 	snop  }
0x3b: {  	_ = 	snop  }
0x3c: {  	p2 =	seq.s32 s10, $0x1;
	s10 =	sld [smem:$0x3FB6]  }
0x3d: {  	_ =	shalt  }
0x3e: {  	_ =	shalt  }
0x3f: {  	_ =	shalt  }
0x40: {  	_ =	shalt  }
0x41: {  	_ =	shalt  }
0x42: {  	_ =	shalt  }
0x43: {  	_ =	shalt  }
0x44: {  	_ =	shalt  }
0x45: {  	_ =	shalt  }
0x46: {  	_ =	shalt  }
0x47: {  	_ =	shalt  }
0x48: {  	_ =	shalt  }
0x49: {  	_ =	shalt  }
0x4a: {  	_ =	shalt  }
0x4b: {  	_ =	shalt  }
0x4c: {  	_ =	shalt  }
0x4d: {  	_ =	shalt  }
0x4e: {  	_ =	shalt  }
0x4f: {  	_ =	shalt  }
0x50: {  	_ =	shalt  }
0x51: {  	_ =	shalt  }
0x52: {  	_ =	shalt  }
0x53: {  	_ =	shalt  }
0x54: {  	_ =	shalt  }
0x55: {  	_ =	shalt  }
0x56: {  	_ =	shalt  }
0x57: {  	_ =	shalt  }
0x58: {  	_ =	shalt  }
0x59: {  	_ =	shalt  }
0x5a: {  	_ =	shalt  }
0x5b: {  	_ =	shalt  }
0x5c: {  	_ =	shalt  }
0x5d: {  	_ =	shalt  }
0x5e: {  	_ =	shalt  }
0x5f: {  	_ =	shalt  }
0x60: {  	_ =	shalt  }
0x61: {  	_ =	shalt  }
0x62: {  	_ =	shalt  }
0x63: {  	_ =	shalt  }
0x64: {  	_ =	shalt  }
0x65: {  	_ =	shalt  }
0x66: {  	_ =	shalt  }
0x67: {  	_ =	shalt  }
0x68: {  	_ =	shalt  }
0x69: {  	_ =	shalt  }
0x6a: {  	_ =	shalt  }
0x6b: {  	_ =	shalt  }
0x6c: {  	_ =	shalt  }
0x6d: {  	_ =	shalt  }
0x6e: {  	_ =	shalt  }
0x6f: {  	_ =	shalt  }
0x70: {  	_ =	shalt  }
0x71: {  	_ =	shalt  }
0x72: {  	_ =	shalt  }
0x73: {  	_ =	shalt  }
0x74: {  	_ =	shalt  }
0x75: {  	_ =	shalt  }
0x76: {  	_ =	shalt  }
0x77: {  	_ =	shalt  }
0x78: {  	_ =	shalt  }
0x79: {  	_ =	shalt  }
0x7a: {  	_ =	shalt  }
0x7b: {  	_ =	shalt  }
0x7c: {  	_ =	shalt  }
0x7d: {  	_ =	shalt  }
0x7e: {  	_ =	shalt  }
0x7f: {  	_ =	shalt  }
0x80: {  	_ =	shalt  }
0x81: {  	_ =	shalt  }
0x82: {  	_ =	shalt  }
0x83: {  	_ =	shalt  }
0x84: {  	_ =	shalt  }
0x85: {  	_ =	shalt  }
0x86: {  	_ =	shalt  }
0x87: {  	_ =	shalt  }
.Lfunc_end0:
.L_simem_size_0:
called_computation.1_lowered:
.L_overlay_start_0:
0x88: {  	s2 =	sld [smem:$0x3FD9]  }
0x89: {  	s3 =	sld [smem:$0x3FFE];
	_ =	sdelay $0x1  }
0x8a: {  	s1 =	srdreg.scid  }
0x8b: {  	s0 =	sand.u32 $0x1, s1  }
0x8c: {  	s17 =	sshll.u32 s0, $0xA;
	s2 =	sadd.s32 s3, s2  }
0x8d: {  	s2 =	sadd.s32 s2, s17  }
0x8e: {  	[smem:$0x3FC2] =	sst s2  }
0x8f: {  	_ = 	snop  }
0x90: {  	s2 =	sld [smem:$0x3FD0];
	(tm) =	ssettm $0x1  }
0x91: {  	s18 =	sld [smem:$0x3FFB];
	_ =	sdelay $0x3  }
0x92: {  	_ =	strace s18  }
0x93: {  	s3 =	sld [smem:$0x3FFC];
	_ =	sdelay $0x3  }
0x94: {  	_ =	strace s3  }
0x95: {  	s3 =	sld [smem:$0x3FFD];
	_ =	sdelay $0x3  }
0x96: {  	_ =	strace s3  }
0x97: {  	_ =	strace $0x8FFFFFFF  }
0x98: {  	s19 =	sld [smem:$0x3FDB];
	_ =	sdelay $0x1  }
0x99: {  	s4 =	simm.s32 $_scs_section_size  }
0x9a: {  	s5 =	simm.s32 $_size__tile_overlayer_lowered;
	s6 =	simm.s32 $_tile_overlayer_lowered  }
0x9b: {  	s22 =	simm.s32 $0x1BFF;
	s21 =	sshll.u32 s6, $0x1;
	s3 =	sadd.s32 s4, s19  }
0x9c: {  	s7 =	simm.s32 $0x0;
	s20 =	sshll.u32 s5, $0x1;
	s5 =	sadd.s32 s21, s3  }
0x9d: {  	[timem:s7], [sflag:s22] =	dma.local [hbm:s5], s20  }
0x9e: {  	_ =	swait.ge [sflag:s22], s20  }
0x9f: {  	s4 =	ssub.s32 $0x0, s20;
	[sflag:s22] =	ssyncset.done $0x0  }
0xa0: {  	[sflag:s22] =	ssyncadd.s32 s4;
	_ =	sdelay $0x1  }
0xa1: {  	s23 =	simm.s32 $0x1B8B  }
0xa2: {  	_ =	swait.ge [sflag:s23], $0x1  }
0xa3: {  	[sflag:s23] =	ssyncset.done $0x0  }
0xa4: {  	s25 =	simm.s32 $0x1B8E;
	s24 =	sld [smem:$0x3FFE];
	[sflag:s23] =	ssyncadd.s32 $0xFFFFFFFF  }
0xa5: {  	s26 =	simm.s32 $execute0_lowered;
	[smem:$0x3FD2] =	sst s25  }
0xa6: {  	s5 =	sshll.u32 s26, $0x1;
	_ =	strace $0x80000049;
	[dreg:$0x1] =	wrdreg $0xFFFFFFFF  }
0xa7: {  	s28 =	simm.s32 $_size_execute0_lowered;
	s3 =	sadd.s32 s3, s5;
	[dreg:$0x0] =	wrdreg $0x0  }
0xa8: {  	s5 =	sshll.u32 s28, $0x1;
	[dreg:$0x2] =	wrdreg s3  }
0xa9: {  	[dreg:$0x3] =	wrdreg s5  }
0xaa: {  	[dreg:$0x4] =	wrdreg $0xC0  }
0xab: {  	_ =	task [dreg:s7], $0x5FFFF  }
0xac: {  	[dreg:$0x1] =	wrdreg $0xFFFFFFFF  }
0xad: {  	[dreg:$0x0] =	wrdreg $0x60  }
0xae: {  	[dreg:$0x2] =	wrdreg s24  }
0xaf: {  	[dreg:$0x3] =	wrdreg s2  }
0xb0: {  	[dreg:$0x4] =	wrdreg $0xC3000  }
0xb1: {  	[dreg:$0x5] =	wrdreg $0x9  }
0xb2: {  	_ =	task.clear_ibuf [dreg:s7], $0x6FFFF;
	_ =	strace $0x90000049  }
0xb3: {  	s29 =	simm.s32 $0x9;
	_ =	strace $0x8000004B  }
0xb4: {  	_ =	swait.ge [sflag:s29], $0x1  }
0xb5: {  	[sflag:s29] =	ssyncadd.s32 $0xFFFFFFFF  }
0xb6: {  	_ =	strace $0x9000004B  }
0xb7: {  	_ =	sfence  }
0xb8: {  	s30 =	sld [smem:$0x0];
	_ =	sdelay $0x2  }
0xb9: {  	s31 =	sshll.u32 s1, $0xD;
	s1 =	sshrl.u32 s1, $0x2  }
0xba: {  	s3 =	sand.u32 $0x4000, s31;
	s1 =	sadd.s32 s1, s30  }
0xbb: {  	s0 =	sor.u32 s3, s0;
	s1 =	sshll.u32 s1, $0x11  }
0xbc: {  	s0 =	sor.u32 s1, s0  }
0xbd: {  	s0 =	sadd.s32 $0x8F2B, s0  }
0xbe: {  	[sflag:s0] =	ssyncadd.remote.s32 $0x1  }
0xbf: {  	_ =	sfence.sel $0xFFFF  }
0xc0: {  	[dreg:$0x0] =	wrdreg $0xFFFFFFFF;
	(pc) =	sbr.abs _section_cstart, $3  }
0xc1: {  	[dreg:$0x1] =	wrdreg $0xFFFFFFFF  }
0xc2: {  	_ =	task.clear_ibuf [dreg:s7], $0x2FFFF;
	_ =	strace $0x9FFFFFFF  }
0xc3: {  	(tm) =	ssettm $0x7FFFFFFF  }
tec
execute0_lowered:
.L_overlay_start_1:
0x0: {  	(tag) =	ssettag $0x1  }
0x1: {  	s0 =	rddreg [dreg:$0x0]  }
0x2: {  	s1 =	rddreg [dreg:$0x1]  }
0x3: {  	s2 =	rddreg [dreg:$0x2];
	s12 =	stileid.u32  }
0x4: {  	s3 =	srdreg.scid;
	s28 =	simm.s32 $0x4300;
	s7 =	smul.u32 $0x13C00, s12  }
0x5: {  	s29 =	simm.s32 $0x8300;
	s30 =	simm.s32 $0xA;
	s11 =	smul.u32 $0x4F000, s12  }
0x6: {  	s31 =	simm.s32 $0x4;
	s6 =	sand.u32 $0x1, s3;
	s21 =	smul.u32 $0x50, s12  }
0x7: {  	s3 =	simm.s32 $0x0;
	s4 =	smul.u32 $0x13C000, s6;
	s5 =	sshll.u32 s6, $0x4  }
0x8: {  	[smem:$0x7FF] =	sst s3;
	s10 =	ssub.s32 $0x2, s6;
	s6 =	smul.u32 $0x500, s6  }
0x9: {  	s9 =	sor.u32 s12, s5;
	_ =	strace $0x8000004A;
	s25 =	sshrl.u32 s10, $0x1  }
0xa: {  	s26 =	sshrl.u32 s11, $0x2;
	s11 =	simm.s32 $0x8;
	s12 =	simm.s32 $0x9  }
0xb: {  	s4 =	sadd.s32 s7, s4;
	s5 =	smul.u32 $0xA00, s9;
	s10 =	ssub.s32 s10, s25  }
0xc: {  	s15 =	sadd.s32 s26, s2;
	s17 =	smul.u32 $0x5000, s9;
	s6 =	sadd.s32 s21, s6  }
0xd: {  	s21 =	simm.s32 $0x100;
	s9 =	simm.s32 $0x280;
	s8 =	sshrl.u32 s4, $0x3  }
0xe: {  	s4 =	sadd.s32 $0x2E00, s0;
	s16 =	sadd.s32 $0x4000, s15;
	s18 =	sadd.s32 $0x8000, s15  }
0xf: {  	s19 =	sadd.s32 $0xC000, s15;
	s20 =	sadd.s32 $0x10000, s15;
	[dreg:$0x6] =	wrdreg s16  }
0x10: {  	s26 =	sshll.u32 s6, $0x5;
	s6 =	simm.s32 $0x3;
	[dreg:$0x7] =	wrdreg s18  }
0x11: {  	s0 =	sadd.s32 s8, s0;
	s5 =	sadd.s32 s1, s5;
	[dreg:$0x8] =	wrdreg s19  }
0x12: {  	s8 =	sadd.s32 s7, s2;
	[dreg:$0x9] =	wrdreg s20;
	s7 =	sshrl.u32 s17, $0x3  }
0x13: {  	s19 =	smax.u32 s10, $0x1;
	s20 =	sadd.s32 s26, s1;
	s13 =	sadd.s32 $0x20, s5  }
0x14: {  	s26 =	simm.s32 $0x2;
	s14 =	sadd.s32 $0x40, s5;
	[dreg:$0x4] =	wrdreg s13  }
0x15: {  	s10 =	simm.s32 $0x7;
	s22 =	sadd.s32 $0x60, s5;
	[dreg:$0x5] =	wrdreg s14  }
0x16: {  	s23 =	sadd.s32 $0x80, s5;
	s7 =	sadd.s32 s1, s7;
	[dreg:$0xa] =	wrdreg s22  }
0x17: {  	s24 =	sadd.s32 $0xA0, s5;
	s18 =	sadd.s32 $0x2A600, s0;
	[dreg:$0xb] =	wrdreg s23  }
0x18: {  	s0 =	simm.s32 $0x5;
	s1 =	simm.s32 $0x180;
	[dreg:$0xc] =	wrdreg s24  }
0x19: {  	s25 =	sadd.s32 $0x9C0, s7;
	s17 =	sadd.s32 $0x9E0, s7;
	s22 =	simm.s32 $0x200  }
0x1a: {  	s23 =	simm.s32 $0x1;
	s24 =	simm.s32 $0x80;
	s7 =	simm.s32 $0x6  }
0x1b: {  	v0 =	vimm.f32 $0.0e+00;
	s13 =	simm.s32 $0x0;
	[dreg:$0xd] =	wrdreg s25;
	s25 =	simm.s32 $0x300  }
.LBB2_1:
0x1c: {  	[tilespmem:s3], [sflag:$0x1] =	stream.linear.gather [hbm4b:s5+s3], $0x100, $0x38;
	[tilespmem:$0x1FF00] =	vst v63  }
0x1d: {  	s14 =	rddreg [dreg:$0x4]  }
0x1e: {  	[tilespmem:s21], [sflag:$0x2] =	stream.linear.gather [hbm4b:s14+s3], $0x100, $0x38;
	[tilespmem:$0x1FF00] =	vst v63  }
0x1f: {  	s16 =	rddreg [dreg:$0x5];
	s15 =	simm.s32 $0x200;
	s14 =	simm.s32 $0x0  }
0x20: {  	[tilespmem:s22], [sflag:$0x3] =	stream.linear.gather [hbm4b:s16+s3], $0x100, $0x38;
	[tilespmem:$0x1FF00] =	vst v63  }
.LBB2_2:
0x21: {  	p0 =	sne.s32 s15, $0xFE00;
	[tilespmem:s14+$0x8370] =	vst v0  }
0x22: {  	[tilespmem:s14+$0x8300] =	vst v0  }
0x23: {  	[tilespmem:s14+$0x8310] =	vst v0  }
.Ltmp0:
0x24: {  	[tilespmem:s14+$0x8320] =	vst v0;
	(pc) =	sbr.rel @p0 .LBB2_2-.Ltmp0, $4  }
0x25: {  	[tilespmem:s14+$0x8330] =	vst v0  }
0x26: {  	[tilespmem:s14+$0x8340] =	vst v0  }
0x27: {  	[tilespmem:s14+$0x8350] =	vst v0  }
0x28: {  	[tilespmem:s14+$0x8360] =	vst v0;
	s14 =	sshra.s32 s15, $0x2;
	s15 =	sadd.s32 $0x200, s15  }
0x29: {  	[tilespmem:s14+$0x8370] =	vst v0  }
0x2a: {  	[tilespmem:s14+$0x8300] =	vst v0  }
0x2b: {  	[tilespmem:s14+$0x8310] =	vst v0  }
0x2c: {  	[tilespmem:s14+$0x8320] =	vst v0  }
0x2d: {  	[tilespmem:s14+$0x8330] =	vst v0  }
0x2e: {  	[tilespmem:s14+$0x8340] =	vst v0  }
0x2f: {  	[tilespmem:s14+$0x8350] =	vst v0  }
0x30: {  	[tilespmem:s14+$0x8360] =	vst v0  }
0x31: {  	_ =	swait.ge [sflag:s23], $0x100  }
0x32: {  	[sflag:s23] =	ssyncset.done $0x0  }
0x33: {  	[sflag:s23] =	ssyncadd.s32 $0xFFFFFF00  }
0x34: {  	[tilespmem:s25], [sflag:$0x4] =	stream.indirect.gather [hbm4b:s4+s24], $0x80, s3, s24, $0xb8;
	[tilespmem:$0x1FF00] =	vst v63  }
0x35: {  	_ =	swait.ge [sflag:s26], $0x100  }
0x36: {  	[sflag:s26] =	ssyncset.done $0x0  }
0x37: {  	[sflag:s26] =	ssyncadd.s32 $0xFFFFFF00  }
0x38: {  	[tilespmem:s28], [sflag:$0x5] =	stream.indirect.gather [hbm4b:s4+s24], $0x80, s21, s24, $0xb8;
	[tilespmem:$0x1FF00] =	vst v63  }
0x39: {  	_ = 	snop  }
0x3a: {  	[spmem:s8] =	stream.linear.scatter [tilespmem:s29], [sflag:$0xA], $0x4000, $0x38;
	[tilespmem:$0x1FF00] =	vst v63  }
0x3b: {  	_ =	swait.ge [sflag:s30], $0x4000  }
0x3c: {  	[sflag:s30] =	ssyncset.done $0x0  }
0x3d: {  	s15 =	rddreg [dreg:$0x6];
	[sflag:s30] =	ssyncadd.s32 $0xFFFFC000  }
0x3e: {  	[spmem:s15] =	stream.linear.scatter [tilespmem:s29], [sflag:$0xA], $0x4000, $0x38;
	[tilespmem:$0x1FF00] =	vst v63  }
0x3f: {  	_ =	swait.ge [sflag:s30], $0x4000  }
0x40: {  	[sflag:s30] =	ssyncset.done $0x0  }
0x41: {  	s16 =	rddreg [dreg:$0x7];
	[sflag:s30] =	ssyncadd.s32 $0xFFFFC000  }
0x42: {  	[spmem:s16] =	stream.linear.scatter [tilespmem:s29], [sflag:$0xA], $0x4000, $0x38;
	[tilespmem:$0x1FF00] =	vst v63  }
0x43: {  	_ =	swait.ge [sflag:s30], $0x4000  }
0x44: {  	[sflag:s30] =	ssyncset.done $0x0  }
0x45: {  	s15 =	rddreg [dreg:$0x8];
	[sflag:s30] =	ssyncadd.s32 $0xFFFFC000  }
0x46: {  	[spmem:s15] =	stream.linear.scatter [tilespmem:s29], [sflag:$0xA], $0x4000, $0x38;
	[tilespmem:$0x1FF00] =	vst v63  }
0x47: {  	_ =	swait.ge [sflag:s30], $0x4000  }
0x48: {  	[sflag:s30] =	ssyncset.done $0x0  }
0x49: {  	s16 =	rddreg [dreg:$0x9];
	[sflag:s30] =	ssyncadd.s32 $0xFFFFC000  }
0x4a: {  	[spmem:s16] =	stream.linear.scatter [tilespmem:s29], [sflag:$0xA], $0x3C00, $0x38;
	[tilespmem:$0x1FF00] =	vst v63  }
0x4b: {  	_ =	swait.ge [sflag:s30], $0x3C00  }
0x4c: {  	[sflag:s30] =	ssyncset.done $0x0  }
0x4d: {  	[sflag:s30] =	ssyncadd.s32 $0xFFFFC400  }
0x4e: {  	[bflag:$0x0] =	sbarrier.arrive $0xFFFF  }
0x4f: {  	_ =	swait.ge [sflag:s31], $0x4000  }
0x50: {  	[sflag:s31] =	ssyncset.done $0x0  }
0x51: {  	[sflag:s31] =	ssyncadd.s32 $0xFFFFC000  }
0x52: {  	[spmem:s2] =	stream.indirect.scatter.add.f32 [tilespmem:s25], [sflag:$0x7], $0x80, s24, s24, $0xb8;
	[tilespmem:$0x1FF00] =	vst v63  }
0x53: {  	s15 =	rddreg [dreg:$0xa]  }
0x54: {  	[tilespmem:s3], [sflag:$0x1] =	stream.linear.gather [hbm4b:s15+s3], $0x100, $0x38;
	[tilespmem:$0x1FF00] =	vst v63  }
0x55: {  	_ =	swait.ge [sflag:s0], $0x4000  }
0x56: {  	[sflag:s0] =	ssyncset.done $0x0  }
0x57: {  	[sflag:s0] =	ssyncadd.s32 $0xFFFFC000  }
0x58: {  	[spmem:s2] =	stream.indirect.scatter.add.f32 [tilespmem:s28], [sflag:$0x8], $0x80, s1, s24, $0xb8;
	[tilespmem:$0x1FF00] =	vst v63  }
0x59: {  	s16 =	rddreg [dreg:$0xb]  }
0x5a: {  	[tilespmem:s21], [sflag:$0x2] =	stream.linear.gather [hbm4b:s16+s3], $0x100, $0x38;
	[tilespmem:$0x1FF00] =	vst v63  }
0x5b: {  	_ =	swait.ge [sflag:s6], $0x100  }
0x5c: {  	[sflag:s6] =	ssyncset.done $0x0  }
0x5d: {  	[sflag:s6] =	ssyncadd.s32 $0xFFFFFF00  }
0x5e: {  	[tilespmem:s29], [sflag:$0x6] =	stream.indirect.gather [hbm4b:s4+s24], $0x80, s22, s24, $0xb8;
	[tilespmem:$0x1FF00] =	vst v63  }
0x5f: {  	_ =	swait.ge [sflag:s7], $0x4000  }
0x60: {  	[sflag:s7] =	ssyncset.done $0x0  }
0x61: {  	[sflag:s7] =	ssyncadd.s32 $0xFFFFC000  }
0x62: {  	[spmem:s2] =	stream.indirect.scatter.add.f32 [tilespmem:s29], [sflag:$0x9], $0x80, s9, s24, $0xb8;
	[tilespmem:$0x1FF00] =	vst v63  }
0x63: {  	s15 =	rddreg [dreg:$0xc]  }
0x64: {  	[tilespmem:s22], [sflag:$0x3] =	stream.linear.gather [hbm4b:s15+s3], $0x100, $0x38;
	[tilespmem:$0x1FF00] =	vst v63  }
0x65: {  	_ =	swait.ge [sflag:s10], $0x4000  }
0x66: {  	[sflag:s10] =	ssyncset.done $0x0  }
0x67: {  	[sflag:s10] =	ssyncadd.s32 $0xFFFFC000  }
0x68: {  	_ =	swait.ge [sflag:s23], $0x100  }
0x69: {  	[sflag:s23] =	ssyncset.done $0x0  }
0x6a: {  	[sflag:s23] =	ssyncadd.s32 $0xFFFFFF00  }
0x6b: {  	[tilespmem:s25], [sflag:$0x4] =	stream.indirect.gather [hbm4b:s4+s24], $0x80, s3, s24, $0xb8;
	[tilespmem:$0x1FF00] =	vst v63  }
0x6c: {  	_ =	swait.ge [sflag:s31], $0x4000  }
0x6d: {  	[sflag:s31] =	ssyncset.done $0x0  }
0x6e: {  	s15 =	sadd.s32 $0xFFFFF700, s20;
	[sflag:s31] =	ssyncadd.s32 $0xFFFFC000  }
0x6f: {  	[spmem:s2] =	stream.indirect.scatter.add.f32 [tilespmem:s25], [sflag:$0x7], $0x80, s24, s24, $0xb8;
	[tilespmem:$0x1FF00] =	vst v63  }
0x70: {  	s16 =	sadd.s32 $0x9C0, s15  }
0x71: {  	[tilespmem:s3], [sflag:$0x1] =	stream.linear.gather [hbm4b:s16+s3], $0x100, $0x38;
	[tilespmem:$0x1FF00] =	vst v63  }
0x72: {  	_ =	swait.ge [sflag:s11], $0x4000  }
0x73: {  	[sflag:s11] =	ssyncset.done $0x0  }
0x74: {  	[sflag:s11] =	ssyncadd.s32 $0xFFFFC000  }
0x75: {  	_ =	swait.ge [sflag:s26], $0x100  }
0x76: {  	[sflag:s26] =	ssyncset.done $0x0  }
0x77: {  	[sflag:s26] =	ssyncadd.s32 $0xFFFFFF00  }
0x78: {  	[tilespmem:s28], [sflag:$0x5] =	stream.indirect.gather [hbm4b:s4+s24], $0x80, s21, s24, $0xb8;
	[tilespmem:$0x1FF00] =	vst v63  }
0x79: {  	_ =	swait.ge [sflag:s0], $0x4000  }
0x7a: {  	[sflag:s0] =	ssyncset.done $0x0  }
0x7b: {  	[sflag:s0] =	ssyncadd.s32 $0xFFFFC000  }
0x7c: {  	[spmem:s2] =	stream.indirect.scatter.add.f32 [tilespmem:s28], [sflag:$0x8], $0x80, s1, s24, $0xb8;
	[tilespmem:$0x1FF00] =	vst v63  }
0x7d: {  	s16 =	sadd.s32 $0x9E0, s15  }
0x7e: {  	[tilespmem:s21], [sflag:$0x2] =	stream.linear.gather [hbm4b:s16+s3], $0x100, $0x38;
	[tilespmem:$0x1FF00] =	vst v63  }
0x7f: {  	_ =	swait.ge [sflag:s12], $0x4000  }
0x80: {  	[sflag:s12] =	ssyncset.done $0x0  }
0x81: {  	[sflag:s12] =	ssyncadd.s32 $0xFFFFC000  }
0x82: {  	_ =	swait.ge [sflag:s6], $0x100  }
0x83: {  	[sflag:s6] =	ssyncset.done $0x0  }
0x84: {  	[sflag:s6] =	ssyncadd.s32 $0xFFFFFF00  }
0x85: {  	[tilespmem:s29], [sflag:$0x6] =	stream.indirect.gather [hbm4b:s4+s24], $0x80, s22, s24, $0xb8;
	[tilespmem:$0x1FF00] =	vst v63  }
0x86: {  	_ =	swait.ge [sflag:s7], $0x4000  }
0x87: {  	[sflag:s7] =	ssyncset.done $0x0  }
0x88: {  	s14 =	simm.s32 $0xFFFFF760;
	s15 =	sadd.s32 $0xA00, s15;
	[sflag:s7] =	ssyncadd.s32 $0xFFFFC000  }
0x89: {  	[spmem:s2] =	stream.indirect.scatter.add.f32 [tilespmem:s29], [sflag:$0x9], $0x80, s9, s24, $0xb8;
	[tilespmem:$0x1FF00] =	vst v63  }
.LBB2_4:
0x8a: {  	[tilespmem:s22], [sflag:$0x3] =	stream.linear.gather [hbm4b:s15+s3], $0x100, $0x38;
	[tilespmem:$0x1FF00] =	vst v63  }
0x8b: {  	s15 =	smov.u32 s14  }
0x8c: {  	p0 =	sne.s32 s14, $0xFFFFFFA0;
	s14 =	sadd.s32 $0x60, s14;
	_ =	swait.ge [sflag:s10], $0x4000  }
0x8d: {  	[sflag:s10] =	ssyncset.done $0x0  }
0x8e: {  	[sflag:s10] =	ssyncadd.s32 $0xFFFFC000  }
0x8f: {  	_ =	swait.ge [sflag:s23], $0x100  }
0x90: {  	[sflag:s23] =	ssyncset.done $0x0  }
0x91: {  	[sflag:s23] =	ssyncadd.s32 $0xFFFFFF00  }
0x92: {  	[tilespmem:s25], [sflag:$0x4] =	stream.indirect.gather [hbm4b:s4+s24], $0x80, s3, s24, $0xb8;
	[tilespmem:$0x1FF00] =	vst v63  }
0x93: {  	_ =	swait.ge [sflag:s31], $0x4000  }
0x94: {  	[sflag:s31] =	ssyncset.done $0x0  }
0x95: {  	s15 =	sadd.s32 s15, s20;
	[sflag:s31] =	ssyncadd.s32 $0xFFFFC000  }
0x96: {  	[spmem:s2] =	stream.indirect.scatter.add.f32 [tilespmem:s25], [sflag:$0x7], $0x80, s24, s24, $0xb8;
	[tilespmem:$0x1FF00] =	vst v63  }
0x97: {  	s16 =	sadd.s32 $0x9C0, s15  }
0x98: {  	[tilespmem:s3], [sflag:$0x1] =	stream.linear.gather [hbm4b:s16+s3], $0x100, $0x38;
	[tilespmem:$0x1FF00] =	vst v63  }
0x99: {  	_ =	swait.ge [sflag:s11], $0x4000  }
0x9a: {  	[sflag:s11] =	ssyncset.done $0x0  }
0x9b: {  	[sflag:s11] =	ssyncadd.s32 $0xFFFFC000  }
0x9c: {  	_ =	swait.ge [sflag:s26], $0x100  }
0x9d: {  	[sflag:s26] =	ssyncset.done $0x0  }
0x9e: {  	[sflag:s26] =	ssyncadd.s32 $0xFFFFFF00  }
0x9f: {  	[tilespmem:s28], [sflag:$0x5] =	stream.indirect.gather [hbm4b:s4+s24], $0x80, s21, s24, $0xb8;
	[tilespmem:$0x1FF00] =	vst v63  }
0xa0: {  	_ =	swait.ge [sflag:s0], $0x4000  }
0xa1: {  	[sflag:s0] =	ssyncset.done $0x0  }
0xa2: {  	[sflag:s0] =	ssyncadd.s32 $0xFFFFC000  }
0xa3: {  	[spmem:s2] =	stream.indirect.scatter.add.f32 [tilespmem:s28], [sflag:$0x8], $0x80, s1, s24, $0xb8;
	[tilespmem:$0x1FF00] =	vst v63  }
0xa4: {  	s16 =	sadd.s32 $0x9E0, s15  }
0xa5: {  	[tilespmem:s21], [sflag:$0x2] =	stream.linear.gather [hbm4b:s16+s3], $0x100, $0x38;
	[tilespmem:$0x1FF00] =	vst v63  }
0xa6: {  	_ =	swait.ge [sflag:s12], $0x4000  }
0xa7: {  	[sflag:s12] =	ssyncset.done $0x0  }
0xa8: {  	[sflag:s12] =	ssyncadd.s32 $0xFFFFC000  }
0xa9: {  	_ =	swait.ge [sflag:s6], $0x100  }
0xaa: {  	[sflag:s6] =	ssyncset.done $0x0  }
0xab: {  	[sflag:s6] =	ssyncadd.s32 $0xFFFFFF00  }
0xac: {  	[tilespmem:s29], [sflag:$0x6] =	stream.indirect.gather [hbm4b:s4+s24], $0x80, s22, s24, $0xb8;
	[tilespmem:$0x1FF00] =	vst v63  }
.Ltmp1:
0xad: {  	_ =	swait.ge [sflag:s7], $0x4000;
	(pc) =	sbr.rel @p0 .LBB2_4-.Ltmp1, $4  }
0xae: {  	[sflag:s7] =	ssyncset.done $0x0  }
0xaf: {  	[sflag:s7] =	ssyncadd.s32 $0xFFFFC000  }
0xb0: {  	[spmem:s2] =	stream.indirect.scatter.add.f32 [tilespmem:s29], [sflag:$0x9], $0x80, s9, s24, $0xb8;
	[tilespmem:$0x1FF00] =	vst v63  }
0xb1: {  	s15 =	sadd.s32 $0xA00, s15  }
0xb2: {  	[tilespmem:s22], [sflag:$0x3] =	stream.linear.gather [hbm4b:s15+s3], $0x100, $0x38;
	[tilespmem:$0x1FF00] =	vst v63  }
0xb3: {  	_ =	swait.ge [sflag:s10], $0x4000  }
0xb4: {  	[sflag:s10] =	ssyncset.done $0x0  }
0xb5: {  	[sflag:s10] =	ssyncadd.s32 $0xFFFFC000  }
0xb6: {  	_ =	swait.ge [sflag:s23], $0x100  }
0xb7: {  	[sflag:s23] =	ssyncset.done $0x0  }
0xb8: {  	[sflag:s23] =	ssyncadd.s32 $0xFFFFFF00  }
0xb9: {  	[tilespmem:s25], [sflag:$0x4] =	stream.indirect.gather [hbm4b:s4+s24], $0x80, s3, s24, $0xb8;
	[tilespmem:$0x1FF00] =	vst v63  }
0xba: {  	_ =	swait.ge [sflag:s31], $0x4000  }
0xbb: {  	[sflag:s31] =	ssyncset.done $0x0  }
0xbc: {  	[sflag:s31] =	ssyncadd.s32 $0xFFFFC000  }
0xbd: {  	[spmem:s2] =	stream.indirect.scatter.add.f32 [tilespmem:s25], [sflag:$0x7], $0x80, s24, s24, $0xb8;
	[tilespmem:$0x1FF00] =	vst v63  }
0xbe: {  	s14 =	rddreg [dreg:$0xd]  }
0xbf: {  	[tilespmem:s3], [sflag:$0x1] =	stream.linear.gather [hbm4b:s14+s3], $0x100, $0x38;
	[tilespmem:$0x1FF00] =	vst v63  }
0xc0: {  	_ =	swait.ge [sflag:s11], $0x4000  }
0xc1: {  	[sflag:s11] =	ssyncset.done $0x0  }
0xc2: {  	[sflag:s11] =	ssyncadd.s32 $0xFFFFC000  }
0xc3: {  	_ =	swait.ge [sflag:s26], $0x100  }
0xc4: {  	[sflag:s26] =	ssyncset.done $0x0  }
0xc5: {  	[sflag:s26] =	ssyncadd.s32 $0xFFFFFF00  }
0xc6: {  	[tilespmem:s28], [sflag:$0x5] =	stream.indirect.gather [hbm4b:s4+s24], $0x80, s21, s24, $0xb8;
	[tilespmem:$0x1FF00] =	vst v63  }
0xc7: {  	_ =	swait.ge [sflag:s0], $0x4000  }
0xc8: {  	[sflag:s0] =	ssyncset.done $0x0  }
0xc9: {  	[sflag:s0] =	ssyncadd.s32 $0xFFFFC000  }
0xca: {  	[spmem:s2] =	stream.indirect.scatter.add.f32 [tilespmem:s28], [sflag:$0x8], $0x80, s1, s24, $0xb8;
	[tilespmem:$0x1FF00] =	vst v63  }
0xcb: {  	_ = 	snop  }
0xcc: {  	[tilespmem:s21], [sflag:$0x2] =	stream.linear.gather [hbm4b:s17+s3], $0x100, $0x38;
	[tilespmem:$0x1FF00] =	vst v63  }
0xcd: {  	_ =	swait.ge [sflag:s12], $0x4000  }
0xce: {  	[sflag:s12] =	ssyncset.done $0x0  }
0xcf: {  	[sflag:s12] =	ssyncadd.s32 $0xFFFFC000  }
0xd0: {  	_ =	swait.ge [sflag:s6], $0x100  }
0xd1: {  	[sflag:s6] =	ssyncset.done $0x0  }
0xd2: {  	[sflag:s6] =	ssyncadd.s32 $0xFFFFFF00  }
0xd3: {  	[tilespmem:s29], [sflag:$0x6] =	stream.indirect.gather [hbm4b:s4+s24], $0x80, s22, s24, $0xb8;
	[tilespmem:$0x1FF00] =	vst v63  }
0xd4: {  	_ =	swait.ge [sflag:s7], $0x4000  }
0xd5: {  	[sflag:s7] =	ssyncset.done $0x0  }
0xd6: {  	[sflag:s7] =	ssyncadd.s32 $0xFFFFC000  }
0xd7: {  	[spmem:s2] =	stream.indirect.scatter.add.f32 [tilespmem:s29], [sflag:$0x9], $0x80, s9, s24, $0xb8;
	[tilespmem:$0x1FF00] =	vst v63  }
0xd8: {  	_ =	swait.ge [sflag:s10], $0x4000  }
0xd9: {  	[sflag:s10] =	ssyncset.done $0x0  }
0xda: {  	[sflag:s10] =	ssyncadd.s32 $0xFFFFC000  }
0xdb: {  	_ =	swait.ge [sflag:s23], $0x100  }
0xdc: {  	[sflag:s23] =	ssyncset.done $0x0  }
0xdd: {  	[sflag:s23] =	ssyncadd.s32 $0xFFFFFF00  }
0xde: {  	[tilespmem:s25], [sflag:$0x4] =	stream.indirect.gather [hbm4b:s4+s24], $0x80, s3, s24, $0xb8;
	[tilespmem:$0x1FF00] =	vst v63  }
0xdf: {  	_ =	swait.ge [sflag:s31], $0x4000  }
0xe0: {  	[sflag:s31] =	ssyncset.done $0x0  }
0xe1: {  	[sflag:s31] =	ssyncadd.s32 $0xFFFFC000  }
0xe2: {  	[spmem:s2] =	stream.indirect.scatter.add.f32 [tilespmem:s25], [sflag:$0x7], $0x80, s24, s24, $0xb8;
	[tilespmem:$0x1FF00] =	vst v63  }
0xe3: {  	_ =	swait.ge [sflag:s11], $0x4000  }
0xe4: {  	[sflag:s11] =	ssyncset.done $0x0  }
0xe5: {  	[sflag:s11] =	ssyncadd.s32 $0xFFFFC000  }
0xe6: {  	_ =	swait.ge [sflag:s26], $0x100  }
0xe7: {  	[sflag:s26] =	ssyncset.done $0x0  }
0xe8: {  	[sflag:s26] =	ssyncadd.s32 $0xFFFFFF00  }
0xe9: {  	[tilespmem:s28], [sflag:$0x5] =	stream.indirect.gather [hbm4b:s4+s24], $0x80, s21, s24, $0xb8;
	[tilespmem:$0x1FF00] =	vst v63  }
0xea: {  	_ =	swait.ge [sflag:s0], $0x4000  }
0xeb: {  	[sflag:s0] =	ssyncset.done $0x0  }
0xec: {  	[sflag:s0] =	ssyncadd.s32 $0xFFFFC000  }
0xed: {  	[spmem:s2] =	stream.indirect.scatter.add.f32 [tilespmem:s28], [sflag:$0x8], $0x80, s1, s24, $0xb8;
	[tilespmem:$0x1FF00] =	vst v63  }
0xee: {  	_ =	swait.ge [sflag:s12], $0x4000  }
0xef: {  	[sflag:s12] =	ssyncset.done $0x0  }
0xf0: {  	[sflag:s12] =	ssyncadd.s32 $0xFFFFC000  }
0xf1: {  	_ =	swait.ge [sflag:s10], $0x4000  }
0xf2: {  	[sflag:s10] =	ssyncset.done $0x0  }
0xf3: {  	[sflag:s10] =	ssyncadd.s32 $0xFFFFC000  }
0xf4: {  	s15 =	stileid.u32;
	_ =	swait.ge [sflag:s11], $0x4000  }
0xf5: {  	s16 =	sshrl.u32 s8, $0x3;
	s13 =	sadd.s32 $0x1, s13;
	[sflag:s11] =	ssyncset.done $0x0  }
0xf6: {  	p0 =	sne.s32 s13, s19;
	s14 =	sshll.u32 s15, $0x6;
	[sflag:s11] =	ssyncadd.s32 $0xFFFFC000  }
.Ltmp2:
0xf7: {  	s14 =	sor.u32 $0x1C0A, s14;
	[bflag:$0x0] =	sbarrier.arrive $0xFFFF;
	(pc) =	sbr.rel @p0 .LBB2_1-.Ltmp2, $4  }
0xf8: {  	[hbm:s18], [sflag:s14] =	dma.local [spmem:s16], $0x2780  }
0xf9: {  	_ =	swait.ge [sflag:s30], $0x2780  }
0xfa: {  	[sflag:s30] =	ssyncset.done $0x0  }
0xfb: {  	[sflag:s30] =	ssyncadd.s32 $0xFFFFD880  }
0xfc: {  	_ =	sfence.sel $0x180000  }
0xfd: {  	[bflag:$0x0] =	sbarrier.arrive $0xFFFF  }
0xfe: {  	_ =	strace $0x9000004A  }
0xff: {  	s0 =	stileid.u32;
	[bflag:$0x2] =	sbarrier.arrive $0xFFFF  }
0x100: {  	p0 =	sne.s32 s0, $0x0;
	s0 =	rddreg [dreg:$0x3]  }
0x101: {  	s0 =	sadd.s32 @!p0 $0x100000, s0  }
0x102: {  	[sflag:s0] =	ssyncadd.tile.s32 @!p0 $0x1;
	_ =	shalt  }
.Lfunc_end2:
_tile_overlayer_lowered:
.L_overlay_start_2:
0x103: {  	(tag) =	ssettag $0x2  }
0x104: {  	s0 =	rddreg [dreg:$0x0];
	s2 =	stileid.u32  }
0x105: {  	s1 =	rddreg [dreg:$0x1];
	p0 =	sne.s32 s2, $0x0  }
0x106: {  	s3 =	rddreg [dreg:$0x2];
	[bflag:$0x3] =	sbarrier.arrive $0xFFFF;
	s2 =	simm.s32 @!p0 $0x1C0A  }
0x107: {  	[timem:s3], [sflag:s2] =	dma.local @!p0 [hbm:s0], s1  }
0x108: {  	s0 =	simm.s32 @!p0 $0xA  }
0x109: {  	_ =	swait.ge @!p0 [sflag:s0], s1  }
0x10a: {  	s1 =	ssub.s32 @!p0 $0x0, s1;
	[sflag:s0] =	ssyncset.done @!p0 $0x0  }
0x10b: {  	[sflag:s0] =	ssyncadd.s32 @!p0 s1  }
0x10c: {  	[bflag:$0x3] =	sbarrier.arrive $0xFFFF  }
0x10d: {  	_ =	shalt  }

// kernel: kernel.14.cloned.1.call-start
scs
__scs_entry_jumppad:
0x0: {  	(pc) =	sbr.rel $0x88, $3  }
0x1: {  	(tag) =	ssettag $0x0;
	lr =	simm.s32 $0x1  }
0x2: {  	[smem:$0x3F9B] =	sst lr;
	_ =	strace $0xD0000000  }
0x3: {  	_ = 	snop  }
0x4: {  	_ = 	snop  }
0x5: {  	_ = 	snop  }
0x6: {  	_ = 	snop  }
0x7: {  	_ = 	snop  }
__scs_overlays_trampoline_lowered:
0x8: {  	[smem:$0x3FAA] =	sst s0  }
0x9: {  	[smem:$0x3FAB] =	sst s1  }
0xa: {  	[smem:$0x3FAC] =	sst s2  }
0xb: {  	[smem:$0x3FAD] =	sst s3  }
0xc: {  	[smem:$0x3FAE] =	sst s4  }
0xd: {  	[smem:$0x3FAF] =	sst s5  }
0xe: {  	[smem:$0x3FB0] =	sst s6  }
0xf: {  	[smem:$0x3FB1] =	sst s7  }
0x10: {  	[smem:$0x3FB2] =	sst s8  }
0x11: {  	[smem:$0x3FB3] =	sst s9;
	s0 =	simm.s32 @!p0 $0x0  }
0x12: {  	s1 =	sld [smem:$0x3F99];
	s0 =	simm.s32 @p0 $0x1  }
0x13: {  	[smem:$0x3FB4] =	sst s0;
	s0 =	simm.s32 @!p1 $0x0  }
0x14: {  	s2 =	sld [smem:$0x3F98];
	s0 =	simm.s32 @p1 $0x1  }
0x15: {  	[smem:$0x3FB5] =	sst s0;
	s0 =	simm.s32 @!p2 $0x0  }
0x16: {  	s3 =	sld [smem:$0x3FDB];
	s0 =	simm.s32 @p2 $0x1  }
0x17: {  	s4 =	simm.s32 $0x1BF5;
	[smem:$0x3FB7] =	sst s0  }
0x18: {  	s0 =	sld [smem:$0x3F9A];
	_ =	swait.ge [sflag:s4], $0x0  }
0x19: {  	s7 =	sld [smem:$0x3F9B]  }
0x1a: {  	s8 =	sadd.s32 $0xFFFFE003, lr  }
0x1b: {  	s9 =	sadd.s32 $0xFFFFFEF7, lr;
	s5 =	simm.s32 $0xFFFFFFFF;
	p2 =	slt.u32 s8, $0xFFFFF086  }
0x1c: {  	p1 =	slt.u32 s9, $0xF7A;
	s5 =	simm.s32 @!p2 $0x0  }
0x1d: {  	s5 =	simm.s32 @p1 $0x1;
	p0 =	seq.s32 s7, s2  }
0x1e: {  	s7 =	smul.u32 @!p0 $0xF7A, s2;
	p2 =	seq.s32 @!p0 s5, $0x0  }
0x1f: {  	s9 =	smul.u32 $0xF7A, s1;
	s8 =	simm.s32 @!p0 $0x1BF5;
	p2 =	por !p2, p0  }
0x20: {  	[sflag:s8] =	ssyncset.s32 @!p0 $0xFFFFF086;
	s6 =	sadd.s32 @!p0 s3, s7;
	s7 =	simm.s32 @!p0 $0x108  }
0x21: {  	s3 =	sadd.s32 s3, s9;
	s6 =	sadd.s32 @!p0 $0x88, s6;
	s7 =	simm.s32 @p2 $0x1082  }
0x22: {  	[simem:s7], [sflag:s8] =	dma.local @!p0 [hbm:s6], $0xF7A  }
0x23: {  	s9 =	sor.u32 $0xD0000000, s2;
	s6 =	simm.s32 $0x108;
	_ =	swait.ge @!p0 [sflag:s8], $0x0  }
0x24: {  	s3 =	sadd.s32 $0x88, s3;
	s6 =	simm.s32 @!p1 $0x1082;
	[sflag:s4] =	ssyncset.s32 $0xFFFFF086  }
0x25: {  	[simem:s6], [sflag:s4] =	dma.local [hbm:s3], $0xF7A  }
0x26: {  	[smem:$0x3F9B] =	sst s1;
	(tag) =	ssettag s2;
	_ =	strace s9  }
0x27: {  	s1 =	sld [smem:$0x3FAB]  }
0x28: {  	s2 =	sld [smem:$0x3FAC]  }
0x29: {  	s4 =	sld [smem:$0x3FAE]  }
0x2a: {  	p0 =	seq.s32 s5, $0x0;
	s5 =	sld [smem:$0x3FAF]  }
0x2b: {  	s6 =	sld [smem:$0x3FB0]  }
0x2c: {  	s7 =	sld [smem:$0x3FB1]  }
0x2d: {  	s3 =	simm.s32 $0x108;
	s8 =	sld [smem:$0x3FB2]  }
0x2e: {  	s3 =	simm.s32 @!p0 $0x1082;
	s9 =	sld [smem:$0x3FB3]  }
0x2f: {  	lr =	sadd.s32 s0, s3;
	s0 =	sld [smem:$0x3FAA]  }
0x30: {  	s3 =	sld [smem:$0x3FAD]  }
0x31: {  	[smem:$0x3FB6] =	sst s10  }
0x32: {  	s10 =	sld [smem:$0x3FB4];
	_ =	sdelay $0x3  }
0x33: {  	p0 =	seq.s32 s10, $0x1;
	s10 =	sld [smem:$0x3FB6];
	_ =	sdelay $0x3  }
0x34: {  	[smem:$0x3FB6] =	sst s10  }
0x35: {  	s10 =	sld [smem:$0x3FB5];
	_ =	sdelay $0x3  }
0x36: {  	p1 =	seq.s32 s10, $0x1;
	s10 =	sld [smem:$0x3FB6];
	_ =	sdelay $0x3  }
0x37: {  	[smem:$0x3FB6] =	sst s10  }
0x38: {  	s10 =	sld [smem:$0x3FB7]  }
0x39: {  	_ = 	snop;
	(pc) =	sbr.ind lr, $3  }
0x3a: {  	_ = 	snop  }
0x3b: {  	_ = 	snop  }
0x3c: {  	p2 =	seq.s32 s10, $0x1;
	s10 =	sld [smem:$0x3FB6]  }
0x3d: {  	_ =	shalt  }
0x3e: {  	_ =	shalt  }
0x3f: {  	_ =	shalt  }
0x40: {  	_ =	shalt  }
0x41: {  	_ =	shalt  }
0x42: {  	_ =	shalt  }
0x43: {  	_ =	shalt  }
0x44: {  	_ =	shalt  }
0x45: {  	_ =	shalt  }
0x46: {  	_ =	shalt  }
0x47: {  	_ =	shalt  }
0x48: {  	_ =	shalt  }
0x49: {  	_ =	shalt  }
0x4a: {  	_ =	shalt  }
0x4b: {  	_ =	shalt  }
0x4c: {  	_ =	shalt  }
0x4d: {  	_ =	shalt  }
0x4e: {  	_ =	shalt  }
0x4f: {  	_ =	shalt  }
0x50: {  	_ =	shalt  }
0x51: {  	_ =	shalt  }
0x52: {  	_ =	shalt  }
0x53: {  	_ =	shalt  }
0x54: {  	_ =	shalt  }
0x55: {  	_ =	shalt  }
0x56: {  	_ =	shalt  }
0x57: {  	_ =	shalt  }
0x58: {  	_ =	shalt  }
0x59: {  	_ =	shalt  }
0x5a: {  	_ =	shalt  }
0x5b: {  	_ =	shalt  }
0x5c: {  	_ =	shalt  }
0x5d: {  	_ =	shalt  }
0x5e: {  	_ =	shalt  }
0x5f: {  	_ =	shalt  }
0x60: {  	_ =	shalt  }
0x61: {  	_ =	shalt  }
0x62: {  	_ =	shalt  }
0x63: {  	_ =	shalt  }
0x64: {  	_ =	shalt  }
0x65: {  	_ =	shalt  }
0x66: {  	_ =	shalt  }
0x67: {  	_ =	shalt  }
0x68: {  	_ =	shalt  }
0x69: {  	_ =	shalt  }
0x6a: {  	_ =	shalt  }
0x6b: {  	_ =	shalt  }
0x6c: {  	_ =	shalt  }
0x6d: {  	_ =	shalt  }
0x6e: {  	_ =	shalt  }
0x6f: {  	_ =	shalt  }
0x70: {  	_ =	shalt  }
0x71: {  	_ =	shalt  }
0x72: {  	_ =	shalt  }
0x73: {  	_ =	shalt  }
0x74: {  	_ =	shalt  }
0x75: {  	_ =	shalt  }
0x76: {  	_ =	shalt  }
0x77: {  	_ =	shalt  }
0x78: {  	_ =	shalt  }
0x79: {  	_ =	shalt  }
0x7a: {  	_ =	shalt  }
0x7b: {  	_ =	shalt  }
0x7c: {  	_ =	shalt  }
0x7d: {  	_ =	shalt  }
0x7e: {  	_ =	shalt  }
0x7f: {  	_ =	shalt  }
0x80: {  	_ =	shalt  }
0x81: {  	_ =	shalt  }
0x82: {  	_ =	shalt  }
0x83: {  	_ =	shalt  }
0x84: {  	_ =	shalt  }
0x85: {  	_ =	shalt  }
0x86: {  	_ =	shalt  }
0x87: {  	_ =	shalt  }
.Lfunc_end0:
.L_simem_size_0:
called_computation.2_lowered:
.L_overlay_start_0:
0x88: {  	s2 =	sld [smem:$0x3FD9]  }
0x89: {  	s3 =	sld [smem:$0x3FFE];
	_ =	sdelay $0x1  }
0x8a: {  	s1 =	srdreg.scid  }
0x8b: {  	s0 =	sand.u32 $0x1, s1  }
0x8c: {  	s17 =	sshll.u32 s0, $0xA;
	s2 =	sadd.s32 s3, s2  }
0x8d: {  	s2 =	sadd.s32 s2, s17  }
0x8e: {  	[smem:$0x3FC2] =	sst s2  }
0x8f: {  	_ = 	snop  }
0x90: {  	s2 =	sld [smem:$0x3FD0];
	(tm) =	ssettm $0x1  }
0x91: {  	s18 =	sld [smem:$0x3FFB];
	_ =	sdelay $0x3  }
0x92: {  	_ =	strace s18  }
0x93: {  	s3 =	sld [smem:$0x3FFC];
	_ =	sdelay $0x3  }
0x94: {  	_ =	strace s3  }
0x95: {  	s3 =	sld [smem:$0x3FFD];
	_ =	sdelay $0x3  }
0x96: {  	_ =	strace s3  }
0x97: {  	_ =	strace $0x8FFFFFFF  }
0x98: {  	s19 =	sld [smem:$0x3FDB];
	_ =	sdelay $0x1  }
0x99: {  	s4 =	simm.s32 $_scs_section_size  }
0x9a: {  	s5 =	simm.s32 $_size__tile_overlayer_lowered;
	s6 =	simm.s32 $_tile_overlayer_lowered  }
0x9b: {  	s22 =	simm.s32 $0x1BFF;
	s21 =	sshll.u32 s6, $0x1;
	s3 =	sadd.s32 s4, s19  }
0x9c: {  	s7 =	simm.s32 $0x0;
	s20 =	sshll.u32 s5, $0x1;
	s5 =	sadd.s32 s21, s3  }
0x9d: {  	[timem:s7], [sflag:s22] =	dma.local [hbm:s5], s20  }
0x9e: {  	_ =	swait.ge [sflag:s22], s20  }
0x9f: {  	s4 =	ssub.s32 $0x0, s20;
	[sflag:s22] =	ssyncset.done $0x0  }
0xa0: {  	[sflag:s22] =	ssyncadd.s32 s4;
	_ =	sdelay $0x1  }
0xa1: {  	s23 =	simm.s32 $0x1B8B  }
0xa2: {  	_ =	swait.ge [sflag:s23], $0x1  }
0xa3: {  	[sflag:s23] =	ssyncset.done $0x0  }
0xa4: {  	s25 =	simm.s32 $0x1B8E;
	s24 =	sld [smem:$0x3FFE];
	[sflag:s23] =	ssyncadd.s32 $0xFFFFFFFF  }
0xa5: {  	s26 =	simm.s32 $execute0_lowered;
	[smem:$0x3FD2] =	sst s25  }
0xa6: {  	s5 =	sshll.u32 s26, $0x1;
	_ =	strace $0x8000004C;
	[dreg:$0x1] =	wrdreg $0xFFFFFFFF  }
0xa7: {  	s28 =	simm.s32 $_size_execute0_lowered;
	s3 =	sadd.s32 s3, s5;
	[dreg:$0x0] =	wrdreg $0x0  }
0xa8: {  	s5 =	sshll.u32 s28, $0x1;
	[dreg:$0x2] =	wrdreg s3  }
0xa9: {  	[dreg:$0x3] =	wrdreg s5  }
0xaa: {  	[dreg:$0x4] =	wrdreg $0xC0  }
0xab: {  	_ =	task [dreg:s7], $0x5FFFF  }
0xac: {  	[dreg:$0x1] =	wrdreg $0xFFFFFFFF  }
0xad: {  	[dreg:$0x0] =	wrdreg $0x60  }
0xae: {  	[dreg:$0x2] =	wrdreg s24  }
0xaf: {  	[dreg:$0x3] =	wrdreg s2  }
0xb0: {  	[dreg:$0x4] =	wrdreg $0xC3000  }
0xb1: {  	[dreg:$0x5] =	wrdreg $0x9  }
0xb2: {  	_ =	task.clear_ibuf [dreg:s7], $0x6FFFF;
	_ =	strace $0x9000004C  }
0xb3: {  	s29 =	simm.s32 $0x9;
	_ =	strace $0x8000004E  }
0xb4: {  	_ =	swait.ge [sflag:s29], $0x1  }
0xb5: {  	[sflag:s29] =	ssyncadd.s32 $0xFFFFFFFF  }
0xb6: {  	_ =	strace $0x9000004E  }
0xb7: {  	_ =	sfence  }
0xb8: {  	s30 =	sld [smem:$0x0];
	_ =	sdelay $0x2  }
0xb9: {  	s31 =	sshll.u32 s1, $0xD;
	s1 =	sshrl.u32 s1, $0x2  }
0xba: {  	s3 =	sand.u32 $0x4000, s31;
	s1 =	sadd.s32 s1, s30  }
0xbb: {  	s0 =	sor.u32 s3, s0;
	s1 =	sshll.u32 s1, $0x11  }
0xbc: {  	s0 =	sor.u32 s1, s0  }
0xbd: {  	s0 =	sadd.s32 $0x8F2B, s0  }
0xbe: {  	[sflag:s0] =	ssyncadd.remote.s32 $0x1  }
0xbf: {  	_ =	sfence.sel $0xFFFF  }
0xc0: {  	[dreg:$0x0] =	wrdreg $0xFFFFFFFF;
	(pc) =	sbr.abs _section_cstart, $3  }
0xc1: {  	[dreg:$0x1] =	wrdreg $0xFFFFFFFF  }
0xc2: {  	_ =	task.clear_ibuf [dreg:s7], $0x2FFFF;
	_ =	strace $0x9FFFFFFF  }
0xc3: {  	(tm) =	ssettm $0x7FFFFFFF  }
tec
execute0_lowered:
.L_overlay_start_1:
0x0: {  	(tag) =	ssettag $0x1  }
0x1: {  	s0 =	rddreg [dreg:$0x0]  }
0x2: {  	s1 =	rddreg [dreg:$0x1]  }
0x3: {  	s2 =	rddreg [dreg:$0x2];
	s12 =	stileid.u32  }
0x4: {  	s3 =	srdreg.scid;
	s28 =	simm.s32 $0x4300;
	s7 =	smul.u32 $0x13C00, s12  }
0x5: {  	s29 =	simm.s32 $0x8300;
	s30 =	simm.s32 $0xA;
	s11 =	smul.u32 $0x4F000, s12  }
0x6: {  	s31 =	simm.s32 $0x4;
	s6 =	sand.u32 $0x1, s3;
	s21 =	smul.u32 $0x50, s12  }
0x7: {  	s3 =	simm.s32 $0x0;
	s4 =	smul.u32 $0x13C000, s6;
	s5 =	sshll.u32 s6, $0x4  }
0x8: {  	[smem:$0x7FF] =	sst s3;
	s10 =	ssub.s32 $0x2, s6;
	s6 =	smul.u32 $0x500, s6  }
0x9: {  	s9 =	sor.u32 s12, s5;
	_ =	strace $0x8000004D;
	s25 =	sshrl.u32 s10, $0x1  }
0xa: {  	s26 =	sshrl.u32 s11, $0x2;
	s11 =	simm.s32 $0x8;
	s12 =	simm.s32 $0x9  }
0xb: {  	s4 =	sadd.s32 s7, s4;
	s5 =	smul.u32 $0xA00, s9;
	s10 =	ssub.s32 s10, s25  }
0xc: {  	s15 =	sadd.s32 s26, s2;
	s17 =	smul.u32 $0x5000, s9;
	s6 =	sadd.s32 s21, s6  }
0xd: {  	s21 =	simm.s32 $0x100;
	s9 =	simm.s32 $0x280;
	s8 =	sshrl.u32 s4, $0x3  }
0xe: {  	s4 =	sadd.s32 $0x2E00, s0;
	s16 =	sadd.s32 $0x4000, s15;
	s18 =	sadd.s32 $0x8000, s15  }
0xf: {  	s19 =	sadd.s32 $0xC000, s15;
	s20 =	sadd.s32 $0x10000, s15;
	[dreg:$0x6] =	wrdreg s16  }
0x10: {  	s26 =	sshll.u32 s6, $0x5;
	s6 =	simm.s32 $0x3;
	[dreg:$0x7] =	wrdreg s18  }
0x11: {  	s0 =	sadd.s32 s8, s0;
	s5 =	sadd.s32 s1, s5;
	[dreg:$0x8] =	wrdreg s19  }
0x12: {  	s8 =	sadd.s32 s7, s2;
	[dreg:$0x9] =	wrdreg s20;
	s7 =	sshrl.u32 s17, $0x3  }
0x13: {  	s19 =	smax.u32 s10, $0x1;
	s20 =	sadd.s32 s26, s1;
	s13 =	sadd.s32 $0x20, s5  }
0x14: {  	s26 =	simm.s32 $0x2;
	s14 =	sadd.s32 $0x40, s5;
	[dreg:$0x4] =	wrdreg s13  }
0x15: {  	s10 =	simm.s32 $0x7;
	s22 =	sadd.s32 $0x60, s5;
	[dreg:$0x5] =	wrdreg s14  }
0x16: {  	s23 =	sadd.s32 $0x80, s5;
	s7 =	sadd.s32 s1, s7;
	[dreg:$0xa] =	wrdreg s22  }
0x17: {  	s24 =	sadd.s32 $0xA0, s5;
	s18 =	sadd.s32 $0x2A600, s0;
	[dreg:$0xb] =	wrdreg s23  }
0x18: {  	s0 =	simm.s32 $0x5;
	s1 =	simm.s32 $0x180;
	[dreg:$0xc] =	wrdreg s24  }
0x19: {  	s25 =	sadd.s32 $0x9C0, s7;
	s17 =	sadd.s32 $0x9E0, s7;
	s22 =	simm.s32 $0x200  }
0x1a: {  	s23 =	simm.s32 $0x1;
	s24 =	simm.s32 $0x80;
	s7 =	simm.s32 $0x6  }
0x1b: {  	v0 =	vimm.f32 $0.0e+00;
	s13 =	simm.s32 $0x0;
	[dreg:$0xd] =	wrdreg s25;
	s25 =	simm.s32 $0x300  }
.LBB2_1:
0x1c: {  	[tilespmem:s3], [sflag:$0x1] =	stream.linear.gather [hbm4b:s5+s3], $0x100, $0x38;
	[tilespmem:$0x1FF00] =	vst v63  }
0x1d: {  	s14 =	rddreg [dreg:$0x4]  }
0x1e: {  	[tilespmem:s21], [sflag:$0x2] =	stream.linear.gather [hbm4b:s14+s3], $0x100, $0x38;
	[tilespmem:$0x1FF00] =	vst v63  }
0x1f: {  	s16 =	rddreg [dreg:$0x5];
	s15 =	simm.s32 $0x200;
	s14 =	simm.s32 $0x0  }
0x20: {  	[tilespmem:s22], [sflag:$0x3] =	stream.linear.gather [hbm4b:s16+s3], $0x100, $0x38;
	[tilespmem:$0x1FF00] =	vst v63  }
.LBB2_2:
0x21: {  	p0 =	sne.s32 s15, $0xFE00;
	[tilespmem:s14+$0x8370] =	vst v0  }
0x22: {  	[tilespmem:s14+$0x8300] =	vst v0  }
0x23: {  	[tilespmem:s14+$0x8310] =	vst v0  }
.Ltmp0:
0x24: {  	[tilespmem:s14+$0x8320] =	vst v0;
	(pc) =	sbr.rel @p0 .LBB2_2-.Ltmp0, $4  }
0x25: {  	[tilespmem:s14+$0x8330] =	vst v0  }
0x26: {  	[tilespmem:s14+$0x8340] =	vst v0  }
0x27: {  	[tilespmem:s14+$0x8350] =	vst v0  }
0x28: {  	[tilespmem:s14+$0x8360] =	vst v0;
	s14 =	sshra.s32 s15, $0x2;
	s15 =	sadd.s32 $0x200, s15  }
0x29: {  	[tilespmem:s14+$0x8370] =	vst v0  }
0x2a: {  	[tilespmem:s14+$0x8300] =	vst v0  }
0x2b: {  	[tilespmem:s14+$0x8310] =	vst v0  }
0x2c: {  	[tilespmem:s14+$0x8320] =	vst v0  }
0x2d: {  	[tilespmem:s14+$0x8330] =	vst v0  }
0x2e: {  	[tilespmem:s14+$0x8340] =	vst v0  }
0x2f: {  	[tilespmem:s14+$0x8350] =	vst v0  }
0x30: {  	[tilespmem:s14+$0x8360] =	vst v0  }
0x31: {  	_ =	swait.ge [sflag:s23], $0x100  }
0x32: {  	[sflag:s23] =	ssyncset.done $0x0  }
0x33: {  	[sflag:s23] =	ssyncadd.s32 $0xFFFFFF00  }
0x34: {  	[tilespmem:s25], [sflag:$0x4] =	stream.indirect.gather [hbm4b:s4+s24], $0x80, s3, s24, $0xb8;
	[tilespmem:$0x1FF00] =	vst v63  }
0x35: {  	_ =	swait.ge [sflag:s26], $0x100  }
0x36: {  	[sflag:s26] =	ssyncset.done $0x0  }
0x37: {  	[sflag:s26] =	ssyncadd.s32 $0xFFFFFF00  }
0x38: {  	[tilespmem:s28], [sflag:$0x5] =	stream.indirect.gather [hbm4b:s4+s24], $0x80, s21, s24, $0xb8;
	[tilespmem:$0x1FF00] =	vst v63  }
0x39: {  	_ = 	snop  }
0x3a: {  	[spmem:s8] =	stream.linear.scatter [tilespmem:s29], [sflag:$0xA], $0x4000, $0x38;
	[tilespmem:$0x1FF00] =	vst v63  }
0x3b: {  	_ =	swait.ge [sflag:s30], $0x4000  }
0x3c: {  	[sflag:s30] =	ssyncset.done $0x0  }
0x3d: {  	s15 =	rddreg [dreg:$0x6];
	[sflag:s30] =	ssyncadd.s32 $0xFFFFC000  }
0x3e: {  	[spmem:s15] =	stream.linear.scatter [tilespmem:s29], [sflag:$0xA], $0x4000, $0x38;
	[tilespmem:$0x1FF00] =	vst v63  }
0x3f: {  	_ =	swait.ge [sflag:s30], $0x4000  }
0x40: {  	[sflag:s30] =	ssyncset.done $0x0  }
0x41: {  	s16 =	rddreg [dreg:$0x7];
	[sflag:s30] =	ssyncadd.s32 $0xFFFFC000  }
0x42: {  	[spmem:s16] =	stream.linear.scatter [tilespmem:s29], [sflag:$0xA], $0x4000, $0x38;
	[tilespmem:$0x1FF00] =	vst v63  }
0x43: {  	_ =	swait.ge [sflag:s30], $0x4000  }
0x44: {  	[sflag:s30] =	ssyncset.done $0x0  }
0x45: {  	s15 =	rddreg [dreg:$0x8];
	[sflag:s30] =	ssyncadd.s32 $0xFFFFC000  }
0x46: {  	[spmem:s15] =	stream.linear.scatter [tilespmem:s29], [sflag:$0xA], $0x4000, $0x38;
	[tilespmem:$0x1FF00] =	vst v63  }
0x47: {  	_ =	swait.ge [sflag:s30], $0x4000  }
0x48: {  	[sflag:s30] =	ssyncset.done $0x0  }
0x49: {  	s16 =	rddreg [dreg:$0x9];
	[sflag:s30] =	ssyncadd.s32 $0xFFFFC000  }
0x4a: {  	[spmem:s16] =	stream.linear.scatter [tilespmem:s29], [sflag:$0xA], $0x3C00, $0x38;
	[tilespmem:$0x1FF00] =	vst v63  }
0x4b: {  	_ =	swait.ge [sflag:s30], $0x3C00  }
0x4c: {  	[sflag:s30] =	ssyncset.done $0x0  }
0x4d: {  	[sflag:s30] =	ssyncadd.s32 $0xFFFFC400  }
0x4e: {  	[bflag:$0x0] =	sbarrier.arrive $0xFFFF  }
0x4f: {  	_ =	swait.ge [sflag:s31], $0x4000  }
0x50: {  	[sflag:s31] =	ssyncset.done $0x0  }
0x51: {  	[sflag:s31] =	ssyncadd.s32 $0xFFFFC000  }
0x52: {  	[spmem:s2] =	stream.indirect.scatter.add.f32 [tilespmem:s25], [sflag:$0x7], $0x80, s24, s24, $0xb8;
	[tilespmem:$0x1FF00] =	vst v63  }
0x53: {  	s15 =	rddreg [dreg:$0xa]  }
0x54: {  	[tilespmem:s3], [sflag:$0x1] =	stream.linear.gather [hbm4b:s15+s3], $0x100, $0x38;
	[tilespmem:$0x1FF00] =	vst v63  }
0x55: {  	_ =	swait.ge [sflag:s0], $0x4000  }
0x56: {  	[sflag:s0] =	ssyncset.done $0x0  }
0x57: {  	[sflag:s0] =	ssyncadd.s32 $0xFFFFC000  }
0x58: {  	[spmem:s2] =	stream.indirect.scatter.add.f32 [tilespmem:s28], [sflag:$0x8], $0x80, s1, s24, $0xb8;
	[tilespmem:$0x1FF00] =	vst v63  }
0x59: {  	s16 =	rddreg [dreg:$0xb]  }
0x5a: {  	[tilespmem:s21], [sflag:$0x2] =	stream.linear.gather [hbm4b:s16+s3], $0x100, $0x38;
	[tilespmem:$0x1FF00] =	vst v63  }
0x5b: {  	_ =	swait.ge [sflag:s6], $0x100  }
0x5c: {  	[sflag:s6] =	ssyncset.done $0x0  }
0x5d: {  	[sflag:s6] =	ssyncadd.s32 $0xFFFFFF00  }
0x5e: {  	[tilespmem:s29], [sflag:$0x6] =	stream.indirect.gather [hbm4b:s4+s24], $0x80, s22, s24, $0xb8;
	[tilespmem:$0x1FF00] =	vst v63  }
0x5f: {  	_ =	swait.ge [sflag:s7], $0x4000  }
0x60: {  	[sflag:s7] =	ssyncset.done $0x0  }
0x61: {  	[sflag:s7] =	ssyncadd.s32 $0xFFFFC000  }
0x62: {  	[spmem:s2] =	stream.indirect.scatter.add.f32 [tilespmem:s29], [sflag:$0x9], $0x80, s9, s24, $0xb8;
	[tilespmem:$0x1FF00] =	vst v63  }
0x63: {  	s15 =	rddreg [dreg:$0xc]  }
0x64: {  	[tilespmem:s22], [sflag:$0x3] =	stream.linear.gather [hbm4b:s15+s3], $0x100, $0x38;
	[tilespmem:$0x1FF00] =	vst v63  }
0x65: {  	_ =	swait.ge [sflag:s10], $0x4000  }
0x66: {  	[sflag:s10] =	ssyncset.done $0x0  }
0x67: {  	[sflag:s10] =	ssyncadd.s32 $0xFFFFC000  }
0x68: {  	_ =	swait.ge [sflag:s23], $0x100  }
0x69: {  	[sflag:s23] =	ssyncset.done $0x0  }
0x6a: {  	[sflag:s23] =	ssyncadd.s32 $0xFFFFFF00  }
0x6b: {  	[tilespmem:s25], [sflag:$0x4] =	stream.indirect.gather [hbm4b:s4+s24], $0x80, s3, s24, $0xb8;
	[tilespmem:$0x1FF00] =	vst v63  }
0x6c: {  	_ =	swait.ge [sflag:s31], $0x4000  }
0x6d: {  	[sflag:s31] =	ssyncset.done $0x0  }
0x6e: {  	s15 =	sadd.s32 $0xFFFFF700, s20;
	[sflag:s31] =	ssyncadd.s32 $0xFFFFC000  }
0x6f: {  	[spmem:s2] =	stream.indirect.scatter.add.f32 [tilespmem:s25], [sflag:$0x7], $0x80, s24, s24, $0xb8;
	[tilespmem:$0x1FF00] =	vst v63  }
0x70: {  	s16 =	sadd.s32 $0x9C0, s15  }
0x71: {  	[tilespmem:s3], [sflag:$0x1] =	stream.linear.gather [hbm4b:s16+s3], $0x100, $0x38;
	[tilespmem:$0x1FF00] =	vst v63  }
0x72: {  	_ =	swait.ge [sflag:s11], $0x4000  }
0x73: {  	[sflag:s11] =	ssyncset.done $0x0  }
0x74: {  	[sflag:s11] =	ssyncadd.s32 $0xFFFFC000  }
0x75: {  	_ =	swait.ge [sflag:s26], $0x100  }
0x76: {  	[sflag:s26] =	ssyncset.done $0x0  }
0x77: {  	[sflag:s26] =	ssyncadd.s32 $0xFFFFFF00  }
0x78: {  	[tilespmem:s28], [sflag:$0x5] =	stream.indirect.gather [hbm4b:s4+s24], $0x80, s21, s24, $0xb8;
	[tilespmem:$0x1FF00] =	vst v63  }
0x79: {  	_ =	swait.ge [sflag:s0], $0x4000  }
0x7a: {  	[sflag:s0] =	ssyncset.done $0x0  }
0x7b: {  	[sflag:s0] =	ssyncadd.s32 $0xFFFFC000  }
0x7c: {  	[spmem:s2] =	stream.indirect.scatter.add.f32 [tilespmem:s28], [sflag:$0x8], $0x80, s1, s24, $0xb8;
	[tilespmem:$0x1FF00] =	vst v63  }
0x7d: {  	s16 =	sadd.s32 $0x9E0, s15  }
0x7e: {  	[tilespmem:s21], [sflag:$0x2] =	stream.linear.gather [hbm4b:s16+s3], $0x100, $0x38;
	[tilespmem:$0x1FF00] =	vst v63  }
0x7f: {  	_ =	swait.ge [sflag:s12], $0x4000  }
0x80: {  	[sflag:s12] =	ssyncset.done $0x0  }
0x81: {  	[sflag:s12] =	ssyncadd.s32 $0xFFFFC000  }
0x82: {  	_ =	swait.ge [sflag:s6], $0x100  }
0x83: {  	[sflag:s6] =	ssyncset.done $0x0  }
0x84: {  	[sflag:s6] =	ssyncadd.s32 $0xFFFFFF00  }
0x85: {  	[tilespmem:s29], [sflag:$0x6] =	stream.indirect.gather [hbm4b:s4+s24], $0x80, s22, s24, $0xb8;
	[tilespmem:$0x1FF00] =	vst v63  }
0x86: {  	_ =	swait.ge [sflag:s7], $0x4000  }
0x87: {  	[sflag:s7] =	ssyncset.done $0x0  }
0x88: {  	s14 =	simm.s32 $0xFFFFF760;
	s15 =	sadd.s32 $0xA00, s15;
	[sflag:s7] =	ssyncadd.s32 $0xFFFFC000  }
0x89: {  	[spmem:s2] =	stream.indirect.scatter.add.f32 [tilespmem:s29], [sflag:$0x9], $0x80, s9, s24, $0xb8;
	[tilespmem:$0x1FF00] =	vst v63  }
.LBB2_4:
0x8a: {  	[tilespmem:s22], [sflag:$0x3] =	stream.linear.gather [hbm4b:s15+s3], $0x100, $0x38;
	[tilespmem:$0x1FF00] =	vst v63  }
0x8b: {  	s15 =	smov.u32 s14  }
0x8c: {  	p0 =	sne.s32 s14, $0xFFFFFFA0;
	s14 =	sadd.s32 $0x60, s14;
	_ =	swait.ge [sflag:s10], $0x4000  }
0x8d: {  	[sflag:s10] =	ssyncset.done $0x0  }
0x8e: {  	[sflag:s10] =	ssyncadd.s32 $0xFFFFC000  }
0x8f: {  	_ =	swait.ge [sflag:s23], $0x100  }
0x90: {  	[sflag:s23] =	ssyncset.done $0x0  }
0x91: {  	[sflag:s23] =	ssyncadd.s32 $0xFFFFFF00  }
0x92: {  	[tilespmem:s25], [sflag:$0x4] =	stream.indirect.gather [hbm4b:s4+s24], $0x80, s3, s24, $0xb8;
	[tilespmem:$0x1FF00] =	vst v63  }
0x93: {  	_ =	swait.ge [sflag:s31], $0x4000  }
0x94: {  	[sflag:s31] =	ssyncset.done $0x0  }
0x95: {  	s15 =	sadd.s32 s15, s20;
	[sflag:s31] =	ssyncadd.s32 $0xFFFFC000  }
0x96: {  	[spmem:s2] =	stream.indirect.scatter.add.f32 [tilespmem:s25], [sflag:$0x7], $0x80, s24, s24, $0xb8;
	[tilespmem:$0x1FF00] =	vst v63  }
0x97: {  	s16 =	sadd.s32 $0x9C0, s15  }
0x98: {  	[tilespmem:s3], [sflag:$0x1] =	stream.linear.gather [hbm4b:s16+s3], $0x100, $0x38;
	[tilespmem:$0x1FF00] =	vst v63  }
0x99: {  	_ =	swait.ge [sflag:s11], $0x4000  }
0x9a: {  	[sflag:s11] =	ssyncset.done $0x0  }
0x9b: {  	[sflag:s11] =	ssyncadd.s32 $0xFFFFC000  }
0x9c: {  	_ =	swait.ge [sflag:s26], $0x100  }
0x9d: {  	[sflag:s26] =	ssyncset.done $0x0  }
0x9e: {  	[sflag:s26] =	ssyncadd.s32 $0xFFFFFF00  }
0x9f: {  	[tilespmem:s28], [sflag:$0x5] =	stream.indirect.gather [hbm4b:s4+s24], $0x80, s21, s24, $0xb8;
	[tilespmem:$0x1FF00] =	vst v63  }
0xa0: {  	_ =	swait.ge [sflag:s0], $0x4000  }
0xa1: {  	[sflag:s0] =	ssyncset.done $0x0  }
0xa2: {  	[sflag:s0] =	ssyncadd.s32 $0xFFFFC000  }
0xa3: {  	[spmem:s2] =	stream.indirect.scatter.add.f32 [tilespmem:s28], [sflag:$0x8], $0x80, s1, s24, $0xb8;
	[tilespmem:$0x1FF00] =	vst v63  }
0xa4: {  	s16 =	sadd.s32 $0x9E0, s15  }
0xa5: {  	[tilespmem:s21], [sflag:$0x2] =	stream.linear.gather [hbm4b:s16+s3], $0x100, $0x38;
	[tilespmem:$0x1FF00] =	vst v63  }
0xa6: {  	_ =	swait.ge [sflag:s12], $0x4000  }
0xa7: {  	[sflag:s12] =	ssyncset.done $0x0  }
0xa8: {  	[sflag:s12] =	ssyncadd.s32 $0xFFFFC000  }
0xa9: {  	_ =	swait.ge [sflag:s6], $0x100  }
0xaa: {  	[sflag:s6] =	ssyncset.done $0x0  }
0xab: {  	[sflag:s6] =	ssyncadd.s32 $0xFFFFFF00  }
0xac: {  	[tilespmem:s29], [sflag:$0x6] =	stream.indirect.gather [hbm4b:s4+s24], $0x80, s22, s24, $0xb8;
	[tilespmem:$0x1FF00] =	vst v63  }
.Ltmp1:
0xad: {  	_ =	swait.ge [sflag:s7], $0x4000;
	(pc) =	sbr.rel @p0 .LBB2_4-.Ltmp1, $4  }
0xae: {  	[sflag:s7] =	ssyncset.done $0x0  }
0xaf: {  	[sflag:s7] =	ssyncadd.s32 $0xFFFFC000  }
0xb0: {  	[spmem:s2] =	stream.indirect.scatter.add.f32 [tilespmem:s29], [sflag:$0x9], $0x80, s9, s24, $0xb8;
	[tilespmem:$0x1FF00] =	vst v63  }
0xb1: {  	s15 =	sadd.s32 $0xA00, s15  }
0xb2: {  	[tilespmem:s22], [sflag:$0x3] =	stream.linear.gather [hbm4b:s15+s3], $0x100, $0x38;
	[tilespmem:$0x1FF00] =	vst v63  }
0xb3: {  	_ =	swait.ge [sflag:s10], $0x4000  }
0xb4: {  	[sflag:s10] =	ssyncset.done $0x0  }
0xb5: {  	[sflag:s10] =	ssyncadd.s32 $0xFFFFC000  }
0xb6: {  	_ =	swait.ge [sflag:s23], $0x100  }
0xb7: {  	[sflag:s23] =	ssyncset.done $0x0  }
0xb8: {  	[sflag:s23] =	ssyncadd.s32 $0xFFFFFF00  }
0xb9: {  	[tilespmem:s25], [sflag:$0x4] =	stream.indirect.gather [hbm4b:s4+s24], $0x80, s3, s24, $0xb8;
	[tilespmem:$0x1FF00] =	vst v63  }
0xba: {  	_ =	swait.ge [sflag:s31], $0x4000  }
0xbb: {  	[sflag:s31] =	ssyncset.done $0x0  }
0xbc: {  	[sflag:s31] =	ssyncadd.s32 $0xFFFFC000  }
0xbd: {  	[spmem:s2] =	stream.indirect.scatter.add.f32 [tilespmem:s25], [sflag:$0x7], $0x80, s24, s24, $0xb8;
	[tilespmem:$0x1FF00] =	vst v63  }
0xbe: {  	s14 =	rddreg [dreg:$0xd]  }
0xbf: {  	[tilespmem:s3], [sflag:$0x1] =	stream.linear.gather [hbm4b:s14+s3], $0x100, $0x38;
	[tilespmem:$0x1FF00] =	vst v63  }
0xc0: {  	_ =	swait.ge [sflag:s11], $0x4000  }
0xc1: {  	[sflag:s11] =	ssyncset.done $0x0  }
0xc2: {  	[sflag:s11] =	ssyncadd.s32 $0xFFFFC000  }
0xc3: {  	_ =	swait.ge [sflag:s26], $0x100  }
0xc4: {  	[sflag:s26] =	ssyncset.done $0x0  }
0xc5: {  	[sflag:s26] =	ssyncadd.s32 $0xFFFFFF00  }
0xc6: {  	[tilespmem:s28], [sflag:$0x5] =	stream.indirect.gather [hbm4b:s4+s24], $0x80, s21, s24, $0xb8;
	[tilespmem:$0x1FF00] =	vst v63  }
0xc7: {  	_ =	swait.ge [sflag:s0], $0x4000  }
0xc8: {  	[sflag:s0] =	ssyncset.done $0x0  }
0xc9: {  	[sflag:s0] =	ssyncadd.s32 $0xFFFFC000  }
0xca: {  	[spmem:s2] =	stream.indirect.scatter.add.f32 [tilespmem:s28], [sflag:$0x8], $0x80, s1, s24, $0xb8;
	[tilespmem:$0x1FF00] =	vst v63  }
0xcb: {  	_ = 	snop  }
0xcc: {  	[tilespmem:s21], [sflag:$0x2] =	stream.linear.gather [hbm4b:s17+s3], $0x100, $0x38;
	[tilespmem:$0x1FF00] =	vst v63  }
0xcd: {  	_ =	swait.ge [sflag:s12], $0x4000  }
0xce: {  	[sflag:s12] =	ssyncset.done $0x0  }
0xcf: {  	[sflag:s12] =	ssyncadd.s32 $0xFFFFC000  }
0xd0: {  	_ =	swait.ge [sflag:s6], $0x100  }
0xd1: {  	[sflag:s6] =	ssyncset.done $0x0  }
0xd2: {  	[sflag:s6] =	ssyncadd.s32 $0xFFFFFF00  }
0xd3: {  	[tilespmem:s29], [sflag:$0x6] =	stream.indirect.gather [hbm4b:s4+s24], $0x80, s22, s24, $0xb8;
	[tilespmem:$0x1FF00] =	vst v63  }
0xd4: {  	_ =	swait.ge [sflag:s7], $0x4000  }
0xd5: {  	[sflag:s7] =	ssyncset.done $0x0  }
0xd6: {  	[sflag:s7] =	ssyncadd.s32 $0xFFFFC000  }
0xd7: {  	[spmem:s2] =	stream.indirect.scatter.add.f32 [tilespmem:s29], [sflag:$0x9], $0x80, s9, s24, $0xb8;
	[tilespmem:$0x1FF00] =	vst v63  }
0xd8: {  	_ =	swait.ge [sflag:s10], $0x4000  }
0xd9: {  	[sflag:s10] =	ssyncset.done $0x0  }
0xda: {  	[sflag:s10] =	ssyncadd.s32 $0xFFFFC000  }
0xdb: {  	_ =	swait.ge [sflag:s23], $0x100  }
0xdc: {  	[sflag:s23] =	ssyncset.done $0x0  }
0xdd: {  	[sflag:s23] =	ssyncadd.s32 $0xFFFFFF00  }
0xde: {  	[tilespmem:s25], [sflag:$0x4] =	stream.indirect.gather [hbm4b:s4+s24], $0x80, s3, s24, $0xb8;
	[tilespmem:$0x1FF00] =	vst v63  }
0xdf: {  	_ =	swait.ge [sflag:s31], $0x4000  }
0xe0: {  	[sflag:s31] =	ssyncset.done $0x0  }
0xe1: {  	[sflag:s31] =	ssyncadd.s32 $0xFFFFC000  }
0xe2: {  	[spmem:s2] =	stream.indirect.scatter.add.f32 [tilespmem:s25], [sflag:$0x7], $0x80, s24, s24, $0xb8;
	[tilespmem:$0x1FF00] =	vst v63  }
0xe3: {  	_ =	swait.ge [sflag:s11], $0x4000  }
0xe4: {  	[sflag:s11] =	ssyncset.done $0x0  }
0xe5: {  	[sflag:s11] =	ssyncadd.s32 $0xFFFFC000  }
0xe6: {  	_ =	swait.ge [sflag:s26], $0x100  }
0xe7: {  	[sflag:s26] =	ssyncset.done $0x0  }
0xe8: {  	[sflag:s26] =	ssyncadd.s32 $0xFFFFFF00  }
0xe9: {  	[tilespmem:s28], [sflag:$0x5] =	stream.indirect.gather [hbm4b:s4+s24], $0x80, s21, s24, $0xb8;
	[tilespmem:$0x1FF00] =	vst v63  }
0xea: {  	_ =	swait.ge [sflag:s0], $0x4000  }
0xeb: {  	[sflag:s0] =	ssyncset.done $0x0  }
0xec: {  	[sflag:s0] =	ssyncadd.s32 $0xFFFFC000  }
0xed: {  	[spmem:s2] =	stream.indirect.scatter.add.f32 [tilespmem:s28], [sflag:$0x8], $0x80, s1, s24, $0xb8;
	[tilespmem:$0x1FF00] =	vst v63  }
0xee: {  	_ =	swait.ge [sflag:s12], $0x4000  }
0xef: {  	[sflag:s12] =	ssyncset.done $0x0  }
0xf0: {  	[sflag:s12] =	ssyncadd.s32 $0xFFFFC000  }
0xf1: {  	_ =	swait.ge [sflag:s10], $0x4000  }
0xf2: {  	[sflag:s10] =	ssyncset.done $0x0  }
0xf3: {  	[sflag:s10] =	ssyncadd.s32 $0xFFFFC000  }
0xf4: {  	s15 =	stileid.u32;
	_ =	swait.ge [sflag:s11], $0x4000  }
0xf5: {  	s16 =	sshrl.u32 s8, $0x3;
	s13 =	sadd.s32 $0x1, s13;
	[sflag:s11] =	ssyncset.done $0x0  }
0xf6: {  	p0 =	sne.s32 s13, s19;
	s14 =	sshll.u32 s15, $0x6;
	[sflag:s11] =	ssyncadd.s32 $0xFFFFC000  }
.Ltmp2:
0xf7: {  	s14 =	sor.u32 $0x1C0A, s14;
	[bflag:$0x0] =	sbarrier.arrive $0xFFFF;
	(pc) =	sbr.rel @p0 .LBB2_1-.Ltmp2, $4  }
0xf8: {  	[hbm:s18], [sflag:s14] =	dma.local [spmem:s16], $0x2780  }
0xf9: {  	_ =	swait.ge [sflag:s30], $0x2780  }
0xfa: {  	[sflag:s30] =	ssyncset.done $0x0  }
0xfb: {  	[sflag:s30] =	ssyncadd.s32 $0xFFFFD880  }
0xfc: {  	_ =	sfence.sel $0x180000  }
0xfd: {  	[bflag:$0x0] =	sbarrier.arrive $0xFFFF  }
0xfe: {  	_ =	strace $0x9000004D  }
0xff: {  	s0 =	stileid.u32;
	[bflag:$0x2] =	sbarrier.arrive $0xFFFF  }
0x100: {  	p0 =	sne.s32 s0, $0x0;
	s0 =	rddreg [dreg:$0x3]  }
0x101: {  	s0 =	sadd.s32 @!p0 $0x100000, s0  }
0x102: {  	[sflag:s0] =	ssyncadd.tile.s32 @!p0 $0x1;
	_ =	shalt  }
.Lfunc_end2:
_tile_overlayer_lowered:
.L_overlay_start_2:
0x103: {  	(tag) =	ssettag $0x2  }
0x104: {  	s0 =	rddreg [dreg:$0x0];
	s2 =	stileid.u32  }
0x105: {  	s1 =	rddreg [dreg:$0x1];
	p0 =	sne.s32 s2, $0x0  }
0x106: {  	s3 =	rddreg [dreg:$0x2];
	[bflag:$0x3] =	sbarrier.arrive $0xFFFF;
	s2 =	simm.s32 @!p0 $0x1C0A  }
0x107: {  	[timem:s3], [sflag:s2] =	dma.local @!p0 [hbm:s0], s1  }
0x108: {  	s0 =	simm.s32 @!p0 $0xA  }
0x109: {  	_ =	swait.ge @!p0 [sflag:s0], s1  }
0x10a: {  	s1 =	ssub.s32 @!p0 $0x0, s1;
	[sflag:s0] =	ssyncset.done @!p0 $0x0  }
0x10b: {  	[sflag:s0] =	ssyncadd.s32 @!p0 s1  }
0x10c: {  	[bflag:$0x3] =	sbarrier.arrive $0xFFFF  }
0x10d: {  	_ =	shalt  }

// kernel: kernel.8.cloned.1.call-start
scs
__scs_entry_jumppad:
0x0: {  	(pc) =	sbr.rel $0x88, $3  }
0x1: {  	(tag) =	ssettag $0x0;
	lr =	simm.s32 $0x1  }
0x2: {  	[smem:$0x3F9B] =	sst lr;
	_ =	strace $0xD0000000  }
0x3: {  	_ = 	snop  }
0x4: {  	_ = 	snop  }
0x5: {  	_ = 	snop  }
0x6: {  	_ = 	snop  }
0x7: {  	_ = 	snop  }
__scs_overlays_trampoline_lowered:
0x8: {  	[smem:$0x3FAA] =	sst s0  }
0x9: {  	[smem:$0x3FAB] =	sst s1  }
0xa: {  	[smem:$0x3FAC] =	sst s2  }
0xb: {  	[smem:$0x3FAD] =	sst s3  }
0xc: {  	[smem:$0x3FAE] =	sst s4  }
0xd: {  	[smem:$0x3FAF] =	sst s5  }
0xe: {  	[smem:$0x3FB0] =	sst s6  }
0xf: {  	[smem:$0x3FB1] =	sst s7  }
0x10: {  	[smem:$0x3FB2] =	sst s8  }
0x11: {  	[smem:$0x3FB3] =	sst s9;
	s0 =	simm.s32 @!p0 $0x0  }
0x12: {  	s1 =	sld [smem:$0x3F99];
	s0 =	simm.s32 @p0 $0x1  }
0x13: {  	[smem:$0x3FB4] =	sst s0;
	s0 =	simm.s32 @!p1 $0x0  }
0x14: {  	s2 =	sld [smem:$0x3F98];
	s0 =	simm.s32 @p1 $0x1  }
0x15: {  	[smem:$0x3FB5] =	sst s0;
	s0 =	simm.s32 @!p2 $0x0  }
0x16: {  	s3 =	sld [smem:$0x3FDB];
	s0 =	simm.s32 @p2 $0x1  }
0x17: {  	s4 =	simm.s32 $0x1BF5;
	[smem:$0x3FB7] =	sst s0  }
0x18: {  	s0 =	sld [smem:$0x3F9A];
	_ =	swait.ge [sflag:s4], $0x0  }
0x19: {  	s7 =	sld [smem:$0x3F9B]  }
0x1a: {  	s8 =	sadd.s32 $0xFFFFE003, lr  }
0x1b: {  	s9 =	sadd.s32 $0xFFFFFEF7, lr;
	s5 =	simm.s32 $0xFFFFFFFF;
	p2 =	slt.u32 s8, $0xFFFFF086  }
0x1c: {  	p1 =	slt.u32 s9, $0xF7A;
	s5 =	simm.s32 @!p2 $0x0  }
0x1d: {  	s5 =	simm.s32 @p1 $0x1;
	p0 =	seq.s32 s7, s2  }
0x1e: {  	s7 =	smul.u32 @!p0 $0xF7A, s2;
	p2 =	seq.s32 @!p0 s5, $0x0  }
0x1f: {  	s9 =	smul.u32 $0xF7A, s1;
	s8 =	simm.s32 @!p0 $0x1BF5;
	p2 =	por !p2, p0  }
0x20: {  	[sflag:s8] =	ssyncset.s32 @!p0 $0xFFFFF086;
	s6 =	sadd.s32 @!p0 s3, s7;
	s7 =	simm.s32 @!p0 $0x108  }
0x21: {  	s3 =	sadd.s32 s3, s9;
	s6 =	sadd.s32 @!p0 $0x88, s6;
	s7 =	simm.s32 @p2 $0x1082  }
0x22: {  	[simem:s7], [sflag:s8] =	dma.local @!p0 [hbm:s6], $0xF7A  }
0x23: {  	s9 =	sor.u32 $0xD0000000, s2;
	s6 =	simm.s32 $0x108;
	_ =	swait.ge @!p0 [sflag:s8], $0x0  }
0x24: {  	s3 =	sadd.s32 $0x88, s3;
	s6 =	simm.s32 @!p1 $0x1082;
	[sflag:s4] =	ssyncset.s32 $0xFFFFF086  }
0x25: {  	[simem:s6], [sflag:s4] =	dma.local [hbm:s3], $0xF7A  }
0x26: {  	[smem:$0x3F9B] =	sst s1;
	(tag) =	ssettag s2;
	_ =	strace s9  }
0x27: {  	s1 =	sld [smem:$0x3FAB]  }
0x28: {  	s2 =	sld [smem:$0x3FAC]  }
0x29: {  	s4 =	sld [smem:$0x3FAE]  }
0x2a: {  	p0 =	seq.s32 s5, $0x0;
	s5 =	sld [smem:$0x3FAF]  }
0x2b: {  	s6 =	sld [smem:$0x3FB0]  }
0x2c: {  	s7 =	sld [smem:$0x3FB1]  }
0x2d: {  	s3 =	simm.s32 $0x108;
	s8 =	sld [smem:$0x3FB2]  }
0x2e: {  	s3 =	simm.s32 @!p0 $0x1082;
	s9 =	sld [smem:$0x3FB3]  }
0x2f: {  	lr =	sadd.s32 s0, s3;
	s0 =	sld [smem:$0x3FAA]  }
0x30: {  	s3 =	sld [smem:$0x3FAD]  }
0x31: {  	[smem:$0x3FB6] =	sst s10  }
0x32: {  	s10 =	sld [smem:$0x3FB4];
	_ =	sdelay $0x3  }
0x33: {  	p0 =	seq.s32 s10, $0x1;
	s10 =	sld [smem:$0x3FB6];
	_ =	sdelay $0x3  }
0x34: {  	[smem:$0x3FB6] =	sst s10  }
0x35: {  	s10 =	sld [smem:$0x3FB5];
	_ =	sdelay $0x3  }
0x36: {  	p1 =	seq.s32 s10, $0x1;
	s10 =	sld [smem:$0x3FB6];
	_ =	sdelay $0x3  }
0x37: {  	[smem:$0x3FB6] =	sst s10  }
0x38: {  	s10 =	sld [smem:$0x3FB7]  }
0x39: {  	_ = 	snop;
	(pc) =	sbr.ind lr, $3  }
0x3a: {  	_ = 	snop  }
0x3b: {  	_ = 	snop  }
0x3c: {  	p2 =	seq.s32 s10, $0x1;
	s10 =	sld [smem:$0x3FB6]  }
0x3d: {  	_ =	shalt  }
0x3e: {  	_ =	shalt  }
0x3f: {  	_ =	shalt  }
0x40: {  	_ =	shalt  }
0x41: {  	_ =	shalt  }
0x42: {  	_ =	shalt  }
0x43: {  	_ =	shalt  }
0x44: {  	_ =	shalt  }
0x45: {  	_ =	shalt  }
0x46: {  	_ =	shalt  }
0x47: {  	_ =	shalt  }
0x48: {  	_ =	shalt  }
0x49: {  	_ =	shalt  }
0x4a: {  	_ =	shalt  }
0x4b: {  	_ =	shalt  }
0x4c: {  	_ =	shalt  }
0x4d: {  	_ =	shalt  }
0x4e: {  	_ =	shalt  }
0x4f: {  	_ =	shalt  }
0x50: {  	_ =	shalt  }
0x51: {  	_ =	shalt  }
0x52: {  	_ =	shalt  }
0x53: {  	_ =	shalt  }
0x54: {  	_ =	shalt  }
0x55: {  	_ =	shalt  }
0x56: {  	_ =	shalt  }
0x57: {  	_ =	shalt  }
0x58: {  	_ =	shalt  }
0x59: {  	_ =	shalt  }
0x5a: {  	_ =	shalt  }
0x5b: {  	_ =	shalt  }
0x5c: {  	_ =	shalt  }
0x5d: {  	_ =	shalt  }
0x5e: {  	_ =	shalt  }
0x5f: {  	_ =	shalt  }
0x60: {  	_ =	shalt  }
0x61: {  	_ =	shalt  }
0x62: {  	_ =	shalt  }
0x63: {  	_ =	shalt  }
0x64: {  	_ =	shalt  }
0x65: {  	_ =	shalt  }
0x66: {  	_ =	shalt  }
0x67: {  	_ =	shalt  }
0x68: {  	_ =	shalt  }
0x69: {  	_ =	shalt  }
0x6a: {  	_ =	shalt  }
0x6b: {  	_ =	shalt  }
0x6c: {  	_ =	shalt  }
0x6d: {  	_ =	shalt  }
0x6e: {  	_ =	shalt  }
0x6f: {  	_ =	shalt  }
0x70: {  	_ =	shalt  }
0x71: {  	_ =	shalt  }
0x72: {  	_ =	shalt  }
0x73: {  	_ =	shalt  }
0x74: {  	_ =	shalt  }
0x75: {  	_ =	shalt  }
0x76: {  	_ =	shalt  }
0x77: {  	_ =	shalt  }
0x78: {  	_ =	shalt  }
0x79: {  	_ =	shalt  }
0x7a: {  	_ =	shalt  }
0x7b: {  	_ =	shalt  }
0x7c: {  	_ =	shalt  }
0x7d: {  	_ =	shalt  }
0x7e: {  	_ =	shalt  }
0x7f: {  	_ =	shalt  }
0x80: {  	_ =	shalt  }
0x81: {  	_ =	shalt  }
0x82: {  	_ =	shalt  }
0x83: {  	_ =	shalt  }
0x84: {  	_ =	shalt  }
0x85: {  	_ =	shalt  }
0x86: {  	_ =	shalt  }
0x87: {  	_ =	shalt  }
.Lfunc_end0:
.L_simem_size_0:
called_computation_lowered:
.L_overlay_start_0:
0x88: {  	s2 =	sld [smem:$0x3FD9]  }
0x89: {  	s3 =	sld [smem:$0x3FFE];
	_ =	sdelay $0x1  }
0x8a: {  	s1 =	srdreg.scid  }
0x8b: {  	s0 =	sand.u32 $0x1, s1  }
0x8c: {  	s17 =	sshll.u32 s0, $0xA;
	s2 =	sadd.s32 s3, s2  }
0x8d: {  	s2 =	sadd.s32 s2, s17  }
0x8e: {  	[smem:$0x3FC2] =	sst s2  }
0x8f: {  	_ = 	snop  }
0x90: {  	s2 =	sld [smem:$0x3FD0];
	(tm) =	ssettm $0x1  }
0x91: {  	s18 =	sld [smem:$0x3FFB];
	_ =	sdelay $0x3  }
0x92: {  	_ =	strace s18  }
0x93: {  	s3 =	sld [smem:$0x3FFC];
	_ =	sdelay $0x3  }
0x94: {  	_ =	strace s3  }
0x95: {  	s3 =	sld [smem:$0x3FFD];
	_ =	sdelay $0x3  }
0x96: {  	_ =	strace s3  }
0x97: {  	_ =	strace $0x8FFFFFFF  }
0x98: {  	s19 =	sld [smem:$0x3FDB];
	_ =	sdelay $0x1  }
0x99: {  	s4 =	simm.s32 $_scs_section_size  }
0x9a: {  	s5 =	simm.s32 $_size__tile_overlayer_lowered;
	s6 =	simm.s32 $_tile_overlayer_lowered  }
0x9b: {  	s22 =	simm.s32 $0x1BFF;
	s21 =	sshll.u32 s6, $0x1;
	s3 =	sadd.s32 s4, s19  }
0x9c: {  	s7 =	simm.s32 $0x0;
	s20 =	sshll.u32 s5, $0x1;
	s5 =	sadd.s32 s21, s3  }
0x9d: {  	[timem:s7], [sflag:s22] =	dma.local [hbm:s5], s20  }
0x9e: {  	_ =	swait.ge [sflag:s22], s20  }
0x9f: {  	s4 =	ssub.s32 $0x0, s20;
	[sflag:s22] =	ssyncset.done $0x0  }
0xa0: {  	[sflag:s22] =	ssyncadd.s32 s4;
	_ =	sdelay $0x1  }
0xa1: {  	s23 =	simm.s32 $0x1B8B  }
0xa2: {  	_ =	swait.ge [sflag:s23], $0x1  }
0xa3: {  	[sflag:s23] =	ssyncset.done $0x0  }
0xa4: {  	s25 =	simm.s32 $0x1B8E;
	s24 =	sld [smem:$0x3FFE];
	[sflag:s23] =	ssyncadd.s32 $0xFFFFFFFF  }
0xa5: {  	s26 =	simm.s32 $execute0_lowered;
	[smem:$0x3FD2] =	sst s25  }
0xa6: {  	s5 =	sshll.u32 s26, $0x1;
	_ =	strace $0x80000046;
	[dreg:$0x1] =	wrdreg $0xFFFFFFFF  }
0xa7: {  	s28 =	simm.s32 $_size_execute0_lowered;
	s3 =	sadd.s32 s3, s5;
	[dreg:$0x0] =	wrdreg $0x0  }
0xa8: {  	s5 =	sshll.u32 s28, $0x1;
	[dreg:$0x2] =	wrdreg s3  }
0xa9: {  	[dreg:$0x3] =	wrdreg s5  }
0xaa: {  	[dreg:$0x4] =	wrdreg $0xC0  }
0xab: {  	_ =	task [dreg:s7], $0x5FFFF  }
0xac: {  	[dreg:$0x1] =	wrdreg $0xFFFFFFFF  }
0xad: {  	[dreg:$0x0] =	wrdreg $0x60  }
0xae: {  	[dreg:$0x2] =	wrdreg s2  }
0xaf: {  	[dreg:$0x3] =	wrdreg s24  }
0xb0: {  	[dreg:$0x4] =	wrdreg $0xA0C00  }
0xb1: {  	[dreg:$0x5] =	wrdreg $0x9  }
0xb2: {  	_ =	task.clear_ibuf [dreg:s7], $0x6FFFF;
	_ =	strace $0x90000046  }
0xb3: {  	s29 =	simm.s32 $0x9;
	_ =	strace $0x80000048  }
0xb4: {  	_ =	swait.ge [sflag:s29], $0x1  }
0xb5: {  	[sflag:s29] =	ssyncadd.s32 $0xFFFFFFFF  }
0xb6: {  	_ =	strace $0x90000048  }
0xb7: {  	_ =	sfence  }
0xb8: {  	s30 =	sld [smem:$0x0];
	_ =	sdelay $0x2  }
0xb9: {  	s31 =	sshll.u32 s1, $0xD;
	s1 =	sshrl.u32 s1, $0x2  }
0xba: {  	s3 =	sand.u32 $0x4000, s31;
	s1 =	sadd.s32 s1, s30  }
0xbb: {  	s0 =	sor.u32 s3, s0;
	s1 =	sshll.u32 s1, $0x11  }
0xbc: {  	s0 =	sor.u32 s1, s0  }
0xbd: {  	s0 =	sadd.s32 $0x8F2B, s0  }
0xbe: {  	[sflag:s0] =	ssyncadd.remote.s32 $0x1  }
0xbf: {  	_ =	sfence.sel $0xFFFF  }
0xc0: {  	[dreg:$0x0] =	wrdreg $0xFFFFFFFF;
	(pc) =	sbr.abs _section_cstart, $3  }
0xc1: {  	[dreg:$0x1] =	wrdreg $0xFFFFFFFF  }
0xc2: {  	_ =	task.clear_ibuf [dreg:s7], $0x2FFFF;
	_ =	strace $0x9FFFFFFF  }
0xc3: {  	(tm) =	ssettm $0x7FFFFFFF  }
tec
execute0_lowered:
.L_overlay_start_1:
0x0: {  	(tag) =	ssettag $0x1  }
0x1: {  	s14 =	rddreg [dreg:$0x0]  }
0x2: {  	s1 =	srdreg.scid;
	s4 =	rddreg [dreg:$0x1]  }
0x3: {  	s0 =	stileid.u32;
	s2 =	rddreg [dreg:$0x2];
	s3 =	simm.s32 $0x0  }
0x4: {  	s19 =	simm.s32 $0x2;
	s20 =	simm.s32 $0x80;
	s21 =	simm.s32 $0xA000  }
0x5: {  	s22 =	simm.s32 $0x1;
	s25 =	simm.s32 $0x0;
	s5 =	smul.u32 $0x278, s0  }
0x6: {  	s17 =	sand.u32 $0x1, s1;
	s1 =	rddreg [dreg:$0x3];
	s18 =	smul.u32 $0x1400, s0  }
0x7: {  	[smem:$0x7FF] =	sst s3;
	s23 =	sshll.u32 s0, $0x6;
	s6 =	smul.u32 $0x2780, s17  }
0x8: {  	_ =	strace $0x80000047;
	s7 =	ssub.s32 $0x2, s17;
	s17 =	sshll.u32 s17, $0x7  }
0x9: {  	s23 =	sor.u32 $0x1C02, s23;
	s31 =	sshrl.u32 s7, $0x1;
	s6 =	sadd.s32 s5, s6  }
0xa: {  	s14 =	sadd.s32 s14, s18;
	s18 =	simm.s32 $0xA080;
	s6 =	sshrl.u32 s6, $0x3  }
0xb: {  	s16 =	ssub.s32 s7, s31;
	s15 =	sadd.s32 s6, s4;
	s4 =	sadd.s32 s5, s2  }
0xc: {  	s16 =	smax.u32 s16, $0x1;
	s5 =	sadd.s32 $0x40, s4;
	s6 =	sadd.s32 $0x80, s4  }
0xd: {  	s7 =	sadd.s32 $0xC0, s4;
	s8 =	sadd.s32 $0x100, s4;
	s9 =	sadd.s32 $0x140, s4  }
0xe: {  	s10 =	sadd.s32 $0x180, s4;
	s11 =	sadd.s32 $0x1C0, s4;
	s12 =	sadd.s32 $0x200, s4  }
0xf: {  	v0 =	vimm.f32 $0.0e+00;
	v1 =	vimm.f32 $1.000000000e+00;
	s13 =	sadd.s32 $0x240, s4;
	s15 =	sadd.s32 $0x2E00, s15;
	s24 =	sshrl.u32 s4, $0x3  }
.LBB2_1:
0x10: {  	[tilespmem:$0xA080] =	vst v0  }
0x11: {  	[tilespmem:$0xA090] =	vst v0  }
0x12: {  	[tilespmem:$0xA0A0] =	vst v0  }
0x13: {  	[tilespmem:$0xA0B0] =	vst v0  }
0x14: {  	[tilespmem:$0xA000] =	vst v1  }
0x15: {  	[tilespmem:$0xA010] =	vst v1  }
0x16: {  	[tilespmem:$0xA020] =	vst v1  }
0x17: {  	[tilespmem:$0xA030] =	vst v1  }
0x18: {  	[tilespmem:$0xA040] =	vst v1  }
0x19: {  	[tilespmem:$0xA050] =	vst v1  }
0x1a: {  	[tilespmem:$0xA060] =	vst v1  }
0x1b: {  	[tilespmem:$0xA070] =	vst v1  }
0x1c: {  	[spmem:s4] =	stream.linear.scatter [tilespmem:s18], [sflag:$0x2], $0x40, $0x38;
	[tilespmem:$0xA338] =	vst v63  }
0x1d: {  	_ =	swait.ge [sflag:s19], $0x40  }
0x1e: {  	[sflag:s19] =	ssyncset.done $0x0  }
0x1f: {  	[sflag:s19] =	ssyncadd.s32 $0xFFFFFFC0  }
0x20: {  	[spmem:s5] =	stream.linear.scatter [tilespmem:s18], [sflag:$0x2], $0x40, $0x38;
	[tilespmem:$0xA338] =	vst v63  }
0x21: {  	_ =	swait.ge [sflag:s19], $0x40  }
0x22: {  	[sflag:s19] =	ssyncset.done $0x0  }
0x23: {  	[sflag:s19] =	ssyncadd.s32 $0xFFFFFFC0  }
0x24: {  	[spmem:s6] =	stream.linear.scatter [tilespmem:s18], [sflag:$0x2], $0x40, $0x38;
	[tilespmem:$0xA338] =	vst v63  }
0x25: {  	_ =	swait.ge [sflag:s19], $0x40  }
0x26: {  	[sflag:s19] =	ssyncset.done $0x0  }
0x27: {  	[sflag:s19] =	ssyncadd.s32 $0xFFFFFFC0  }
0x28: {  	[spmem:s7] =	stream.linear.scatter [tilespmem:s18], [sflag:$0x2], $0x40, $0x38;
	[tilespmem:$0xA338] =	vst v63  }
0x29: {  	_ =	swait.ge [sflag:s19], $0x40  }
0x2a: {  	[sflag:s19] =	ssyncset.done $0x0  }
0x2b: {  	[sflag:s19] =	ssyncadd.s32 $0xFFFFFFC0  }
0x2c: {  	[spmem:s8] =	stream.linear.scatter [tilespmem:s18], [sflag:$0x2], $0x40, $0x38;
	[tilespmem:$0xA338] =	vst v63  }
0x2d: {  	_ =	swait.ge [sflag:s19], $0x40  }
0x2e: {  	[sflag:s19] =	ssyncset.done $0x0  }
0x2f: {  	[sflag:s19] =	ssyncadd.s32 $0xFFFFFFC0  }
0x30: {  	[spmem:s9] =	stream.linear.scatter [tilespmem:s18], [sflag:$0x2], $0x40, $0x38;
	[tilespmem:$0xA338] =	vst v63  }
0x31: {  	_ =	swait.ge [sflag:s19], $0x40  }
0x32: {  	[sflag:s19] =	ssyncset.done $0x0  }
0x33: {  	[sflag:s19] =	ssyncadd.s32 $0xFFFFFFC0  }
0x34: {  	[spmem:s10] =	stream.linear.scatter [tilespmem:s18], [sflag:$0x2], $0x40, $0x38;
	[tilespmem:$0xA338] =	vst v63  }
0x35: {  	_ =	swait.ge [sflag:s19], $0x40  }
0x36: {  	[sflag:s19] =	ssyncset.done $0x0  }
0x37: {  	[sflag:s19] =	ssyncadd.s32 $0xFFFFFFC0  }
0x38: {  	[spmem:s11] =	stream.linear.scatter [tilespmem:s18], [sflag:$0x2], $0x40, $0x38;
	[tilespmem:$0xA338] =	vst v63  }
0x39: {  	_ =	swait.ge [sflag:s19], $0x40  }
0x3a: {  	[sflag:s19] =	ssyncset.done $0x0  }
0x3b: {  	[sflag:s19] =	ssyncadd.s32 $0xFFFFFFC0  }
0x3c: {  	[spmem:s12] =	stream.linear.scatter [tilespmem:s18], [sflag:$0x2], $0x40, $0x38;
	[tilespmem:$0xA338] =	vst v63  }
0x3d: {  	_ =	swait.ge [sflag:s19], $0x40  }
0x3e: {  	[sflag:s19] =	ssyncset.done $0x0  }
0x3f: {  	[sflag:s19] =	ssyncadd.s32 $0xFFFFFFC0  }
0x40: {  	[spmem:s13] =	stream.linear.scatter [tilespmem:s18], [sflag:$0x2], $0x38, $0x38;
	[tilespmem:$0xA338] =	vst v63  }
0x41: {  	_ =	swait.ge [sflag:s19], $0x38  }
0x42: {  	[sflag:s19] =	ssyncset.done $0x0  }
0x43: {  	[sflag:s19] =	ssyncadd.s32 $0xFFFFFFC8  }
0x44: {  	[bflag:$0x0] =	sbarrier.arrive $0xFFFF  }
0x45: {  	[tilespmem:s3], [sflag:$0x2] =	stream.linear.gather [hbm4b:s14+s3], $0xA000, $0x38;
	[tilespmem:$0xA338] =	vst v63  }
0x46: {  	_ =	swait.ge [sflag:s19], $0xA000  }
0x47: {  	[sflag:s19] =	ssyncset.done $0x0  }
0x48: {  	s26 =	sadd.s32 $0x0, s17;
	[sflag:s19] =	ssyncadd.s32 $0xFFFF6000  }
0x49: {  	[spmem:s2] =	stream.indirect.scatter.add.f32 [tilespmem:s21], [sflag:$0x1], $0x1, s26, s20, $0xb8;
	[tilespmem:$0xA338] =	vst v63  }
0x4a: {  	s28 =	sadd.s32 $0x100, s26  }
0x4b: {  	[spmem:s2] =	stream.indirect.scatter.add.f32 [tilespmem:s21], [sflag:$0x1], $0x1, s28, s20, $0xb8;
	[tilespmem:$0xA338] =	vst v63  }
0x4c: {  	s28 =	sadd.s32 $0x200, s26  }
0x4d: {  	[spmem:s2] =	stream.indirect.scatter.add.f32 [tilespmem:s21], [sflag:$0x1], $0x1, s28, s20, $0xb8;
	[tilespmem:$0xA338] =	vst v63  }
0x4e: {  	s28 =	sadd.s32 $0x300, s26  }
0x4f: {  	[spmem:s2] =	stream.indirect.scatter.add.f32 [tilespmem:s21], [sflag:$0x1], $0x1, s28, s20, $0xb8;
	[tilespmem:$0xA338] =	vst v63  }
0x50: {  	s28 =	sadd.s32 $0x400, s26  }
0x51: {  	[spmem:s2] =	stream.indirect.scatter.add.f32 [tilespmem:s21], [sflag:$0x1], $0x1, s28, s20, $0xb8;
	[tilespmem:$0xA338] =	vst v63  }
0x52: {  	s28 =	sadd.s32 $0x500, s26  }
0x53: {  	[spmem:s2] =	stream.indirect.scatter.add.f32 [tilespmem:s21], [sflag:$0x1], $0x1, s28, s20, $0xb8;
	[tilespmem:$0xA338] =	vst v63  }
0x54: {  	s28 =	sadd.s32 $0x600, s26  }
0x55: {  	[spmem:s2] =	stream.indirect.scatter.add.f32 [tilespmem:s21], [sflag:$0x1], $0x1, s28, s20, $0xb8;
	[tilespmem:$0xA338] =	vst v63  }
0x56: {  	s28 =	sadd.s32 $0x700, s26  }
0x57: {  	[spmem:s2] =	stream.indirect.scatter.add.f32 [tilespmem:s21], [sflag:$0x1], $0x1, s28, s20, $0xb8;
	[tilespmem:$0xA338] =	vst v63  }
0x58: {  	s28 =	sadd.s32 $0x800, s26  }
0x59: {  	[spmem:s2] =	stream.indirect.scatter.add.f32 [tilespmem:s21], [sflag:$0x1], $0x1, s28, s20, $0xb8;
	[tilespmem:$0xA338] =	vst v63  }
0x5a: {  	s28 =	sadd.s32 $0x900, s26  }
0x5b: {  	[spmem:s2] =	stream.indirect.scatter.add.f32 [tilespmem:s21], [sflag:$0x1], $0x1, s28, s20, $0xb8;
	[tilespmem:$0xA338] =	vst v63  }
0x5c: {  	s28 =	sadd.s32 $0xA00, s26  }
0x5d: {  	[spmem:s2] =	stream.indirect.scatter.add.f32 [tilespmem:s21], [sflag:$0x1], $0x1, s28, s20, $0xb8;
	[tilespmem:$0xA338] =	vst v63  }
0x5e: {  	s28 =	sadd.s32 $0xB00, s26  }
0x5f: {  	[spmem:s2] =	stream.indirect.scatter.add.f32 [tilespmem:s21], [sflag:$0x1], $0x1, s28, s20, $0xb8;
	[tilespmem:$0xA338] =	vst v63  }
0x60: {  	s28 =	sadd.s32 $0xC00, s26  }
0x61: {  	[spmem:s2] =	stream.indirect.scatter.add.f32 [tilespmem:s21], [sflag:$0x1], $0x1, s28, s20, $0xb8;
	[tilespmem:$0xA338] =	vst v63  }
0x62: {  	s28 =	sadd.s32 $0xD00, s26  }
0x63: {  	[spmem:s2] =	stream.indirect.scatter.add.f32 [tilespmem:s21], [sflag:$0x1], $0x1, s28, s20, $0xb8;
	[tilespmem:$0xA338] =	vst v63  }
0x64: {  	s28 =	sadd.s32 $0xE00, s26  }
0x65: {  	[spmem:s2] =	stream.indirect.scatter.add.f32 [tilespmem:s21], [sflag:$0x1], $0x1, s28, s20, $0xb8;
	[tilespmem:$0xA338] =	vst v63  }
0x66: {  	s26 =	sadd.s32 $0xF00, s26  }
0x67: {  	[spmem:s2] =	stream.indirect.scatter.add.f32 [tilespmem:s21], [sflag:$0x1], $0x1, s26, s20, $0xb8;
	[tilespmem:$0xA338] =	vst v63  }
0x68: {  	_ =	swait.ge [sflag:s22], $0x80  }
0x69: {  	[sflag:s22] =	ssyncset.done $0x0  }
0x6a: {  	[sflag:s22] =	ssyncadd.s32 $0xFFFFFF80  }
0x6b: {  	_ =	swait.ge [sflag:s22], $0x80  }
0x6c: {  	[sflag:s22] =	ssyncset.done $0x0  }
0x6d: {  	[sflag:s22] =	ssyncadd.s32 $0xFFFFFF80  }
0x6e: {  	_ =	swait.ge [sflag:s22], $0x80  }
0x6f: {  	[sflag:s22] =	ssyncset.done $0x0  }
0x70: {  	[sflag:s22] =	ssyncadd.s32 $0xFFFFFF80  }
0x71: {  	_ =	swait.ge [sflag:s22], $0x80  }
0x72: {  	[sflag:s22] =	ssyncset.done $0x0  }
0x73: {  	[sflag:s22] =	ssyncadd.s32 $0xFFFFFF80  }
0x74: {  	_ =	swait.ge [sflag:s22], $0x80  }
0x75: {  	[sflag:s22] =	ssyncset.done $0x0  }
0x76: {  	[sflag:s22] =	ssyncadd.s32 $0xFFFFFF80  }
0x77: {  	_ =	swait.ge [sflag:s22], $0x80  }
0x78: {  	[sflag:s22] =	ssyncset.done $0x0  }
0x79: {  	[sflag:s22] =	ssyncadd.s32 $0xFFFFFF80  }
0x7a: {  	_ =	swait.ge [sflag:s22], $0x80  }
0x7b: {  	[sflag:s22] =	ssyncset.done $0x0  }
0x7c: {  	[sflag:s22] =	ssyncadd.s32 $0xFFFFFF80  }
0x7d: {  	_ =	swait.ge [sflag:s22], $0x80  }
0x7e: {  	[sflag:s22] =	ssyncset.done $0x0  }
0x7f: {  	[sflag:s22] =	ssyncadd.s32 $0xFFFFFF80  }
0x80: {  	_ =	swait.ge [sflag:s22], $0x80  }
0x81: {  	[sflag:s22] =	ssyncset.done $0x0  }
0x82: {  	[sflag:s22] =	ssyncadd.s32 $0xFFFFFF80  }
0x83: {  	_ =	swait.ge [sflag:s22], $0x80  }
0x84: {  	[sflag:s22] =	ssyncset.done $0x0  }
0x85: {  	[sflag:s22] =	ssyncadd.s32 $0xFFFFFF80  }
0x86: {  	_ =	swait.ge [sflag:s22], $0x80  }
0x87: {  	[sflag:s22] =	ssyncset.done $0x0  }
0x88: {  	[sflag:s22] =	ssyncadd.s32 $0xFFFFFF80  }
0x89: {  	_ =	swait.ge [sflag:s22], $0x80  }
0x8a: {  	[sflag:s22] =	ssyncset.done $0x0  }
0x8b: {  	[sflag:s22] =	ssyncadd.s32 $0xFFFFFF80  }
0x8c: {  	_ =	swait.ge [sflag:s22], $0x80  }
0x8d: {  	[sflag:s22] =	ssyncset.done $0x0  }
0x8e: {  	[sflag:s22] =	ssyncadd.s32 $0xFFFFFF80  }
0x8f: {  	_ =	swait.ge [sflag:s22], $0x80  }
0x90: {  	[sflag:s22] =	ssyncset.done $0x0  }
0x91: {  	[sflag:s22] =	ssyncadd.s32 $0xFFFFFF80  }
0x92: {  	_ =	swait.ge [sflag:s22], $0x80  }
0x93: {  	[sflag:s22] =	ssyncset.done $0x0  }
0x94: {  	[sflag:s22] =	ssyncadd.s32 $0xFFFFFF80  }
0x95: {  	_ =	swait.ge [sflag:s22], $0x80  }
0x96: {  	s30 =	simm.s32 $0x8000;
	s28 =	simm.s32 $0x1000;
	[sflag:s22] =	ssyncset.done $0x0  }
.LBB2_2:
0x97: {  	s29 =	sadd.s32 s28, s17  }
0x98: {  	[sflag:s22] =	ssyncadd.s32 $0xFFFFFF80;
	s28 =	smov.u32 s30;
	s26 =	sadd.s32 $0x4000, s30  }
0x99: {  	[spmem:s2] =	stream.indirect.scatter.add.f32 [tilespmem:s21], [sflag:$0x1], $0x1, s29, s20, $0xb8;
	[tilespmem:$0xA338] =	vst v63  }
0x9a: {  	p0 =	sne.s32 s30, $0x24000;
	s30 =	sadd.s32 $0x100, s29  }
0x9b: {  	[spmem:s2] =	stream.indirect.scatter.add.f32 [tilespmem:s21], [sflag:$0x1], $0x1, s30, s20, $0xb8;
	[tilespmem:$0xA338] =	vst v63  }
0x9c: {  	s30 =	sadd.s32 $0x200, s29  }
0x9d: {  	[spmem:s2] =	stream.indirect.scatter.add.f32 [tilespmem:s21], [sflag:$0x1], $0x1, s30, s20, $0xb8;
	[tilespmem:$0xA338] =	vst v63  }
0x9e: {  	s30 =	sadd.s32 $0x300, s29  }
0x9f: {  	[spmem:s2] =	stream.indirect.scatter.add.f32 [tilespmem:s21], [sflag:$0x1], $0x1, s30, s20, $0xb8;
	[tilespmem:$0xA338] =	vst v63  }
0xa0: {  	s30 =	sadd.s32 $0x400, s29  }
0xa1: {  	[spmem:s2] =	stream.indirect.scatter.add.f32 [tilespmem:s21], [sflag:$0x1], $0x1, s30, s20, $0xb8;
	[tilespmem:$0xA338] =	vst v63  }
0xa2: {  	s30 =	sadd.s32 $0x500, s29  }
0xa3: {  	[spmem:s2] =	stream.indirect.scatter.add.f32 [tilespmem:s21], [sflag:$0x1], $0x1, s30, s20, $0xb8;
	[tilespmem:$0xA338] =	vst v63  }
0xa4: {  	s30 =	sadd.s32 $0x600, s29  }
0xa5: {  	[spmem:s2] =	stream.indirect.scatter.add.f32 [tilespmem:s21], [sflag:$0x1], $0x1, s30, s20, $0xb8;
	[tilespmem:$0xA338] =	vst v63  }
0xa6: {  	s30 =	sadd.s32 $0x700, s29  }
0xa7: {  	[spmem:s2] =	stream.indirect.scatter.add.f32 [tilespmem:s21], [sflag:$0x1], $0x1, s30, s20, $0xb8;
	[tilespmem:$0xA338] =	vst v63  }
0xa8: {  	s30 =	sadd.s32 $0x800, s29  }
0xa9: {  	[spmem:s2] =	stream.indirect.scatter.add.f32 [tilespmem:s21], [sflag:$0x1], $0x1, s30, s20, $0xb8;
	[tilespmem:$0xA338] =	vst v63  }
0xaa: {  	s30 =	sadd.s32 $0x900, s29  }
0xab: {  	[spmem:s2] =	stream.indirect.scatter.add.f32 [tilespmem:s21], [sflag:$0x1], $0x1, s30, s20, $0xb8;
	[tilespmem:$0xA338] =	vst v63  }
0xac: {  	s30 =	sadd.s32 $0xA00, s29  }
0xad: {  	[spmem:s2] =	stream.indirect.scatter.add.f32 [tilespmem:s21], [sflag:$0x1], $0x1, s30, s20, $0xb8;
	[tilespmem:$0xA338] =	vst v63  }
0xae: {  	s30 =	sadd.s32 $0xB00, s29  }
0xaf: {  	[spmem:s2] =	stream.indirect.scatter.add.f32 [tilespmem:s21], [sflag:$0x1], $0x1, s30, s20, $0xb8;
	[tilespmem:$0xA338] =	vst v63  }
0xb0: {  	s30 =	sadd.s32 $0xC00, s29  }
0xb1: {  	[spmem:s2] =	stream.indirect.scatter.add.f32 [tilespmem:s21], [sflag:$0x1], $0x1, s30, s20, $0xb8;
	[tilespmem:$0xA338] =	vst v63  }
0xb2: {  	s30 =	sadd.s32 $0xD00, s29  }
0xb3: {  	[spmem:s2] =	stream.indirect.scatter.add.f32 [tilespmem:s21], [sflag:$0x1], $0x1, s30, s20, $0xb8;
	[tilespmem:$0xA338] =	vst v63  }
0xb4: {  	s30 =	sadd.s32 $0xE00, s29  }
0xb5: {  	[spmem:s2] =	stream.indirect.scatter.add.f32 [tilespmem:s21], [sflag:$0x1], $0x1, s30, s20, $0xb8;
	[tilespmem:$0xA338] =	vst v63  }
0xb6: {  	s29 =	sadd.s32 $0xF00, s29  }
0xb7: {  	[spmem:s2] =	stream.indirect.scatter.add.f32 [tilespmem:s21], [sflag:$0x1], $0x1, s29, s20, $0xb8;
	[tilespmem:$0xA338] =	vst v63  }
0xb8: {  	_ =	swait.ge [sflag:s22], $0x80  }
0xb9: {  	[sflag:s22] =	ssyncset.done $0x0  }
0xba: {  	[sflag:s22] =	ssyncadd.s32 $0xFFFFFF80  }
0xbb: {  	_ =	swait.ge [sflag:s22], $0x80  }
0xbc: {  	[sflag:s22] =	ssyncset.done $0x0  }
0xbd: {  	[sflag:s22] =	ssyncadd.s32 $0xFFFFFF80  }
0xbe: {  	_ =	swait.ge [sflag:s22], $0x80  }
0xbf: {  	[sflag:s22] =	ssyncset.done $0x0  }
0xc0: {  	[sflag:s22] =	ssyncadd.s32 $0xFFFFFF80  }
0xc1: {  	_ =	swait.ge [sflag:s22], $0x80  }
0xc2: {  	[sflag:s22] =	ssyncset.done $0x0  }
0xc3: {  	[sflag:s22] =	ssyncadd.s32 $0xFFFFFF80  }
0xc4: {  	_ =	swait.ge [sflag:s22], $0x80  }
0xc5: {  	[sflag:s22] =	ssyncset.done $0x0  }
0xc6: {  	[sflag:s22] =	ssyncadd.s32 $0xFFFFFF80  }
0xc7: {  	_ =	swait.ge [sflag:s22], $0x80  }
0xc8: {  	[sflag:s22] =	ssyncset.done $0x0  }
0xc9: {  	[sflag:s22] =	ssyncadd.s32 $0xFFFFFF80  }
0xca: {  	_ =	swait.ge [sflag:s22], $0x80  }
0xcb: {  	[sflag:s22] =	ssyncset.done $0x0  }
0xcc: {  	[sflag:s22] =	ssyncadd.s32 $0xFFFFFF80  }
0xcd: {  	_ =	swait.ge [sflag:s22], $0x80  }
0xce: {  	[sflag:s22] =	ssyncset.done $0x0  }
0xcf: {  	[sflag:s22] =	ssyncadd.s32 $0xFFFFFF80  }
0xd0: {  	_ =	swait.ge [sflag:s22], $0x80  }
0xd1: {  	[sflag:s22] =	ssyncset.done $0x0  }
0xd2: {  	[sflag:s22] =	ssyncadd.s32 $0xFFFFFF80  }
0xd3: {  	_ =	swait.ge [sflag:s22], $0x80  }
0xd4: {  	[sflag:s22] =	ssyncset.done $0x0  }
0xd5: {  	[sflag:s22] =	ssyncadd.s32 $0xFFFFFF80  }
0xd6: {  	_ =	swait.ge [sflag:s22], $0x80  }
0xd7: {  	[sflag:s22] =	ssyncset.done $0x0  }
0xd8: {  	[sflag:s22] =	ssyncadd.s32 $0xFFFFFF80  }
0xd9: {  	_ =	swait.ge [sflag:s22], $0x80  }
0xda: {  	[sflag:s22] =	ssyncset.done $0x0  }
0xdb: {  	[sflag:s22] =	ssyncadd.s32 $0xFFFFFF80  }
0xdc: {  	_ =	swait.ge [sflag:s22], $0x80  }
0xdd: {  	[sflag:s22] =	ssyncset.done $0x0  }
0xde: {  	[sflag:s22] =	ssyncadd.s32 $0xFFFFFF80  }
0xdf: {  	_ =	swait.ge [sflag:s22], $0x80  }
0xe0: {  	[sflag:s22] =	ssyncset.done $0x0  }
0xe1: {  	[sflag:s22] =	ssyncadd.s32 $0xFFFFFF80  }
.Ltmp0:
0xe2: {  	_ =	swait.ge [sflag:s22], $0x80;
	(pc) =	sbr.rel @p0 .LBB2_2-.Ltmp0, $4  }
0xe3: {  	[sflag:s22] =	ssyncset.done $0x0  }
0xe4: {  	[sflag:s22] =	ssyncadd.s32 $0xFFFFFF80  }
0xe5: {  	_ =	swait.ge [sflag:s22], $0x80  }
0xe6: {  	s28 =	sshra.s32 s28, $0x2;
	s30 =	smov.u32 s26;
	[sflag:s22] =	ssyncset.done $0x0  }
0xe7: {  	s26 =	sadd.s32 s28, s17;
	[sflag:s22] =	ssyncadd.s32 $0xFFFFFF80  }
0xe8: {  	[spmem:s2] =	stream.indirect.scatter.add.f32 [tilespmem:s21], [sflag:$0x1], $0x1, s26, s20, $0xb8;
	[tilespmem:$0xA338] =	vst v63  }
0xe9: {  	s28 =	sadd.s32 $0x100, s26  }
0xea: {  	[spmem:s2] =	stream.indirect.scatter.add.f32 [tilespmem:s21], [sflag:$0x1], $0x1, s28, s20, $0xb8;
	[tilespmem:$0xA338] =	vst v63  }
0xeb: {  	s31 =	sadd.s32 $0x200, s26  }
0xec: {  	[spmem:s2] =	stream.indirect.scatter.add.f32 [tilespmem:s21], [sflag:$0x1], $0x1, s31, s20, $0xb8;
	[tilespmem:$0xA338] =	vst v63  }
0xed: {  	s29 =	sadd.s32 $0x300, s26  }
0xee: {  	[spmem:s2] =	stream.indirect.scatter.add.f32 [tilespmem:s21], [sflag:$0x1], $0x1, s29, s20, $0xb8;
	[tilespmem:$0xA338] =	vst v63  }
0xef: {  	s30 =	sadd.s32 $0x400, s26  }
0xf0: {  	[spmem:s2] =	stream.indirect.scatter.add.f32 [tilespmem:s21], [sflag:$0x1], $0x1, s30, s20, $0xb8;
	[tilespmem:$0xA338] =	vst v63  }
0xf1: {  	s31 =	sadd.s32 $0x500, s26  }
0xf2: {  	[spmem:s2] =	stream.indirect.scatter.add.f32 [tilespmem:s21], [sflag:$0x1], $0x1, s31, s20, $0xb8;
	[tilespmem:$0xA338] =	vst v63  }
0xf3: {  	s29 =	sadd.s32 $0x600, s26  }
0xf4: {  	[spmem:s2] =	stream.indirect.scatter.add.f32 [tilespmem:s21], [sflag:$0x1], $0x1, s29, s20, $0xb8;
	[tilespmem:$0xA338] =	vst v63  }
0xf5: {  	s30 =	sadd.s32 $0x700, s26  }
0xf6: {  	[spmem:s2] =	stream.indirect.scatter.add.f32 [tilespmem:s21], [sflag:$0x1], $0x1, s30, s20, $0xb8;
	[tilespmem:$0xA338] =	vst v63  }
0xf7: {  	s31 =	sadd.s32 $0x800, s26  }
0xf8: {  	[spmem:s2] =	stream.indirect.scatter.add.f32 [tilespmem:s21], [sflag:$0x1], $0x1, s31, s20, $0xb8;
	[tilespmem:$0xA338] =	vst v63  }
0xf9: {  	s29 =	sadd.s32 $0x900, s26  }
0xfa: {  	[spmem:s2] =	stream.indirect.scatter.add.f32 [tilespmem:s21], [sflag:$0x1], $0x1, s29, s20, $0xb8;
	[tilespmem:$0xA338] =	vst v63  }
0xfb: {  	s30 =	sadd.s32 $0xA00, s26  }
0xfc: {  	[spmem:s2] =	stream.indirect.scatter.add.f32 [tilespmem:s21], [sflag:$0x1], $0x1, s30, s20, $0xb8;
	[tilespmem:$0xA338] =	vst v63  }
0xfd: {  	s31 =	sadd.s32 $0xB00, s26  }
0xfe: {  	[spmem:s2] =	stream.indirect.scatter.add.f32 [tilespmem:s21], [sflag:$0x1], $0x1, s31, s20, $0xb8;
	[tilespmem:$0xA338] =	vst v63  }
0xff: {  	s29 =	sadd.s32 $0xC00, s26  }
0x100: {  	[spmem:s2] =	stream.indirect.scatter.add.f32 [tilespmem:s21], [sflag:$0x1], $0x1, s29, s20, $0xb8;
	[tilespmem:$0xA338] =	vst v63  }
0x101: {  	s30 =	sadd.s32 $0xD00, s26  }
0x102: {  	[spmem:s2] =	stream.indirect.scatter.add.f32 [tilespmem:s21], [sflag:$0x1], $0x1, s30, s20, $0xb8;
	[tilespmem:$0xA338] =	vst v63  }
0x103: {  	s31 =	sadd.s32 $0xE00, s26  }
0x104: {  	[spmem:s2] =	stream.indirect.scatter.add.f32 [tilespmem:s21], [sflag:$0x1], $0x1, s31, s20, $0xb8;
	[tilespmem:$0xA338] =	vst v63  }
0x105: {  	s26 =	sadd.s32 $0xF00, s26  }
0x106: {  	[spmem:s2] =	stream.indirect.scatter.add.f32 [tilespmem:s21], [sflag:$0x1], $0x1, s26, s20, $0xb8;
	[tilespmem:$0xA338] =	vst v63  }
0x107: {  	_ =	swait.ge [sflag:s22], $0x80  }
0x108: {  	[sflag:s22] =	ssyncset.done $0x0  }
0x109: {  	[sflag:s22] =	ssyncadd.s32 $0xFFFFFF80  }
0x10a: {  	_ =	swait.ge [sflag:s22], $0x80  }
0x10b: {  	[sflag:s22] =	ssyncset.done $0x0  }
0x10c: {  	[sflag:s22] =	ssyncadd.s32 $0xFFFFFF80  }
0x10d: {  	_ =	swait.ge [sflag:s22], $0x80  }
0x10e: {  	[sflag:s22] =	ssyncset.done $0x0  }
0x10f: {  	[sflag:s22] =	ssyncadd.s32 $0xFFFFFF80  }
0x110: {  	_ =	swait.ge [sflag:s22], $0x80  }
0x111: {  	[sflag:s22] =	ssyncset.done $0x0  }
0x112: {  	[sflag:s22] =	ssyncadd.s32 $0xFFFFFF80  }
0x113: {  	_ =	swait.ge [sflag:s22], $0x80  }
0x114: {  	[sflag:s22] =	ssyncset.done $0x0  }
0x115: {  	[sflag:s22] =	ssyncadd.s32 $0xFFFFFF80  }
0x116: {  	_ =	swait.ge [sflag:s22], $0x80  }
0x117: {  	[sflag:s22] =	ssyncset.done $0x0  }
0x118: {  	[sflag:s22] =	ssyncadd.s32 $0xFFFFFF80  }
0x119: {  	_ =	swait.ge [sflag:s22], $0x80  }
0x11a: {  	[sflag:s22] =	ssyncset.done $0x0  }
0x11b: {  	[sflag:s22] =	ssyncadd.s32 $0xFFFFFF80  }
0x11c: {  	_ =	swait.ge [sflag:s22], $0x80  }
0x11d: {  	[sflag:s22] =	ssyncset.done $0x0  }
0x11e: {  	[sflag:s22] =	ssyncadd.s32 $0xFFFFFF80  }
0x11f: {  	_ =	swait.ge [sflag:s22], $0x80  }
0x120: {  	[sflag:s22] =	ssyncset.done $0x0  }
0x121: {  	[sflag:s22] =	ssyncadd.s32 $0xFFFFFF80  }
0x122: {  	_ =	swait.ge [sflag:s22], $0x80  }
0x123: {  	[sflag:s22] =	ssyncset.done $0x0  }
0x124: {  	[sflag:s22] =	ssyncadd.s32 $0xFFFFFF80  }
0x125: {  	_ =	swait.ge [sflag:s22], $0x80  }
0x126: {  	[sflag:s22] =	ssyncset.done $0x0  }
0x127: {  	[sflag:s22] =	ssyncadd.s32 $0xFFFFFF80  }
0x128: {  	_ =	swait.ge [sflag:s22], $0x80  }
0x129: {  	[sflag:s22] =	ssyncset.done $0x0  }
0x12a: {  	[sflag:s22] =	ssyncadd.s32 $0xFFFFFF80  }
0x12b: {  	_ =	swait.ge [sflag:s22], $0x80  }
0x12c: {  	[sflag:s22] =	ssyncset.done $0x0  }
0x12d: {  	[sflag:s22] =	ssyncadd.s32 $0xFFFFFF80  }
0x12e: {  	_ =	swait.ge [sflag:s22], $0x80  }
0x12f: {  	[sflag:s22] =	ssyncset.done $0x0  }
0x130: {  	[sflag:s22] =	ssyncadd.s32 $0xFFFFFF80  }
0x131: {  	_ =	swait.ge [sflag:s22], $0x80  }
0x132: {  	[sflag:s22] =	ssyncset.done $0x0  }
0x133: {  	[sflag:s22] =	ssyncadd.s32 $0xFFFFFF80  }
0x134: {  	_ =	swait.ge [sflag:s22], $0x80  }
0x135: {  	s25 =	sadd.s32 $0x1, s25;
	[sflag:s22] =	ssyncset.done $0x0  }
0x136: {  	p0 =	sne.s32 s25, s16;
	[sflag:s22] =	ssyncadd.s32 $0xFFFFFF80  }
.Ltmp1:
0x137: {  	[bflag:$0x0] =	sbarrier.arrive $0xFFFF;
	(pc) =	sbr.rel @p0 .LBB2_1-.Ltmp1, $4  }
0x138: {  	[hbm:s15], [sflag:s23] =	dma.local [spmem:s24], $0x4F  }
0x139: {  	_ =	swait.ge [sflag:s19], $0x4F  }
0x13a: {  	[sflag:s19] =	ssyncset.done $0x0  }
0x13b: {  	[sflag:s19] =	ssyncadd.s32 $0xFFFFFFB1  }
0x13c: {  	_ =	sfence.sel $0x180000  }
0x13d: {  	[bflag:$0x0] =	sbarrier.arrive $0xFFFF  }
0x13e: {  	p0 =	sne.s32 s0, $0x0;
	_ =	strace $0x90000047  }
0x13f: {  	s0 =	sadd.s32 @!p0 $0x100000, s1;
	[bflag:$0x2] =	sbarrier.arrive $0xFFFF  }
0x140: {  	[sflag:s0] =	ssyncadd.tile.s32 @!p0 $0x1;
	_ =	shalt  }
.Lfunc_end2:
_tile_overlayer_lowered:
.L_overlay_start_2:
0x141: {  	(tag) =	ssettag $0x2  }
0x142: {  	s0 =	rddreg [dreg:$0x0];
	s2 =	stileid.u32  }
0x143: {  	s1 =	rddreg [dreg:$0x1];
	p0 =	sne.s32 s2, $0x0  }
0x144: {  	s3 =	rddreg [dreg:$0x2];
	[bflag:$0x3] =	sbarrier.arrive $0xFFFF;
	s2 =	simm.s32 @!p0 $0x1C02  }
0x145: {  	[timem:s3], [sflag:s2] =	dma.local @!p0 [hbm:s0], s1  }
0x146: {  	s0 =	simm.s32 @!p0 $0x2  }
0x147: {  	_ =	swait.ge @!p0 [sflag:s0], s1  }
0x148: {  	s1 =	ssub.s32 @!p0 $0x0, s1;
	[sflag:s0] =	ssyncset.done @!p0 $0x0  }
0x149: {  	[sflag:s0] =	ssyncadd.s32 @!p0 s1  }
0x14a: {  	[bflag:$0x3] =	sbarrier.arrive $0xFFFF  }
0x14b: {  	_ =	shalt  }

</sc_bundles>
